<compile_context>
chip_gen: v7x
topology: tpu7x:2x2x1
jax: 0.10.2.dev20260603
libtpu: 0.0.44.dev20260713+nightly
codegen_flags: <defaults>
</compile_context>

<pallas_src>
import functools

import jax
import jax.numpy as jnp
from jax import lax
from jax.experimental import pallas as pl
from jax.experimental.pallas import tpu as pltpu
from jax.experimental.pallas import tpu_sc as plsc

N = 100000
D = 128
E = 200000
ET = 3 * E
ETP = 600064
NT = 32
EPT = ETP // NT
PIECES = (4096, 4096, 4096, 4096, 2368)
NPR = 100352
C = 7168
NCHUNK = 42
NDP = NCHUNK * C
RPT = C // 16
DGR = C // 128
CAP = 8192
NG_ROWS = CAP // 128
SENT = 1 << 30

_mesh = plsc.VectorSubcoreMesh(
    core_axis_name="c", subcore_axis_name="s", num_cores=2, num_subcores=16
)


def _sc_body(x, srce, dste, agg_out, deg_out,
             src_p, dst_p, src2d, dst2d, rows_v, deg_v, idxg, chunk, degsp, sem):
    core = lax.axis_index("c")
    sub = lax.axis_index("s")

    z16f = jnp.zeros((16,), jnp.float32)
    z16i = jnp.zeros((16,), jnp.int32)
    iota = lax.iota(jnp.int32, 16)

    def zero_rows(r, carry):
        for j in range(8):
            rows_v[r, pl.ds(j * 16, 16)] = z16f
        return carry

    for j in range(DGR // 16):
        idxg[0, pl.ds(j * 16, 16)] = iota + (j * 16)
    idxg[0, pl.ds(DGR - 16, 16)] = iota + (DGR - 16)

    nk = NCHUNK // 2

    def chunk_body(i, carry):
        k = core + 2 * i
        lo = k * C
        base_r = sub * RPT

        lax.fori_loop(0, 128, zero_rows, 0)
        for j in range(3):
            pltpu.sync_copy(rows_v, chunk.at[pl.ds(base_r + j * 128, 128)])
        pltpu.sync_copy(rows_v.at[pl.ds(0, 64)], chunk.at[pl.ds(base_r + 384, 64)])

        @pl.when(sub < DGR // 8)
        def _zero_degsp():
            pltpu.sync_copy(rows_v.at[pl.ds(0, 8)], degsp.at[pl.ds(sub * 8, 8)])

        def zero_deg(r, c2):
            for j in range(8):
                deg_v[r, pl.ds(j * 16, 16)] = z16f
            return c2

        lax.fori_loop(0, DGR, zero_deg, 0)
        plsc.subcore_barrier()

        one16f = z16f + 1.0

        def scan_body(t, cnt):
            vs = src_p[pl.ds(t * 16, 16)]
            vd = dst_p[pl.ds(t * 16, 16)]
            m = (vd >= lo) & (vd < lo + C)
            mi = jnp.where(m, 1, 0)
            incl = plsc.cumsum(mi)
            p = (incl - mi) + cnt
            dloc = vd - lo
            plsc.store_scatter(src2d, [p >> 7, p & 127], vs, mask=m)
            plsc.store_scatter(dst2d, [p >> 7, p & 127], dloc, mask=m)
            plsc.addupdate_scatter(deg_v, [dloc >> 7, dloc & 127], one16f, mask=m)
            return cnt + jnp.max(incl)

        def flush(m_total):
            lrow = m_total >> 7
            lrow_v = z16i + lrow
            base_p = lrow << 7
            padv = z16i + C
            for j in range(8):
                colv = iota + (j * 16)
                mpad = (base_p + colv) >= m_total
                plsc.store_scatter(src2d, [lrow_v, colv], z16i, mask=mpad)
                plsc.store_scatter(dst2d, [lrow_v, colv], padv, mask=mpad)
            ng = (m_total + 127) >> 7

            def g_body(g, c2):
                pltpu.async_copy(x.at[src2d.at[g]], rows_v, sem).wait()
                pltpu.sync_copy(rows_v, chunk.at[dst2d.at[g]], add=True)
                return c2

            lax.fori_loop(0, ng, g_body, 0)

        m_total = jnp.int32(0)
        for sl in range(2):
            base_e = (sub + 16 * sl) * EPT
            off = 0
            for plen in PIECES:
                pltpu.sync_copy(srce.at[pl.ds(base_e + off, plen)],
                                src_p.at[pl.ds(0, plen)])
                pltpu.sync_copy(dste.at[pl.ds(base_e + off, plen)],
                                dst_p.at[pl.ds(0, plen)])
                m_total = lax.fori_loop(0, plen // 16, scan_body, m_total)
                off += plen
                near_full = m_total > (CAP - 4096)

                @pl.when(near_full)
                def _midflush():
                    flush(m_total)

                m_total = jnp.where(near_full, 0, m_total)
        flush(m_total)

        pltpu.sync_copy(deg_v, degsp.at[idxg.at[0]], add=True)
        plsc.subcore_barrier()

        orow = lo + base_r
        for j in range(3):
            pltpu.sync_copy(chunk.at[pl.ds(base_r + j * 128, 128)],
                            agg_out.at[pl.ds(orow + j * 128, 128)])
        pltpu.sync_copy(chunk.at[pl.ds(base_r + 384, 64)],
                        agg_out.at[pl.ds(orow + 384, 64)])

        @pl.when(sub < DGR // 8)
        def _wb_degsp():
            pltpu.sync_copy(degsp.at[pl.ds(sub * 8, 8)],
                            deg_out.at[pl.ds(k * DGR + sub * 8, 8)])
        return carry

    lax.fori_loop(0, nk, chunk_body, 0)


_sc_agg = functools.partial(
    pl.kernel,
    out_type=(
        jax.ShapeDtypeStruct((NDP, D), jnp.float32),
        jax.ShapeDtypeStruct((NDP // 128, 128), jnp.float32),
    ),
    mesh=_mesh,
    compiler_params=pltpu.CompilerParams(needs_layout_passes=False),
    scratch_types=[
        pltpu.VMEM((4096,), jnp.int32),
        pltpu.VMEM((4096,), jnp.int32),
        pltpu.VMEM((NG_ROWS, 128), jnp.int32),
        pltpu.VMEM((NG_ROWS, 128), jnp.int32),
        pltpu.VMEM((128, D), jnp.float32),
        pltpu.VMEM((DGR, 128), jnp.float32),
        pltpu.VMEM((1, DGR), jnp.int32),
        pltpu.VMEM_SHARED((C + 16, D), jnp.float32),
        pltpu.VMEM_SHARED((DGR, 128), jnp.float32),
        pltpu.SemaphoreType.DMA,
    ],
)(_sc_body)


def _tc_body(a0, a1, a2, d0, d1, d2, w0, w1, w2, bias, o):
    blk = a0.shape[0]
    i0 = lax.broadcasted_iota(jnp.int32, (blk, 8), 0)
    i1 = lax.broadcasted_iota(jnp.int32, (blk, 8), 1)
    p1 = jnp.where((i0 >> 7) == i1, 1.0, 0.0)
    j0 = lax.broadcasted_iota(jnp.int32, (blk, D), 0)
    j1 = lax.broadcasted_iota(jnp.int32, (blk, D), 1)
    q = jnp.where((j0 & 127) == j1, 1.0, 0.0)
    acc = None
    for a, dg, w in ((a0, d0, w0), (a1, d1, w1), (a2, d2, w2)):
        recip = 1.0 / jnp.maximum(dg[...], 1.0)
        s = jnp.dot(p1, recip, preferred_element_type=jnp.float32)
        rc = jnp.sum(s * q, axis=1, keepdims=True)
        t = jnp.dot(a[...] * rc, w[...], preferred_element_type=jnp.float32)
        acc = t if acc is None else acc + t
    o[...] = jnp.maximum(acc + bias[0:1, :], 0.0)


def _tc_combine(agg, deg, W0, W1, W2, bias):
    blk = 1024
    nblk = NPR // blk
    a_spec = lambda r: pl.BlockSpec((blk, D), lambda i, r=r: (r * nblk + i, 0))
    d_spec = lambda r: pl.BlockSpec((blk // 128, 128), lambda i, r=r: (r * nblk + i, 0))
    w_spec = pl.BlockSpec((D, D), lambda i: (0, 0))
    return pl.pallas_call(
        _tc_body,
        grid=(nblk,),
        in_specs=[a_spec(0), a_spec(1), a_spec(2),
                  d_spec(0), d_spec(1), d_spec(2),
                  w_spec, w_spec, w_spec,
                  pl.BlockSpec((8, D), lambda i: (0, 0))],
        out_specs=pl.BlockSpec((blk, D), lambda i: (i, 0)),
        out_shape=jax.ShapeDtypeStruct((NPR, D), jnp.float32),
    )(agg, agg, agg, deg, deg, deg, W0, W1, W2, bias)


def kernel(x, edge_index_rel0, edge_index_rel1, edge_index_rel2, W0, b0, W1, b1, W2, b2):
    src = jnp.concatenate([
        edge_index_rel0[0], edge_index_rel1[0], edge_index_rel2[0],
        jnp.zeros((ETP - ET,), jnp.int32)])
    dst = jnp.concatenate([
        edge_index_rel0[1], edge_index_rel1[1] + NPR, edge_index_rel2[1] + 2 * NPR,
        jnp.full((ETP - ET,), SENT, jnp.int32)])
    agg, deg = _sc_agg(x, src, dst)
    bias = jnp.broadcast_to((b0 + b1 + b2)[None, :], (8, D))
    out = _tc_combine(agg, deg, W0, W1, W2, bias)
    return out[:N]

# --- scband reference (transcript-rebuilt; emitter-appended) ---
"""Pipeline reference for scband-rgcn-layer-67525475828084 (READ-ONLY COPY).

The authoritative reference and input builder live on the scoring server;
editing this copy changes nothing except your own understanding.
"""

import jax, jax.numpy as jnp
import numpy as np

N = 100000
D = 128
E = 200000
NUM_REL = 3


def setup_inputs(seed: int = 0) -> dict:
    key = jax.random.key(seed)
    ks = jax.random.split(key, 1 + NUM_REL + 2 * NUM_REL)
    inp = {}
    inp["x"] = jax.random.normal(ks[0], (N, D), dtype=jnp.float32)
    for i in range(NUM_REL):
        inp[f"edge_index_rel{i}"] = jax.random.randint(ks[1 + i], (2, E), 0, N)
    # learned params: per-relation GraphConv weight [D, D] and bias [D]
    for i in range(NUM_REL):
        inp[f"W{i}"] = jax.random.normal(ks[1 + NUM_REL + 2 * i], (D, D), dtype=jnp.float32) * 0.05
        inp[f"b{i}"] = jnp.zeros((D,), dtype=jnp.float32)
    return inp


def _graph_conv_right(x, edge_index, W, b):
    # DGL GraphConv(norm='right', weight=True, bias=True), in_feats == out_feats
    # -> aggregate first (copy_u, sum), then right-normalize by in-degree, then linear.
    src = edge_index[0]
    dst = edge_index[1]
    msg = jnp.take(x, src, axis=0)                       # gather source features
    agg = jax.ops.segment_sum(msg, dst, num_segments=N)  # scatter-add to dst
    deg = jax.ops.segment_sum(jnp.ones((edge_index.shape[1],), dtype=x.dtype), dst, num_segments=N)
    deg = jnp.maximum(deg, 1.0)                          # clamp(min=1) as in DGL
    agg = agg / deg[:, None]
    return agg @ W + b


def reference(x, edge_index_rel0, edge_index_rel1, edge_index_rel2, W0, b0, W1, b1, W2, b2):
    h = _graph_conv_right(x, edge_index_rel0, W0, b0)
    h = h + _graph_conv_right(x, edge_index_rel1, W1, b1)
    h = h + _graph_conv_right(x, edge_index_rel2, W2, b2)  # HeteroGraphConv aggregate='sum'
    return jax.nn.relu(h)

if __name__ == "__main__":
    import jax
    _d = setup_inputs()
    print(jax.jit(kernel)(*tuple(_d.values())))

</pallas_src>

<mosaic_0001>
#map = affine_map<(d0, d1) -> (0, 0)>
#map1 = affine_map<(d0, d1) -> (0)>
module attributes {stable_mosaic.version = 14 : i64} {
  func.func @_sc_body(%arg0: i32, %arg1: i32, %arg2: memref<100000x128xf32, #tpu.memory_space<hbm>>, %arg3: memref<600064xi32, #tpu.memory_space<hbm>>, %arg4: memref<600064xi32, #tpu.memory_space<hbm>>, %arg5: memref<301056x128xf32, #tpu.memory_space<hbm>>, %arg6: memref<2352x128xf32, #tpu.memory_space<hbm>>, %arg7: memref<4096xi32, #tpu.memory_space<vmem>>, %arg8: memref<4096xi32, #tpu.memory_space<vmem>>, %arg9: memref<64x128xi32, #tpu.memory_space<vmem>>, %arg10: memref<64x128xi32, #tpu.memory_space<vmem>>, %arg11: memref<128x128xf32, #tpu.memory_space<vmem>>, %arg12: memref<56x128xf32, #tpu.memory_space<vmem>>, %arg13: memref<1x56xi32, #tpu.memory_space<vmem>>, %arg14: memref<7184x128xf32, #tpu.memory_space<vmem_shared>>, %arg15: memref<56x128xf32, #tpu.memory_space<vmem_shared>>, %arg16: memref<!tpu.dma_semaphore, #tpu.memory_space<semaphore_mem>>) attributes {dimension_semantics = [#tpu.dimension_semantics<core_parallel>, #tpu.dimension_semantics<subcore_parallel>], iteration_bounds = array<i64: 2, 16>, scalar_prefetch = 0 : i64, scratch_operands = 10 : i64, tpu.core_type = #tpu.core_type<sc_vector_subcore>, window_params = [{transform_indices = #map}, {transform_indices = #map1}, {transform_indices = #map1}, {transform_indices = #map}, {transform_indices = #map}]} {
    %broadcast_in_dim3A = arith.constant 0.000000e+00 : f32
    %broadcast_in_dim3A_0 = vector.broadcast %broadcast_in_dim3A : f32 to vector<16xf32>
    %broadcast_in_dim3A_1 = arith.constant 0 : i32
    %broadcast_in_dim3A_2 = vector.broadcast %broadcast_in_dim3A_1 : i32 to vector<16xi32>
    %iota3A = tpu.iota {dimensions = array<i32: 0>} : vector<16xi32>
    %add3A = arith.constant 0 : i32
    %add3A_3 = vector.broadcast %add3A : i32 to vector<16xi32>
    %add3A_4 = arith.addi %iota3A, %add3A_3 : vector<16xi32>
    %swap3A = arith.constant 0 : i32
    %swap3A_5 = arith.index_cast %swap3A : i32 to index
    %swap3A_6 = arith.constant 0 : index
    %swap3A_7 = tpu.vector_load %arg13[%swap3A_5, %swap3A_6] {strides = array<i32>} : memref<1x56xi32, #tpu.memory_space<vmem>>, vector<16xi32>,
    tpu.vector_store %arg13[%swap3A_5, %swap3A_6], %add3A_4 {strides = array<i32>} : memref<1x56xi32, #tpu.memory_space<vmem>>, vector<16xi32>,
    %add3A_8 = arith.constant 16 : i32
    %add3A_9 = vector.broadcast %add3A_8 : i32 to vector<16xi32>
    %add3A_10 = arith.addi %iota3A, %add3A_9 : vector<16xi32>
    %swap3A_11 = arith.constant 0 : i32
    %swap3A_12 = arith.index_cast %swap3A_11 : i32 to index
    %swap3A_13 = arith.constant 16 : index
    %swap3A_14 = tpu.vector_load %arg13[%swap3A_12, %swap3A_13] {strides = array<i32>} : memref<1x56xi32, #tpu.memory_space<vmem>>, vector<16xi32>,
    tpu.vector_store %arg13[%swap3A_12, %swap3A_13], %add3A_10 {strides = array<i32>} : memref<1x56xi32, #tpu.memory_space<vmem>>, vector<16xi32>,
    %add3A_15 = arith.constant 32 : i32
    %add3A_16 = vector.broadcast %add3A_15 : i32 to vector<16xi32>
    %add3A_17 = arith.addi %iota3A, %add3A_16 : vector<16xi32>
    %swap3A_18 = arith.constant 0 : i32
    %swap3A_19 = arith.index_cast %swap3A_18 : i32 to index
    %swap3A_20 = arith.constant 32 : index
    %swap3A_21 = tpu.vector_load %arg13[%swap3A_19, %swap3A_20] {strides = array<i32>} : memref<1x56xi32, #tpu.memory_space<vmem>>, vector<16xi32>,
    tpu.vector_store %arg13[%swap3A_19, %swap3A_20], %add3A_17 {strides = array<i32>} : memref<1x56xi32, #tpu.memory_space<vmem>>, vector<16xi32>,
    %add3A_22 = arith.constant 40 : i32
    %add3A_23 = vector.broadcast %add3A_22 : i32 to vector<16xi32>
    %add3A_24 = arith.addi %iota3A, %add3A_23 : vector<16xi32>
    %swap3A_25 = arith.constant 0 : i32
    %swap3A_26 = arith.index_cast %swap3A_25 : i32 to index
    %swap3A_27 = arith.constant 40 : index
    %swap3A_28 = tpu.vector_load %arg13[%swap3A_26, %swap3A_27] {strides = array<i32>} : memref<1x56xi32, #tpu.memory_space<vmem>>, vector<16xi32>,
    tpu.vector_store %arg13[%swap3A_26, %swap3A_27], %add3A_24 {strides = array<i32>} : memref<1x56xi32, #tpu.memory_space<vmem>>, vector<16xi32>,
    %scan3A = arith.constant 0 : i32
    %scan3A_29 = arith.constant 0 : i32
    %scan3A_30 = arith.constant 21 : i32
    %scan3A_31 = arith.addi %scan3A_29, %scan3A_30 : i32
    %scan3A_32 = arith.constant 1 : i32
    scf.for %scan3A_34 = %scan3A_29 to %scan3A_31 step %scan3A_32  : i32 {
      %mul3A = arith.constant 2 : i32
      %mul3A_35 = arith.muli %mul3A, %scan3A_34 : i32
      %add3A_36 = arith.addi %arg0, %mul3A_35 : i32
      %mul3A_37 = arith.constant 7168 : i32
      %mul3A_38 = arith.muli %add3A_36, %mul3A_37 : i32
      %mul3A_39 = arith.constant 448 : i32
      %mul3A_40 = arith.muli %arg1, %mul3A_39 : i32
      %scan3A_41 = arith.constant 0 : i32
      %scan3A_42 = arith.constant 0 : i32
      %scan3A_43 = arith.constant 128 : i32
      %scan3A_44 = arith.addi %scan3A_42, %scan3A_43 : i32
      %scan3A_45 = arith.constant 1 : i32
      scf.for %scan3A_340 = %scan3A_42 to %scan3A_44 step %scan3A_45  : i32 {
        %swap3A_341 = arith.index_cast %scan3A_340 : i32 to index
        %swap3A_342 = arith.constant 0 : index
        %swap3A_343 = tpu.vector_load %arg11[%swap3A_341, %swap3A_342] {strides = array<i32>} : memref<128x128xf32, #tpu.memory_space<vmem>>, vector<16xf32>,
        tpu.vector_store %arg11[%swap3A_341, %swap3A_342], %broadcast_in_dim3A_0 {strides = array<i32>} : memref<128x128xf32, #tpu.memory_space<vmem>>, vector<16xf32>,
        %swap3A_344 = arith.index_cast %scan3A_340 : i32 to index
        %swap3A_345 = arith.constant 16 : index
        %swap3A_346 = tpu.vector_load %arg11[%swap3A_344, %swap3A_345] {strides = array<i32>} : memref<128x128xf32, #tpu.memory_space<vmem>>, vector<16xf32>,
        tpu.vector_store %arg11[%swap3A_344, %swap3A_345], %broadcast_in_dim3A_0 {strides = array<i32>} : memref<128x128xf32, #tpu.memory_space<vmem>>, vector<16xf32>,
        %swap3A_347 = arith.index_cast %scan3A_340 : i32 to index
        %swap3A_348 = arith.constant 32 : index
        %swap3A_349 = tpu.vector_load %arg11[%swap3A_347, %swap3A_348] {strides = array<i32>} : memref<128x128xf32, #tpu.memory_space<vmem>>, vector<16xf32>,
        tpu.vector_store %arg11[%swap3A_347, %swap3A_348], %broadcast_in_dim3A_0 {strides = array<i32>} : memref<128x128xf32, #tpu.memory_space<vmem>>, vector<16xf32>,
        %swap3A_350 = arith.index_cast %scan3A_340 : i32 to index
        %swap3A_351 = arith.constant 48 : index
        %swap3A_352 = tpu.vector_load %arg11[%swap3A_350, %swap3A_351] {strides = array<i32>} : memref<128x128xf32, #tpu.memory_space<vmem>>, vector<16xf32>,
        tpu.vector_store %arg11[%swap3A_350, %swap3A_351], %broadcast_in_dim3A_0 {strides = array<i32>} : memref<128x128xf32, #tpu.memory_space<vmem>>, vector<16xf32>,
        %swap3A_353 = arith.index_cast %scan3A_340 : i32 to index
        %swap3A_354 = arith.constant 64 : index
        %swap3A_355 = tpu.vector_load %arg11[%swap3A_353, %swap3A_354] {strides = array<i32>} : memref<128x128xf32, #tpu.memory_space<vmem>>, vector<16xf32>,
        tpu.vector_store %arg11[%swap3A_353, %swap3A_354], %broadcast_in_dim3A_0 {strides = array<i32>} : memref<128x128xf32, #tpu.memory_space<vmem>>, vector<16xf32>,
        %swap3A_356 = arith.index_cast %scan3A_340 : i32 to index
        %swap3A_357 = arith.constant 80 : index
        %swap3A_358 = tpu.vector_load %arg11[%swap3A_356, %swap3A_357] {strides = array<i32>} : memref<128x128xf32, #tpu.memory_space<vmem>>, vector<16xf32>,
        tpu.vector_store %arg11[%swap3A_356, %swap3A_357], %broadcast_in_dim3A_0 {strides = array<i32>} : memref<128x128xf32, #tpu.memory_space<vmem>>, vector<16xf32>,
        %swap3A_359 = arith.index_cast %scan3A_340 : i32 to index
        %swap3A_360 = arith.constant 96 : index
        %swap3A_361 = tpu.vector_load %arg11[%swap3A_359, %swap3A_360] {strides = array<i32>} : memref<128x128xf32, #tpu.memory_space<vmem>>, vector<16xf32>,
        tpu.vector_store %arg11[%swap3A_359, %swap3A_360], %broadcast_in_dim3A_0 {strides = array<i32>} : memref<128x128xf32, #tpu.memory_space<vmem>>, vector<16xf32>,
        %swap3A_362 = arith.index_cast %scan3A_340 : i32 to index
        %swap3A_363 = arith.constant 112 : index
        %swap3A_364 = tpu.vector_load %arg11[%swap3A_362, %swap3A_363] {strides = array<i32>} : memref<128x128xf32, #tpu.memory_space<vmem>>, vector<16xf32>,
        tpu.vector_store %arg11[%swap3A_362, %swap3A_363], %broadcast_in_dim3A_0 {strides = array<i32>} : memref<128x128xf32, #tpu.memory_space<vmem>>, vector<16xf32>,
      }
      %scan3A_46 = arith.constant 128 : i32
      %add3A_47 = arith.constant 0 : i32
      %add3A_48 = arith.addi %mul3A_40, %add3A_47 : i32
      "tpu.region"() ({
        %run_scoped3A_340 = tpu.sem_alloc : memref<!tpu.dma_semaphore, #tpu.memory_space<semaphore_mem>>
        %dma_start3A = arith.constant 0 : i32
        %dma_start3A_341 = tpu.memref_slice %arg14[%add3A_48, %dma_start3A] : memref<7184x128xf32, #tpu.memory_space<vmem_shared>> -> memref<128x128xf32, #tpu.memory_space<vmem_shared>>
        %dma_start3A_342 = arith.constant 0 : i32
        %dma_start3A_343 = tpu.memref_slice %arg14[%add3A_48, %dma_start3A_342] : memref<7184x128xf32, #tpu.memory_space<vmem_shared>> -> memref<128x128xf32, #tpu.memory_space<vmem_shared>>
        tpu.enqueue_dma source(%arg11 : memref<128x128xf32, #tpu.memory_space<vmem>>) target(%dma_start3A_343 : memref<128x128xf32, #tpu.memory_space<vmem_shared>>) target_semaphore(%run_scoped3A_340 : memref<!tpu.dma_semaphore, #tpu.memory_space<semaphore_mem>>)
        %dma_wait3A = arith.constant 0 : i32
        %dma_wait3A_344 = tpu.memref_slice %arg14[%add3A_48, %dma_wait3A] : memref<7184x128xf32, #tpu.memory_space<vmem_shared>> -> memref<128x128xf32, #tpu.memory_space<vmem_shared>>
        %dma_wait3A_345 = arith.constant 0 : i32
        %dma_wait3A_346 = tpu.memref_slice %arg14[%add3A_48, %dma_wait3A_345] : memref<7184x128xf32, #tpu.memory_space<vmem_shared>> -> memref<128x128xf32, #tpu.memory_space<vmem_shared>>
        tpu.wait_dma2 semaphore(%run_scoped3A_340 : memref<!tpu.dma_semaphore, #tpu.memory_space<semaphore_mem>>) src(%arg11 : memref<128x128xf32, #tpu.memory_space<vmem>>) dst(%dma_wait3A_346 : memref<128x128xf32, #tpu.memory_space<vmem_shared>>)
        tpu.yield
      }) : () -> ()
      %add3A_49 = arith.constant 128 : i32
      %add3A_50 = arith.addi %mul3A_40, %add3A_49 : i32
      "tpu.region"() ({
        %run_scoped3A_340 = tpu.sem_alloc : memref<!tpu.dma_semaphore, #tpu.memory_space<semaphore_mem>>
        %dma_start3A = arith.constant 0 : i32
        %dma_start3A_341 = tpu.memref_slice %arg14[%add3A_50, %dma_start3A] : memref<7184x128xf32, #tpu.memory_space<vmem_shared>> -> memref<128x128xf32, #tpu.memory_space<vmem_shared>>
        %dma_start3A_342 = arith.constant 0 : i32
        %dma_start3A_343 = tpu.memref_slice %arg14[%add3A_50, %dma_start3A_342] : memref<7184x128xf32, #tpu.memory_space<vmem_shared>> -> memref<128x128xf32, #tpu.memory_space<vmem_shared>>
        tpu.enqueue_dma source(%arg11 : memref<128x128xf32, #tpu.memory_space<vmem>>) target(%dma_start3A_343 : memref<128x128xf32, #tpu.memory_space<vmem_shared>>) target_semaphore(%run_scoped3A_340 : memref<!tpu.dma_semaphore, #tpu.memory_space<semaphore_mem>>)
        %dma_wait3A = arith.constant 0 : i32
        %dma_wait3A_344 = tpu.memref_slice %arg14[%add3A_50, %dma_wait3A] : memref<7184x128xf32, #tpu.memory_space<vmem_shared>> -> memref<128x128xf32, #tpu.memory_space<vmem_shared>>
        %dma_wait3A_345 = arith.constant 0 : i32
        %dma_wait3A_346 = tpu.memref_slice %arg14[%add3A_50, %dma_wait3A_345] : memref<7184x128xf32, #tpu.memory_space<vmem_shared>> -> memref<128x128xf32, #tpu.memory_space<vmem_shared>>
        tpu.wait_dma2 semaphore(%run_scoped3A_340 : memref<!tpu.dma_semaphore, #tpu.memory_space<semaphore_mem>>) src(%arg11 : memref<128x128xf32, #tpu.memory_space<vmem>>) dst(%dma_wait3A_346 : memref<128x128xf32, #tpu.memory_space<vmem_shared>>)
        tpu.yield
      }) : () -> ()
      %add3A_51 = arith.constant 256 : i32
      %add3A_52 = arith.addi %mul3A_40, %add3A_51 : i32
      "tpu.region"() ({
        %run_scoped3A_340 = tpu.sem_alloc : memref<!tpu.dma_semaphore, #tpu.memory_space<semaphore_mem>>
        %dma_start3A = arith.constant 0 : i32
        %dma_start3A_341 = tpu.memref_slice %arg14[%add3A_52, %dma_start3A] : memref<7184x128xf32, #tpu.memory_space<vmem_shared>> -> memref<128x128xf32, #tpu.memory_space<vmem_shared>>
        %dma_start3A_342 = arith.constant 0 : i32
        %dma_start3A_343 = tpu.memref_slice %arg14[%add3A_52, %dma_start3A_342] : memref<7184x128xf32, #tpu.memory_space<vmem_shared>> -> memref<128x128xf32, #tpu.memory_space<vmem_shared>>
        tpu.enqueue_dma source(%arg11 : memref<128x128xf32, #tpu.memory_space<vmem>>) target(%dma_start3A_343 : memref<128x128xf32, #tpu.memory_space<vmem_shared>>) target_semaphore(%run_scoped3A_340 : memref<!tpu.dma_semaphore, #tpu.memory_space<semaphore_mem>>)
        %dma_wait3A = arith.constant 0 : i32
        %dma_wait3A_344 = tpu.memref_slice %arg14[%add3A_52, %dma_wait3A] : memref<7184x128xf32, #tpu.memory_space<vmem_shared>> -> memref<128x128xf32, #tpu.memory_space<vmem_shared>>
        %dma_wait3A_345 = arith.constant 0 : i32
        %dma_wait3A_346 = tpu.memref_slice %arg14[%add3A_52, %dma_wait3A_345] : memref<7184x128xf32, #tpu.memory_space<vmem_shared>> -> memref<128x128xf32, #tpu.memory_space<vmem_shared>>
        tpu.wait_dma2 semaphore(%run_scoped3A_340 : memref<!tpu.dma_semaphore, #tpu.memory_space<semaphore_mem>>) src(%arg11 : memref<128x128xf32, #tpu.memory_space<vmem>>) dst(%dma_wait3A_346 : memref<128x128xf32, #tpu.memory_space<vmem_shared>>)
        tpu.yield
      }) : () -> ()
      %add3A_53 = arith.constant 384 : i32
      %add3A_54 = arith.addi %mul3A_40, %add3A_53 : i32
      "tpu.region"() ({
        %run_scoped3A_340 = tpu.sem_alloc : memref<!tpu.dma_semaphore, #tpu.memory_space<semaphore_mem>>
        %dma_start3A = arith.constant 0 : i32
        %dma_start3A_341 = arith.constant 0 : i32
        %dma_start3A_342 = tpu.memref_slice %arg11[%dma_start3A, %dma_start3A_341] : memref<128x128xf32, #tpu.memory_space<vmem>> -> memref<64x128xf32, #tpu.memory_space<vmem>>
        %dma_start3A_343 = arith.constant 0 : i32
        %dma_start3A_344 = tpu.memref_slice %arg14[%add3A_54, %dma_start3A_343] : memref<7184x128xf32, #tpu.memory_space<vmem_shared>> -> memref<64x128xf32, #tpu.memory_space<vmem_shared>>
        %dma_start3A_345 = arith.constant 0 : i32
        %dma_start3A_346 = tpu.memref_slice %arg14[%add3A_54, %dma_start3A_345] : memref<7184x128xf32, #tpu.memory_space<vmem_shared>> -> memref<64x128xf32, #tpu.memory_space<vmem_shared>>
        %dma_start3A_347 = arith.constant 0 : i32
        %dma_start3A_348 = arith.constant 0 : i32
        %dma_start3A_349 = tpu.memref_slice %arg11[%dma_start3A_347, %dma_start3A_348] : memref<128x128xf32, #tpu.memory_space<vmem>> -> memref<64x128xf32, #tpu.memory_space<vmem>>
        tpu.enqueue_dma source(%dma_start3A_349 : memref<64x128xf32, #tpu.memory_space<vmem>>) target(%dma_start3A_346 : memref<64x128xf32, #tpu.memory_space<vmem_shared>>) target_semaphore(%run_scoped3A_340 : memref<!tpu.dma_semaphore, #tpu.memory_space<semaphore_mem>>)
        %dma_wait3A = arith.constant 0 : i32
        %dma_wait3A_350 = arith.constant 0 : i32
        %dma_wait3A_351 = tpu.memref_slice %arg11[%dma_wait3A, %dma_wait3A_350] : memref<128x128xf32, #tpu.memory_space<vmem>> -> memref<64x128xf32, #tpu.memory_space<vmem>>
        %dma_wait3A_352 = arith.constant 0 : i32
        %dma_wait3A_353 = tpu.memref_slice %arg14[%add3A_54, %dma_wait3A_352] : memref<7184x128xf32, #tpu.memory_space<vmem_shared>> -> memref<64x128xf32, #tpu.memory_space<vmem_shared>>
        %dma_wait3A_354 = arith.constant 0 : i32
        %dma_wait3A_355 = tpu.memref_slice %arg14[%add3A_54, %dma_wait3A_354] : memref<7184x128xf32, #tpu.memory_space<vmem_shared>> -> memref<64x128xf32, #tpu.memory_space<vmem_shared>>
        %dma_wait3A_356 = arith.constant 0 : i32
        %dma_wait3A_357 = arith.constant 0 : i32
        %dma_wait3A_358 = tpu.memref_slice %arg11[%dma_wait3A_356, %dma_wait3A_357] : memref<128x128xf32, #tpu.memory_space<vmem>> -> memref<64x128xf32, #tpu.memory_space<vmem>>
        tpu.wait_dma2 semaphore(%run_scoped3A_340 : memref<!tpu.dma_semaphore, #tpu.memory_space<semaphore_mem>>) src(%dma_wait3A_358 : memref<64x128xf32, #tpu.memory_space<vmem>>) dst(%dma_wait3A_355 : memref<64x128xf32, #tpu.memory_space<vmem_shared>>)
        tpu.yield
      }) : () -> ()
      %lt3A = arith.constant 7 : i32
      %lt3A_55 = arith.cmpi slt, %arg1, %lt3A : i32
      %convert_element_type3A = arith.extui %lt3A_55 : i1 to i32
      %cond3A = arith.constant 0 : i32
      %cond3A_56 = arith.cmpi ne, %convert_element_type3A, %cond3A : i32
      scf.if %cond3A_56 {
        %mul3A_340 = arith.constant 8 : i32
        %mul3A_341 = arith.muli %arg1, %mul3A_340 : i32
        "tpu.region"() ({
          %run_scoped3A_342 = tpu.sem_alloc : memref<!tpu.dma_semaphore, #tpu.memory_space<semaphore_mem>>
          %dma_start3A = arith.constant 0 : i32
          %dma_start3A_343 = arith.constant 0 : i32
          %dma_start3A_344 = tpu.memref_slice %arg11[%dma_start3A, %dma_start3A_343] : memref<128x128xf32, #tpu.memory_space<vmem>> -> memref<8x128xf32, #tpu.memory_space<vmem>>
          %dma_start3A_345 = arith.constant 0 : i32
          %dma_start3A_346 = tpu.memref_slice %arg15[%mul3A_341, %dma_start3A_345] : memref<56x128xf32, #tpu.memory_space<vmem_shared>> -> memref<8x128xf32, #tpu.memory_space<vmem_shared>>
          %dma_start3A_347 = arith.constant 0 : i32
          %dma_start3A_348 = tpu.memref_slice %arg15[%mul3A_341, %dma_start3A_347] : memref<56x128xf32, #tpu.memory_space<vmem_shared>> -> memref<8x128xf32, #tpu.memory_space<vmem_shared>>
          %dma_start3A_349 = arith.constant 0 : i32
          %dma_start3A_350 = arith.constant 0 : i32
          %dma_start3A_351 = tpu.memref_slice %arg11[%dma_start3A_349, %dma_start3A_350] : memref<128x128xf32, #tpu.memory_space<vmem>> -> memref<8x128xf32, #tpu.memory_space<vmem>>
          tpu.enqueue_dma source(%dma_start3A_351 : memref<8x128xf32, #tpu.memory_space<vmem>>) target(%dma_start3A_348 : memref<8x128xf32, #tpu.memory_space<vmem_shared>>) target_semaphore(%run_scoped3A_342 : memref<!tpu.dma_semaphore, #tpu.memory_space<semaphore_mem>>)
          %dma_wait3A = arith.constant 0 : i32
          %dma_wait3A_352 = arith.constant 0 : i32
          %dma_wait3A_353 = tpu.memref_slice %arg11[%dma_wait3A, %dma_wait3A_352] : memref<128x128xf32, #tpu.memory_space<vmem>> -> memref<8x128xf32, #tpu.memory_space<vmem>>
          %dma_wait3A_354 = arith.constant 0 : i32
          %dma_wait3A_355 = tpu.memref_slice %arg15[%mul3A_341, %dma_wait3A_354] : memref<56x128xf32, #tpu.memory_space<vmem_shared>> -> memref<8x128xf32, #tpu.memory_space<vmem_shared>>
          %dma_wait3A_356 = arith.constant 0 : i32
          %dma_wait3A_357 = tpu.memref_slice %arg15[%mul3A_341, %dma_wait3A_356] : memref<56x128xf32, #tpu.memory_space<vmem_shared>> -> memref<8x128xf32, #tpu.memory_space<vmem_shared>>
          %dma_wait3A_358 = arith.constant 0 : i32
          %dma_wait3A_359 = arith.constant 0 : i32
          %dma_wait3A_360 = tpu.memref_slice %arg11[%dma_wait3A_358, %dma_wait3A_359] : memref<128x128xf32, #tpu.memory_space<vmem>> -> memref<8x128xf32, #tpu.memory_space<vmem>>
          tpu.wait_dma2 semaphore(%run_scoped3A_342 : memref<!tpu.dma_semaphore, #tpu.memory_space<semaphore_mem>>) src(%dma_wait3A_360 : memref<8x128xf32, #tpu.memory_space<vmem>>) dst(%dma_wait3A_357 : memref<8x128xf32, #tpu.memory_space<vmem_shared>>)
          tpu.yield
        }) : () -> ()
      } else {
      }
      %scan3A_57 = arith.constant 0 : i32
      %scan3A_58 = arith.constant 0 : i32
      %scan3A_59 = arith.constant 56 : i32
      %scan3A_60 = arith.addi %scan3A_58, %scan3A_59 : i32
      %scan3A_61 = arith.constant 1 : i32
      scf.for %scan3A_340 = %scan3A_58 to %scan3A_60 step %scan3A_61  : i32 {
        %swap3A_341 = arith.index_cast %scan3A_340 : i32 to index
        %swap3A_342 = arith.constant 0 : index
        %swap3A_343 = tpu.vector_load %arg12[%swap3A_341, %swap3A_342] {strides = array<i32>} : memref<56x128xf32, #tpu.memory_space<vmem>>, vector<16xf32>,
        tpu.vector_store %arg12[%swap3A_341, %swap3A_342], %broadcast_in_dim3A_0 {strides = array<i32>} : memref<56x128xf32, #tpu.memory_space<vmem>>, vector<16xf32>,
        %swap3A_344 = arith.index_cast %scan3A_340 : i32 to index
        %swap3A_345 = arith.constant 16 : index
        %swap3A_346 = tpu.vector_load %arg12[%swap3A_344, %swap3A_345] {strides = array<i32>} : memref<56x128xf32, #tpu.memory_space<vmem>>, vector<16xf32>,
        tpu.vector_store %arg12[%swap3A_344, %swap3A_345], %broadcast_in_dim3A_0 {strides = array<i32>} : memref<56x128xf32, #tpu.memory_space<vmem>>, vector<16xf32>,
        %swap3A_347 = arith.index_cast %scan3A_340 : i32 to index
        %swap3A_348 = arith.constant 32 : index
        %swap3A_349 = tpu.vector_load %arg12[%swap3A_347, %swap3A_348] {strides = array<i32>} : memref<56x128xf32, #tpu.memory_space<vmem>>, vector<16xf32>,
        tpu.vector_store %arg12[%swap3A_347, %swap3A_348], %broadcast_in_dim3A_0 {strides = array<i32>} : memref<56x128xf32, #tpu.memory_space<vmem>>, vector<16xf32>,
        %swap3A_350 = arith.index_cast %scan3A_340 : i32 to index
        %swap3A_351 = arith.constant 48 : index
        %swap3A_352 = tpu.vector_load %arg12[%swap3A_350, %swap3A_351] {strides = array<i32>} : memref<56x128xf32, #tpu.memory_space<vmem>>, vector<16xf32>,
        tpu.vector_store %arg12[%swap3A_350, %swap3A_351], %broadcast_in_dim3A_0 {strides = array<i32>} : memref<56x128xf32, #tpu.memory_space<vmem>>, vector<16xf32>,
        %swap3A_353 = arith.index_cast %scan3A_340 : i32 to index
        %swap3A_354 = arith.constant 64 : index
        %swap3A_355 = tpu.vector_load %arg12[%swap3A_353, %swap3A_354] {strides = array<i32>} : memref<56x128xf32, #tpu.memory_space<vmem>>, vector<16xf32>,
        tpu.vector_store %arg12[%swap3A_353, %swap3A_354], %broadcast_in_dim3A_0 {strides = array<i32>} : memref<56x128xf32, #tpu.memory_space<vmem>>, vector<16xf32>,
        %swap3A_356 = arith.index_cast %scan3A_340 : i32 to index
        %swap3A_357 = arith.constant 80 : index
        %swap3A_358 = tpu.vector_load %arg12[%swap3A_356, %swap3A_357] {strides = array<i32>} : memref<56x128xf32, #tpu.memory_space<vmem>>, vector<16xf32>,
        tpu.vector_store %arg12[%swap3A_356, %swap3A_357], %broadcast_in_dim3A_0 {strides = array<i32>} : memref<56x128xf32, #tpu.memory_space<vmem>>, vector<16xf32>,
        %swap3A_359 = arith.index_cast %scan3A_340 : i32 to index
        %swap3A_360 = arith.constant 96 : index
        %swap3A_361 = tpu.vector_load %arg12[%swap3A_359, %swap3A_360] {strides = array<i32>} : memref<56x128xf32, #tpu.memory_space<vmem>>, vector<16xf32>,
        tpu.vector_store %arg12[%swap3A_359, %swap3A_360], %broadcast_in_dim3A_0 {strides = array<i32>} : memref<56x128xf32, #tpu.memory_space<vmem>>, vector<16xf32>,
        %swap3A_362 = arith.index_cast %scan3A_340 : i32 to index
        %swap3A_363 = arith.constant 112 : index
        %swap3A_364 = tpu.vector_load %arg12[%swap3A_362, %swap3A_363] {strides = array<i32>} : memref<56x128xf32, #tpu.memory_space<vmem>>, vector<16xf32>,
        tpu.vector_store %arg12[%swap3A_362, %swap3A_363], %broadcast_in_dim3A_0 {strides = array<i32>} : memref<56x128xf32, #tpu.memory_space<vmem>>, vector<16xf32>,
      }
      %scan3A_62 = arith.constant 56 : i32
      %barrier3A = arith.constant 0 : index
      tpu.barrier barrier_id(%barrier3A)
      %add3A_63 = arith.constant 1.000000e+00 : f32
      %add3A_64 = vector.broadcast %add3A_63 : f32 to vector<16xf32>
      %add3A_65 = arith.addf %broadcast_in_dim3A_0, %add3A_64 : vector<16xf32>
      %add3A_66 = arith.constant 0 : i32
      %add3A_67 = arith.addi %arg1, %add3A_66 : i32
      %mul3A_68 = arith.constant 18752 : i32
      %mul3A_69 = arith.muli %add3A_67, %mul3A_68 : i32
      %add3A_70 = arith.constant 0 : i32
      %add3A_71 = arith.addi %mul3A_69, %add3A_70 : i32
      "tpu.region"() ({
        %run_scoped3A_340 = tpu.sem_alloc : memref<!tpu.dma_semaphore, #tpu.memory_space<semaphore_mem>>
        %dma_start3A = arith.constant 0 : i32
        %dma_start3A_341 = tpu.memref_slice %arg7[%dma_start3A] : memref<4096xi32, #tpu.memory_space<vmem>> -> memref<4096xi32, #tpu.memory_space<vmem>>
        %dma_start3A_342 = tpu.memref_slice %arg3[%add3A_71] : memref<600064xi32, #tpu.memory_space<hbm>> -> memref<4096xi32, #tpu.memory_space<hbm>>
        %dma_start3A_343 = arith.constant 0 : i32
        %dma_start3A_344 = tpu.memref_slice %arg7[%dma_start3A_343] : memref<4096xi32, #tpu.memory_space<vmem>> -> memref<4096xi32, #tpu.memory_space<vmem>>
        %dma_start3A_345 = tpu.memref_slice %arg3[%add3A_71] : memref<600064xi32, #tpu.memory_space<hbm>> -> memref<4096xi32, #tpu.memory_space<hbm>>
        tpu.enqueue_dma source(%dma_start3A_345 : memref<4096xi32, #tpu.memory_space<hbm>>) target(%dma_start3A_344 : memref<4096xi32, #tpu.memory_space<vmem>>) target_semaphore(%run_scoped3A_340 : memref<!tpu.dma_semaphore, #tpu.memory_space<semaphore_mem>>)
        %dma_wait3A = arith.constant 0 : i32
        %dma_wait3A_346 = tpu.memref_slice %arg7[%dma_wait3A] : memref<4096xi32, #tpu.memory_space<vmem>> -> memref<4096xi32, #tpu.memory_space<vmem>>
        %dma_wait3A_347 = tpu.memref_slice %arg3[%add3A_71] : memref<600064xi32, #tpu.memory_space<hbm>> -> memref<4096xi32, #tpu.memory_space<hbm>>
        %dma_wait3A_348 = arith.constant 0 : i32
        %dma_wait3A_349 = tpu.memref_slice %arg7[%dma_wait3A_348] : memref<4096xi32, #tpu.memory_space<vmem>> -> memref<4096xi32, #tpu.memory_space<vmem>>
        %dma_wait3A_350 = tpu.memref_slice %arg3[%add3A_71] : memref<600064xi32, #tpu.memory_space<hbm>> -> memref<4096xi32, #tpu.memory_space<hbm>>
        tpu.wait_dma2 semaphore(%run_scoped3A_340 : memref<!tpu.dma_semaphore, #tpu.memory_space<semaphore_mem>>) src(%dma_wait3A_350 : memref<4096xi32, #tpu.memory_space<hbm>>) dst(%dma_wait3A_349 : memref<4096xi32, #tpu.memory_space<vmem>>)
        tpu.yield
      }) : () -> ()
      %add3A_72 = arith.constant 0 : i32
      %add3A_73 = arith.addi %mul3A_69, %add3A_72 : i32
      "tpu.region"() ({
        %run_scoped3A_340 = tpu.sem_alloc : memref<!tpu.dma_semaphore, #tpu.memory_space<semaphore_mem>>
        %dma_start3A = arith.constant 0 : i32
        %dma_start3A_341 = tpu.memref_slice %arg8[%dma_start3A] : memref<4096xi32, #tpu.memory_space<vmem>> -> memref<4096xi32, #tpu.memory_space<vmem>>
        %dma_start3A_342 = tpu.memref_slice %arg4[%add3A_73] : memref<600064xi32, #tpu.memory_space<hbm>> -> memref<4096xi32, #tpu.memory_space<hbm>>
        %dma_start3A_343 = arith.constant 0 : i32
        %dma_start3A_344 = tpu.memref_slice %arg8[%dma_start3A_343] : memref<4096xi32, #tpu.memory_space<vmem>> -> memref<4096xi32, #tpu.memory_space<vmem>>
        %dma_start3A_345 = tpu.memref_slice %arg4[%add3A_73] : memref<600064xi32, #tpu.memory_space<hbm>> -> memref<4096xi32, #tpu.memory_space<hbm>>
        tpu.enqueue_dma source(%dma_start3A_345 : memref<4096xi32, #tpu.memory_space<hbm>>) target(%dma_start3A_344 : memref<4096xi32, #tpu.memory_space<vmem>>) target_semaphore(%run_scoped3A_340 : memref<!tpu.dma_semaphore, #tpu.memory_space<semaphore_mem>>)
        %dma_wait3A = arith.constant 0 : i32
        %dma_wait3A_346 = tpu.memref_slice %arg8[%dma_wait3A] : memref<4096xi32, #tpu.memory_space<vmem>> -> memref<4096xi32, #tpu.memory_space<vmem>>
        %dma_wait3A_347 = tpu.memref_slice %arg4[%add3A_73] : memref<600064xi32, #tpu.memory_space<hbm>> -> memref<4096xi32, #tpu.memory_space<hbm>>
        %dma_wait3A_348 = arith.constant 0 : i32
        %dma_wait3A_349 = tpu.memref_slice %arg8[%dma_wait3A_348] : memref<4096xi32, #tpu.memory_space<vmem>> -> memref<4096xi32, #tpu.memory_space<vmem>>
        %dma_wait3A_350 = tpu.memref_slice %arg4[%add3A_73] : memref<600064xi32, #tpu.memory_space<hbm>> -> memref<4096xi32, #tpu.memory_space<hbm>>
        tpu.wait_dma2 semaphore(%run_scoped3A_340 : memref<!tpu.dma_semaphore, #tpu.memory_space<semaphore_mem>>) src(%dma_wait3A_350 : memref<4096xi32, #tpu.memory_space<hbm>>) dst(%dma_wait3A_349 : memref<4096xi32, #tpu.memory_space<vmem>>)
        tpu.yield
      }) : () -> ()
      %scan3A_74 = arith.constant 0 : i32
      %scan3A_75 = arith.constant 0 : i32
      %scan3A_76 = arith.constant 256 : i32
      %scan3A_77 = arith.addi %scan3A_75, %scan3A_76 : i32
      %scan3A_78 = arith.constant 1 : i32
      %scan3A_79 = scf.for %scan3A_340 = %scan3A_75 to %scan3A_77 step %scan3A_78 iter_args(%scan3A_341 = %scan3A_74) -> (i32)  : i32 {
        %mul3A_342 = arith.constant 16 : i32
        %mul3A_343 = arith.muli %scan3A_340, %mul3A_342 : i32
        %get3A = arith.index_cast %mul3A_343 : i32 to index
        %get3A_344 = tpu.vector_load %arg7[%get3A] {strides = array<i32>} : memref<4096xi32, #tpu.memory_space<vmem>>, vector<16xi32>,
        %mul3A_345 = arith.constant 16 : i32
        %mul3A_346 = arith.muli %scan3A_340, %mul3A_345 : i32
        %get3A_347 = arith.index_cast %mul3A_346 : i32 to index
        %get3A_348 = tpu.vector_load %arg8[%get3A_347] {strides = array<i32>} : memref<4096xi32, #tpu.memory_space<vmem>>, vector<16xi32>,
        %ge3A_349 = vector.broadcast %mul3A_38 : i32 to vector<16xi32>
        %ge3A_350 = arith.cmpi sge, %get3A_348, %ge3A_349 : vector<16xi32>
        %add3A_351 = arith.constant 7168 : i32
        %add3A_352 = arith.addi %mul3A_38, %add3A_351 : i32
        %lt3A_353 = vector.broadcast %add3A_352 : i32 to vector<16xi32>
        %lt3A_354 = arith.cmpi slt, %get3A_348, %lt3A_353 : vector<16xi32>
        %and3A = arith.andi %ge3A_350, %lt3A_354 : vector<16xi1>
        %jit3A_355 = arith.constant 1 : i32
        %jit3A_356 = arith.constant 0 : i32
        %broadcast_in_dim3A_357 = vector.broadcast %jit3A_355 : i32 to vector<16xi32>
        %broadcast_in_dim3A_358 = vector.broadcast %jit3A_356 : i32 to vector<16xi32>
        %select_n3A_359 = arith.select %and3A, %broadcast_in_dim3A_357, %broadcast_in_dim3A_358 : vector<16xi1>, vector<16xi32>
        %broadcast_in_dim3A_360 = arith.constant true
        %broadcast_in_dim3A_361 = vector.broadcast %broadcast_in_dim3A_360 : i1 to vector<16xi1>
        %masked_cumsum3A = tpu.scan <sum>, %select_n3A_359 masked %broadcast_in_dim3A_361 : vector<16xi32>, vector<16xi1> -> vector<16xi32>
        %sub3A = arith.subi %masked_cumsum3A, %select_n3A_359 : vector<16xi32>
        %add3A_362 = vector.broadcast %scan3A_341 : i32 to vector<16xi32>
        %add3A_363 = arith.addi %sub3A, %add3A_362 : vector<16xi32>
        %sub3A_364 = vector.broadcast %mul3A_38 : i32 to vector<16xi32>
        %sub3A_365 = arith.subi %get3A_348, %sub3A_364 : vector<16xi32>
        %shift_right_arithmetic3A_366 = arith.constant 7 : i32
        %shift_right_arithmetic3A_367 = vector.broadcast %shift_right_arithmetic3A_366 : i32 to vector<16xi32>
        %shift_right_arithmetic3A_368 = arith.shrsi %add3A_363, %shift_right_arithmetic3A_367 : vector<16xi32>
        %and3A_369 = arith.constant 127 : i32
        %and3A_370 = vector.broadcast %and3A_369 : i32 to vector<16xi32>
        %and3A_371 = arith.andi %add3A_363, %and3A_370 : vector<16xi32>
        tpu.vector_store_idx %arg9[%shift_right_arithmetic3A_368, %and3A_371], %get3A_344 masked %and3A : memref<64x128xi32, #tpu.memory_space<vmem>>[vector<16xi32>, vector<16xi32>], vector<16xi32>, vector<16xi1>
        %shift_right_arithmetic3A_372 = arith.constant 7 : i32
        %shift_right_arithmetic3A_373 = vector.broadcast %shift_right_arithmetic3A_372 : i32 to vector<16xi32>
        %shift_right_arithmetic3A_374 = arith.shrsi %add3A_363, %shift_right_arithmetic3A_373 : vector<16xi32>
        %and3A_375 = arith.constant 127 : i32
        %and3A_376 = vector.broadcast %and3A_375 : i32 to vector<16xi32>
        %and3A_377 = arith.andi %add3A_363, %and3A_376 : vector<16xi32>
        tpu.vector_store_idx %arg10[%shift_right_arithmetic3A_374, %and3A_377], %sub3A_365 masked %and3A : memref<64x128xi32, #tpu.memory_space<vmem>>[vector<16xi32>, vector<16xi32>], vector<16xi32>, vector<16xi1>
        %shift_right_arithmetic3A_378 = arith.constant 7 : i32
        %shift_right_arithmetic3A_379 = vector.broadcast %shift_right_arithmetic3A_378 : i32 to vector<16xi32>
        %shift_right_arithmetic3A_380 = arith.shrsi %sub3A_365, %shift_right_arithmetic3A_379 : vector<16xi32>
        %and3A_381 = arith.constant 127 : i32
        %and3A_382 = vector.broadcast %and3A_381 : i32 to vector<16xi32>
        %and3A_383 = arith.andi %sub3A_365, %and3A_382 : vector<16xi32>
        tpu.vector_store_idx %arg12[%shift_right_arithmetic3A_380, %and3A_383], %add3A_65 masked %and3A {add = true} : memref<56x128xf32, #tpu.memory_space<vmem>>[vector<16xi32>, vector<16xi32>], vector<16xf32>, vector<16xi1>
        %reduce_max3A = arith.constant true
        %reduce_max3A_384 = vector.broadcast %reduce_max3A : i1 to vector<16xi1>
        %reduce_max3A_385 = arith.constant -2147483648 : i32
        %reduce_max3A_386 = vector.broadcast %reduce_max3A_385 : i32 to vector<16xi32>
        %reduce_max3A_387 = arith.xori %masked_cumsum3A, %reduce_max3A_386 : vector<16xi32>
        %reduce_max3A_388 = tpu.scan <max>, %reduce_max3A_387 masked %reduce_max3A_384 : vector<16xi32>, vector<16xi1> -> vector<16xi32>
        %reduce_max3A_389 = arith.xori %reduce_max3A_388, %reduce_max3A_386 : vector<16xi32>
        %reduce_max3A_390 = vector.extract %reduce_max3A_389[15] : i32 from vector<16xi32>
        %add3A_391 = arith.addi %scan3A_341, %reduce_max3A_390 : i32
        scf.yield %add3A_391 : i32
      }
      %scan3A_80 = arith.constant 256 : i32
      %gt3A = arith.constant 4096 : i32
      %gt3A_81 = arith.cmpi sgt, %scan3A_79, %gt3A : i32
      %convert_element_type3A_82 = arith.extui %gt3A_81 : i1 to i32
      %cond3A_83 = arith.constant 0 : i32
      %cond3A_84 = arith.cmpi ne, %convert_element_type3A_82, %cond3A_83 : i32
      scf.if %cond3A_84 {
        %shift_right_arithmetic3A_340 = arith.constant 7 : i32
        %shift_right_arithmetic3A_341 = arith.shrsi %scan3A_79, %shift_right_arithmetic3A_340 : i32
        %add3A_342 = vector.broadcast %shift_right_arithmetic3A_341 : i32 to vector<16xi32>
        %add3A_343 = arith.addi %broadcast_in_dim3A_2, %add3A_342 : vector<16xi32>
        %shift_left3A_344 = arith.constant 7 : i32
        %shift_left3A_345 = arith.shli %shift_right_arithmetic3A_341, %shift_left3A_344 : i32
        %add3A_346 = arith.constant 7168 : i32
        %add3A_347 = vector.broadcast %add3A_346 : i32 to vector<16xi32>
        %add3A_348 = arith.addi %broadcast_in_dim3A_2, %add3A_347 : vector<16xi32>
        %add3A_349 = arith.constant 0 : i32
        %add3A_350 = vector.broadcast %add3A_349 : i32 to vector<16xi32>
        %add3A_351 = arith.addi %iota3A, %add3A_350 : vector<16xi32>
        %add3A_352 = vector.broadcast %shift_left3A_345 : i32 to vector<16xi32>
        %add3A_353 = arith.addi %add3A_352, %add3A_351 : vector<16xi32>
        %ge3A_354 = vector.broadcast %scan3A_79 : i32 to vector<16xi32>
        %ge3A_355 = arith.cmpi sge, %add3A_353, %ge3A_354 : vector<16xi32>
        tpu.vector_store_idx %arg9[%add3A_343, %add3A_351], %broadcast_in_dim3A_2 masked %ge3A_355 : memref<64x128xi32, #tpu.memory_space<vmem>>[vector<16xi32>, vector<16xi32>], vector<16xi32>, vector<16xi1>
        tpu.vector_store_idx %arg10[%add3A_343, %add3A_351], %add3A_348 masked %ge3A_355 : memref<64x128xi32, #tpu.memory_space<vmem>>[vector<16xi32>, vector<16xi32>], vector<16xi32>, vector<16xi1>
        %add3A_356 = arith.constant 16 : i32
        %add3A_357 = vector.broadcast %add3A_356 : i32 to vector<16xi32>
        %add3A_358 = arith.addi %iota3A, %add3A_357 : vector<16xi32>
        %add3A_359 = vector.broadcast %shift_left3A_345 : i32 to vector<16xi32>
        %add3A_360 = arith.addi %add3A_359, %add3A_358 : vector<16xi32>
        %ge3A_361 = vector.broadcast %scan3A_79 : i32 to vector<16xi32>
        %ge3A_362 = arith.cmpi sge, %add3A_360, %ge3A_361 : vector<16xi32>
        tpu.vector_store_idx %arg9[%add3A_343, %add3A_358], %broadcast_in_dim3A_2 masked %ge3A_362 : memref<64x128xi32, #tpu.memory_space<vmem>>[vector<16xi32>, vector<16xi32>], vector<16xi32>, vector<16xi1>
        tpu.vector_store_idx %arg10[%add3A_343, %add3A_358], %add3A_348 masked %ge3A_362 : memref<64x128xi32, #tpu.memory_space<vmem>>[vector<16xi32>, vector<16xi32>], vector<16xi32>, vector<16xi1>
        %add3A_363 = arith.constant 32 : i32
        %add3A_364 = vector.broadcast %add3A_363 : i32 to vector<16xi32>
        %add3A_365 = arith.addi %iota3A, %add3A_364 : vector<16xi32>
        %add3A_366 = vector.broadcast %shift_left3A_345 : i32 to vector<16xi32>
        %add3A_367 = arith.addi %add3A_366, %add3A_365 : vector<16xi32>
        %ge3A_368 = vector.broadcast %scan3A_79 : i32 to vector<16xi32>
        %ge3A_369 = arith.cmpi sge, %add3A_367, %ge3A_368 : vector<16xi32>
        tpu.vector_store_idx %arg9[%add3A_343, %add3A_365], %broadcast_in_dim3A_2 masked %ge3A_369 : memref<64x128xi32, #tpu.memory_space<vmem>>[vector<16xi32>, vector<16xi32>], vector<16xi32>, vector<16xi1>
        tpu.vector_store_idx %arg10[%add3A_343, %add3A_365], %add3A_348 masked %ge3A_369 : memref<64x128xi32, #tpu.memory_space<vmem>>[vector<16xi32>, vector<16xi32>], vector<16xi32>, vector<16xi1>
        %add3A_370 = arith.constant 48 : i32
        %add3A_371 = vector.broadcast %add3A_370 : i32 to vector<16xi32>
        %add3A_372 = arith.addi %iota3A, %add3A_371 : vector<16xi32>
        %add3A_373 = vector.broadcast %shift_left3A_345 : i32 to vector<16xi32>
        %add3A_374 = arith.addi %add3A_373, %add3A_372 : vector<16xi32>
        %ge3A_375 = vector.broadcast %scan3A_79 : i32 to vector<16xi32>
        %ge3A_376 = arith.cmpi sge, %add3A_374, %ge3A_375 : vector<16xi32>
        tpu.vector_store_idx %arg9[%add3A_343, %add3A_372], %broadcast_in_dim3A_2 masked %ge3A_376 : memref<64x128xi32, #tpu.memory_space<vmem>>[vector<16xi32>, vector<16xi32>], vector<16xi32>, vector<16xi1>
        tpu.vector_store_idx %arg10[%add3A_343, %add3A_372], %add3A_348 masked %ge3A_376 : memref<64x128xi32, #tpu.memory_space<vmem>>[vector<16xi32>, vector<16xi32>], vector<16xi32>, vector<16xi1>
        %add3A_377 = arith.constant 64 : i32
        %add3A_378 = vector.broadcast %add3A_377 : i32 to vector<16xi32>
        %add3A_379 = arith.addi %iota3A, %add3A_378 : vector<16xi32>
        %add3A_380 = vector.broadcast %shift_left3A_345 : i32 to vector<16xi32>
        %add3A_381 = arith.addi %add3A_380, %add3A_379 : vector<16xi32>
        %ge3A_382 = vector.broadcast %scan3A_79 : i32 to vector<16xi32>
        %ge3A_383 = arith.cmpi sge, %add3A_381, %ge3A_382 : vector<16xi32>
        tpu.vector_store_idx %arg9[%add3A_343, %add3A_379], %broadcast_in_dim3A_2 masked %ge3A_383 : memref<64x128xi32, #tpu.memory_space<vmem>>[vector<16xi32>, vector<16xi32>], vector<16xi32>, vector<16xi1>
        tpu.vector_store_idx %arg10[%add3A_343, %add3A_379], %add3A_348 masked %ge3A_383 : memref<64x128xi32, #tpu.memory_space<vmem>>[vector<16xi32>, vector<16xi32>], vector<16xi32>, vector<16xi1>
        %add3A_384 = arith.constant 80 : i32
        %add3A_385 = vector.broadcast %add3A_384 : i32 to vector<16xi32>
        %add3A_386 = arith.addi %iota3A, %add3A_385 : vector<16xi32>
        %add3A_387 = vector.broadcast %shift_left3A_345 : i32 to vector<16xi32>
        %add3A_388 = arith.addi %add3A_387, %add3A_386 : vector<16xi32>
        %ge3A_389 = vector.broadcast %scan3A_79 : i32 to vector<16xi32>
        %ge3A_390 = arith.cmpi sge, %add3A_388, %ge3A_389 : vector<16xi32>
        tpu.vector_store_idx %arg9[%add3A_343, %add3A_386], %broadcast_in_dim3A_2 masked %ge3A_390 : memref<64x128xi32, #tpu.memory_space<vmem>>[vector<16xi32>, vector<16xi32>], vector<16xi32>, vector<16xi1>
        tpu.vector_store_idx %arg10[%add3A_343, %add3A_386], %add3A_348 masked %ge3A_390 : memref<64x128xi32, #tpu.memory_space<vmem>>[vector<16xi32>, vector<16xi32>], vector<16xi32>, vector<16xi1>
        %add3A_391 = arith.constant 96 : i32
        %add3A_392 = vector.broadcast %add3A_391 : i32 to vector<16xi32>
        %add3A_393 = arith.addi %iota3A, %add3A_392 : vector<16xi32>
        %add3A_394 = vector.broadcast %shift_left3A_345 : i32 to vector<16xi32>
        %add3A_395 = arith.addi %add3A_394, %add3A_393 : vector<16xi32>
        %ge3A_396 = vector.broadcast %scan3A_79 : i32 to vector<16xi32>
        %ge3A_397 = arith.cmpi sge, %add3A_395, %ge3A_396 : vector<16xi32>
        tpu.vector_store_idx %arg9[%add3A_343, %add3A_393], %broadcast_in_dim3A_2 masked %ge3A_397 : memref<64x128xi32, #tpu.memory_space<vmem>>[vector<16xi32>, vector<16xi32>], vector<16xi32>, vector<16xi1>
        tpu.vector_store_idx %arg10[%add3A_343, %add3A_393], %add3A_348 masked %ge3A_397 : memref<64x128xi32, #tpu.memory_space<vmem>>[vector<16xi32>, vector<16xi32>], vector<16xi32>, vector<16xi1>
        %add3A_398 = arith.constant 112 : i32
        %add3A_399 = vector.broadcast %add3A_398 : i32 to vector<16xi32>
        %add3A_400 = arith.addi %iota3A, %add3A_399 : vector<16xi32>
        %add3A_401 = vector.broadcast %shift_left3A_345 : i32 to vector<16xi32>
        %add3A_402 = arith.addi %add3A_401, %add3A_400 : vector<16xi32>
        %ge3A_403 = vector.broadcast %scan3A_79 : i32 to vector<16xi32>
        %ge3A_404 = arith.cmpi sge, %add3A_402, %ge3A_403 : vector<16xi32>
        tpu.vector_store_idx %arg9[%add3A_343, %add3A_400], %broadcast_in_dim3A_2 masked %ge3A_404 : memref<64x128xi32, #tpu.memory_space<vmem>>[vector<16xi32>, vector<16xi32>], vector<16xi32>, vector<16xi1>
        tpu.vector_store_idx %arg10[%add3A_343, %add3A_400], %add3A_348 masked %ge3A_404 : memref<64x128xi32, #tpu.memory_space<vmem>>[vector<16xi32>, vector<16xi32>], vector<16xi32>, vector<16xi1>
        %add3A_405 = arith.constant 127 : i32
        %add3A_406 = arith.addi %scan3A_79, %add3A_405 : i32
        %shift_right_arithmetic3A_407 = arith.constant 7 : i32
        %shift_right_arithmetic3A_408 = arith.shrsi %add3A_406, %shift_right_arithmetic3A_407 : i32
        %while3A_409 = arith.constant 0 : i32
        %while3A_410 = arith.constant 0 : i32
        %while3A_411 = arith.subi %shift_right_arithmetic3A_408, %while3A_410 : i32
        %while3A_412 = arith.addi %while3A_410, %while3A_411 : i32
        %while3A_413 = arith.constant 1 : i32
        %while3A_414 = arith.divsi %while3A_411, %while3A_413 : i32
        %while3A_415 = arith.muli %while3A_414, %while3A_413 : i32
        %while3A_416 = arith.addi %while3A_410, %while3A_415 : i32
        %while3A_417 = arith.constant 1 : i32
        scf.for %while3A_419 = %while3A_410 to %while3A_416 step %while3A_417  : i32 {
          %dma_start3A = arith.constant 0 : i32
          %dma_start3A_420 = tpu.memref_slice %arg9[%while3A_419, %dma_start3A] : memref<64x128xi32, #tpu.memory_space<vmem>> -> memref<1x128xi32, #tpu.memory_space<vmem>>
          %dma_start3A_421 = tpu.memref_squeeze %dma_start3A_420 : memref<1x128xi32, #tpu.memory_space<vmem>> -> memref<128xi32, #tpu.memory_space<vmem>>
          %dma_start3A_422 = arith.constant 0 : i32
          %dma_start3A_423 = arith.constant 0 : i32
          %dma_start3A_424 = tpu.memref_slice %arg2[%dma_start3A_422, %dma_start3A_423] : memref<100000x128xf32, #tpu.memory_space<hbm>> -> memref<100000x128xf32, #tpu.memory_space<hbm>>
          tpu.enqueue_indirect_dma source(%dma_start3A_424 : memref<100000x128xf32, #tpu.memory_space<hbm>>) target(%arg11 : memref<128x128xf32, #tpu.memory_space<vmem>>) offsets(%dma_start3A_421 : memref<128xi32, #tpu.memory_space<vmem>>) semaphore(%arg16 : memref<!tpu.dma_semaphore, #tpu.memory_space<semaphore_mem>>)
          %dma_wait3A = arith.constant 0 : i32
          %dma_wait3A_425 = tpu.memref_slice %arg9[%while3A_419, %dma_wait3A] : memref<64x128xi32, #tpu.memory_space<vmem>> -> memref<1x128xi32, #tpu.memory_space<vmem>>
          %dma_wait3A_426 = tpu.memref_squeeze %dma_wait3A_425 : memref<1x128xi32, #tpu.memory_space<vmem>> -> memref<128xi32, #tpu.memory_space<vmem>>
          %dma_wait3A_427 = arith.constant 0 : i32
          %dma_wait3A_428 = arith.constant 0 : i32
          %dma_wait3A_429 = tpu.memref_slice %arg2[%dma_wait3A_427, %dma_wait3A_428] : memref<100000x128xf32, #tpu.memory_space<hbm>> -> memref<100000x128xf32, #tpu.memory_space<hbm>>
          tpu.wait_indirect_dma semaphore(%arg16 : memref<!tpu.dma_semaphore, #tpu.memory_space<semaphore_mem>>) src(%dma_wait3A_429 : memref<100000x128xf32, #tpu.memory_space<hbm>>) dst(%arg11 : memref<128x128xf32, #tpu.memory_space<vmem>>)
          "tpu.region"() ({
            %run_scoped3A_430 = tpu.sem_alloc : memref<!tpu.dma_semaphore, #tpu.memory_space<semaphore_mem>>
            %dma_start3A_431 = arith.constant 0 : i32
            %dma_start3A_432 = tpu.memref_slice %arg10[%while3A_419, %dma_start3A_431] : memref<64x128xi32, #tpu.memory_space<vmem>> -> memref<1x128xi32, #tpu.memory_space<vmem>>
            %dma_start3A_433 = tpu.memref_squeeze %dma_start3A_432 : memref<1x128xi32, #tpu.memory_space<vmem>> -> memref<128xi32, #tpu.memory_space<vmem>>
            %dma_start3A_434 = arith.constant 0 : i32
            %dma_start3A_435 = arith.constant 0 : i32
            %dma_start3A_436 = tpu.memref_slice %arg14[%dma_start3A_434, %dma_start3A_435] : memref<7184x128xf32, #tpu.memory_space<vmem_shared>> -> memref<7184x128xf32, #tpu.memory_space<vmem_shared>>
            tpu.enqueue_indirect_dma source(%arg11 : memref<128x128xf32, #tpu.memory_space<vmem>>) target(%dma_start3A_436 : memref<7184x128xf32, #tpu.memory_space<vmem_shared>>) offsets(%dma_start3A_433 : memref<128xi32, #tpu.memory_space<vmem>>) semaphore(%run_scoped3A_430 : memref<!tpu.dma_semaphore, #tpu.memory_space<semaphore_mem>>) {add = true}
            %dma_wait3A_437 = arith.constant 0 : i32
            %dma_wait3A_438 = tpu.memref_slice %arg10[%while3A_419, %dma_wait3A_437] : memref<64x128xi32, #tpu.memory_space<vmem>> -> memref<1x128xi32, #tpu.memory_space<vmem>>
            %dma_wait3A_439 = tpu.memref_squeeze %dma_wait3A_438 : memref<1x128xi32, #tpu.memory_space<vmem>> -> memref<128xi32, #tpu.memory_space<vmem>>
            %dma_wait3A_440 = arith.constant 0 : i32
            %dma_wait3A_441 = arith.constant 0 : i32
            %dma_wait3A_442 = tpu.memref_slice %arg14[%dma_wait3A_440, %dma_wait3A_441] : memref<7184x128xf32, #tpu.memory_space<vmem_shared>> -> memref<7184x128xf32, #tpu.memory_space<vmem_shared>>
            tpu.wait_indirect_dma semaphore(%run_scoped3A_430 : memref<!tpu.dma_semaphore, #tpu.memory_space<semaphore_mem>>) src(%arg11 : memref<128x128xf32, #tpu.memory_space<vmem>>) dst(%dma_wait3A_442 : memref<7184x128xf32, #tpu.memory_space<vmem_shared>>)
            tpu.yield
          }) : () -> ()
        }
        %while3A_418 = arith.constant 1 : i32
        scf.for %while3A_419 = %while3A_416 to %while3A_412 step %while3A_418  : i32 {
          %dma_start3A = arith.constant 0 : i32
          %dma_start3A_420 = tpu.memref_slice %arg9[%while3A_419, %dma_start3A] : memref<64x128xi32, #tpu.memory_space<vmem>> -> memref<1x128xi32, #tpu.memory_space<vmem>>
          %dma_start3A_421 = tpu.memref_squeeze %dma_start3A_420 : memref<1x128xi32, #tpu.memory_space<vmem>> -> memref<128xi32, #tpu.memory_space<vmem>>
          %dma_start3A_422 = arith.constant 0 : i32
          %dma_start3A_423 = arith.constant 0 : i32
          %dma_start3A_424 = tpu.memref_slice %arg2[%dma_start3A_422, %dma_start3A_423] : memref<100000x128xf32, #tpu.memory_space<hbm>> -> memref<100000x128xf32, #tpu.memory_space<hbm>>
          tpu.enqueue_indirect_dma source(%dma_start3A_424 : memref<100000x128xf32, #tpu.memory_space<hbm>>) target(%arg11 : memref<128x128xf32, #tpu.memory_space<vmem>>) offsets(%dma_start3A_421 : memref<128xi32, #tpu.memory_space<vmem>>) semaphore(%arg16 : memref<!tpu.dma_semaphore, #tpu.memory_space<semaphore_mem>>)
          %dma_wait3A = arith.constant 0 : i32
          %dma_wait3A_425 = tpu.memref_slice %arg9[%while3A_419, %dma_wait3A] : memref<64x128xi32, #tpu.memory_space<vmem>> -> memref<1x128xi32, #tpu.memory_space<vmem>>
          %dma_wait3A_426 = tpu.memref_squeeze %dma_wait3A_425 : memref<1x128xi32, #tpu.memory_space<vmem>> -> memref<128xi32, #tpu.memory_space<vmem>>
          %dma_wait3A_427 = arith.constant 0 : i32
          %dma_wait3A_428 = arith.constant 0 : i32
          %dma_wait3A_429 = tpu.memref_slice %arg2[%dma_wait3A_427, %dma_wait3A_428] : memref<100000x128xf32, #tpu.memory_space<hbm>> -> memref<100000x128xf32, #tpu.memory_space<hbm>>
          tpu.wait_indirect_dma semaphore(%arg16 : memref<!tpu.dma_semaphore, #tpu.memory_space<semaphore_mem>>) src(%dma_wait3A_429 : memref<100000x128xf32, #tpu.memory_space<hbm>>) dst(%arg11 : memref<128x128xf32, #tpu.memory_space<vmem>>)
          "tpu.region"() ({
            %run_scoped3A_430 = tpu.sem_alloc : memref<!tpu.dma_semaphore, #tpu.memory_space<semaphore_mem>>
            %dma_start3A_431 = arith.constant 0 : i32
            %dma_start3A_432 = tpu.memref_slice %arg10[%while3A_419, %dma_start3A_431] : memref<64x128xi32, #tpu.memory_space<vmem>> -> memref<1x128xi32, #tpu.memory_space<vmem>>
            %dma_start3A_433 = tpu.memref_squeeze %dma_start3A_432 : memref<1x128xi32, #tpu.memory_space<vmem>> -> memref<128xi32, #tpu.memory_space<vmem>>
            %dma_start3A_434 = arith.constant 0 : i32
            %dma_start3A_435 = arith.constant 0 : i32
            %dma_start3A_436 = tpu.memref_slice %arg14[%dma_start3A_434, %dma_start3A_435] : memref<7184x128xf32, #tpu.memory_space<vmem_shared>> -> memref<7184x128xf32, #tpu.memory_space<vmem_shared>>
            tpu.enqueue_indirect_dma source(%arg11 : memref<128x128xf32, #tpu.memory_space<vmem>>) target(%dma_start3A_436 : memref<7184x128xf32, #tpu.memory_space<vmem_shared>>) offsets(%dma_start3A_433 : memref<128xi32, #tpu.memory_space<vmem>>) semaphore(%run_scoped3A_430 : memref<!tpu.dma_semaphore, #tpu.memory_space<semaphore_mem>>) {add = true}
            %dma_wait3A_437 = arith.constant 0 : i32
            %dma_wait3A_438 = tpu.memref_slice %arg10[%while3A_419, %dma_wait3A_437] : memref<64x128xi32, #tpu.memory_space<vmem>> -> memref<1x128xi32, #tpu.memory_space<vmem>>
            %dma_wait3A_439 = tpu.memref_squeeze %dma_wait3A_438 : memref<1x128xi32, #tpu.memory_space<vmem>> -> memref<128xi32, #tpu.memory_space<vmem>>
            %dma_wait3A_440 = arith.constant 0 : i32
            %dma_wait3A_441 = arith.constant 0 : i32
            %dma_wait3A_442 = tpu.memref_slice %arg14[%dma_wait3A_440, %dma_wait3A_441] : memref<7184x128xf32, #tpu.memory_space<vmem_shared>> -> memref<7184x128xf32, #tpu.memory_space<vmem_shared>>
            tpu.wait_indirect_dma semaphore(%run_scoped3A_430 : memref<!tpu.dma_semaphore, #tpu.memory_space<semaphore_mem>>) src(%arg11 : memref<128x128xf32, #tpu.memory_space<vmem>>) dst(%dma_wait3A_442 : memref<7184x128xf32, #tpu.memory_space<vmem_shared>>)
            tpu.yield
          }) : () -> ()
        }
      } else {
      }
      %jit3A = arith.constant 0 : i32
      %select_n3A = arith.select %gt3A_81, %jit3A, %scan3A_79 : i32
      %add3A_85 = arith.constant 4096 : i32
      %add3A_86 = arith.addi %mul3A_69, %add3A_85 : i32
      "tpu.region"() ({
        %run_scoped3A_340 = tpu.sem_alloc : memref<!tpu.dma_semaphore, #tpu.memory_space<semaphore_mem>>
        %dma_start3A = arith.constant 0 : i32
        %dma_start3A_341 = tpu.memref_slice %arg7[%dma_start3A] : memref<4096xi32, #tpu.memory_space<vmem>> -> memref<4096xi32, #tpu.memory_space<vmem>>
        %dma_start3A_342 = tpu.memref_slice %arg3[%add3A_86] : memref<600064xi32, #tpu.memory_space<hbm>> -> memref<4096xi32, #tpu.memory_space<hbm>>
        %dma_start3A_343 = arith.constant 0 : i32
        %dma_start3A_344 = tpu.memref_slice %arg7[%dma_start3A_343] : memref<4096xi32, #tpu.memory_space<vmem>> -> memref<4096xi32, #tpu.memory_space<vmem>>
        %dma_start3A_345 = tpu.memref_slice %arg3[%add3A_86] : memref<600064xi32, #tpu.memory_space<hbm>> -> memref<4096xi32, #tpu.memory_space<hbm>>
        tpu.enqueue_dma source(%dma_start3A_345 : memref<4096xi32, #tpu.memory_space<hbm>>) target(%dma_start3A_344 : memref<4096xi32, #tpu.memory_space<vmem>>) target_semaphore(%run_scoped3A_340 : memref<!tpu.dma_semaphore, #tpu.memory_space<semaphore_mem>>)
        %dma_wait3A = arith.constant 0 : i32
        %dma_wait3A_346 = tpu.memref_slice %arg7[%dma_wait3A] : memref<4096xi32, #tpu.memory_space<vmem>> -> memref<4096xi32, #tpu.memory_space<vmem>>
        %dma_wait3A_347 = tpu.memref_slice %arg3[%add3A_86] : memref<600064xi32, #tpu.memory_space<hbm>> -> memref<4096xi32, #tpu.memory_space<hbm>>
        %dma_wait3A_348 = arith.constant 0 : i32
        %dma_wait3A_349 = tpu.memref_slice %arg7[%dma_wait3A_348] : memref<4096xi32, #tpu.memory_space<vmem>> -> memref<4096xi32, #tpu.memory_space<vmem>>
        %dma_wait3A_350 = tpu.memref_slice %arg3[%add3A_86] : memref<600064xi32, #tpu.memory_space<hbm>> -> memref<4096xi32, #tpu.memory_space<hbm>>
        tpu.wait_dma2 semaphore(%run_scoped3A_340 : memref<!tpu.dma_semaphore, #tpu.memory_space<semaphore_mem>>) src(%dma_wait3A_350 : memref<4096xi32, #tpu.memory_space<hbm>>) dst(%dma_wait3A_349 : memref<4096xi32, #tpu.memory_space<vmem>>)
        tpu.yield
      }) : () -> ()
      %add3A_87 = arith.constant 4096 : i32
      %add3A_88 = arith.addi %mul3A_69, %add3A_87 : i32
      "tpu.region"() ({
        %run_scoped3A_340 = tpu.sem_alloc : memref<!tpu.dma_semaphore, #tpu.memory_space<semaphore_mem>>
        %dma_start3A = arith.constant 0 : i32
        %dma_start3A_341 = tpu.memref_slice %arg8[%dma_start3A] : memref<4096xi32, #tpu.memory_space<vmem>> -> memref<4096xi32, #tpu.memory_space<vmem>>
        %dma_start3A_342 = tpu.memref_slice %arg4[%add3A_88] : memref<600064xi32, #tpu.memory_space<hbm>> -> memref<4096xi32, #tpu.memory_space<hbm>>
        %dma_start3A_343 = arith.constant 0 : i32
        %dma_start3A_344 = tpu.memref_slice %arg8[%dma_start3A_343] : memref<4096xi32, #tpu.memory_space<vmem>> -> memref<4096xi32, #tpu.memory_space<vmem>>
        %dma_start3A_345 = tpu.memref_slice %arg4[%add3A_88] : memref<600064xi32, #tpu.memory_space<hbm>> -> memref<4096xi32, #tpu.memory_space<hbm>>
        tpu.enqueue_dma source(%dma_start3A_345 : memref<4096xi32, #tpu.memory_space<hbm>>) target(%dma_start3A_344 : memref<4096xi32, #tpu.memory_space<vmem>>) target_semaphore(%run_scoped3A_340 : memref<!tpu.dma_semaphore, #tpu.memory_space<semaphore_mem>>)
        %dma_wait3A = arith.constant 0 : i32
        %dma_wait3A_346 = tpu.memref_slice %arg8[%dma_wait3A] : memref<4096xi32, #tpu.memory_space<vmem>> -> memref<4096xi32, #tpu.memory_space<vmem>>
        %dma_wait3A_347 = tpu.memref_slice %arg4[%add3A_88] : memref<600064xi32, #tpu.memory_space<hbm>> -> memref<4096xi32, #tpu.memory_space<hbm>>
        %dma_wait3A_348 = arith.constant 0 : i32
        %dma_wait3A_349 = tpu.memref_slice %arg8[%dma_wait3A_348] : memref<4096xi32, #tpu.memory_space<vmem>> -> memref<4096xi32, #tpu.memory_space<vmem>>
        %dma_wait3A_350 = tpu.memref_slice %arg4[%add3A_88] : memref<600064xi32, #tpu.memory_space<hbm>> -> memref<4096xi32, #tpu.memory_space<hbm>>
        tpu.wait_dma2 semaphore(%run_scoped3A_340 : memref<!tpu.dma_semaphore, #tpu.memory_space<semaphore_mem>>) src(%dma_wait3A_350 : memref<4096xi32, #tpu.memory_space<hbm>>) dst(%dma_wait3A_349 : memref<4096xi32, #tpu.memory_space<vmem>>)
        tpu.yield
      }) : () -> ()
      %scan3A_89 = arith.constant 0 : i32
      %scan3A_90 = arith.constant 256 : i32
      %scan3A_91 = arith.addi %scan3A_89, %scan3A_90 : i32
      %scan3A_92 = arith.constant 1 : i32
      %scan3A_93 = scf.for %scan3A_340 = %scan3A_89 to %scan3A_91 step %scan3A_92 iter_args(%scan3A_341 = %select_n3A) -> (i32)  : i32 {
        %mul3A_342 = arith.constant 16 : i32
        %mul3A_343 = arith.muli %scan3A_340, %mul3A_342 : i32
        %get3A = arith.index_cast %mul3A_343 : i32 to index
        %get3A_344 = tpu.vector_load %arg7[%get3A] {strides = array<i32>} : memref<4096xi32, #tpu.memory_space<vmem>>, vector<16xi32>,
        %mul3A_345 = arith.constant 16 : i32
        %mul3A_346 = arith.muli %scan3A_340, %mul3A_345 : i32
        %get3A_347 = arith.index_cast %mul3A_346 : i32 to index
        %get3A_348 = tpu.vector_load %arg8[%get3A_347] {strides = array<i32>} : memref<4096xi32, #tpu.memory_space<vmem>>, vector<16xi32>,
        %ge3A_349 = vector.broadcast %mul3A_38 : i32 to vector<16xi32>
        %ge3A_350 = arith.cmpi sge, %get3A_348, %ge3A_349 : vector<16xi32>
        %add3A_351 = arith.constant 7168 : i32
        %add3A_352 = arith.addi %mul3A_38, %add3A_351 : i32
        %lt3A_353 = vector.broadcast %add3A_352 : i32 to vector<16xi32>
        %lt3A_354 = arith.cmpi slt, %get3A_348, %lt3A_353 : vector<16xi32>
        %and3A = arith.andi %ge3A_350, %lt3A_354 : vector<16xi1>
        %jit3A_355 = arith.constant 1 : i32
        %jit3A_356 = arith.constant 0 : i32
        %broadcast_in_dim3A_357 = vector.broadcast %jit3A_355 : i32 to vector<16xi32>
        %broadcast_in_dim3A_358 = vector.broadcast %jit3A_356 : i32 to vector<16xi32>
        %select_n3A_359 = arith.select %and3A, %broadcast_in_dim3A_357, %broadcast_in_dim3A_358 : vector<16xi1>, vector<16xi32>
        %broadcast_in_dim3A_360 = arith.constant true
        %broadcast_in_dim3A_361 = vector.broadcast %broadcast_in_dim3A_360 : i1 to vector<16xi1>
        %masked_cumsum3A = tpu.scan <sum>, %select_n3A_359 masked %broadcast_in_dim3A_361 : vector<16xi32>, vector<16xi1> -> vector<16xi32>
        %sub3A = arith.subi %masked_cumsum3A, %select_n3A_359 : vector<16xi32>
        %add3A_362 = vector.broadcast %scan3A_341 : i32 to vector<16xi32>
        %add3A_363 = arith.addi %sub3A, %add3A_362 : vector<16xi32>
        %sub3A_364 = vector.broadcast %mul3A_38 : i32 to vector<16xi32>
        %sub3A_365 = arith.subi %get3A_348, %sub3A_364 : vector<16xi32>
        %shift_right_arithmetic3A_366 = arith.constant 7 : i32
        %shift_right_arithmetic3A_367 = vector.broadcast %shift_right_arithmetic3A_366 : i32 to vector<16xi32>
        %shift_right_arithmetic3A_368 = arith.shrsi %add3A_363, %shift_right_arithmetic3A_367 : vector<16xi32>
        %and3A_369 = arith.constant 127 : i32
        %and3A_370 = vector.broadcast %and3A_369 : i32 to vector<16xi32>
        %and3A_371 = arith.andi %add3A_363, %and3A_370 : vector<16xi32>
        tpu.vector_store_idx %arg9[%shift_right_arithmetic3A_368, %and3A_371], %get3A_344 masked %and3A : memref<64x128xi32, #tpu.memory_space<vmem>>[vector<16xi32>, vector<16xi32>], vector<16xi32>, vector<16xi1>
        %shift_right_arithmetic3A_372 = arith.constant 7 : i32
        %shift_right_arithmetic3A_373 = vector.broadcast %shift_right_arithmetic3A_372 : i32 to vector<16xi32>
        %shift_right_arithmetic3A_374 = arith.shrsi %add3A_363, %shift_right_arithmetic3A_373 : vector<16xi32>
        %and3A_375 = arith.constant 127 : i32
        %and3A_376 = vector.broadcast %and3A_375 : i32 to vector<16xi32>
        %and3A_377 = arith.andi %add3A_363, %and3A_376 : vector<16xi32>
        tpu.vector_store_idx %arg10[%shift_right_arithmetic3A_374, %and3A_377], %sub3A_365 masked %and3A : memref<64x128xi32, #tpu.memory_space<vmem>>[vector<16xi32>, vector<16xi32>], vector<16xi32>, vector<16xi1>
        %shift_right_arithmetic3A_378 = arith.constant 7 : i32
        %shift_right_arithmetic3A_379 = vector.broadcast %shift_right_arithmetic3A_378 : i32 to vector<16xi32>
        %shift_right_arithmetic3A_380 = arith.shrsi %sub3A_365, %shift_right_arithmetic3A_379 : vector<16xi32>
        %and3A_381 = arith.constant 127 : i32
        %and3A_382 = vector.broadcast %and3A_381 : i32 to vector<16xi32>
        %and3A_383 = arith.andi %sub3A_365, %and3A_382 : vector<16xi32>
        tpu.vector_store_idx %arg12[%shift_right_arithmetic3A_380, %and3A_383], %add3A_65 masked %and3A {add = true} : memref<56x128xf32, #tpu.memory_space<vmem>>[vector<16xi32>, vector<16xi32>], vector<16xf32>, vector<16xi1>
        %reduce_max3A = arith.constant true
        %reduce_max3A_384 = vector.broadcast %reduce_max3A : i1 to vector<16xi1>
        %reduce_max3A_385 = arith.constant -2147483648 : i32
        %reduce_max3A_386 = vector.broadcast %reduce_max3A_385 : i32 to vector<16xi32>
        %reduce_max3A_387 = arith.xori %masked_cumsum3A, %reduce_max3A_386 : vector<16xi32>
        %reduce_max3A_388 = tpu.scan <max>, %reduce_max3A_387 masked %reduce_max3A_384 : vector<16xi32>, vector<16xi1> -> vector<16xi32>
        %reduce_max3A_389 = arith.xori %reduce_max3A_388, %reduce_max3A_386 : vector<16xi32>
        %reduce_max3A_390 = vector.extract %reduce_max3A_389[15] : i32 from vector<16xi32>
        %add3A_391 = arith.addi %scan3A_341, %reduce_max3A_390 : i32
        scf.yield %add3A_391 : i32
      }
      %scan3A_94 = arith.constant 256 : i32
      %gt3A_95 = arith.constant 4096 : i32
      %gt3A_96 = arith.cmpi sgt, %scan3A_93, %gt3A_95 : i32
      %convert_element_type3A_97 = arith.extui %gt3A_96 : i1 to i32
      %cond3A_98 = arith.constant 0 : i32
      %cond3A_99 = arith.cmpi ne, %convert_element_type3A_97, %cond3A_98 : i32
      scf.if %cond3A_99 {
        %shift_right_arithmetic3A_340 = arith.constant 7 : i32
        %shift_right_arithmetic3A_341 = arith.shrsi %scan3A_93, %shift_right_arithmetic3A_340 : i32
        %add3A_342 = vector.broadcast %shift_right_arithmetic3A_341 : i32 to vector<16xi32>
        %add3A_343 = arith.addi %broadcast_in_dim3A_2, %add3A_342 : vector<16xi32>
        %shift_left3A_344 = arith.constant 7 : i32
        %shift_left3A_345 = arith.shli %shift_right_arithmetic3A_341, %shift_left3A_344 : i32
        %add3A_346 = arith.constant 7168 : i32
        %add3A_347 = vector.broadcast %add3A_346 : i32 to vector<16xi32>
        %add3A_348 = arith.addi %broadcast_in_dim3A_2, %add3A_347 : vector<16xi32>
        %add3A_349 = arith.constant 0 : i32
        %add3A_350 = vector.broadcast %add3A_349 : i32 to vector<16xi32>
        %add3A_351 = arith.addi %iota3A, %add3A_350 : vector<16xi32>
        %add3A_352 = vector.broadcast %shift_left3A_345 : i32 to vector<16xi32>
        %add3A_353 = arith.addi %add3A_352, %add3A_351 : vector<16xi32>
        %ge3A_354 = vector.broadcast %scan3A_93 : i32 to vector<16xi32>
        %ge3A_355 = arith.cmpi sge, %add3A_353, %ge3A_354 : vector<16xi32>
        tpu.vector_store_idx %arg9[%add3A_343, %add3A_351], %broadcast_in_dim3A_2 masked %ge3A_355 : memref<64x128xi32, #tpu.memory_space<vmem>>[vector<16xi32>, vector<16xi32>], vector<16xi32>, vector<16xi1>
        tpu.vector_store_idx %arg10[%add3A_343, %add3A_351], %add3A_348 masked %ge3A_355 : memref<64x128xi32, #tpu.memory_space<vmem>>[vector<16xi32>, vector<16xi32>], vector<16xi32>, vector<16xi1>
        %add3A_356 = arith.constant 16 : i32
        %add3A_357 = vector.broadcast %add3A_356 : i32 to vector<16xi32>
        %add3A_358 = arith.addi %iota3A, %add3A_357 : vector<16xi32>
        %add3A_359 = vector.broadcast %shift_left3A_345 : i32 to vector<16xi32>
        %add3A_360 = arith.addi %add3A_359, %add3A_358 : vector<16xi32>
        %ge3A_361 = vector.broadcast %scan3A_93 : i32 to vector<16xi32>
        %ge3A_362 = arith.cmpi sge, %add3A_360, %ge3A_361 : vector<16xi32>
        tpu.vector_store_idx %arg9[%add3A_343, %add3A_358], %broadcast_in_dim3A_2 masked %ge3A_362 : memref<64x128xi32, #tpu.memory_space<vmem>>[vector<16xi32>, vector<16xi32>], vector<16xi32>, vector<16xi1>
        tpu.vector_store_idx %arg10[%add3A_343, %add3A_358], %add3A_348 masked %ge3A_362 : memref<64x128xi32, #tpu.memory_space<vmem>>[vector<16xi32>, vector<16xi32>], vector<16xi32>, vector<16xi1>
        %add3A_363 = arith.constant 32 : i32
        %add3A_364 = vector.broadcast %add3A_363 : i32 to vector<16xi32>
        %add3A_365 = arith.addi %iota3A, %add3A_364 : vector<16xi32>
        %add3A_366 = vector.broadcast %shift_left3A_345 : i32 to vector<16xi32>
        %add3A_367 = arith.addi %add3A_366, %add3A_365 : vector<16xi32>
        %ge3A_368 = vector.broadcast %scan3A_93 : i32 to vector<16xi32>
        %ge3A_369 = arith.cmpi sge, %add3A_367, %ge3A_368 : vector<16xi32>
        tpu.vector_store_idx %arg9[%add3A_343, %add3A_365], %broadcast_in_dim3A_2 masked %ge3A_369 : memref<64x128xi32, #tpu.memory_space<vmem>>[vector<16xi32>, vector<16xi32>], vector<16xi32>, vector<16xi1>
        tpu.vector_store_idx %arg10[%add3A_343, %add3A_365], %add3A_348 masked %ge3A_369 : memref<64x128xi32, #tpu.memory_space<vmem>>[vector<16xi32>, vector<16xi32>], vector<16xi32>, vector<16xi1>
        %add3A_370 = arith.constant 48 : i32
        %add3A_371 = vector.broadcast %add3A_370 : i32 to vector<16xi32>
        %add3A_372 = arith.addi %iota3A, %add3A_371 : vector<16xi32>
        %add3A_373 = vector.broadcast %shift_left3A_345 : i32 to vector<16xi32>
        %add3A_374 = arith.addi %add3A_373, %add3A_372 : vector<16xi32>
        %ge3A_375 = vector.broadcast %scan3A_93 : i32 to vector<16xi32>
        %ge3A_376 = arith.cmpi sge, %add3A_374, %ge3A_375 : vector<16xi32>
        tpu.vector_store_idx %arg9[%add3A_343, %add3A_372], %broadcast_in_dim3A_2 masked %ge3A_376 : memref<64x128xi32, #tpu.memory_space<vmem>>[vector<16xi32>, vector<16xi32>], vector<16xi32>, vector<16xi1>
        tpu.vector_store_idx %arg10[%add3A_343, %add3A_372], %add3A_348 masked %ge3A_376 : memref<64x128xi32, #tpu.memory_space<vmem>>[vector<16xi32>, vector<16xi32>], vector<16xi32>, vector<16xi1>
        %add3A_377 = arith.constant 64 : i32
        %add3A_378 = vector.broadcast %add3A_377 : i32 to vector<16xi32>
        %add3A_379 = arith.addi %iota3A, %add3A_378 : vector<16xi32>
        %add3A_380 = vector.broadcast %shift_left3A_345 : i32 to vector<16xi32>
        %add3A_381 = arith.addi %add3A_380, %add3A_379 : vector<16xi32>
        %ge3A_382 = vector.broadcast %scan3A_93 : i32 to vector<16xi32>
        %ge3A_383 = arith.cmpi sge, %add3A_381, %ge3A_382 : vector<16xi32>
        tpu.vector_store_idx %arg9[%add3A_343, %add3A_379], %broadcast_in_dim3A_2 masked %ge3A_383 : memref<64x128xi32, #tpu.memory_space<vmem>>[vector<16xi32>, vector<16xi32>], vector<16xi32>, vector<16xi1>
        tpu.vector_store_idx %arg10[%add3A_343, %add3A_379], %add3A_348 masked %ge3A_383 : memref<64x128xi32, #tpu.memory_space<vmem>>[vector<16xi32>, vector<16xi32>], vector<16xi32>, vector<16xi1>
        %add3A_384 = arith.constant 80 : i32
        %add3A_385 = vector.broadcast %add3A_384 : i32 to vector<16xi32>
        %add3A_386 = arith.addi %iota3A, %add3A_385 : vector<16xi32>
        %add3A_387 = vector.broadcast %shift_left3A_345 : i32 to vector<16xi32>
        %add3A_388 = arith.addi %add3A_387, %add3A_386 : vector<16xi32>
        %ge3A_389 = vector.broadcast %scan3A_93 : i32 to vector<16xi32>
        %ge3A_390 = arith.cmpi sge, %add3A_388, %ge3A_389 : vector<16xi32>
        tpu.vector_store_idx %arg9[%add3A_343, %add3A_386], %broadcast_in_dim3A_2 masked %ge3A_390 : memref<64x128xi32, #tpu.memory_space<vmem>>[vector<16xi32>, vector<16xi32>], vector<16xi32>, vector<16xi1>
        tpu.vector_store_idx %arg10[%add3A_343, %add3A_386], %add3A_348 masked %ge3A_390 : memref<64x128xi32, #tpu.memory_space<vmem>>[vector<16xi32>, vector<16xi32>], vector<16xi32>, vector<16xi1>
        %add3A_391 = arith.constant 96 : i32
        %add3A_392 = vector.broadcast %add3A_391 : i32 to vector<16xi32>
        %add3A_393 = arith.addi %iota3A, %add3A_392 : vector<16xi32>
        %add3A_394 = vector.broadcast %shift_left3A_345 : i32 to vector<16xi32>
        %add3A_395 = arith.addi %add3A_394, %add3A_393 : vector<16xi32>
        %ge3A_396 = vector.broadcast %scan3A_93 : i32 to vector<16xi32>
        %ge3A_397 = arith.cmpi sge, %add3A_395, %ge3A_396 : vector<16xi32>
        tpu.vector_store_idx %arg9[%add3A_343, %add3A_393], %broadcast_in_dim3A_2 masked %ge3A_397 : memref<64x128xi32, #tpu.memory_space<vmem>>[vector<16xi32>, vector<16xi32>], vector<16xi32>, vector<16xi1>
        tpu.vector_store_idx %arg10[%add3A_343, %add3A_393], %add3A_348 masked %ge3A_397 : memref<64x128xi32, #tpu.memory_space<vmem>>[vector<16xi32>, vector<16xi32>], vector<16xi32>, vector<16xi1>
        %add3A_398 = arith.constant 112 : i32
        %add3A_399 = vector.broadcast %add3A_398 : i32 to vector<16xi32>
        %add3A_400 = arith.addi %iota3A, %add3A_399 : vector<16xi32>
        %add3A_401 = vector.broadcast %shift_left3A_345 : i32 to vector<16xi32>
        %add3A_402 = arith.addi %add3A_401, %add3A_400 : vector<16xi32>
        %ge3A_403 = vector.broadcast %scan3A_93 : i32 to vector<16xi32>
        %ge3A_404 = arith.cmpi sge, %add3A_402, %ge3A_403 : vector<16xi32>
        tpu.vector_store_idx %arg9[%add3A_343, %add3A_400], %broadcast_in_dim3A_2 masked %ge3A_404 : memref<64x128xi32, #tpu.memory_space<vmem>>[vector<16xi32>, vector<16xi32>], vector<16xi32>, vector<16xi1>
        tpu.vector_store_idx %arg10[%add3A_343, %add3A_400], %add3A_348 masked %ge3A_404 : memref<64x128xi32, #tpu.memory_space<vmem>>[vector<16xi32>, vector<16xi32>], vector<16xi32>, vector<16xi1>
        %add3A_405 = arith.constant 127 : i32
        %add3A_406 = arith.addi %scan3A_93, %add3A_405 : i32
        %shift_right_arithmetic3A_407 = arith.constant 7 : i32
        %shift_right_arithmetic3A_408 = arith.shrsi %add3A_406, %shift_right_arithmetic3A_407 : i32
        %while3A_409 = arith.constant 0 : i32
        %while3A_410 = arith.constant 0 : i32
        %while3A_411 = arith.subi %shift_right_arithmetic3A_408, %while3A_410 : i32
        %while3A_412 = arith.addi %while3A_410, %while3A_411 : i32
        %while3A_413 = arith.constant 1 : i32
        %while3A_414 = arith.divsi %while3A_411, %while3A_413 : i32
        %while3A_415 = arith.muli %while3A_414, %while3A_413 : i32
        %while3A_416 = arith.addi %while3A_410, %while3A_415 : i32
        %while3A_417 = arith.constant 1 : i32
        scf.for %while3A_419 = %while3A_410 to %while3A_416 step %while3A_417  : i32 {
          %dma_start3A = arith.constant 0 : i32
          %dma_start3A_420 = tpu.memref_slice %arg9[%while3A_419, %dma_start3A] : memref<64x128xi32, #tpu.memory_space<vmem>> -> memref<1x128xi32, #tpu.memory_space<vmem>>
          %dma_start3A_421 = tpu.memref_squeeze %dma_start3A_420 : memref<1x128xi32, #tpu.memory_space<vmem>> -> memref<128xi32, #tpu.memory_space<vmem>>
          %dma_start3A_422 = arith.constant 0 : i32
          %dma_start3A_423 = arith.constant 0 : i32
          %dma_start3A_424 = tpu.memref_slice %arg2[%dma_start3A_422, %dma_start3A_423] : memref<100000x128xf32, #tpu.memory_space<hbm>> -> memref<100000x128xf32, #tpu.memory_space<hbm>>
          tpu.enqueue_indirect_dma source(%dma_start3A_424 : memref<100000x128xf32, #tpu.memory_space<hbm>>) target(%arg11 : memref<128x128xf32, #tpu.memory_space<vmem>>) offsets(%dma_start3A_421 : memref<128xi32, #tpu.memory_space<vmem>>) semaphore(%arg16 : memref<!tpu.dma_semaphore, #tpu.memory_space<semaphore_mem>>)
          %dma_wait3A = arith.constant 0 : i32
          %dma_wait3A_425 = tpu.memref_slice %arg9[%while3A_419, %dma_wait3A] : memref<64x128xi32, #tpu.memory_space<vmem>> -> memref<1x128xi32, #tpu.memory_space<vmem>>
          %dma_wait3A_426 = tpu.memref_squeeze %dma_wait3A_425 : memref<1x128xi32, #tpu.memory_space<vmem>> -> memref<128xi32, #tpu.memory_space<vmem>>
          %dma_wait3A_427 = arith.constant 0 : i32
          %dma_wait3A_428 = arith.constant 0 : i32
          %dma_wait3A_429 = tpu.memref_slice %arg2[%dma_wait3A_427, %dma_wait3A_428] : memref<100000x128xf32, #tpu.memory_space<hbm>> -> memref<100000x128xf32, #tpu.memory_space<hbm>>
          tpu.wait_indirect_dma semaphore(%arg16 : memref<!tpu.dma_semaphore, #tpu.memory_space<semaphore_mem>>) src(%dma_wait3A_429 : memref<100000x128xf32, #tpu.memory_space<hbm>>) dst(%arg11 : memref<128x128xf32, #tpu.memory_space<vmem>>)
          "tpu.region"() ({
            %run_scoped3A_430 = tpu.sem_alloc : memref<!tpu.dma_semaphore, #tpu.memory_space<semaphore_mem>>
            %dma_start3A_431 = arith.constant 0 : i32
            %dma_start3A_432 = tpu.memref_slice %arg10[%while3A_419, %dma_start3A_431] : memref<64x128xi32, #tpu.memory_space<vmem>> -> memref<1x128xi32, #tpu.memory_space<vmem>>
            %dma_start3A_433 = tpu.memref_squeeze %dma_start3A_432 : memref<1x128xi32, #tpu.memory_space<vmem>> -> memref<128xi32, #tpu.memory_space<vmem>>
            %dma_start3A_434 = arith.constant 0 : i32
            %dma_start3A_435 = arith.constant 0 : i32
            %dma_start3A_436 = tpu.memref_slice %arg14[%dma_start3A_434, %dma_start3A_435] : memref<7184x128xf32, #tpu.memory_space<vmem_shared>> -> memref<7184x128xf32, #tpu.memory_space<vmem_shared>>
            tpu.enqueue_indirect_dma source(%arg11 : memref<128x128xf32, #tpu.memory_space<vmem>>) target(%dma_start3A_436 : memref<7184x128xf32, #tpu.memory_space<vmem_shared>>) offsets(%dma_start3A_433 : memref<128xi32, #tpu.memory_space<vmem>>) semaphore(%run_scoped3A_430 : memref<!tpu.dma_semaphore, #tpu.memory_space<semaphore_mem>>) {add = true}
            %dma_wait3A_437 = arith.constant 0 : i32
            %dma_wait3A_438 = tpu.memref_slice %arg10[%while3A_419, %dma_wait3A_437] : memref<64x128xi32, #tpu.memory_space<vmem>> -> memref<1x128xi32, #tpu.memory_space<vmem>>
            %dma_wait3A_439 = tpu.memref_squeeze %dma_wait3A_438 : memref<1x128xi32, #tpu.memory_space<vmem>> -> memref<128xi32, #tpu.memory_space<vmem>>
            %dma_wait3A_440 = arith.constant 0 : i32
            %dma_wait3A_441 = arith.constant 0 : i32
            %dma_wait3A_442 = tpu.memref_slice %arg14[%dma_wait3A_440, %dma_wait3A_441] : memref<7184x128xf32, #tpu.memory_space<vmem_shared>> -> memref<7184x128xf32, #tpu.memory_space<vmem_shared>>
            tpu.wait_indirect_dma semaphore(%run_scoped3A_430 : memref<!tpu.dma_semaphore, #tpu.memory_space<semaphore_mem>>) src(%arg11 : memref<128x128xf32, #tpu.memory_space<vmem>>) dst(%dma_wait3A_442 : memref<7184x128xf32, #tpu.memory_space<vmem_shared>>)
            tpu.yield
          }) : () -> ()
        }
        %while3A_418 = arith.constant 1 : i32
        scf.for %while3A_419 = %while3A_416 to %while3A_412 step %while3A_418  : i32 {
          %dma_start3A = arith.constant 0 : i32
          %dma_start3A_420 = tpu.memref_slice %arg9[%while3A_419, %dma_start3A] : memref<64x128xi32, #tpu.memory_space<vmem>> -> memref<1x128xi32, #tpu.memory_space<vmem>>
          %dma_start3A_421 = tpu.memref_squeeze %dma_start3A_420 : memref<1x128xi32, #tpu.memory_space<vmem>> -> memref<128xi32, #tpu.memory_space<vmem>>
          %dma_start3A_422 = arith.constant 0 : i32
          %dma_start3A_423 = arith.constant 0 : i32
          %dma_start3A_424 = tpu.memref_slice %arg2[%dma_start3A_422, %dma_start3A_423] : memref<100000x128xf32, #tpu.memory_space<hbm>> -> memref<100000x128xf32, #tpu.memory_space<hbm>>
          tpu.enqueue_indirect_dma source(%dma_start3A_424 : memref<100000x128xf32, #tpu.memory_space<hbm>>) target(%arg11 : memref<128x128xf32, #tpu.memory_space<vmem>>) offsets(%dma_start3A_421 : memref<128xi32, #tpu.memory_space<vmem>>) semaphore(%arg16 : memref<!tpu.dma_semaphore, #tpu.memory_space<semaphore_mem>>)
          %dma_wait3A = arith.constant 0 : i32
          %dma_wait3A_425 = tpu.memref_slice %arg9[%while3A_419, %dma_wait3A] : memref<64x128xi32, #tpu.memory_space<vmem>> -> memref<1x128xi32, #tpu.memory_space<vmem>>
          %dma_wait3A_426 = tpu.memref_squeeze %dma_wait3A_425 : memref<1x128xi32, #tpu.memory_space<vmem>> -> memref<128xi32, #tpu.memory_space<vmem>>
          %dma_wait3A_427 = arith.constant 0 : i32
          %dma_wait3A_428 = arith.constant 0 : i32
          %dma_wait3A_429 = tpu.memref_slice %arg2[%dma_wait3A_427, %dma_wait3A_428] : memref<100000x128xf32, #tpu.memory_space<hbm>> -> memref<100000x128xf32, #tpu.memory_space<hbm>>
          tpu.wait_indirect_dma semaphore(%arg16 : memref<!tpu.dma_semaphore, #tpu.memory_space<semaphore_mem>>) src(%dma_wait3A_429 : memref<100000x128xf32, #tpu.memory_space<hbm>>) dst(%arg11 : memref<128x128xf32, #tpu.memory_space<vmem>>)
          "tpu.region"() ({
            %run_scoped3A_430 = tpu.sem_alloc : memref<!tpu.dma_semaphore, #tpu.memory_space<semaphore_mem>>
            %dma_start3A_431 = arith.constant 0 : i32
            %dma_start3A_432 = tpu.memref_slice %arg10[%while3A_419, %dma_start3A_431] : memref<64x128xi32, #tpu.memory_space<vmem>> -> memref<1x128xi32, #tpu.memory_space<vmem>>
            %dma_start3A_433 = tpu.memref_squeeze %dma_start3A_432 : memref<1x128xi32, #tpu.memory_space<vmem>> -> memref<128xi32, #tpu.memory_space<vmem>>
            %dma_start3A_434 = arith.constant 0 : i32
            %dma_start3A_435 = arith.constant 0 : i32
            %dma_start3A_436 = tpu.memref_slice %arg14[%dma_start3A_434, %dma_start3A_435] : memref<7184x128xf32, #tpu.memory_space<vmem_shared>> -> memref<7184x128xf32, #tpu.memory_space<vmem_shared>>
            tpu.enqueue_indirect_dma source(%arg11 : memref<128x128xf32, #tpu.memory_space<vmem>>) target(%dma_start3A_436 : memref<7184x128xf32, #tpu.memory_space<vmem_shared>>) offsets(%dma_start3A_433 : memref<128xi32, #tpu.memory_space<vmem>>) semaphore(%run_scoped3A_430 : memref<!tpu.dma_semaphore, #tpu.memory_space<semaphore_mem>>) {add = true}
            %dma_wait3A_437 = arith.constant 0 : i32
            %dma_wait3A_438 = tpu.memref_slice %arg10[%while3A_419, %dma_wait3A_437] : memref<64x128xi32, #tpu.memory_space<vmem>> -> memref<1x128xi32, #tpu.memory_space<vmem>>
            %dma_wait3A_439 = tpu.memref_squeeze %dma_wait3A_438 : memref<1x128xi32, #tpu.memory_space<vmem>> -> memref<128xi32, #tpu.memory_space<vmem>>
            %dma_wait3A_440 = arith.constant 0 : i32
            %dma_wait3A_441 = arith.constant 0 : i32
            %dma_wait3A_442 = tpu.memref_slice %arg14[%dma_wait3A_440, %dma_wait3A_441] : memref<7184x128xf32, #tpu.memory_space<vmem_shared>> -> memref<7184x128xf32, #tpu.memory_space<vmem_shared>>
            tpu.wait_indirect_dma semaphore(%run_scoped3A_430 : memref<!tpu.dma_semaphore, #tpu.memory_space<semaphore_mem>>) src(%arg11 : memref<128x128xf32, #tpu.memory_space<vmem>>) dst(%dma_wait3A_442 : memref<7184x128xf32, #tpu.memory_space<vmem_shared>>)
            tpu.yield
          }) : () -> ()
        }
      } else {
      }
      %jit3A_100 = arith.constant 0 : i32
      %select_n3A_101 = arith.select %gt3A_96, %jit3A_100, %scan3A_93 : i32
      %add3A_102 = arith.constant 8192 : i32
      %add3A_103 = arith.addi %mul3A_69, %add3A_102 : i32
      "tpu.region"() ({
        %run_scoped3A_340 = tpu.sem_alloc : memref<!tpu.dma_semaphore, #tpu.memory_space<semaphore_mem>>
        %dma_start3A = arith.constant 0 : i32
        %dma_start3A_341 = tpu.memref_slice %arg7[%dma_start3A] : memref<4096xi32, #tpu.memory_space<vmem>> -> memref<4096xi32, #tpu.memory_space<vmem>>
        %dma_start3A_342 = tpu.memref_slice %arg3[%add3A_103] : memref<600064xi32, #tpu.memory_space<hbm>> -> memref<4096xi32, #tpu.memory_space<hbm>>
        %dma_start3A_343 = arith.constant 0 : i32
        %dma_start3A_344 = tpu.memref_slice %arg7[%dma_start3A_343] : memref<4096xi32, #tpu.memory_space<vmem>> -> memref<4096xi32, #tpu.memory_space<vmem>>
        %dma_start3A_345 = tpu.memref_slice %arg3[%add3A_103] : memref<600064xi32, #tpu.memory_space<hbm>> -> memref<4096xi32, #tpu.memory_space<hbm>>
        tpu.enqueue_dma source(%dma_start3A_345 : memref<4096xi32, #tpu.memory_space<hbm>>) target(%dma_start3A_344 : memref<4096xi32, #tpu.memory_space<vmem>>) target_semaphore(%run_scoped3A_340 : memref<!tpu.dma_semaphore, #tpu.memory_space<semaphore_mem>>)
        %dma_wait3A = arith.constant 0 : i32
        %dma_wait3A_346 = tpu.memref_slice %arg7[%dma_wait3A] : memref<4096xi32, #tpu.memory_space<vmem>> -> memref<4096xi32, #tpu.memory_space<vmem>>
        %dma_wait3A_347 = tpu.memref_slice %arg3[%add3A_103] : memref<600064xi32, #tpu.memory_space<hbm>> -> memref<4096xi32, #tpu.memory_space<hbm>>
        %dma_wait3A_348 = arith.constant 0 : i32
        %dma_wait3A_349 = tpu.memref_slice %arg7[%dma_wait3A_348] : memref<4096xi32, #tpu.memory_space<vmem>> -> memref<4096xi32, #tpu.memory_space<vmem>>
        %dma_wait3A_350 = tpu.memref_slice %arg3[%add3A_103] : memref<600064xi32, #tpu.memory_space<hbm>> -> memref<4096xi32, #tpu.memory_space<hbm>>
        tpu.wait_dma2 semaphore(%run_scoped3A_340 : memref<!tpu.dma_semaphore, #tpu.memory_space<semaphore_mem>>) src(%dma_wait3A_350 : memref<4096xi32, #tpu.memory_space<hbm>>) dst(%dma_wait3A_349 : memref<4096xi32, #tpu.memory_space<vmem>>)
        tpu.yield
      }) : () -> ()
      %add3A_104 = arith.constant 8192 : i32
      %add3A_105 = arith.addi %mul3A_69, %add3A_104 : i32
      "tpu.region"() ({
        %run_scoped3A_340 = tpu.sem_alloc : memref<!tpu.dma_semaphore, #tpu.memory_space<semaphore_mem>>
        %dma_start3A = arith.constant 0 : i32
        %dma_start3A_341 = tpu.memref_slice %arg8[%dma_start3A] : memref<4096xi32, #tpu.memory_space<vmem>> -> memref<4096xi32, #tpu.memory_space<vmem>>
        %dma_start3A_342 = tpu.memref_slice %arg4[%add3A_105] : memref<600064xi32, #tpu.memory_space<hbm>> -> memref<4096xi32, #tpu.memory_space<hbm>>
        %dma_start3A_343 = arith.constant 0 : i32
        %dma_start3A_344 = tpu.memref_slice %arg8[%dma_start3A_343] : memref<4096xi32, #tpu.memory_space<vmem>> -> memref<4096xi32, #tpu.memory_space<vmem>>
        %dma_start3A_345 = tpu.memref_slice %arg4[%add3A_105] : memref<600064xi32, #tpu.memory_space<hbm>> -> memref<4096xi32, #tpu.memory_space<hbm>>
        tpu.enqueue_dma source(%dma_start3A_345 : memref<4096xi32, #tpu.memory_space<hbm>>) target(%dma_start3A_344 : memref<4096xi32, #tpu.memory_space<vmem>>) target_semaphore(%run_scoped3A_340 : memref<!tpu.dma_semaphore, #tpu.memory_space<semaphore_mem>>)
        %dma_wait3A = arith.constant 0 : i32
        %dma_wait3A_346 = tpu.memref_slice %arg8[%dma_wait3A] : memref<4096xi32, #tpu.memory_space<vmem>> -> memref<4096xi32, #tpu.memory_space<vmem>>
        %dma_wait3A_347 = tpu.memref_slice %arg4[%add3A_105] : memref<600064xi32, #tpu.memory_space<hbm>> -> memref<4096xi32, #tpu.memory_space<hbm>>
        %dma_wait3A_348 = arith.constant 0 : i32
        %dma_wait3A_349 = tpu.memref_slice %arg8[%dma_wait3A_348] : memref<4096xi32, #tpu.memory_space<vmem>> -> memref<4096xi32, #tpu.memory_space<vmem>>
        %dma_wait3A_350 = tpu.memref_slice %arg4[%add3A_105] : memref<600064xi32, #tpu.memory_space<hbm>> -> memref<4096xi32, #tpu.memory_space<hbm>>
        tpu.wait_dma2 semaphore(%run_scoped3A_340 : memref<!tpu.dma_semaphore, #tpu.memory_space<semaphore_mem>>) src(%dma_wait3A_350 : memref<4096xi32, #tpu.memory_space<hbm>>) dst(%dma_wait3A_349 : memref<4096xi32, #tpu.memory_space<vmem>>)
        tpu.yield
      }) : () -> ()
      %scan3A_106 = arith.constant 0 : i32
      %scan3A_107 = arith.constant 256 : i32
      %scan3A_108 = arith.addi %scan3A_106, %scan3A_107 : i32
      %scan3A_109 = arith.constant 1 : i32
      %scan3A_110 = scf.for %scan3A_340 = %scan3A_106 to %scan3A_108 step %scan3A_109 iter_args(%scan3A_341 = %select_n3A_101) -> (i32)  : i32 {
        %mul3A_342 = arith.constant 16 : i32
        %mul3A_343 = arith.muli %scan3A_340, %mul3A_342 : i32
        %get3A = arith.index_cast %mul3A_343 : i32 to index
        %get3A_344 = tpu.vector_load %arg7[%get3A] {strides = array<i32>} : memref<4096xi32, #tpu.memory_space<vmem>>, vector<16xi32>,
        %mul3A_345 = arith.constant 16 : i32
        %mul3A_346 = arith.muli %scan3A_340, %mul3A_345 : i32
        %get3A_347 = arith.index_cast %mul3A_346 : i32 to index
        %get3A_348 = tpu.vector_load %arg8[%get3A_347] {strides = array<i32>} : memref<4096xi32, #tpu.memory_space<vmem>>, vector<16xi32>,
        %ge3A_349 = vector.broadcast %mul3A_38 : i32 to vector<16xi32>
        %ge3A_350 = arith.cmpi sge, %get3A_348, %ge3A_349 : vector<16xi32>
        %add3A_351 = arith.constant 7168 : i32
        %add3A_352 = arith.addi %mul3A_38, %add3A_351 : i32
        %lt3A_353 = vector.broadcast %add3A_352 : i32 to vector<16xi32>
        %lt3A_354 = arith.cmpi slt, %get3A_348, %lt3A_353 : vector<16xi32>
        %and3A = arith.andi %ge3A_350, %lt3A_354 : vector<16xi1>
        %jit3A_355 = arith.constant 1 : i32
        %jit3A_356 = arith.constant 0 : i32
        %broadcast_in_dim3A_357 = vector.broadcast %jit3A_355 : i32 to vector<16xi32>
        %broadcast_in_dim3A_358 = vector.broadcast %jit3A_356 : i32 to vector<16xi32>
        %select_n3A_359 = arith.select %and3A, %broadcast_in_dim3A_357, %broadcast_in_dim3A_358 : vector<16xi1>, vector<16xi32>
        %broadcast_in_dim3A_360 = arith.constant true
        %broadcast_in_dim3A_361 = vector.broadcast %broadcast_in_dim3A_360 : i1 to vector<16xi1>
        %masked_cumsum3A = tpu.scan <sum>, %select_n3A_359 masked %broadcast_in_dim3A_361 : vector<16xi32>, vector<16xi1> -> vector<16xi32>
        %sub3A = arith.subi %masked_cumsum3A, %select_n3A_359 : vector<16xi32>
        %add3A_362 = vector.broadcast %scan3A_341 : i32 to vector<16xi32>
        %add3A_363 = arith.addi %sub3A, %add3A_362 : vector<16xi32>
        %sub3A_364 = vector.broadcast %mul3A_38 : i32 to vector<16xi32>
        %sub3A_365 = arith.subi %get3A_348, %sub3A_364 : vector<16xi32>
        %shift_right_arithmetic3A_366 = arith.constant 7 : i32
        %shift_right_arithmetic3A_367 = vector.broadcast %shift_right_arithmetic3A_366 : i32 to vector<16xi32>
        %shift_right_arithmetic3A_368 = arith.shrsi %add3A_363, %shift_right_arithmetic3A_367 : vector<16xi32>
        %and3A_369 = arith.constant 127 : i32
        %and3A_370 = vector.broadcast %and3A_369 : i32 to vector<16xi32>
        %and3A_371 = arith.andi %add3A_363, %and3A_370 : vector<16xi32>
        tpu.vector_store_idx %arg9[%shift_right_arithmetic3A_368, %and3A_371], %get3A_344 masked %and3A : memref<64x128xi32, #tpu.memory_space<vmem>>[vector<16xi32>, vector<16xi32>], vector<16xi32>, vector<16xi1>
        %shift_right_arithmetic3A_372 = arith.constant 7 : i32
        %shift_right_arithmetic3A_373 = vector.broadcast %shift_right_arithmetic3A_372 : i32 to vector<16xi32>
        %shift_right_arithmetic3A_374 = arith.shrsi %add3A_363, %shift_right_arithmetic3A_373 : vector<16xi32>
        %and3A_375 = arith.constant 127 : i32
        %and3A_376 = vector.broadcast %and3A_375 : i32 to vector<16xi32>
        %and3A_377 = arith.andi %add3A_363, %and3A_376 : vector<16xi32>
        tpu.vector_store_idx %arg10[%shift_right_arithmetic3A_374, %and3A_377], %sub3A_365 masked %and3A : memref<64x128xi32, #tpu.memory_space<vmem>>[vector<16xi32>, vector<16xi32>], vector<16xi32>, vector<16xi1>
        %shift_right_arithmetic3A_378 = arith.constant 7 : i32
        %shift_right_arithmetic3A_379 = vector.broadcast %shift_right_arithmetic3A_378 : i32 to vector<16xi32>
        %shift_right_arithmetic3A_380 = arith.shrsi %sub3A_365, %shift_right_arithmetic3A_379 : vector<16xi32>
        %and3A_381 = arith.constant 127 : i32
        %and3A_382 = vector.broadcast %and3A_381 : i32 to vector<16xi32>
        %and3A_383 = arith.andi %sub3A_365, %and3A_382 : vector<16xi32>
        tpu.vector_store_idx %arg12[%shift_right_arithmetic3A_380, %and3A_383], %add3A_65 masked %and3A {add = true} : memref<56x128xf32, #tpu.memory_space<vmem>>[vector<16xi32>, vector<16xi32>], vector<16xf32>, vector<16xi1>
        %reduce_max3A = arith.constant true
        %reduce_max3A_384 = vector.broadcast %reduce_max3A : i1 to vector<16xi1>
        %reduce_max3A_385 = arith.constant -2147483648 : i32
        %reduce_max3A_386 = vector.broadcast %reduce_max3A_385 : i32 to vector<16xi32>
        %reduce_max3A_387 = arith.xori %masked_cumsum3A, %reduce_max3A_386 : vector<16xi32>
        %reduce_max3A_388 = tpu.scan <max>, %reduce_max3A_387 masked %reduce_max3A_384 : vector<16xi32>, vector<16xi1> -> vector<16xi32>
        %reduce_max3A_389 = arith.xori %reduce_max3A_388, %reduce_max3A_386 : vector<16xi32>
        %reduce_max3A_390 = vector.extract %reduce_max3A_389[15] : i32 from vector<16xi32>
        %add3A_391 = arith.addi %scan3A_341, %reduce_max3A_390 : i32
        scf.yield %add3A_391 : i32
      }
      %scan3A_111 = arith.constant 256 : i32
      %gt3A_112 = arith.constant 4096 : i32
      %gt3A_113 = arith.cmpi sgt, %scan3A_110, %gt3A_112 : i32
      %convert_element_type3A_114 = arith.extui %gt3A_113 : i1 to i32
      %cond3A_115 = arith.constant 0 : i32
      %cond3A_116 = arith.cmpi ne, %convert_element_type3A_114, %cond3A_115 : i32
      scf.if %cond3A_116 {
        %shift_right_arithmetic3A_340 = arith.constant 7 : i32
        %shift_right_arithmetic3A_341 = arith.shrsi %scan3A_110, %shift_right_arithmetic3A_340 : i32
        %add3A_342 = vector.broadcast %shift_right_arithmetic3A_341 : i32 to vector<16xi32>
        %add3A_343 = arith.addi %broadcast_in_dim3A_2, %add3A_342 : vector<16xi32>
        %shift_left3A_344 = arith.constant 7 : i32
        %shift_left3A_345 = arith.shli %shift_right_arithmetic3A_341, %shift_left3A_344 : i32
        %add3A_346 = arith.constant 7168 : i32
        %add3A_347 = vector.broadcast %add3A_346 : i32 to vector<16xi32>
        %add3A_348 = arith.addi %broadcast_in_dim3A_2, %add3A_347 : vector<16xi32>
        %add3A_349 = arith.constant 0 : i32
        %add3A_350 = vector.broadcast %add3A_349 : i32 to vector<16xi32>
        %add3A_351 = arith.addi %iota3A, %add3A_350 : vector<16xi32>
        %add3A_352 = vector.broadcast %shift_left3A_345 : i32 to vector<16xi32>
        %add3A_353 = arith.addi %add3A_352, %add3A_351 : vector<16xi32>
        %ge3A_354 = vector.broadcast %scan3A_110 : i32 to vector<16xi32>
        %ge3A_355 = arith.cmpi sge, %add3A_353, %ge3A_354 : vector<16xi32>
        tpu.vector_store_idx %arg9[%add3A_343, %add3A_351], %broadcast_in_dim3A_2 masked %ge3A_355 : memref<64x128xi32, #tpu.memory_space<vmem>>[vector<16xi32>, vector<16xi32>], vector<16xi32>, vector<16xi1>
        tpu.vector_store_idx %arg10[%add3A_343, %add3A_351], %add3A_348 masked %ge3A_355 : memref<64x128xi32, #tpu.memory_space<vmem>>[vector<16xi32>, vector<16xi32>], vector<16xi32>, vector<16xi1>
        %add3A_356 = arith.constant 16 : i32
        %add3A_357 = vector.broadcast %add3A_356 : i32 to vector<16xi32>
        %add3A_358 = arith.addi %iota3A, %add3A_357 : vector<16xi32>
        %add3A_359 = vector.broadcast %shift_left3A_345 : i32 to vector<16xi32>
        %add3A_360 = arith.addi %add3A_359, %add3A_358 : vector<16xi32>
        %ge3A_361 = vector.broadcast %scan3A_110 : i32 to vector<16xi32>
        %ge3A_362 = arith.cmpi sge, %add3A_360, %ge3A_361 : vector<16xi32>
        tpu.vector_store_idx %arg9[%add3A_343, %add3A_358], %broadcast_in_dim3A_2 masked %ge3A_362 : memref<64x128xi32, #tpu.memory_space<vmem>>[vector<16xi32>, vector<16xi32>], vector<16xi32>, vector<16xi1>
        tpu.vector_store_idx %arg10[%add3A_343, %add3A_358], %add3A_348 masked %ge3A_362 : memref<64x128xi32, #tpu.memory_space<vmem>>[vector<16xi32>, vector<16xi32>], vector<16xi32>, vector<16xi1>
        %add3A_363 = arith.constant 32 : i32
        %add3A_364 = vector.broadcast %add3A_363 : i32 to vector<16xi32>
        %add3A_365 = arith.addi %iota3A, %add3A_364 : vector<16xi32>
        %add3A_366 = vector.broadcast %shift_left3A_345 : i32 to vector<16xi32>
        %add3A_367 = arith.addi %add3A_366, %add3A_365 : vector<16xi32>
        %ge3A_368 = vector.broadcast %scan3A_110 : i32 to vector<16xi32>
        %ge3A_369 = arith.cmpi sge, %add3A_367, %ge3A_368 : vector<16xi32>
        tpu.vector_store_idx %arg9[%add3A_343, %add3A_365], %broadcast_in_dim3A_2 masked %ge3A_369 : memref<64x128xi32, #tpu.memory_space<vmem>>[vector<16xi32>, vector<16xi32>], vector<16xi32>, vector<16xi1>
        tpu.vector_store_idx %arg10[%add3A_343, %add3A_365], %add3A_348 masked %ge3A_369 : memref<64x128xi32, #tpu.memory_space<vmem>>[vector<16xi32>, vector<16xi32>], vector<16xi32>, vector<16xi1>
        %add3A_370 = arith.constant 48 : i32
        %add3A_371 = vector.broadcast %add3A_370 : i32 to vector<16xi32>
        %add3A_372 = arith.addi %iota3A, %add3A_371 : vector<16xi32>
        %add3A_373 = vector.broadcast %shift_left3A_345 : i32 to vector<16xi32>
        %add3A_374 = arith.addi %add3A_373, %add3A_372 : vector<16xi32>
        %ge3A_375 = vector.broadcast %scan3A_110 : i32 to vector<16xi32>
        %ge3A_376 = arith.cmpi sge, %add3A_374, %ge3A_375 : vector<16xi32>
        tpu.vector_store_idx %arg9[%add3A_343, %add3A_372], %broadcast_in_dim3A_2 masked %ge3A_376 : memref<64x128xi32, #tpu.memory_space<vmem>>[vector<16xi32>, vector<16xi32>], vector<16xi32>, vector<16xi1>
        tpu.vector_store_idx %arg10[%add3A_343, %add3A_372], %add3A_348 masked %ge3A_376 : memref<64x128xi32, #tpu.memory_space<vmem>>[vector<16xi32>, vector<16xi32>], vector<16xi32>, vector<16xi1>
        %add3A_377 = arith.constant 64 : i32
        %add3A_378 = vector.broadcast %add3A_377 : i32 to vector<16xi32>
        %add3A_379 = arith.addi %iota3A, %add3A_378 : vector<16xi32>
        %add3A_380 = vector.broadcast %shift_left3A_345 : i32 to vector<16xi32>
        %add3A_381 = arith.addi %add3A_380, %add3A_379 : vector<16xi32>
        %ge3A_382 = vector.broadcast %scan3A_110 : i32 to vector<16xi32>
        %ge3A_383 = arith.cmpi sge, %add3A_381, %ge3A_382 : vector<16xi32>
        tpu.vector_store_idx %arg9[%add3A_343, %add3A_379], %broadcast_in_dim3A_2 masked %ge3A_383 : memref<64x128xi32, #tpu.memory_space<vmem>>[vector<16xi32>, vector<16xi32>], vector<16xi32>, vector<16xi1>
        tpu.vector_store_idx %arg10[%add3A_343, %add3A_379], %add3A_348 masked %ge3A_383 : memref<64x128xi32, #tpu.memory_space<vmem>>[vector<16xi32>, vector<16xi32>], vector<16xi32>, vector<16xi1>
        %add3A_384 = arith.constant 80 : i32
        %add3A_385 = vector.broadcast %add3A_384 : i32 to vector<16xi32>
        %add3A_386 = arith.addi %iota3A, %add3A_385 : vector<16xi32>
        %add3A_387 = vector.broadcast %shift_left3A_345 : i32 to vector<16xi32>
        %add3A_388 = arith.addi %add3A_387, %add3A_386 : vector<16xi32>
        %ge3A_389 = vector.broadcast %scan3A_110 : i32 to vector<16xi32>
        %ge3A_390 = arith.cmpi sge, %add3A_388, %ge3A_389 : vector<16xi32>
        tpu.vector_store_idx %arg9[%add3A_343, %add3A_386], %broadcast_in_dim3A_2 masked %ge3A_390 : memref<64x128xi32, #tpu.memory_space<vmem>>[vector<16xi32>, vector<16xi32>], vector<16xi32>, vector<16xi1>
        tpu.vector_store_idx %arg10[%add3A_343, %add3A_386], %add3A_348 masked %ge3A_390 : memref<64x128xi32, #tpu.memory_space<vmem>>[vector<16xi32>, vector<16xi32>], vector<16xi32>, vector<16xi1>
        %add3A_391 = arith.constant 96 : i32
        %add3A_392 = vector.broadcast %add3A_391 : i32 to vector<16xi32>
        %add3A_393 = arith.addi %iota3A, %add3A_392 : vector<16xi32>
        %add3A_394 = vector.broadcast %shift_left3A_345 : i32 to vector<16xi32>
        %add3A_395 = arith.addi %add3A_394, %add3A_393 : vector<16xi32>
        %ge3A_396 = vector.broadcast %scan3A_110 : i32 to vector<16xi32>
        %ge3A_397 = arith.cmpi sge, %add3A_395, %ge3A_396 : vector<16xi32>
        tpu.vector_store_idx %arg9[%add3A_343, %add3A_393], %broadcast_in_dim3A_2 masked %ge3A_397 : memref<64x128xi32, #tpu.memory_space<vmem>>[vector<16xi32>, vector<16xi32>], vector<16xi32>, vector<16xi1>
        tpu.vector_store_idx %arg10[%add3A_343, %add3A_393], %add3A_348 masked %ge3A_397 : memref<64x128xi32, #tpu.memory_space<vmem>>[vector<16xi32>, vector<16xi32>], vector<16xi32>, vector<16xi1>
        %add3A_398 = arith.constant 112 : i32
        %add3A_399 = vector.broadcast %add3A_398 : i32 to vector<16xi32>
        %add3A_400 = arith.addi %iota3A, %add3A_399 : vector<16xi32>
        %add3A_401 = vector.broadcast %shift_left3A_345 : i32 to vector<16xi32>
        %add3A_402 = arith.addi %add3A_401, %add3A_400 : vector<16xi32>
        %ge3A_403 = vector.broadcast %scan3A_110 : i32 to vector<16xi32>
        %ge3A_404 = arith.cmpi sge, %add3A_402, %ge3A_403 : vector<16xi32>
        tpu.vector_store_idx %arg9[%add3A_343, %add3A_400], %broadcast_in_dim3A_2 masked %ge3A_404 : memref<64x128xi32, #tpu.memory_space<vmem>>[vector<16xi32>, vector<16xi32>], vector<16xi32>, vector<16xi1>
        tpu.vector_store_idx %arg10[%add3A_343, %add3A_400], %add3A_348 masked %ge3A_404 : memref<64x128xi32, #tpu.memory_space<vmem>>[vector<16xi32>, vector<16xi32>], vector<16xi32>, vector<16xi1>
        %add3A_405 = arith.constant 127 : i32
        %add3A_406 = arith.addi %scan3A_110, %add3A_405 : i32
        %shift_right_arithmetic3A_407 = arith.constant 7 : i32
        %shift_right_arithmetic3A_408 = arith.shrsi %add3A_406, %shift_right_arithmetic3A_407 : i32
        %while3A_409 = arith.constant 0 : i32
        %while3A_410 = arith.constant 0 : i32
        %while3A_411 = arith.subi %shift_right_arithmetic3A_408, %while3A_410 : i32
        %while3A_412 = arith.addi %while3A_410, %while3A_411 : i32
        %while3A_413 = arith.constant 1 : i32
        %while3A_414 = arith.divsi %while3A_411, %while3A_413 : i32
        %while3A_415 = arith.muli %while3A_414, %while3A_413 : i32
        %while3A_416 = arith.addi %while3A_410, %while3A_415 : i32
        %while3A_417 = arith.constant 1 : i32
        scf.for %while3A_419 = %while3A_410 to %while3A_416 step %while3A_417  : i32 {
          %dma_start3A = arith.constant 0 : i32
          %dma_start3A_420 = tpu.memref_slice %arg9[%while3A_419, %dma_start3A] : memref<64x128xi32, #tpu.memory_space<vmem>> -> memref<1x128xi32, #tpu.memory_space<vmem>>
          %dma_start3A_421 = tpu.memref_squeeze %dma_start3A_420 : memref<1x128xi32, #tpu.memory_space<vmem>> -> memref<128xi32, #tpu.memory_space<vmem>>
          %dma_start3A_422 = arith.constant 0 : i32
          %dma_start3A_423 = arith.constant 0 : i32
          %dma_start3A_424 = tpu.memref_slice %arg2[%dma_start3A_422, %dma_start3A_423] : memref<100000x128xf32, #tpu.memory_space<hbm>> -> memref<100000x128xf32, #tpu.memory_space<hbm>>
          tpu.enqueue_indirect_dma source(%dma_start3A_424 : memref<100000x128xf32, #tpu.memory_space<hbm>>) target(%arg11 : memref<128x128xf32, #tpu.memory_space<vmem>>) offsets(%dma_start3A_421 : memref<128xi32, #tpu.memory_space<vmem>>) semaphore(%arg16 : memref<!tpu.dma_semaphore, #tpu.memory_space<semaphore_mem>>)
          %dma_wait3A = arith.constant 0 : i32
          %dma_wait3A_425 = tpu.memref_slice %arg9[%while3A_419, %dma_wait3A] : memref<64x128xi32, #tpu.memory_space<vmem>> -> memref<1x128xi32, #tpu.memory_space<vmem>>
          %dma_wait3A_426 = tpu.memref_squeeze %dma_wait3A_425 : memref<1x128xi32, #tpu.memory_space<vmem>> -> memref<128xi32, #tpu.memory_space<vmem>>
          %dma_wait3A_427 = arith.constant 0 : i32
          %dma_wait3A_428 = arith.constant 0 : i32
          %dma_wait3A_429 = tpu.memref_slice %arg2[%dma_wait3A_427, %dma_wait3A_428] : memref<100000x128xf32, #tpu.memory_space<hbm>> -> memref<100000x128xf32, #tpu.memory_space<hbm>>
          tpu.wait_indirect_dma semaphore(%arg16 : memref<!tpu.dma_semaphore, #tpu.memory_space<semaphore_mem>>) src(%dma_wait3A_429 : memref<100000x128xf32, #tpu.memory_space<hbm>>) dst(%arg11 : memref<128x128xf32, #tpu.memory_space<vmem>>)
          "tpu.region"() ({
            %run_scoped3A_430 = tpu.sem_alloc : memref<!tpu.dma_semaphore, #tpu.memory_space<semaphore_mem>>
            %dma_start3A_431 = arith.constant 0 : i32
            %dma_start3A_432 = tpu.memref_slice %arg10[%while3A_419, %dma_start3A_431] : memref<64x128xi32, #tpu.memory_space<vmem>> -> memref<1x128xi32, #tpu.memory_space<vmem>>
            %dma_start3A_433 = tpu.memref_squeeze %dma_start3A_432 : memref<1x128xi32, #tpu.memory_space<vmem>> -> memref<128xi32, #tpu.memory_space<vmem>>
            %dma_start3A_434 = arith.constant 0 : i32
            %dma_start3A_435 = arith.constant 0 : i32
            %dma_start3A_436 = tpu.memref_slice %arg14[%dma_start3A_434, %dma_start3A_435] : memref<7184x128xf32, #tpu.memory_space<vmem_shared>> -> memref<7184x128xf32, #tpu.memory_space<vmem_shared>>
            tpu.enqueue_indirect_dma source(%arg11 : memref<128x128xf32, #tpu.memory_space<vmem>>) target(%dma_start3A_436 : memref<7184x128xf32, #tpu.memory_space<vmem_shared>>) offsets(%dma_start3A_433 : memref<128xi32, #tpu.memory_space<vmem>>) semaphore(%run_scoped3A_430 : memref<!tpu.dma_semaphore, #tpu.memory_space<semaphore_mem>>) {add = true}
            %dma_wait3A_437 = arith.constant 0 : i32
            %dma_wait3A_438 = tpu.memref_slice %arg10[%while3A_419, %dma_wait3A_437] : memref<64x128xi32, #tpu.memory_space<vmem>> -> memref<1x128xi32, #tpu.memory_space<vmem>>
            %dma_wait3A_439 = tpu.memref_squeeze %dma_wait3A_438 : memref<1x128xi32, #tpu.memory_space<vmem>> -> memref<128xi32, #tpu.memory_space<vmem>>
            %dma_wait3A_440 = arith.constant 0 : i32
            %dma_wait3A_441 = arith.constant 0 : i32
            %dma_wait3A_442 = tpu.memref_slice %arg14[%dma_wait3A_440, %dma_wait3A_441] : memref<7184x128xf32, #tpu.memory_space<vmem_shared>> -> memref<7184x128xf32, #tpu.memory_space<vmem_shared>>
            tpu.wait_indirect_dma semaphore(%run_scoped3A_430 : memref<!tpu.dma_semaphore, #tpu.memory_space<semaphore_mem>>) src(%arg11 : memref<128x128xf32, #tpu.memory_space<vmem>>) dst(%dma_wait3A_442 : memref<7184x128xf32, #tpu.memory_space<vmem_shared>>)
            tpu.yield
          }) : () -> ()
        }
        %while3A_418 = arith.constant 1 : i32
        scf.for %while3A_419 = %while3A_416 to %while3A_412 step %while3A_418  : i32 {
          %dma_start3A = arith.constant 0 : i32
          %dma_start3A_420 = tpu.memref_slice %arg9[%while3A_419, %dma_start3A] : memref<64x128xi32, #tpu.memory_space<vmem>> -> memref<1x128xi32, #tpu.memory_space<vmem>>
          %dma_start3A_421 = tpu.memref_squeeze %dma_start3A_420 : memref<1x128xi32, #tpu.memory_space<vmem>> -> memref<128xi32, #tpu.memory_space<vmem>>
          %dma_start3A_422 = arith.constant 0 : i32
          %dma_start3A_423 = arith.constant 0 : i32
          %dma_start3A_424 = tpu.memref_slice %arg2[%dma_start3A_422, %dma_start3A_423] : memref<100000x128xf32, #tpu.memory_space<hbm>> -> memref<100000x128xf32, #tpu.memory_space<hbm>>
          tpu.enqueue_indirect_dma source(%dma_start3A_424 : memref<100000x128xf32, #tpu.memory_space<hbm>>) target(%arg11 : memref<128x128xf32, #tpu.memory_space<vmem>>) offsets(%dma_start3A_421 : memref<128xi32, #tpu.memory_space<vmem>>) semaphore(%arg16 : memref<!tpu.dma_semaphore, #tpu.memory_space<semaphore_mem>>)
          %dma_wait3A = arith.constant 0 : i32
          %dma_wait3A_425 = tpu.memref_slice %arg9[%while3A_419, %dma_wait3A] : memref<64x128xi32, #tpu.memory_space<vmem>> -> memref<1x128xi32, #tpu.memory_space<vmem>>
          %dma_wait3A_426 = tpu.memref_squeeze %dma_wait3A_425 : memref<1x128xi32, #tpu.memory_space<vmem>> -> memref<128xi32, #tpu.memory_space<vmem>>
          %dma_wait3A_427 = arith.constant 0 : i32
          %dma_wait3A_428 = arith.constant 0 : i32
          %dma_wait3A_429 = tpu.memref_slice %arg2[%dma_wait3A_427, %dma_wait3A_428] : memref<100000x128xf32, #tpu.memory_space<hbm>> -> memref<100000x128xf32, #tpu.memory_space<hbm>>
          tpu.wait_indirect_dma semaphore(%arg16 : memref<!tpu.dma_semaphore, #tpu.memory_space<semaphore_mem>>) src(%dma_wait3A_429 : memref<100000x128xf32, #tpu.memory_space<hbm>>) dst(%arg11 : memref<128x128xf32, #tpu.memory_space<vmem>>)
          "tpu.region"() ({
            %run_scoped3A_430 = tpu.sem_alloc : memref<!tpu.dma_semaphore, #tpu.memory_space<semaphore_mem>>
            %dma_start3A_431 = arith.constant 0 : i32
            %dma_start3A_432 = tpu.memref_slice %arg10[%while3A_419, %dma_start3A_431] : memref<64x128xi32, #tpu.memory_space<vmem>> -> memref<1x128xi32, #tpu.memory_space<vmem>>
            %dma_start3A_433 = tpu.memref_squeeze %dma_start3A_432 : memref<1x128xi32, #tpu.memory_space<vmem>> -> memref<128xi32, #tpu.memory_space<vmem>>
            %dma_start3A_434 = arith.constant 0 : i32
            %dma_start3A_435 = arith.constant 0 : i32
            %dma_start3A_436 = tpu.memref_slice %arg14[%dma_start3A_434, %dma_start3A_435] : memref<7184x128xf32, #tpu.memory_space<vmem_shared>> -> memref<7184x128xf32, #tpu.memory_space<vmem_shared>>
            tpu.enqueue_indirect_dma source(%arg11 : memref<128x128xf32, #tpu.memory_space<vmem>>) target(%dma_start3A_436 : memref<7184x128xf32, #tpu.memory_space<vmem_shared>>) offsets(%dma_start3A_433 : memref<128xi32, #tpu.memory_space<vmem>>) semaphore(%run_scoped3A_430 : memref<!tpu.dma_semaphore, #tpu.memory_space<semaphore_mem>>) {add = true}
            %dma_wait3A_437 = arith.constant 0 : i32
            %dma_wait3A_438 = tpu.memref_slice %arg10[%while3A_419, %dma_wait3A_437] : memref<64x128xi32, #tpu.memory_space<vmem>> -> memref<1x128xi32, #tpu.memory_space<vmem>>
            %dma_wait3A_439 = tpu.memref_squeeze %dma_wait3A_438 : memref<1x128xi32, #tpu.memory_space<vmem>> -> memref<128xi32, #tpu.memory_space<vmem>>
            %dma_wait3A_440 = arith.constant 0 : i32
            %dma_wait3A_441 = arith.constant 0 : i32
            %dma_wait3A_442 = tpu.memref_slice %arg14[%dma_wait3A_440, %dma_wait3A_441] : memref<7184x128xf32, #tpu.memory_space<vmem_shared>> -> memref<7184x128xf32, #tpu.memory_space<vmem_shared>>
            tpu.wait_indirect_dma semaphore(%run_scoped3A_430 : memref<!tpu.dma_semaphore, #tpu.memory_space<semaphore_mem>>) src(%arg11 : memref<128x128xf32, #tpu.memory_space<vmem>>) dst(%dma_wait3A_442 : memref<7184x128xf32, #tpu.memory_space<vmem_shared>>)
            tpu.yield
          }) : () -> ()
        }
      } else {
      }
      %jit3A_117 = arith.constant 0 : i32
      %select_n3A_118 = arith.select %gt3A_113, %jit3A_117, %scan3A_110 : i32
      %add3A_119 = arith.constant 12288 : i32
      %add3A_120 = arith.addi %mul3A_69, %add3A_119 : i32
      "tpu.region"() ({
        %run_scoped3A_340 = tpu.sem_alloc : memref<!tpu.dma_semaphore, #tpu.memory_space<semaphore_mem>>
        %dma_start3A = arith.constant 0 : i32
        %dma_start3A_341 = tpu.memref_slice %arg7[%dma_start3A] : memref<4096xi32, #tpu.memory_space<vmem>> -> memref<4096xi32, #tpu.memory_space<vmem>>
        %dma_start3A_342 = tpu.memref_slice %arg3[%add3A_120] : memref<600064xi32, #tpu.memory_space<hbm>> -> memref<4096xi32, #tpu.memory_space<hbm>>
        %dma_start3A_343 = arith.constant 0 : i32
        %dma_start3A_344 = tpu.memref_slice %arg7[%dma_start3A_343] : memref<4096xi32, #tpu.memory_space<vmem>> -> memref<4096xi32, #tpu.memory_space<vmem>>
        %dma_start3A_345 = tpu.memref_slice %arg3[%add3A_120] : memref<600064xi32, #tpu.memory_space<hbm>> -> memref<4096xi32, #tpu.memory_space<hbm>>
        tpu.enqueue_dma source(%dma_start3A_345 : memref<4096xi32, #tpu.memory_space<hbm>>) target(%dma_start3A_344 : memref<4096xi32, #tpu.memory_space<vmem>>) target_semaphore(%run_scoped3A_340 : memref<!tpu.dma_semaphore, #tpu.memory_space<semaphore_mem>>)
        %dma_wait3A = arith.constant 0 : i32
        %dma_wait3A_346 = tpu.memref_slice %arg7[%dma_wait3A] : memref<4096xi32, #tpu.memory_space<vmem>> -> memref<4096xi32, #tpu.memory_space<vmem>>
        %dma_wait3A_347 = tpu.memref_slice %arg3[%add3A_120] : memref<600064xi32, #tpu.memory_space<hbm>> -> memref<4096xi32, #tpu.memory_space<hbm>>
        %dma_wait3A_348 = arith.constant 0 : i32
        %dma_wait3A_349 = tpu.memref_slice %arg7[%dma_wait3A_348] : memref<4096xi32, #tpu.memory_space<vmem>> -> memref<4096xi32, #tpu.memory_space<vmem>>
        %dma_wait3A_350 = tpu.memref_slice %arg3[%add3A_120] : memref<600064xi32, #tpu.memory_space<hbm>> -> memref<4096xi32, #tpu.memory_space<hbm>>
        tpu.wait_dma2 semaphore(%run_scoped3A_340 : memref<!tpu.dma_semaphore, #tpu.memory_space<semaphore_mem>>) src(%dma_wait3A_350 : memref<4096xi32, #tpu.memory_space<hbm>>) dst(%dma_wait3A_349 : memref<4096xi32, #tpu.memory_space<vmem>>)
        tpu.yield
      }) : () -> ()
      %add3A_121 = arith.constant 12288 : i32
      %add3A_122 = arith.addi %mul3A_69, %add3A_121 : i32
      "tpu.region"() ({
        %run_scoped3A_340 = tpu.sem_alloc : memref<!tpu.dma_semaphore, #tpu.memory_space<semaphore_mem>>
        %dma_start3A = arith.constant 0 : i32
        %dma_start3A_341 = tpu.memref_slice %arg8[%dma_start3A] : memref<4096xi32, #tpu.memory_space<vmem>> -> memref<4096xi32, #tpu.memory_space<vmem>>
        %dma_start3A_342 = tpu.memref_slice %arg4[%add3A_122] : memref<600064xi32, #tpu.memory_space<hbm>> -> memref<4096xi32, #tpu.memory_space<hbm>>
        %dma_start3A_343 = arith.constant 0 : i32
        %dma_start3A_344 = tpu.memref_slice %arg8[%dma_start3A_343] : memref<4096xi32, #tpu.memory_space<vmem>> -> memref<4096xi32, #tpu.memory_space<vmem>>
        %dma_start3A_345 = tpu.memref_slice %arg4[%add3A_122] : memref<600064xi32, #tpu.memory_space<hbm>> -> memref<4096xi32, #tpu.memory_space<hbm>>
        tpu.enqueue_dma source(%dma_start3A_345 : memref<4096xi32, #tpu.memory_space<hbm>>) target(%dma_start3A_344 : memref<4096xi32, #tpu.memory_space<vmem>>) target_semaphore(%run_scoped3A_340 : memref<!tpu.dma_semaphore, #tpu.memory_space<semaphore_mem>>)
        %dma_wait3A = arith.constant 0 : i32
        %dma_wait3A_346 = tpu.memref_slice %arg8[%dma_wait3A] : memref<4096xi32, #tpu.memory_space<vmem>> -> memref<4096xi32, #tpu.memory_space<vmem>>
        %dma_wait3A_347 = tpu.memref_slice %arg4[%add3A_122] : memref<600064xi32, #tpu.memory_space<hbm>> -> memref<4096xi32, #tpu.memory_space<hbm>>
        %dma_wait3A_348 = arith.constant 0 : i32
        %dma_wait3A_349 = tpu.memref_slice %arg8[%dma_wait3A_348] : memref<4096xi32, #tpu.memory_space<vmem>> -> memref<4096xi32, #tpu.memory_space<vmem>>
        %dma_wait3A_350 = tpu.memref_slice %arg4[%add3A_122] : memref<600064xi32, #tpu.memory_space<hbm>> -> memref<4096xi32, #tpu.memory_space<hbm>>
        tpu.wait_dma2 semaphore(%run_scoped3A_340 : memref<!tpu.dma_semaphore, #tpu.memory_space<semaphore_mem>>) src(%dma_wait3A_350 : memref<4096xi32, #tpu.memory_space<hbm>>) dst(%dma_wait3A_349 : memref<4096xi32, #tpu.memory_space<vmem>>)
        tpu.yield
      }) : () -> ()
      %scan3A_123 = arith.constant 0 : i32
      %scan3A_124 = arith.constant 256 : i32
      %scan3A_125 = arith.addi %scan3A_123, %scan3A_124 : i32
      %scan3A_126 = arith.constant 1 : i32
      %scan3A_127 = scf.for %scan3A_340 = %scan3A_123 to %scan3A_125 step %scan3A_126 iter_args(%scan3A_341 = %select_n3A_118) -> (i32)  : i32 {
        %mul3A_342 = arith.constant 16 : i32
        %mul3A_343 = arith.muli %scan3A_340, %mul3A_342 : i32
        %get3A = arith.index_cast %mul3A_343 : i32 to index
        %get3A_344 = tpu.vector_load %arg7[%get3A] {strides = array<i32>} : memref<4096xi32, #tpu.memory_space<vmem>>, vector<16xi32>,
        %mul3A_345 = arith.constant 16 : i32
        %mul3A_346 = arith.muli %scan3A_340, %mul3A_345 : i32
        %get3A_347 = arith.index_cast %mul3A_346 : i32 to index
        %get3A_348 = tpu.vector_load %arg8[%get3A_347] {strides = array<i32>} : memref<4096xi32, #tpu.memory_space<vmem>>, vector<16xi32>,
        %ge3A_349 = vector.broadcast %mul3A_38 : i32 to vector<16xi32>
        %ge3A_350 = arith.cmpi sge, %get3A_348, %ge3A_349 : vector<16xi32>
        %add3A_351 = arith.constant 7168 : i32
        %add3A_352 = arith.addi %mul3A_38, %add3A_351 : i32
        %lt3A_353 = vector.broadcast %add3A_352 : i32 to vector<16xi32>
        %lt3A_354 = arith.cmpi slt, %get3A_348, %lt3A_353 : vector<16xi32>
        %and3A = arith.andi %ge3A_350, %lt3A_354 : vector<16xi1>
        %jit3A_355 = arith.constant 1 : i32
        %jit3A_356 = arith.constant 0 : i32
        %broadcast_in_dim3A_357 = vector.broadcast %jit3A_355 : i32 to vector<16xi32>
        %broadcast_in_dim3A_358 = vector.broadcast %jit3A_356 : i32 to vector<16xi32>
        %select_n3A_359 = arith.select %and3A, %broadcast_in_dim3A_357, %broadcast_in_dim3A_358 : vector<16xi1>, vector<16xi32>
        %broadcast_in_dim3A_360 = arith.constant true
        %broadcast_in_dim3A_361 = vector.broadcast %broadcast_in_dim3A_360 : i1 to vector<16xi1>
        %masked_cumsum3A = tpu.scan <sum>, %select_n3A_359 masked %broadcast_in_dim3A_361 : vector<16xi32>, vector<16xi1> -> vector<16xi32>
        %sub3A = arith.subi %masked_cumsum3A, %select_n3A_359 : vector<16xi32>
        %add3A_362 = vector.broadcast %scan3A_341 : i32 to vector<16xi32>
        %add3A_363 = arith.addi %sub3A, %add3A_362 : vector<16xi32>
        %sub3A_364 = vector.broadcast %mul3A_38 : i32 to vector<16xi32>
        %sub3A_365 = arith.subi %get3A_348, %sub3A_364 : vector<16xi32>
        %shift_right_arithmetic3A_366 = arith.constant 7 : i32
        %shift_right_arithmetic3A_367 = vector.broadcast %shift_right_arithmetic3A_366 : i32 to vector<16xi32>
        %shift_right_arithmetic3A_368 = arith.shrsi %add3A_363, %shift_right_arithmetic3A_367 : vector<16xi32>
        %and3A_369 = arith.constant 127 : i32
        %and3A_370 = vector.broadcast %and3A_369 : i32 to vector<16xi32>
        %and3A_371 = arith.andi %add3A_363, %and3A_370 : vector<16xi32>
        tpu.vector_store_idx %arg9[%shift_right_arithmetic3A_368, %and3A_371], %get3A_344 masked %and3A : memref<64x128xi32, #tpu.memory_space<vmem>>[vector<16xi32>, vector<16xi32>], vector<16xi32>, vector<16xi1>
        %shift_right_arithmetic3A_372 = arith.constant 7 : i32
        %shift_right_arithmetic3A_373 = vector.broadcast %shift_right_arithmetic3A_372 : i32 to vector<16xi32>
        %shift_right_arithmetic3A_374 = arith.shrsi %add3A_363, %shift_right_arithmetic3A_373 : vector<16xi32>
        %and3A_375 = arith.constant 127 : i32
        %and3A_376 = vector.broadcast %and3A_375 : i32 to vector<16xi32>
        %and3A_377 = arith.andi %add3A_363, %and3A_376 : vector<16xi32>
        tpu.vector_store_idx %arg10[%shift_right_arithmetic3A_374, %and3A_377], %sub3A_365 masked %and3A : memref<64x128xi32, #tpu.memory_space<vmem>>[vector<16xi32>, vector<16xi32>], vector<16xi32>, vector<16xi1>
        %shift_right_arithmetic3A_378 = arith.constant 7 : i32
        %shift_right_arithmetic3A_379 = vector.broadcast %shift_right_arithmetic3A_378 : i32 to vector<16xi32>
        %shift_right_arithmetic3A_380 = arith.shrsi %sub3A_365, %shift_right_arithmetic3A_379 : vector<16xi32>
        %and3A_381 = arith.constant 127 : i32
        %and3A_382 = vector.broadcast %and3A_381 : i32 to vector<16xi32>
        %and3A_383 = arith.andi %sub3A_365, %and3A_382 : vector<16xi32>
        tpu.vector_store_idx %arg12[%shift_right_arithmetic3A_380, %and3A_383], %add3A_65 masked %and3A {add = true} : memref<56x128xf32, #tpu.memory_space<vmem>>[vector<16xi32>, vector<16xi32>], vector<16xf32>, vector<16xi1>
        %reduce_max3A = arith.constant true
        %reduce_max3A_384 = vector.broadcast %reduce_max3A : i1 to vector<16xi1>
        %reduce_max3A_385 = arith.constant -2147483648 : i32
        %reduce_max3A_386 = vector.broadcast %reduce_max3A_385 : i32 to vector<16xi32>
        %reduce_max3A_387 = arith.xori %masked_cumsum3A, %reduce_max3A_386 : vector<16xi32>
        %reduce_max3A_388 = tpu.scan <max>, %reduce_max3A_387 masked %reduce_max3A_384 : vector<16xi32>, vector<16xi1> -> vector<16xi32>
        %reduce_max3A_389 = arith.xori %reduce_max3A_388, %reduce_max3A_386 : vector<16xi32>
        %reduce_max3A_390 = vector.extract %reduce_max3A_389[15] : i32 from vector<16xi32>
        %add3A_391 = arith.addi %scan3A_341, %reduce_max3A_390 : i32
        scf.yield %add3A_391 : i32
      }
      %scan3A_128 = arith.constant 256 : i32
      %gt3A_129 = arith.constant 4096 : i32
      %gt3A_130 = arith.cmpi sgt, %scan3A_127, %gt3A_129 : i32
      %convert_element_type3A_131 = arith.extui %gt3A_130 : i1 to i32
      %cond3A_132 = arith.constant 0 : i32
      %cond3A_133 = arith.cmpi ne, %convert_element_type3A_131, %cond3A_132 : i32
      scf.if %cond3A_133 {
        %shift_right_arithmetic3A_340 = arith.constant 7 : i32
        %shift_right_arithmetic3A_341 = arith.shrsi %scan3A_127, %shift_right_arithmetic3A_340 : i32
        %add3A_342 = vector.broadcast %shift_right_arithmetic3A_341 : i32 to vector<16xi32>
        %add3A_343 = arith.addi %broadcast_in_dim3A_2, %add3A_342 : vector<16xi32>
        %shift_left3A_344 = arith.constant 7 : i32
        %shift_left3A_345 = arith.shli %shift_right_arithmetic3A_341, %shift_left3A_344 : i32
        %add3A_346 = arith.constant 7168 : i32
        %add3A_347 = vector.broadcast %add3A_346 : i32 to vector<16xi32>
        %add3A_348 = arith.addi %broadcast_in_dim3A_2, %add3A_347 : vector<16xi32>
        %add3A_349 = arith.constant 0 : i32
        %add3A_350 = vector.broadcast %add3A_349 : i32 to vector<16xi32>
        %add3A_351 = arith.addi %iota3A, %add3A_350 : vector<16xi32>
        %add3A_352 = vector.broadcast %shift_left3A_345 : i32 to vector<16xi32>
        %add3A_353 = arith.addi %add3A_352, %add3A_351 : vector<16xi32>
        %ge3A_354 = vector.broadcast %scan3A_127 : i32 to vector<16xi32>
        %ge3A_355 = arith.cmpi sge, %add3A_353, %ge3A_354 : vector<16xi32>
        tpu.vector_store_idx %arg9[%add3A_343, %add3A_351], %broadcast_in_dim3A_2 masked %ge3A_355 : memref<64x128xi32, #tpu.memory_space<vmem>>[vector<16xi32>, vector<16xi32>], vector<16xi32>, vector<16xi1>
        tpu.vector_store_idx %arg10[%add3A_343, %add3A_351], %add3A_348 masked %ge3A_355 : memref<64x128xi32, #tpu.memory_space<vmem>>[vector<16xi32>, vector<16xi32>], vector<16xi32>, vector<16xi1>
        %add3A_356 = arith.constant 16 : i32
        %add3A_357 = vector.broadcast %add3A_356 : i32 to vector<16xi32>
        %add3A_358 = arith.addi %iota3A, %add3A_357 : vector<16xi32>
        %add3A_359 = vector.broadcast %shift_left3A_345 : i32 to vector<16xi32>
        %add3A_360 = arith.addi %add3A_359, %add3A_358 : vector<16xi32>
        %ge3A_361 = vector.broadcast %scan3A_127 : i32 to vector<16xi32>
        %ge3A_362 = arith.cmpi sge, %add3A_360, %ge3A_361 : vector<16xi32>
        tpu.vector_store_idx %arg9[%add3A_343, %add3A_358], %broadcast_in_dim3A_2 masked %ge3A_362 : memref<64x128xi32, #tpu.memory_space<vmem>>[vector<16xi32>, vector<16xi32>], vector<16xi32>, vector<16xi1>
        tpu.vector_store_idx %arg10[%add3A_343, %add3A_358], %add3A_348 masked %ge3A_362 : memref<64x128xi32, #tpu.memory_space<vmem>>[vector<16xi32>, vector<16xi32>], vector<16xi32>, vector<16xi1>
        %add3A_363 = arith.constant 32 : i32
        %add3A_364 = vector.broadcast %add3A_363 : i32 to vector<16xi32>
        %add3A_365 = arith.addi %iota3A, %add3A_364 : vector<16xi32>
        %add3A_366 = vector.broadcast %shift_left3A_345 : i32 to vector<16xi32>
        %add3A_367 = arith.addi %add3A_366, %add3A_365 : vector<16xi32>
        %ge3A_368 = vector.broadcast %scan3A_127 : i32 to vector<16xi32>
        %ge3A_369 = arith.cmpi sge, %add3A_367, %ge3A_368 : vector<16xi32>
        tpu.vector_store_idx %arg9[%add3A_343, %add3A_365], %broadcast_in_dim3A_2 masked %ge3A_369 : memref<64x128xi32, #tpu.memory_space<vmem>>[vector<16xi32>, vector<16xi32>], vector<16xi32>, vector<16xi1>
        tpu.vector_store_idx %arg10[%add3A_343, %add3A_365], %add3A_348 masked %ge3A_369 : memref<64x128xi32, #tpu.memory_space<vmem>>[vector<16xi32>, vector<16xi32>], vector<16xi32>, vector<16xi1>
        %add3A_370 = arith.constant 48 : i32
        %add3A_371 = vector.broadcast %add3A_370 : i32 to vector<16xi32>
        %add3A_372 = arith.addi %iota3A, %add3A_371 : vector<16xi32>
        %add3A_373 = vector.broadcast %shift_left3A_345 : i32 to vector<16xi32>
        %add3A_374 = arith.addi %add3A_373, %add3A_372 : vector<16xi32>
        %ge3A_375 = vector.broadcast %scan3A_127 : i32 to vector<16xi32>
        %ge3A_376 = arith.cmpi sge, %add3A_374, %ge3A_375 : vector<16xi32>
        tpu.vector_store_idx %arg9[%add3A_343, %add3A_372], %broadcast_in_dim3A_2 masked %ge3A_376 : memref<64x128xi32, #tpu.memory_space<vmem>>[vector<16xi32>, vector<16xi32>], vector<16xi32>, vector<16xi1>
        tpu.vector_store_idx %arg10[%add3A_343, %add3A_372], %add3A_348 masked %ge3A_376 : memref<64x128xi32, #tpu.memory_space<vmem>>[vector<16xi32>, vector<16xi32>], vector<16xi32>, vector<16xi1>
        %add3A_377 = arith.constant 64 : i32
        %add3A_378 = vector.broadcast %add3A_377 : i32 to vector<16xi32>
        %add3A_379 = arith.addi %iota3A, %add3A_378 : vector<16xi32>
        %add3A_380 = vector.broadcast %shift_left3A_345 : i32 to vector<16xi32>
        %add3A_381 = arith.addi %add3A_380, %add3A_379 : vector<16xi32>
        %ge3A_382 = vector.broadcast %scan3A_127 : i32 to vector<16xi32>
        %ge3A_383 = arith.cmpi sge, %add3A_381, %ge3A_382 : vector<16xi32>
        tpu.vector_store_idx %arg9[%add3A_343, %add3A_379], %broadcast_in_dim3A_2 masked %ge3A_383 : memref<64x128xi32, #tpu.memory_space<vmem>>[vector<16xi32>, vector<16xi32>], vector<16xi32>, vector<16xi1>
        tpu.vector_store_idx %arg10[%add3A_343, %add3A_379], %add3A_348 masked %ge3A_383 : memref<64x128xi32, #tpu.memory_space<vmem>>[vector<16xi32>, vector<16xi32>], vector<16xi32>, vector<16xi1>
        %add3A_384 = arith.constant 80 : i32
        %add3A_385 = vector.broadcast %add3A_384 : i32 to vector<16xi32>
        %add3A_386 = arith.addi %iota3A, %add3A_385 : vector<16xi32>
        %add3A_387 = vector.broadcast %shift_left3A_345 : i32 to vector<16xi32>
        %add3A_388 = arith.addi %add3A_387, %add3A_386 : vector<16xi32>
        %ge3A_389 = vector.broadcast %scan3A_127 : i32 to vector<16xi32>
        %ge3A_390 = arith.cmpi sge, %add3A_388, %ge3A_389 : vector<16xi32>
        tpu.vector_store_idx %arg9[%add3A_343, %add3A_386], %broadcast_in_dim3A_2 masked %ge3A_390 : memref<64x128xi32, #tpu.memory_space<vmem>>[vector<16xi32>, vector<16xi32>], vector<16xi32>, vector<16xi1>
        tpu.vector_store_idx %arg10[%add3A_343, %add3A_386], %add3A_348 masked %ge3A_390 : memref<64x128xi32, #tpu.memory_space<vmem>>[vector<16xi32>, vector<16xi32>], vector<16xi32>, vector<16xi1>
        %add3A_391 = arith.constant 96 : i32
        %add3A_392 = vector.broadcast %add3A_391 : i32 to vector<16xi32>
        %add3A_393 = arith.addi %iota3A, %add3A_392 : vector<16xi32>
        %add3A_394 = vector.broadcast %shift_left3A_345 : i32 to vector<16xi32>
        %add3A_395 = arith.addi %add3A_394, %add3A_393 : vector<16xi32>
        %ge3A_396 = vector.broadcast %scan3A_127 : i32 to vector<16xi32>
        %ge3A_397 = arith.cmpi sge, %add3A_395, %ge3A_396 : vector<16xi32>
        tpu.vector_store_idx %arg9[%add3A_343, %add3A_393], %broadcast_in_dim3A_2 masked %ge3A_397 : memref<64x128xi32, #tpu.memory_space<vmem>>[vector<16xi32>, vector<16xi32>], vector<16xi32>, vector<16xi1>
        tpu.vector_store_idx %arg10[%add3A_343, %add3A_393], %add3A_348 masked %ge3A_397 : memref<64x128xi32, #tpu.memory_space<vmem>>[vector<16xi32>, vector<16xi32>], vector<16xi32>, vector<16xi1>
        %add3A_398 = arith.constant 112 : i32
        %add3A_399 = vector.broadcast %add3A_398 : i32 to vector<16xi32>
        %add3A_400 = arith.addi %iota3A, %add3A_399 : vector<16xi32>
        %add3A_401 = vector.broadcast %shift_left3A_345 : i32 to vector<16xi32>
        %add3A_402 = arith.addi %add3A_401, %add3A_400 : vector<16xi32>
        %ge3A_403 = vector.broadcast %scan3A_127 : i32 to vector<16xi32>
        %ge3A_404 = arith.cmpi sge, %add3A_402, %ge3A_403 : vector<16xi32>
        tpu.vector_store_idx %arg9[%add3A_343, %add3A_400], %broadcast_in_dim3A_2 masked %ge3A_404 : memref<64x128xi32, #tpu.memory_space<vmem>>[vector<16xi32>, vector<16xi32>], vector<16xi32>, vector<16xi1>
        tpu.vector_store_idx %arg10[%add3A_343, %add3A_400], %add3A_348 masked %ge3A_404 : memref<64x128xi32, #tpu.memory_space<vmem>>[vector<16xi32>, vector<16xi32>], vector<16xi32>, vector<16xi1>
        %add3A_405 = arith.constant 127 : i32
        %add3A_406 = arith.addi %scan3A_127, %add3A_405 : i32
        %shift_right_arithmetic3A_407 = arith.constant 7 : i32
        %shift_right_arithmetic3A_408 = arith.shrsi %add3A_406, %shift_right_arithmetic3A_407 : i32
        %while3A_409 = arith.constant 0 : i32
        %while3A_410 = arith.constant 0 : i32
        %while3A_411 = arith.subi %shift_right_arithmetic3A_408, %while3A_410 : i32
        %while3A_412 = arith.addi %while3A_410, %while3A_411 : i32
        %while3A_413 = arith.constant 1 : i32
        %while3A_414 = arith.divsi %while3A_411, %while3A_413 : i32
        %while3A_415 = arith.muli %while3A_414, %while3A_413 : i32
        %while3A_416 = arith.addi %while3A_410, %while3A_415 : i32
        %while3A_417 = arith.constant 1 : i32
        scf.for %while3A_419 = %while3A_410 to %while3A_416 step %while3A_417  : i32 {
          %dma_start3A = arith.constant 0 : i32
          %dma_start3A_420 = tpu.memref_slice %arg9[%while3A_419, %dma_start3A] : memref<64x128xi32, #tpu.memory_space<vmem>> -> memref<1x128xi32, #tpu.memory_space<vmem>>
          %dma_start3A_421 = tpu.memref_squeeze %dma_start3A_420 : memref<1x128xi32, #tpu.memory_space<vmem>> -> memref<128xi32, #tpu.memory_space<vmem>>
          %dma_start3A_422 = arith.constant 0 : i32
          %dma_start3A_423 = arith.constant 0 : i32
          %dma_start3A_424 = tpu.memref_slice %arg2[%dma_start3A_422, %dma_start3A_423] : memref<100000x128xf32, #tpu.memory_space<hbm>> -> memref<100000x128xf32, #tpu.memory_space<hbm>>
          tpu.enqueue_indirect_dma source(%dma_start3A_424 : memref<100000x128xf32, #tpu.memory_space<hbm>>) target(%arg11 : memref<128x128xf32, #tpu.memory_space<vmem>>) offsets(%dma_start3A_421 : memref<128xi32, #tpu.memory_space<vmem>>) semaphore(%arg16 : memref<!tpu.dma_semaphore, #tpu.memory_space<semaphore_mem>>)
          %dma_wait3A = arith.constant 0 : i32
          %dma_wait3A_425 = tpu.memref_slice %arg9[%while3A_419, %dma_wait3A] : memref<64x128xi32, #tpu.memory_space<vmem>> -> memref<1x128xi32, #tpu.memory_space<vmem>>
          %dma_wait3A_426 = tpu.memref_squeeze %dma_wait3A_425 : memref<1x128xi32, #tpu.memory_space<vmem>> -> memref<128xi32, #tpu.memory_space<vmem>>
          %dma_wait3A_427 = arith.constant 0 : i32
          %dma_wait3A_428 = arith.constant 0 : i32
          %dma_wait3A_429 = tpu.memref_slice %arg2[%dma_wait3A_427, %dma_wait3A_428] : memref<100000x128xf32, #tpu.memory_space<hbm>> -> memref<100000x128xf32, #tpu.memory_space<hbm>>
          tpu.wait_indirect_dma semaphore(%arg16 : memref<!tpu.dma_semaphore, #tpu.memory_space<semaphore_mem>>) src(%dma_wait3A_429 : memref<100000x128xf32, #tpu.memory_space<hbm>>) dst(%arg11 : memref<128x128xf32, #tpu.memory_space<vmem>>)
          "tpu.region"() ({
            %run_scoped3A_430 = tpu.sem_alloc : memref<!tpu.dma_semaphore, #tpu.memory_space<semaphore_mem>>
            %dma_start3A_431 = arith.constant 0 : i32
            %dma_start3A_432 = tpu.memref_slice %arg10[%while3A_419, %dma_start3A_431] : memref<64x128xi32, #tpu.memory_space<vmem>> -> memref<1x128xi32, #tpu.memory_space<vmem>>
            %dma_start3A_433 = tpu.memref_squeeze %dma_start3A_432 : memref<1x128xi32, #tpu.memory_space<vmem>> -> memref<128xi32, #tpu.memory_space<vmem>>
            %dma_start3A_434 = arith.constant 0 : i32
            %dma_start3A_435 = arith.constant 0 : i32
            %dma_start3A_436 = tpu.memref_slice %arg14[%dma_start3A_434, %dma_start3A_435] : memref<7184x128xf32, #tpu.memory_space<vmem_shared>> -> memref<7184x128xf32, #tpu.memory_space<vmem_shared>>
            tpu.enqueue_indirect_dma source(%arg11 : memref<128x128xf32, #tpu.memory_space<vmem>>) target(%dma_start3A_436 : memref<7184x128xf32, #tpu.memory_space<vmem_shared>>) offsets(%dma_start3A_433 : memref<128xi32, #tpu.memory_space<vmem>>) semaphore(%run_scoped3A_430 : memref<!tpu.dma_semaphore, #tpu.memory_space<semaphore_mem>>) {add = true}
            %dma_wait3A_437 = arith.constant 0 : i32
            %dma_wait3A_438 = tpu.memref_slice %arg10[%while3A_419, %dma_wait3A_437] : memref<64x128xi32, #tpu.memory_space<vmem>> -> memref<1x128xi32, #tpu.memory_space<vmem>>
            %dma_wait3A_439 = tpu.memref_squeeze %dma_wait3A_438 : memref<1x128xi32, #tpu.memory_space<vmem>> -> memref<128xi32, #tpu.memory_space<vmem>>
            %dma_wait3A_440 = arith.constant 0 : i32
            %dma_wait3A_441 = arith.constant 0 : i32
            %dma_wait3A_442 = tpu.memref_slice %arg14[%dma_wait3A_440, %dma_wait3A_441] : memref<7184x128xf32, #tpu.memory_space<vmem_shared>> -> memref<7184x128xf32, #tpu.memory_space<vmem_shared>>
            tpu.wait_indirect_dma semaphore(%run_scoped3A_430 : memref<!tpu.dma_semaphore, #tpu.memory_space<semaphore_mem>>) src(%arg11 : memref<128x128xf32, #tpu.memory_space<vmem>>) dst(%dma_wait3A_442 : memref<7184x128xf32, #tpu.memory_space<vmem_shared>>)
            tpu.yield
          }) : () -> ()
        }
        %while3A_418 = arith.constant 1 : i32
        scf.for %while3A_419 = %while3A_416 to %while3A_412 step %while3A_418  : i32 {
          %dma_start3A = arith.constant 0 : i32
          %dma_start3A_420 = tpu.memref_slice %arg9[%while3A_419, %dma_start3A] : memref<64x128xi32, #tpu.memory_space<vmem>> -> memref<1x128xi32, #tpu.memory_space<vmem>>
          %dma_start3A_421 = tpu.memref_squeeze %dma_start3A_420 : memref<1x128xi32, #tpu.memory_space<vmem>> -> memref<128xi32, #tpu.memory_space<vmem>>
          %dma_start3A_422 = arith.constant 0 : i32
          %dma_start3A_423 = arith.constant 0 : i32
          %dma_start3A_424 = tpu.memref_slice %arg2[%dma_start3A_422, %dma_start3A_423] : memref<100000x128xf32, #tpu.memory_space<hbm>> -> memref<100000x128xf32, #tpu.memory_space<hbm>>
          tpu.enqueue_indirect_dma source(%dma_start3A_424 : memref<100000x128xf32, #tpu.memory_space<hbm>>) target(%arg11 : memref<128x128xf32, #tpu.memory_space<vmem>>) offsets(%dma_start3A_421 : memref<128xi32, #tpu.memory_space<vmem>>) semaphore(%arg16 : memref<!tpu.dma_semaphore, #tpu.memory_space<semaphore_mem>>)
          %dma_wait3A = arith.constant 0 : i32
          %dma_wait3A_425 = tpu.memref_slice %arg9[%while3A_419, %dma_wait3A] : memref<64x128xi32, #tpu.memory_space<vmem>> -> memref<1x128xi32, #tpu.memory_space<vmem>>
          %dma_wait3A_426 = tpu.memref_squeeze %dma_wait3A_425 : memref<1x128xi32, #tpu.memory_space<vmem>> -> memref<128xi32, #tpu.memory_space<vmem>>
          %dma_wait3A_427 = arith.constant 0 : i32
          %dma_wait3A_428 = arith.constant 0 : i32
          %dma_wait3A_429 = tpu.memref_slice %arg2[%dma_wait3A_427, %dma_wait3A_428] : memref<100000x128xf32, #tpu.memory_space<hbm>> -> memref<100000x128xf32, #tpu.memory_space<hbm>>
          tpu.wait_indirect_dma semaphore(%arg16 : memref<!tpu.dma_semaphore, #tpu.memory_space<semaphore_mem>>) src(%dma_wait3A_429 : memref<100000x128xf32, #tpu.memory_space<hbm>>) dst(%arg11 : memref<128x128xf32, #tpu.memory_space<vmem>>)
          "tpu.region"() ({
            %run_scoped3A_430 = tpu.sem_alloc : memref<!tpu.dma_semaphore, #tpu.memory_space<semaphore_mem>>
            %dma_start3A_431 = arith.constant 0 : i32
            %dma_start3A_432 = tpu.memref_slice %arg10[%while3A_419, %dma_start3A_431] : memref<64x128xi32, #tpu.memory_space<vmem>> -> memref<1x128xi32, #tpu.memory_space<vmem>>
            %dma_start3A_433 = tpu.memref_squeeze %dma_start3A_432 : memref<1x128xi32, #tpu.memory_space<vmem>> -> memref<128xi32, #tpu.memory_space<vmem>>
            %dma_start3A_434 = arith.constant 0 : i32
            %dma_start3A_435 = arith.constant 0 : i32
            %dma_start3A_436 = tpu.memref_slice %arg14[%dma_start3A_434, %dma_start3A_435] : memref<7184x128xf32, #tpu.memory_space<vmem_shared>> -> memref<7184x128xf32, #tpu.memory_space<vmem_shared>>
            tpu.enqueue_indirect_dma source(%arg11 : memref<128x128xf32, #tpu.memory_space<vmem>>) target(%dma_start3A_436 : memref<7184x128xf32, #tpu.memory_space<vmem_shared>>) offsets(%dma_start3A_433 : memref<128xi32, #tpu.memory_space<vmem>>) semaphore(%run_scoped3A_430 : memref<!tpu.dma_semaphore, #tpu.memory_space<semaphore_mem>>) {add = true}
            %dma_wait3A_437 = arith.constant 0 : i32
            %dma_wait3A_438 = tpu.memref_slice %arg10[%while3A_419, %dma_wait3A_437] : memref<64x128xi32, #tpu.memory_space<vmem>> -> memref<1x128xi32, #tpu.memory_space<vmem>>
            %dma_wait3A_439 = tpu.memref_squeeze %dma_wait3A_438 : memref<1x128xi32, #tpu.memory_space<vmem>> -> memref<128xi32, #tpu.memory_space<vmem>>
            %dma_wait3A_440 = arith.constant 0 : i32
            %dma_wait3A_441 = arith.constant 0 : i32
            %dma_wait3A_442 = tpu.memref_slice %arg14[%dma_wait3A_440, %dma_wait3A_441] : memref<7184x128xf32, #tpu.memory_space<vmem_shared>> -> memref<7184x128xf32, #tpu.memory_space<vmem_shared>>
            tpu.wait_indirect_dma semaphore(%run_scoped3A_430 : memref<!tpu.dma_semaphore, #tpu.memory_space<semaphore_mem>>) src(%arg11 : memref<128x128xf32, #tpu.memory_space<vmem>>) dst(%dma_wait3A_442 : memref<7184x128xf32, #tpu.memory_space<vmem_shared>>)
            tpu.yield
          }) : () -> ()
        }
      } else {
      }
      %jit3A_134 = arith.constant 0 : i32
      %select_n3A_135 = arith.select %gt3A_130, %jit3A_134, %scan3A_127 : i32
      %add3A_136 = arith.constant 16384 : i32
      %add3A_137 = arith.addi %mul3A_69, %add3A_136 : i32
      "tpu.region"() ({
        %run_scoped3A_340 = tpu.sem_alloc : memref<!tpu.dma_semaphore, #tpu.memory_space<semaphore_mem>>
        %dma_start3A = arith.constant 0 : i32
        %dma_start3A_341 = tpu.memref_slice %arg7[%dma_start3A] : memref<4096xi32, #tpu.memory_space<vmem>> -> memref<2368xi32, #tpu.memory_space<vmem>>
        %dma_start3A_342 = tpu.memref_slice %arg3[%add3A_137] : memref<600064xi32, #tpu.memory_space<hbm>> -> memref<2368xi32, #tpu.memory_space<hbm>>
        %dma_start3A_343 = arith.constant 0 : i32
        %dma_start3A_344 = tpu.memref_slice %arg7[%dma_start3A_343] : memref<4096xi32, #tpu.memory_space<vmem>> -> memref<2368xi32, #tpu.memory_space<vmem>>
        %dma_start3A_345 = tpu.memref_slice %arg3[%add3A_137] : memref<600064xi32, #tpu.memory_space<hbm>> -> memref<2368xi32, #tpu.memory_space<hbm>>
        tpu.enqueue_dma source(%dma_start3A_345 : memref<2368xi32, #tpu.memory_space<hbm>>) target(%dma_start3A_344 : memref<2368xi32, #tpu.memory_space<vmem>>) target_semaphore(%run_scoped3A_340 : memref<!tpu.dma_semaphore, #tpu.memory_space<semaphore_mem>>)
        %dma_wait3A = arith.constant 0 : i32
        %dma_wait3A_346 = tpu.memref_slice %arg7[%dma_wait3A] : memref<4096xi32, #tpu.memory_space<vmem>> -> memref<2368xi32, #tpu.memory_space<vmem>>
        %dma_wait3A_347 = tpu.memref_slice %arg3[%add3A_137] : memref<600064xi32, #tpu.memory_space<hbm>> -> memref<2368xi32, #tpu.memory_space<hbm>>
        %dma_wait3A_348 = arith.constant 0 : i32
        %dma_wait3A_349 = tpu.memref_slice %arg7[%dma_wait3A_348] : memref<4096xi32, #tpu.memory_space<vmem>> -> memref<2368xi32, #tpu.memory_space<vmem>>
        %dma_wait3A_350 = tpu.memref_slice %arg3[%add3A_137] : memref<600064xi32, #tpu.memory_space<hbm>> -> memref<2368xi32, #tpu.memory_space<hbm>>
        tpu.wait_dma2 semaphore(%run_scoped3A_340 : memref<!tpu.dma_semaphore, #tpu.memory_space<semaphore_mem>>) src(%dma_wait3A_350 : memref<2368xi32, #tpu.memory_space<hbm>>) dst(%dma_wait3A_349 : memref<2368xi32, #tpu.memory_space<vmem>>)
        tpu.yield
      }) : () -> ()
      %add3A_138 = arith.constant 16384 : i32
      %add3A_139 = arith.addi %mul3A_69, %add3A_138 : i32
      "tpu.region"() ({
        %run_scoped3A_340 = tpu.sem_alloc : memref<!tpu.dma_semaphore, #tpu.memory_space<semaphore_mem>>
        %dma_start3A = arith.constant 0 : i32
        %dma_start3A_341 = tpu.memref_slice %arg8[%dma_start3A] : memref<4096xi32, #tpu.memory_space<vmem>> -> memref<2368xi32, #tpu.memory_space<vmem>>
        %dma_start3A_342 = tpu.memref_slice %arg4[%add3A_139] : memref<600064xi32, #tpu.memory_space<hbm>> -> memref<2368xi32, #tpu.memory_space<hbm>>
        %dma_start3A_343 = arith.constant 0 : i32
        %dma_start3A_344 = tpu.memref_slice %arg8[%dma_start3A_343] : memref<4096xi32, #tpu.memory_space<vmem>> -> memref<2368xi32, #tpu.memory_space<vmem>>
        %dma_start3A_345 = tpu.memref_slice %arg4[%add3A_139] : memref<600064xi32, #tpu.memory_space<hbm>> -> memref<2368xi32, #tpu.memory_space<hbm>>
        tpu.enqueue_dma source(%dma_start3A_345 : memref<2368xi32, #tpu.memory_space<hbm>>) target(%dma_start3A_344 : memref<2368xi32, #tpu.memory_space<vmem>>) target_semaphore(%run_scoped3A_340 : memref<!tpu.dma_semaphore, #tpu.memory_space<semaphore_mem>>)
        %dma_wait3A = arith.constant 0 : i32
        %dma_wait3A_346 = tpu.memref_slice %arg8[%dma_wait3A] : memref<4096xi32, #tpu.memory_space<vmem>> -> memref<2368xi32, #tpu.memory_space<vmem>>
        %dma_wait3A_347 = tpu.memref_slice %arg4[%add3A_139] : memref<600064xi32, #tpu.memory_space<hbm>> -> memref<2368xi32, #tpu.memory_space<hbm>>
        %dma_wait3A_348 = arith.constant 0 : i32
        %dma_wait3A_349 = tpu.memref_slice %arg8[%dma_wait3A_348] : memref<4096xi32, #tpu.memory_space<vmem>> -> memref<2368xi32, #tpu.memory_space<vmem>>
        %dma_wait3A_350 = tpu.memref_slice %arg4[%add3A_139] : memref<600064xi32, #tpu.memory_space<hbm>> -> memref<2368xi32, #tpu.memory_space<hbm>>
        tpu.wait_dma2 semaphore(%run_scoped3A_340 : memref<!tpu.dma_semaphore, #tpu.memory_space<semaphore_mem>>) src(%dma_wait3A_350 : memref<2368xi32, #tpu.memory_space<hbm>>) dst(%dma_wait3A_349 : memref<2368xi32, #tpu.memory_space<vmem>>)
        tpu.yield
      }) : () -> ()
      %scan3A_140 = arith.constant 0 : i32
      %scan3A_141 = arith.constant 148 : i32
      %scan3A_142 = arith.addi %scan3A_140, %scan3A_141 : i32
      %scan3A_143 = arith.constant 1 : i32
      %scan3A_144 = scf.for %scan3A_340 = %scan3A_140 to %scan3A_142 step %scan3A_143 iter_args(%scan3A_341 = %select_n3A_135) -> (i32)  : i32 {
        %mul3A_342 = arith.constant 16 : i32
        %mul3A_343 = arith.muli %scan3A_340, %mul3A_342 : i32
        %get3A = arith.index_cast %mul3A_343 : i32 to index
        %get3A_344 = tpu.vector_load %arg7[%get3A] {strides = array<i32>} : memref<4096xi32, #tpu.memory_space<vmem>>, vector<16xi32>,
        %mul3A_345 = arith.constant 16 : i32
        %mul3A_346 = arith.muli %scan3A_340, %mul3A_345 : i32
        %get3A_347 = arith.index_cast %mul3A_346 : i32 to index
        %get3A_348 = tpu.vector_load %arg8[%get3A_347] {strides = array<i32>} : memref<4096xi32, #tpu.memory_space<vmem>>, vector<16xi32>,
        %ge3A_349 = vector.broadcast %mul3A_38 : i32 to vector<16xi32>
        %ge3A_350 = arith.cmpi sge, %get3A_348, %ge3A_349 : vector<16xi32>
        %add3A_351 = arith.constant 7168 : i32
        %add3A_352 = arith.addi %mul3A_38, %add3A_351 : i32
        %lt3A_353 = vector.broadcast %add3A_352 : i32 to vector<16xi32>
        %lt3A_354 = arith.cmpi slt, %get3A_348, %lt3A_353 : vector<16xi32>
        %and3A = arith.andi %ge3A_350, %lt3A_354 : vector<16xi1>
        %jit3A_355 = arith.constant 1 : i32
        %jit3A_356 = arith.constant 0 : i32
        %broadcast_in_dim3A_357 = vector.broadcast %jit3A_355 : i32 to vector<16xi32>
        %broadcast_in_dim3A_358 = vector.broadcast %jit3A_356 : i32 to vector<16xi32>
        %select_n3A_359 = arith.select %and3A, %broadcast_in_dim3A_357, %broadcast_in_dim3A_358 : vector<16xi1>, vector<16xi32>
        %broadcast_in_dim3A_360 = arith.constant true
        %broadcast_in_dim3A_361 = vector.broadcast %broadcast_in_dim3A_360 : i1 to vector<16xi1>
        %masked_cumsum3A = tpu.scan <sum>, %select_n3A_359 masked %broadcast_in_dim3A_361 : vector<16xi32>, vector<16xi1> -> vector<16xi32>
        %sub3A = arith.subi %masked_cumsum3A, %select_n3A_359 : vector<16xi32>
        %add3A_362 = vector.broadcast %scan3A_341 : i32 to vector<16xi32>
        %add3A_363 = arith.addi %sub3A, %add3A_362 : vector<16xi32>
        %sub3A_364 = vector.broadcast %mul3A_38 : i32 to vector<16xi32>
        %sub3A_365 = arith.subi %get3A_348, %sub3A_364 : vector<16xi32>
        %shift_right_arithmetic3A_366 = arith.constant 7 : i32
        %shift_right_arithmetic3A_367 = vector.broadcast %shift_right_arithmetic3A_366 : i32 to vector<16xi32>
        %shift_right_arithmetic3A_368 = arith.shrsi %add3A_363, %shift_right_arithmetic3A_367 : vector<16xi32>
        %and3A_369 = arith.constant 127 : i32
        %and3A_370 = vector.broadcast %and3A_369 : i32 to vector<16xi32>
        %and3A_371 = arith.andi %add3A_363, %and3A_370 : vector<16xi32>
        tpu.vector_store_idx %arg9[%shift_right_arithmetic3A_368, %and3A_371], %get3A_344 masked %and3A : memref<64x128xi32, #tpu.memory_space<vmem>>[vector<16xi32>, vector<16xi32>], vector<16xi32>, vector<16xi1>
        %shift_right_arithmetic3A_372 = arith.constant 7 : i32
        %shift_right_arithmetic3A_373 = vector.broadcast %shift_right_arithmetic3A_372 : i32 to vector<16xi32>
        %shift_right_arithmetic3A_374 = arith.shrsi %add3A_363, %shift_right_arithmetic3A_373 : vector<16xi32>
        %and3A_375 = arith.constant 127 : i32
        %and3A_376 = vector.broadcast %and3A_375 : i32 to vector<16xi32>
        %and3A_377 = arith.andi %add3A_363, %and3A_376 : vector<16xi32>
        tpu.vector_store_idx %arg10[%shift_right_arithmetic3A_374, %and3A_377], %sub3A_365 masked %and3A : memref<64x128xi32, #tpu.memory_space<vmem>>[vector<16xi32>, vector<16xi32>], vector<16xi32>, vector<16xi1>
        %shift_right_arithmetic3A_378 = arith.constant 7 : i32
        %shift_right_arithmetic3A_379 = vector.broadcast %shift_right_arithmetic3A_378 : i32 to vector<16xi32>
        %shift_right_arithmetic3A_380 = arith.shrsi %sub3A_365, %shift_right_arithmetic3A_379 : vector<16xi32>
        %and3A_381 = arith.constant 127 : i32
        %and3A_382 = vector.broadcast %and3A_381 : i32 to vector<16xi32>
        %and3A_383 = arith.andi %sub3A_365, %and3A_382 : vector<16xi32>
        tpu.vector_store_idx %arg12[%shift_right_arithmetic3A_380, %and3A_383], %add3A_65 masked %and3A {add = true} : memref<56x128xf32, #tpu.memory_space<vmem>>[vector<16xi32>, vector<16xi32>], vector<16xf32>, vector<16xi1>
        %reduce_max3A = arith.constant true
        %reduce_max3A_384 = vector.broadcast %reduce_max3A : i1 to vector<16xi1>
        %reduce_max3A_385 = arith.constant -2147483648 : i32
        %reduce_max3A_386 = vector.broadcast %reduce_max3A_385 : i32 to vector<16xi32>
        %reduce_max3A_387 = arith.xori %masked_cumsum3A, %reduce_max3A_386 : vector<16xi32>
        %reduce_max3A_388 = tpu.scan <max>, %reduce_max3A_387 masked %reduce_max3A_384 : vector<16xi32>, vector<16xi1> -> vector<16xi32>
        %reduce_max3A_389 = arith.xori %reduce_max3A_388, %reduce_max3A_386 : vector<16xi32>
        %reduce_max3A_390 = vector.extract %reduce_max3A_389[15] : i32 from vector<16xi32>
        %add3A_391 = arith.addi %scan3A_341, %reduce_max3A_390 : i32
        scf.yield %add3A_391 : i32
      }
      %scan3A_145 = arith.constant 148 : i32
      %gt3A_146 = arith.constant 4096 : i32
      %gt3A_147 = arith.cmpi sgt, %scan3A_144, %gt3A_146 : i32
      %convert_element_type3A_148 = arith.extui %gt3A_147 : i1 to i32
      %cond3A_149 = arith.constant 0 : i32
      %cond3A_150 = arith.cmpi ne, %convert_element_type3A_148, %cond3A_149 : i32
      scf.if %cond3A_150 {
        %shift_right_arithmetic3A_340 = arith.constant 7 : i32
        %shift_right_arithmetic3A_341 = arith.shrsi %scan3A_144, %shift_right_arithmetic3A_340 : i32
        %add3A_342 = vector.broadcast %shift_right_arithmetic3A_341 : i32 to vector<16xi32>
        %add3A_343 = arith.addi %broadcast_in_dim3A_2, %add3A_342 : vector<16xi32>
        %shift_left3A_344 = arith.constant 7 : i32
        %shift_left3A_345 = arith.shli %shift_right_arithmetic3A_341, %shift_left3A_344 : i32
        %add3A_346 = arith.constant 7168 : i32
        %add3A_347 = vector.broadcast %add3A_346 : i32 to vector<16xi32>
        %add3A_348 = arith.addi %broadcast_in_dim3A_2, %add3A_347 : vector<16xi32>
        %add3A_349 = arith.constant 0 : i32
        %add3A_350 = vector.broadcast %add3A_349 : i32 to vector<16xi32>
        %add3A_351 = arith.addi %iota3A, %add3A_350 : vector<16xi32>
        %add3A_352 = vector.broadcast %shift_left3A_345 : i32 to vector<16xi32>
        %add3A_353 = arith.addi %add3A_352, %add3A_351 : vector<16xi32>
        %ge3A_354 = vector.broadcast %scan3A_144 : i32 to vector<16xi32>
        %ge3A_355 = arith.cmpi sge, %add3A_353, %ge3A_354 : vector<16xi32>
        tpu.vector_store_idx %arg9[%add3A_343, %add3A_351], %broadcast_in_dim3A_2 masked %ge3A_355 : memref<64x128xi32, #tpu.memory_space<vmem>>[vector<16xi32>, vector<16xi32>], vector<16xi32>, vector<16xi1>
        tpu.vector_store_idx %arg10[%add3A_343, %add3A_351], %add3A_348 masked %ge3A_355 : memref<64x128xi32, #tpu.memory_space<vmem>>[vector<16xi32>, vector<16xi32>], vector<16xi32>, vector<16xi1>
        %add3A_356 = arith.constant 16 : i32
        %add3A_357 = vector.broadcast %add3A_356 : i32 to vector<16xi32>
        %add3A_358 = arith.addi %iota3A, %add3A_357 : vector<16xi32>
        %add3A_359 = vector.broadcast %shift_left3A_345 : i32 to vector<16xi32>
        %add3A_360 = arith.addi %add3A_359, %add3A_358 : vector<16xi32>
        %ge3A_361 = vector.broadcast %scan3A_144 : i32 to vector<16xi32>
        %ge3A_362 = arith.cmpi sge, %add3A_360, %ge3A_361 : vector<16xi32>
        tpu.vector_store_idx %arg9[%add3A_343, %add3A_358], %broadcast_in_dim3A_2 masked %ge3A_362 : memref<64x128xi32, #tpu.memory_space<vmem>>[vector<16xi32>, vector<16xi32>], vector<16xi32>, vector<16xi1>
        tpu.vector_store_idx %arg10[%add3A_343, %add3A_358], %add3A_348 masked %ge3A_362 : memref<64x128xi32, #tpu.memory_space<vmem>>[vector<16xi32>, vector<16xi32>], vector<16xi32>, vector<16xi1>
        %add3A_363 = arith.constant 32 : i32
        %add3A_364 = vector.broadcast %add3A_363 : i32 to vector<16xi32>
        %add3A_365 = arith.addi %iota3A, %add3A_364 : vector<16xi32>
        %add3A_366 = vector.broadcast %shift_left3A_345 : i32 to vector<16xi32>
        %add3A_367 = arith.addi %add3A_366, %add3A_365 : vector<16xi32>
        %ge3A_368 = vector.broadcast %scan3A_144 : i32 to vector<16xi32>
        %ge3A_369 = arith.cmpi sge, %add3A_367, %ge3A_368 : vector<16xi32>
        tpu.vector_store_idx %arg9[%add3A_343, %add3A_365], %broadcast_in_dim3A_2 masked %ge3A_369 : memref<64x128xi32, #tpu.memory_space<vmem>>[vector<16xi32>, vector<16xi32>], vector<16xi32>, vector<16xi1>
        tpu.vector_store_idx %arg10[%add3A_343, %add3A_365], %add3A_348 masked %ge3A_369 : memref<64x128xi32, #tpu.memory_space<vmem>>[vector<16xi32>, vector<16xi32>], vector<16xi32>, vector<16xi1>
        %add3A_370 = arith.constant 48 : i32
        %add3A_371 = vector.broadcast %add3A_370 : i32 to vector<16xi32>
        %add3A_372 = arith.addi %iota3A, %add3A_371 : vector<16xi32>
        %add3A_373 = vector.broadcast %shift_left3A_345 : i32 to vector<16xi32>
        %add3A_374 = arith.addi %add3A_373, %add3A_372 : vector<16xi32>
        %ge3A_375 = vector.broadcast %scan3A_144 : i32 to vector<16xi32>
        %ge3A_376 = arith.cmpi sge, %add3A_374, %ge3A_375 : vector<16xi32>
        tpu.vector_store_idx %arg9[%add3A_343, %add3A_372], %broadcast_in_dim3A_2 masked %ge3A_376 : memref<64x128xi32, #tpu.memory_space<vmem>>[vector<16xi32>, vector<16xi32>], vector<16xi32>, vector<16xi1>
        tpu.vector_store_idx %arg10[%add3A_343, %add3A_372], %add3A_348 masked %ge3A_376 : memref<64x128xi32, #tpu.memory_space<vmem>>[vector<16xi32>, vector<16xi32>], vector<16xi32>, vector<16xi1>
        %add3A_377 = arith.constant 64 : i32
        %add3A_378 = vector.broadcast %add3A_377 : i32 to vector<16xi32>
        %add3A_379 = arith.addi %iota3A, %add3A_378 : vector<16xi32>
        %add3A_380 = vector.broadcast %shift_left3A_345 : i32 to vector<16xi32>
        %add3A_381 = arith.addi %add3A_380, %add3A_379 : vector<16xi32>
        %ge3A_382 = vector.broadcast %scan3A_144 : i32 to vector<16xi32>
        %ge3A_383 = arith.cmpi sge, %add3A_381, %ge3A_382 : vector<16xi32>
        tpu.vector_store_idx %arg9[%add3A_343, %add3A_379], %broadcast_in_dim3A_2 masked %ge3A_383 : memref<64x128xi32, #tpu.memory_space<vmem>>[vector<16xi32>, vector<16xi32>], vector<16xi32>, vector<16xi1>
        tpu.vector_store_idx %arg10[%add3A_343, %add3A_379], %add3A_348 masked %ge3A_383 : memref<64x128xi32, #tpu.memory_space<vmem>>[vector<16xi32>, vector<16xi32>], vector<16xi32>, vector<16xi1>
        %add3A_384 = arith.constant 80 : i32
        %add3A_385 = vector.broadcast %add3A_384 : i32 to vector<16xi32>
        %add3A_386 = arith.addi %iota3A, %add3A_385 : vector<16xi32>
        %add3A_387 = vector.broadcast %shift_left3A_345 : i32 to vector<16xi32>
        %add3A_388 = arith.addi %add3A_387, %add3A_386 : vector<16xi32>
        %ge3A_389 = vector.broadcast %scan3A_144 : i32 to vector<16xi32>
        %ge3A_390 = arith.cmpi sge, %add3A_388, %ge3A_389 : vector<16xi32>
        tpu.vector_store_idx %arg9[%add3A_343, %add3A_386], %broadcast_in_dim3A_2 masked %ge3A_390 : memref<64x128xi32, #tpu.memory_space<vmem>>[vector<16xi32>, vector<16xi32>], vector<16xi32>, vector<16xi1>
        tpu.vector_store_idx %arg10[%add3A_343, %add3A_386], %add3A_348 masked %ge3A_390 : memref<64x128xi32, #tpu.memory_space<vmem>>[vector<16xi32>, vector<16xi32>], vector<16xi32>, vector<16xi1>
        %add3A_391 = arith.constant 96 : i32
        %add3A_392 = vector.broadcast %add3A_391 : i32 to vector<16xi32>
        %add3A_393 = arith.addi %iota3A, %add3A_392 : vector<16xi32>
        %add3A_394 = vector.broadcast %shift_left3A_345 : i32 to vector<16xi32>
        %add3A_395 = arith.addi %add3A_394, %add3A_393 : vector<16xi32>
        %ge3A_396 = vector.broadcast %scan3A_144 : i32 to vector<16xi32>
        %ge3A_397 = arith.cmpi sge, %add3A_395, %ge3A_396 : vector<16xi32>
        tpu.vector_store_idx %arg9[%add3A_343, %add3A_393], %broadcast_in_dim3A_2 masked %ge3A_397 : memref<64x128xi32, #tpu.memory_space<vmem>>[vector<16xi32>, vector<16xi32>], vector<16xi32>, vector<16xi1>
        tpu.vector_store_idx %arg10[%add3A_343, %add3A_393], %add3A_348 masked %ge3A_397 : memref<64x128xi32, #tpu.memory_space<vmem>>[vector<16xi32>, vector<16xi32>], vector<16xi32>, vector<16xi1>
        %add3A_398 = arith.constant 112 : i32
        %add3A_399 = vector.broadcast %add3A_398 : i32 to vector<16xi32>
        %add3A_400 = arith.addi %iota3A, %add3A_399 : vector<16xi32>
        %add3A_401 = vector.broadcast %shift_left3A_345 : i32 to vector<16xi32>
        %add3A_402 = arith.addi %add3A_401, %add3A_400 : vector<16xi32>
        %ge3A_403 = vector.broadcast %scan3A_144 : i32 to vector<16xi32>
        %ge3A_404 = arith.cmpi sge, %add3A_402, %ge3A_403 : vector<16xi32>
        tpu.vector_store_idx %arg9[%add3A_343, %add3A_400], %broadcast_in_dim3A_2 masked %ge3A_404 : memref<64x128xi32, #tpu.memory_space<vmem>>[vector<16xi32>, vector<16xi32>], vector<16xi32>, vector<16xi1>
        tpu.vector_store_idx %arg10[%add3A_343, %add3A_400], %add3A_348 masked %ge3A_404 : memref<64x128xi32, #tpu.memory_space<vmem>>[vector<16xi32>, vector<16xi32>], vector<16xi32>, vector<16xi1>
        %add3A_405 = arith.constant 127 : i32
        %add3A_406 = arith.addi %scan3A_144, %add3A_405 : i32
        %shift_right_arithmetic3A_407 = arith.constant 7 : i32
        %shift_right_arithmetic3A_408 = arith.shrsi %add3A_406, %shift_right_arithmetic3A_407 : i32
        %while3A_409 = arith.constant 0 : i32
        %while3A_410 = arith.constant 0 : i32
        %while3A_411 = arith.subi %shift_right_arithmetic3A_408, %while3A_410 : i32
        %while3A_412 = arith.addi %while3A_410, %while3A_411 : i32
        %while3A_413 = arith.constant 1 : i32
        %while3A_414 = arith.divsi %while3A_411, %while3A_413 : i32
        %while3A_415 = arith.muli %while3A_414, %while3A_413 : i32
        %while3A_416 = arith.addi %while3A_410, %while3A_415 : i32
        %while3A_417 = arith.constant 1 : i32
        scf.for %while3A_419 = %while3A_410 to %while3A_416 step %while3A_417  : i32 {
          %dma_start3A = arith.constant 0 : i32
          %dma_start3A_420 = tpu.memref_slice %arg9[%while3A_419, %dma_start3A] : memref<64x128xi32, #tpu.memory_space<vmem>> -> memref<1x128xi32, #tpu.memory_space<vmem>>
          %dma_start3A_421 = tpu.memref_squeeze %dma_start3A_420 : memref<1x128xi32, #tpu.memory_space<vmem>> -> memref<128xi32, #tpu.memory_space<vmem>>
          %dma_start3A_422 = arith.constant 0 : i32
          %dma_start3A_423 = arith.constant 0 : i32
          %dma_start3A_424 = tpu.memref_slice %arg2[%dma_start3A_422, %dma_start3A_423] : memref<100000x128xf32, #tpu.memory_space<hbm>> -> memref<100000x128xf32, #tpu.memory_space<hbm>>
          tpu.enqueue_indirect_dma source(%dma_start3A_424 : memref<100000x128xf32, #tpu.memory_space<hbm>>) target(%arg11 : memref<128x128xf32, #tpu.memory_space<vmem>>) offsets(%dma_start3A_421 : memref<128xi32, #tpu.memory_space<vmem>>) semaphore(%arg16 : memref<!tpu.dma_semaphore, #tpu.memory_space<semaphore_mem>>)
          %dma_wait3A = arith.constant 0 : i32
          %dma_wait3A_425 = tpu.memref_slice %arg9[%while3A_419, %dma_wait3A] : memref<64x128xi32, #tpu.memory_space<vmem>> -> memref<1x128xi32, #tpu.memory_space<vmem>>
          %dma_wait3A_426 = tpu.memref_squeeze %dma_wait3A_425 : memref<1x128xi32, #tpu.memory_space<vmem>> -> memref<128xi32, #tpu.memory_space<vmem>>
          %dma_wait3A_427 = arith.constant 0 : i32
          %dma_wait3A_428 = arith.constant 0 : i32
          %dma_wait3A_429 = tpu.memref_slice %arg2[%dma_wait3A_427, %dma_wait3A_428] : memref<100000x128xf32, #tpu.memory_space<hbm>> -> memref<100000x128xf32, #tpu.memory_space<hbm>>
          tpu.wait_indirect_dma semaphore(%arg16 : memref<!tpu.dma_semaphore, #tpu.memory_space<semaphore_mem>>) src(%dma_wait3A_429 : memref<100000x128xf32, #tpu.memory_space<hbm>>) dst(%arg11 : memref<128x128xf32, #tpu.memory_space<vmem>>)
          "tpu.region"() ({
            %run_scoped3A_430 = tpu.sem_alloc : memref<!tpu.dma_semaphore, #tpu.memory_space<semaphore_mem>>
            %dma_start3A_431 = arith.constant 0 : i32
            %dma_start3A_432 = tpu.memref_slice %arg10[%while3A_419, %dma_start3A_431] : memref<64x128xi32, #tpu.memory_space<vmem>> -> memref<1x128xi32, #tpu.memory_space<vmem>>
            %dma_start3A_433 = tpu.memref_squeeze %dma_start3A_432 : memref<1x128xi32, #tpu.memory_space<vmem>> -> memref<128xi32, #tpu.memory_space<vmem>>
            %dma_start3A_434 = arith.constant 0 : i32
            %dma_start3A_435 = arith.constant 0 : i32
            %dma_start3A_436 = tpu.memref_slice %arg14[%dma_start3A_434, %dma_start3A_435] : memref<7184x128xf32, #tpu.memory_space<vmem_shared>> -> memref<7184x128xf32, #tpu.memory_space<vmem_shared>>
            tpu.enqueue_indirect_dma source(%arg11 : memref<128x128xf32, #tpu.memory_space<vmem>>) target(%dma_start3A_436 : memref<7184x128xf32, #tpu.memory_space<vmem_shared>>) offsets(%dma_start3A_433 : memref<128xi32, #tpu.memory_space<vmem>>) semaphore(%run_scoped3A_430 : memref<!tpu.dma_semaphore, #tpu.memory_space<semaphore_mem>>) {add = true}
            %dma_wait3A_437 = arith.constant 0 : i32
            %dma_wait3A_438 = tpu.memref_slice %arg10[%while3A_419, %dma_wait3A_437] : memref<64x128xi32, #tpu.memory_space<vmem>> -> memref<1x128xi32, #tpu.memory_space<vmem>>
            %dma_wait3A_439 = tpu.memref_squeeze %dma_wait3A_438 : memref<1x128xi32, #tpu.memory_space<vmem>> -> memref<128xi32, #tpu.memory_space<vmem>>
            %dma_wait3A_440 = arith.constant 0 : i32
            %dma_wait3A_441 = arith.constant 0 : i32
            %dma_wait3A_442 = tpu.memref_slice %arg14[%dma_wait3A_440, %dma_wait3A_441] : memref<7184x128xf32, #tpu.memory_space<vmem_shared>> -> memref<7184x128xf32, #tpu.memory_space<vmem_shared>>
            tpu.wait_indirect_dma semaphore(%run_scoped3A_430 : memref<!tpu.dma_semaphore, #tpu.memory_space<semaphore_mem>>) src(%arg11 : memref<128x128xf32, #tpu.memory_space<vmem>>) dst(%dma_wait3A_442 : memref<7184x128xf32, #tpu.memory_space<vmem_shared>>)
            tpu.yield
          }) : () -> ()
        }
        %while3A_418 = arith.constant 1 : i32
        scf.for %while3A_419 = %while3A_416 to %while3A_412 step %while3A_418  : i32 {
          %dma_start3A = arith.constant 0 : i32
          %dma_start3A_420 = tpu.memref_slice %arg9[%while3A_419, %dma_start3A] : memref<64x128xi32, #tpu.memory_space<vmem>> -> memref<1x128xi32, #tpu.memory_space<vmem>>
          %dma_start3A_421 = tpu.memref_squeeze %dma_start3A_420 : memref<1x128xi32, #tpu.memory_space<vmem>> -> memref<128xi32, #tpu.memory_space<vmem>>
          %dma_start3A_422 = arith.constant 0 : i32
          %dma_start3A_423 = arith.constant 0 : i32
          %dma_start3A_424 = tpu.memref_slice %arg2[%dma_start3A_422, %dma_start3A_423] : memref<100000x128xf32, #tpu.memory_space<hbm>> -> memref<100000x128xf32, #tpu.memory_space<hbm>>
          tpu.enqueue_indirect_dma source(%dma_start3A_424 : memref<100000x128xf32, #tpu.memory_space<hbm>>) target(%arg11 : memref<128x128xf32, #tpu.memory_space<vmem>>) offsets(%dma_start3A_421 : memref<128xi32, #tpu.memory_space<vmem>>) semaphore(%arg16 : memref<!tpu.dma_semaphore, #tpu.memory_space<semaphore_mem>>)
          %dma_wait3A = arith.constant 0 : i32
          %dma_wait3A_425 = tpu.memref_slice %arg9[%while3A_419, %dma_wait3A] : memref<64x128xi32, #tpu.memory_space<vmem>> -> memref<1x128xi32, #tpu.memory_space<vmem>>
          %dma_wait3A_426 = tpu.memref_squeeze %dma_wait3A_425 : memref<1x128xi32, #tpu.memory_space<vmem>> -> memref<128xi32, #tpu.memory_space<vmem>>
          %dma_wait3A_427 = arith.constant 0 : i32
          %dma_wait3A_428 = arith.constant 0 : i32
          %dma_wait3A_429 = tpu.memref_slice %arg2[%dma_wait3A_427, %dma_wait3A_428] : memref<100000x128xf32, #tpu.memory_space<hbm>> -> memref<100000x128xf32, #tpu.memory_space<hbm>>
          tpu.wait_indirect_dma semaphore(%arg16 : memref<!tpu.dma_semaphore, #tpu.memory_space<semaphore_mem>>) src(%dma_wait3A_429 : memref<100000x128xf32, #tpu.memory_space<hbm>>) dst(%arg11 : memref<128x128xf32, #tpu.memory_space<vmem>>)
          "tpu.region"() ({
            %run_scoped3A_430 = tpu.sem_alloc : memref<!tpu.dma_semaphore, #tpu.memory_space<semaphore_mem>>
            %dma_start3A_431 = arith.constant 0 : i32
            %dma_start3A_432 = tpu.memref_slice %arg10[%while3A_419, %dma_start3A_431] : memref<64x128xi32, #tpu.memory_space<vmem>> -> memref<1x128xi32, #tpu.memory_space<vmem>>
            %dma_start3A_433 = tpu.memref_squeeze %dma_start3A_432 : memref<1x128xi32, #tpu.memory_space<vmem>> -> memref<128xi32, #tpu.memory_space<vmem>>
            %dma_start3A_434 = arith.constant 0 : i32
            %dma_start3A_435 = arith.constant 0 : i32
            %dma_start3A_436 = tpu.memref_slice %arg14[%dma_start3A_434, %dma_start3A_435] : memref<7184x128xf32, #tpu.memory_space<vmem_shared>> -> memref<7184x128xf32, #tpu.memory_space<vmem_shared>>
            tpu.enqueue_indirect_dma source(%arg11 : memref<128x128xf32, #tpu.memory_space<vmem>>) target(%dma_start3A_436 : memref<7184x128xf32, #tpu.memory_space<vmem_shared>>) offsets(%dma_start3A_433 : memref<128xi32, #tpu.memory_space<vmem>>) semaphore(%run_scoped3A_430 : memref<!tpu.dma_semaphore, #tpu.memory_space<semaphore_mem>>) {add = true}
            %dma_wait3A_437 = arith.constant 0 : i32
            %dma_wait3A_438 = tpu.memref_slice %arg10[%while3A_419, %dma_wait3A_437] : memref<64x128xi32, #tpu.memory_space<vmem>> -> memref<1x128xi32, #tpu.memory_space<vmem>>
            %dma_wait3A_439 = tpu.memref_squeeze %dma_wait3A_438 : memref<1x128xi32, #tpu.memory_space<vmem>> -> memref<128xi32, #tpu.memory_space<vmem>>
            %dma_wait3A_440 = arith.constant 0 : i32
            %dma_wait3A_441 = arith.constant 0 : i32
            %dma_wait3A_442 = tpu.memref_slice %arg14[%dma_wait3A_440, %dma_wait3A_441] : memref<7184x128xf32, #tpu.memory_space<vmem_shared>> -> memref<7184x128xf32, #tpu.memory_space<vmem_shared>>
            tpu.wait_indirect_dma semaphore(%run_scoped3A_430 : memref<!tpu.dma_semaphore, #tpu.memory_space<semaphore_mem>>) src(%arg11 : memref<128x128xf32, #tpu.memory_space<vmem>>) dst(%dma_wait3A_442 : memref<7184x128xf32, #tpu.memory_space<vmem_shared>>)
            tpu.yield
          }) : () -> ()
        }
      } else {
      }
      %jit3A_151 = arith.constant 0 : i32
      %select_n3A_152 = arith.select %gt3A_147, %jit3A_151, %scan3A_144 : i32
      %add3A_153 = arith.constant 16 : i32
      %add3A_154 = arith.addi %arg1, %add3A_153 : i32
      %mul3A_155 = arith.constant 18752 : i32
      %mul3A_156 = arith.muli %add3A_154, %mul3A_155 : i32
      %add3A_157 = arith.constant 0 : i32
      %add3A_158 = arith.addi %mul3A_156, %add3A_157 : i32
      "tpu.region"() ({
        %run_scoped3A_340 = tpu.sem_alloc : memref<!tpu.dma_semaphore, #tpu.memory_space<semaphore_mem>>
        %dma_start3A = arith.constant 0 : i32
        %dma_start3A_341 = tpu.memref_slice %arg7[%dma_start3A] : memref<4096xi32, #tpu.memory_space<vmem>> -> memref<4096xi32, #tpu.memory_space<vmem>>
        %dma_start3A_342 = tpu.memref_slice %arg3[%add3A_158] : memref<600064xi32, #tpu.memory_space<hbm>> -> memref<4096xi32, #tpu.memory_space<hbm>>
        %dma_start3A_343 = arith.constant 0 : i32
        %dma_start3A_344 = tpu.memref_slice %arg7[%dma_start3A_343] : memref<4096xi32, #tpu.memory_space<vmem>> -> memref<4096xi32, #tpu.memory_space<vmem>>
        %dma_start3A_345 = tpu.memref_slice %arg3[%add3A_158] : memref<600064xi32, #tpu.memory_space<hbm>> -> memref<4096xi32, #tpu.memory_space<hbm>>
        tpu.enqueue_dma source(%dma_start3A_345 : memref<4096xi32, #tpu.memory_space<hbm>>) target(%dma_start3A_344 : memref<4096xi32, #tpu.memory_space<vmem>>) target_semaphore(%run_scoped3A_340 : memref<!tpu.dma_semaphore, #tpu.memory_space<semaphore_mem>>)
        %dma_wait3A = arith.constant 0 : i32
        %dma_wait3A_346 = tpu.memref_slice %arg7[%dma_wait3A] : memref<4096xi32, #tpu.memory_space<vmem>> -> memref<4096xi32, #tpu.memory_space<vmem>>
        %dma_wait3A_347 = tpu.memref_slice %arg3[%add3A_158] : memref<600064xi32, #tpu.memory_space<hbm>> -> memref<4096xi32, #tpu.memory_space<hbm>>
        %dma_wait3A_348 = arith.constant 0 : i32
        %dma_wait3A_349 = tpu.memref_slice %arg7[%dma_wait3A_348] : memref<4096xi32, #tpu.memory_space<vmem>> -> memref<4096xi32, #tpu.memory_space<vmem>>
        %dma_wait3A_350 = tpu.memref_slice %arg3[%add3A_158] : memref<600064xi32, #tpu.memory_space<hbm>> -> memref<4096xi32, #tpu.memory_space<hbm>>
        tpu.wait_dma2 semaphore(%run_scoped3A_340 : memref<!tpu.dma_semaphore, #tpu.memory_space<semaphore_mem>>) src(%dma_wait3A_350 : memref<4096xi32, #tpu.memory_space<hbm>>) dst(%dma_wait3A_349 : memref<4096xi32, #tpu.memory_space<vmem>>)
        tpu.yield
      }) : () -> ()
      %add3A_159 = arith.constant 0 : i32
      %add3A_160 = arith.addi %mul3A_156, %add3A_159 : i32
      "tpu.region"() ({
        %run_scoped3A_340 = tpu.sem_alloc : memref<!tpu.dma_semaphore, #tpu.memory_space<semaphore_mem>>
        %dma_start3A = arith.constant 0 : i32
        %dma_start3A_341 = tpu.memref_slice %arg8[%dma_start3A] : memref<4096xi32, #tpu.memory_space<vmem>> -> memref<4096xi32, #tpu.memory_space<vmem>>
        %dma_start3A_342 = tpu.memref_slice %arg4[%add3A_160] : memref<600064xi32, #tpu.memory_space<hbm>> -> memref<4096xi32, #tpu.memory_space<hbm>>
        %dma_start3A_343 = arith.constant 0 : i32
        %dma_start3A_344 = tpu.memref_slice %arg8[%dma_start3A_343] : memref<4096xi32, #tpu.memory_space<vmem>> -> memref<4096xi32, #tpu.memory_space<vmem>>
        %dma_start3A_345 = tpu.memref_slice %arg4[%add3A_160] : memref<600064xi32, #tpu.memory_space<hbm>> -> memref<4096xi32, #tpu.memory_space<hbm>>
        tpu.enqueue_dma source(%dma_start3A_345 : memref<4096xi32, #tpu.memory_space<hbm>>) target(%dma_start3A_344 : memref<4096xi32, #tpu.memory_space<vmem>>) target_semaphore(%run_scoped3A_340 : memref<!tpu.dma_semaphore, #tpu.memory_space<semaphore_mem>>)
        %dma_wait3A = arith.constant 0 : i32
        %dma_wait3A_346 = tpu.memref_slice %arg8[%dma_wait3A] : memref<4096xi32, #tpu.memory_space<vmem>> -> memref<4096xi32, #tpu.memory_space<vmem>>
        %dma_wait3A_347 = tpu.memref_slice %arg4[%add3A_160] : memref<600064xi32, #tpu.memory_space<hbm>> -> memref<4096xi32, #tpu.memory_space<hbm>>
        %dma_wait3A_348 = arith.constant 0 : i32
        %dma_wait3A_349 = tpu.memref_slice %arg8[%dma_wait3A_348] : memref<4096xi32, #tpu.memory_space<vmem>> -> memref<4096xi32, #tpu.memory_space<vmem>>
        %dma_wait3A_350 = tpu.memref_slice %arg4[%add3A_160] : memref<600064xi32, #tpu.memory_space<hbm>> -> memref<4096xi32, #tpu.memory_space<hbm>>
        tpu.wait_dma2 semaphore(%run_scoped3A_340 : memref<!tpu.dma_semaphore, #tpu.memory_space<semaphore_mem>>) src(%dma_wait3A_350 : memref<4096xi32, #tpu.memory_space<hbm>>) dst(%dma_wait3A_349 : memref<4096xi32, #tpu.memory_space<vmem>>)
        tpu.yield
      }) : () -> ()
      %scan3A_161 = arith.constant 0 : i32
      %scan3A_162 = arith.constant 256 : i32
      %scan3A_163 = arith.addi %scan3A_161, %scan3A_162 : i32
      %scan3A_164 = arith.constant 1 : i32
      %scan3A_165 = scf.for %scan3A_340 = %scan3A_161 to %scan3A_163 step %scan3A_164 iter_args(%scan3A_341 = %select_n3A_152) -> (i32)  : i32 {
        %mul3A_342 = arith.constant 16 : i32
        %mul3A_343 = arith.muli %scan3A_340, %mul3A_342 : i32
        %get3A = arith.index_cast %mul3A_343 : i32 to index
        %get3A_344 = tpu.vector_load %arg7[%get3A] {strides = array<i32>} : memref<4096xi32, #tpu.memory_space<vmem>>, vector<16xi32>,
        %mul3A_345 = arith.constant 16 : i32
        %mul3A_346 = arith.muli %scan3A_340, %mul3A_345 : i32
        %get3A_347 = arith.index_cast %mul3A_346 : i32 to index
        %get3A_348 = tpu.vector_load %arg8[%get3A_347] {strides = array<i32>} : memref<4096xi32, #tpu.memory_space<vmem>>, vector<16xi32>,
        %ge3A_349 = vector.broadcast %mul3A_38 : i32 to vector<16xi32>
        %ge3A_350 = arith.cmpi sge, %get3A_348, %ge3A_349 : vector<16xi32>
        %add3A_351 = arith.constant 7168 : i32
        %add3A_352 = arith.addi %mul3A_38, %add3A_351 : i32
        %lt3A_353 = vector.broadcast %add3A_352 : i32 to vector<16xi32>
        %lt3A_354 = arith.cmpi slt, %get3A_348, %lt3A_353 : vector<16xi32>
        %and3A = arith.andi %ge3A_350, %lt3A_354 : vector<16xi1>
        %jit3A_355 = arith.constant 1 : i32
        %jit3A_356 = arith.constant 0 : i32
        %broadcast_in_dim3A_357 = vector.broadcast %jit3A_355 : i32 to vector<16xi32>
        %broadcast_in_dim3A_358 = vector.broadcast %jit3A_356 : i32 to vector<16xi32>
        %select_n3A_359 = arith.select %and3A, %broadcast_in_dim3A_357, %broadcast_in_dim3A_358 : vector<16xi1>, vector<16xi32>
        %broadcast_in_dim3A_360 = arith.constant true
        %broadcast_in_dim3A_361 = vector.broadcast %broadcast_in_dim3A_360 : i1 to vector<16xi1>
        %masked_cumsum3A = tpu.scan <sum>, %select_n3A_359 masked %broadcast_in_dim3A_361 : vector<16xi32>, vector<16xi1> -> vector<16xi32>
        %sub3A = arith.subi %masked_cumsum3A, %select_n3A_359 : vector<16xi32>
        %add3A_362 = vector.broadcast %scan3A_341 : i32 to vector<16xi32>
        %add3A_363 = arith.addi %sub3A, %add3A_362 : vector<16xi32>
        %sub3A_364 = vector.broadcast %mul3A_38 : i32 to vector<16xi32>
        %sub3A_365 = arith.subi %get3A_348, %sub3A_364 : vector<16xi32>
        %shift_right_arithmetic3A_366 = arith.constant 7 : i32
        %shift_right_arithmetic3A_367 = vector.broadcast %shift_right_arithmetic3A_366 : i32 to vector<16xi32>
        %shift_right_arithmetic3A_368 = arith.shrsi %add3A_363, %shift_right_arithmetic3A_367 : vector<16xi32>
        %and3A_369 = arith.constant 127 : i32
        %and3A_370 = vector.broadcast %and3A_369 : i32 to vector<16xi32>
        %and3A_371 = arith.andi %add3A_363, %and3A_370 : vector<16xi32>
        tpu.vector_store_idx %arg9[%shift_right_arithmetic3A_368, %and3A_371], %get3A_344 masked %and3A : memref<64x128xi32, #tpu.memory_space<vmem>>[vector<16xi32>, vector<16xi32>], vector<16xi32>, vector<16xi1>
        %shift_right_arithmetic3A_372 = arith.constant 7 : i32
        %shift_right_arithmetic3A_373 = vector.broadcast %shift_right_arithmetic3A_372 : i32 to vector<16xi32>
        %shift_right_arithmetic3A_374 = arith.shrsi %add3A_363, %shift_right_arithmetic3A_373 : vector<16xi32>
        %and3A_375 = arith.constant 127 : i32
        %and3A_376 = vector.broadcast %and3A_375 : i32 to vector<16xi32>
        %and3A_377 = arith.andi %add3A_363, %and3A_376 : vector<16xi32>
        tpu.vector_store_idx %arg10[%shift_right_arithmetic3A_374, %and3A_377], %sub3A_365 masked %and3A : memref<64x128xi32, #tpu.memory_space<vmem>>[vector<16xi32>, vector<16xi32>], vector<16xi32>, vector<16xi1>
        %shift_right_arithmetic3A_378 = arith.constant 7 : i32
        %shift_right_arithmetic3A_379 = vector.broadcast %shift_right_arithmetic3A_378 : i32 to vector<16xi32>
        %shift_right_arithmetic3A_380 = arith.shrsi %sub3A_365, %shift_right_arithmetic3A_379 : vector<16xi32>
        %and3A_381 = arith.constant 127 : i32
        %and3A_382 = vector.broadcast %and3A_381 : i32 to vector<16xi32>
        %and3A_383 = arith.andi %sub3A_365, %and3A_382 : vector<16xi32>
        tpu.vector_store_idx %arg12[%shift_right_arithmetic3A_380, %and3A_383], %add3A_65 masked %and3A {add = true} : memref<56x128xf32, #tpu.memory_space<vmem>>[vector<16xi32>, vector<16xi32>], vector<16xf32>, vector<16xi1>
        %reduce_max3A = arith.constant true
        %reduce_max3A_384 = vector.broadcast %reduce_max3A : i1 to vector<16xi1>
        %reduce_max3A_385 = arith.constant -2147483648 : i32
        %reduce_max3A_386 = vector.broadcast %reduce_max3A_385 : i32 to vector<16xi32>
        %reduce_max3A_387 = arith.xori %masked_cumsum3A, %reduce_max3A_386 : vector<16xi32>
        %reduce_max3A_388 = tpu.scan <max>, %reduce_max3A_387 masked %reduce_max3A_384 : vector<16xi32>, vector<16xi1> -> vector<16xi32>
        %reduce_max3A_389 = arith.xori %reduce_max3A_388, %reduce_max3A_386 : vector<16xi32>
        %reduce_max3A_390 = vector.extract %reduce_max3A_389[15] : i32 from vector<16xi32>
        %add3A_391 = arith.addi %scan3A_341, %reduce_max3A_390 : i32
        scf.yield %add3A_391 : i32
      }
      %scan3A_166 = arith.constant 256 : i32
      %gt3A_167 = arith.constant 4096 : i32
      %gt3A_168 = arith.cmpi sgt, %scan3A_165, %gt3A_167 : i32
      %convert_element_type3A_169 = arith.extui %gt3A_168 : i1 to i32
      %cond3A_170 = arith.constant 0 : i32
      %cond3A_171 = arith.cmpi ne, %convert_element_type3A_169, %cond3A_170 : i32
      scf.if %cond3A_171 {
        %shift_right_arithmetic3A_340 = arith.constant 7 : i32
        %shift_right_arithmetic3A_341 = arith.shrsi %scan3A_165, %shift_right_arithmetic3A_340 : i32
        %add3A_342 = vector.broadcast %shift_right_arithmetic3A_341 : i32 to vector<16xi32>
        %add3A_343 = arith.addi %broadcast_in_dim3A_2, %add3A_342 : vector<16xi32>
        %shift_left3A_344 = arith.constant 7 : i32
        %shift_left3A_345 = arith.shli %shift_right_arithmetic3A_341, %shift_left3A_344 : i32
        %add3A_346 = arith.constant 7168 : i32
        %add3A_347 = vector.broadcast %add3A_346 : i32 to vector<16xi32>
        %add3A_348 = arith.addi %broadcast_in_dim3A_2, %add3A_347 : vector<16xi32>
        %add3A_349 = arith.constant 0 : i32
        %add3A_350 = vector.broadcast %add3A_349 : i32 to vector<16xi32>
        %add3A_351 = arith.addi %iota3A, %add3A_350 : vector<16xi32>
        %add3A_352 = vector.broadcast %shift_left3A_345 : i32 to vector<16xi32>
        %add3A_353 = arith.addi %add3A_352, %add3A_351 : vector<16xi32>
        %ge3A_354 = vector.broadcast %scan3A_165 : i32 to vector<16xi32>
        %ge3A_355 = arith.cmpi sge, %add3A_353, %ge3A_354 : vector<16xi32>
        tpu.vector_store_idx %arg9[%add3A_343, %add3A_351], %broadcast_in_dim3A_2 masked %ge3A_355 : memref<64x128xi32, #tpu.memory_space<vmem>>[vector<16xi32>, vector<16xi32>], vector<16xi32>, vector<16xi1>
        tpu.vector_store_idx %arg10[%add3A_343, %add3A_351], %add3A_348 masked %ge3A_355 : memref<64x128xi32, #tpu.memory_space<vmem>>[vector<16xi32>, vector<16xi32>], vector<16xi32>, vector<16xi1>
        %add3A_356 = arith.constant 16 : i32
        %add3A_357 = vector.broadcast %add3A_356 : i32 to vector<16xi32>
        %add3A_358 = arith.addi %iota3A, %add3A_357 : vector<16xi32>
        %add3A_359 = vector.broadcast %shift_left3A_345 : i32 to vector<16xi32>
        %add3A_360 = arith.addi %add3A_359, %add3A_358 : vector<16xi32>
        %ge3A_361 = vector.broadcast %scan3A_165 : i32 to vector<16xi32>
        %ge3A_362 = arith.cmpi sge, %add3A_360, %ge3A_361 : vector<16xi32>
        tpu.vector_store_idx %arg9[%add3A_343, %add3A_358], %broadcast_in_dim3A_2 masked %ge3A_362 : memref<64x128xi32, #tpu.memory_space<vmem>>[vector<16xi32>, vector<16xi32>], vector<16xi32>, vector<16xi1>
        tpu.vector_store_idx %arg10[%add3A_343, %add3A_358], %add3A_348 masked %ge3A_362 : memref<64x128xi32, #tpu.memory_space<vmem>>[vector<16xi32>, vector<16xi32>], vector<16xi32>, vector<16xi1>
        %add3A_363 = arith.constant 32 : i32
        %add3A_364 = vector.broadcast %add3A_363 : i32 to vector<16xi32>
        %add3A_365 = arith.addi %iota3A, %add3A_364 : vector<16xi32>
        %add3A_366 = vector.broadcast %shift_left3A_345 : i32 to vector<16xi32>
        %add3A_367 = arith.addi %add3A_366, %add3A_365 : vector<16xi32>
        %ge3A_368 = vector.broadcast %scan3A_165 : i32 to vector<16xi32>
        %ge3A_369 = arith.cmpi sge, %add3A_367, %ge3A_368 : vector<16xi32>
        tpu.vector_store_idx %arg9[%add3A_343, %add3A_365], %broadcast_in_dim3A_2 masked %ge3A_369 : memref<64x128xi32, #tpu.memory_space<vmem>>[vector<16xi32>, vector<16xi32>], vector<16xi32>, vector<16xi1>
        tpu.vector_store_idx %arg10[%add3A_343, %add3A_365], %add3A_348 masked %ge3A_369 : memref<64x128xi32, #tpu.memory_space<vmem>>[vector<16xi32>, vector<16xi32>], vector<16xi32>, vector<16xi1>
        %add3A_370 = arith.constant 48 : i32
        %add3A_371 = vector.broadcast %add3A_370 : i32 to vector<16xi32>
        %add3A_372 = arith.addi %iota3A, %add3A_371 : vector<16xi32>
        %add3A_373 = vector.broadcast %shift_left3A_345 : i32 to vector<16xi32>
        %add3A_374 = arith.addi %add3A_373, %add3A_372 : vector<16xi32>
        %ge3A_375 = vector.broadcast %scan3A_165 : i32 to vector<16xi32>
        %ge3A_376 = arith.cmpi sge, %add3A_374, %ge3A_375 : vector<16xi32>
        tpu.vector_store_idx %arg9[%add3A_343, %add3A_372], %broadcast_in_dim3A_2 masked %ge3A_376 : memref<64x128xi32, #tpu.memory_space<vmem>>[vector<16xi32>, vector<16xi32>], vector<16xi32>, vector<16xi1>
        tpu.vector_store_idx %arg10[%add3A_343, %add3A_372], %add3A_348 masked %ge3A_376 : memref<64x128xi32, #tpu.memory_space<vmem>>[vector<16xi32>, vector<16xi32>], vector<16xi32>, vector<16xi1>
        %add3A_377 = arith.constant 64 : i32
        %add3A_378 = vector.broadcast %add3A_377 : i32 to vector<16xi32>
        %add3A_379 = arith.addi %iota3A, %add3A_378 : vector<16xi32>
        %add3A_380 = vector.broadcast %shift_left3A_345 : i32 to vector<16xi32>
        %add3A_381 = arith.addi %add3A_380, %add3A_379 : vector<16xi32>
        %ge3A_382 = vector.broadcast %scan3A_165 : i32 to vector<16xi32>
        %ge3A_383 = arith.cmpi sge, %add3A_381, %ge3A_382 : vector<16xi32>
        tpu.vector_store_idx %arg9[%add3A_343, %add3A_379], %broadcast_in_dim3A_2 masked %ge3A_383 : memref<64x128xi32, #tpu.memory_space<vmem>>[vector<16xi32>, vector<16xi32>], vector<16xi32>, vector<16xi1>
        tpu.vector_store_idx %arg10[%add3A_343, %add3A_379], %add3A_348 masked %ge3A_383 : memref<64x128xi32, #tpu.memory_space<vmem>>[vector<16xi32>, vector<16xi32>], vector<16xi32>, vector<16xi1>
        %add3A_384 = arith.constant 80 : i32
        %add3A_385 = vector.broadcast %add3A_384 : i32 to vector<16xi32>
        %add3A_386 = arith.addi %iota3A, %add3A_385 : vector<16xi32>
        %add3A_387 = vector.broadcast %shift_left3A_345 : i32 to vector<16xi32>
        %add3A_388 = arith.addi %add3A_387, %add3A_386 : vector<16xi32>
        %ge3A_389 = vector.broadcast %scan3A_165 : i32 to vector<16xi32>
        %ge3A_390 = arith.cmpi sge, %add3A_388, %ge3A_389 : vector<16xi32>
        tpu.vector_store_idx %arg9[%add3A_343, %add3A_386], %broadcast_in_dim3A_2 masked %ge3A_390 : memref<64x128xi32, #tpu.memory_space<vmem>>[vector<16xi32>, vector<16xi32>], vector<16xi32>, vector<16xi1>
        tpu.vector_store_idx %arg10[%add3A_343, %add3A_386], %add3A_348 masked %ge3A_390 : memref<64x128xi32, #tpu.memory_space<vmem>>[vector<16xi32>, vector<16xi32>], vector<16xi32>, vector<16xi1>
        %add3A_391 = arith.constant 96 : i32
        %add3A_392 = vector.broadcast %add3A_391 : i32 to vector<16xi32>
        %add3A_393 = arith.addi %iota3A, %add3A_392 : vector<16xi32>
        %add3A_394 = vector.broadcast %shift_left3A_345 : i32 to vector<16xi32>
        %add3A_395 = arith.addi %add3A_394, %add3A_393 : vector<16xi32>
        %ge3A_396 = vector.broadcast %scan3A_165 : i32 to vector<16xi32>
        %ge3A_397 = arith.cmpi sge, %add3A_395, %ge3A_396 : vector<16xi32>
        tpu.vector_store_idx %arg9[%add3A_343, %add3A_393], %broadcast_in_dim3A_2 masked %ge3A_397 : memref<64x128xi32, #tpu.memory_space<vmem>>[vector<16xi32>, vector<16xi32>], vector<16xi32>, vector<16xi1>
        tpu.vector_store_idx %arg10[%add3A_343, %add3A_393], %add3A_348 masked %ge3A_397 : memref<64x128xi32, #tpu.memory_space<vmem>>[vector<16xi32>, vector<16xi32>], vector<16xi32>, vector<16xi1>
        %add3A_398 = arith.constant 112 : i32
        %add3A_399 = vector.broadcast %add3A_398 : i32 to vector<16xi32>
        %add3A_400 = arith.addi %iota3A, %add3A_399 : vector<16xi32>
        %add3A_401 = vector.broadcast %shift_left3A_345 : i32 to vector<16xi32>
        %add3A_402 = arith.addi %add3A_401, %add3A_400 : vector<16xi32>
        %ge3A_403 = vector.broadcast %scan3A_165 : i32 to vector<16xi32>
        %ge3A_404 = arith.cmpi sge, %add3A_402, %ge3A_403 : vector<16xi32>
        tpu.vector_store_idx %arg9[%add3A_343, %add3A_400], %broadcast_in_dim3A_2 masked %ge3A_404 : memref<64x128xi32, #tpu.memory_space<vmem>>[vector<16xi32>, vector<16xi32>], vector<16xi32>, vector<16xi1>
        tpu.vector_store_idx %arg10[%add3A_343, %add3A_400], %add3A_348 masked %ge3A_404 : memref<64x128xi32, #tpu.memory_space<vmem>>[vector<16xi32>, vector<16xi32>], vector<16xi32>, vector<16xi1>
        %add3A_405 = arith.constant 127 : i32
        %add3A_406 = arith.addi %scan3A_165, %add3A_405 : i32
        %shift_right_arithmetic3A_407 = arith.constant 7 : i32
        %shift_right_arithmetic3A_408 = arith.shrsi %add3A_406, %shift_right_arithmetic3A_407 : i32
        %while3A_409 = arith.constant 0 : i32
        %while3A_410 = arith.constant 0 : i32
        %while3A_411 = arith.subi %shift_right_arithmetic3A_408, %while3A_410 : i32
        %while3A_412 = arith.addi %while3A_410, %while3A_411 : i32
        %while3A_413 = arith.constant 1 : i32
        %while3A_414 = arith.divsi %while3A_411, %while3A_413 : i32
        %while3A_415 = arith.muli %while3A_414, %while3A_413 : i32
        %while3A_416 = arith.addi %while3A_410, %while3A_415 : i32
        %while3A_417 = arith.constant 1 : i32
        scf.for %while3A_419 = %while3A_410 to %while3A_416 step %while3A_417  : i32 {
          %dma_start3A = arith.constant 0 : i32
          %dma_start3A_420 = tpu.memref_slice %arg9[%while3A_419, %dma_start3A] : memref<64x128xi32, #tpu.memory_space<vmem>> -> memref<1x128xi32, #tpu.memory_space<vmem>>
          %dma_start3A_421 = tpu.memref_squeeze %dma_start3A_420 : memref<1x128xi32, #tpu.memory_space<vmem>> -> memref<128xi32, #tpu.memory_space<vmem>>
          %dma_start3A_422 = arith.constant 0 : i32
          %dma_start3A_423 = arith.constant 0 : i32
          %dma_start3A_424 = tpu.memref_slice %arg2[%dma_start3A_422, %dma_start3A_423] : memref<100000x128xf32, #tpu.memory_space<hbm>> -> memref<100000x128xf32, #tpu.memory_space<hbm>>
          tpu.enqueue_indirect_dma source(%dma_start3A_424 : memref<100000x128xf32, #tpu.memory_space<hbm>>) target(%arg11 : memref<128x128xf32, #tpu.memory_space<vmem>>) offsets(%dma_start3A_421 : memref<128xi32, #tpu.memory_space<vmem>>) semaphore(%arg16 : memref<!tpu.dma_semaphore, #tpu.memory_space<semaphore_mem>>)
          %dma_wait3A = arith.constant 0 : i32
          %dma_wait3A_425 = tpu.memref_slice %arg9[%while3A_419, %dma_wait3A] : memref<64x128xi32, #tpu.memory_space<vmem>> -> memref<1x128xi32, #tpu.memory_space<vmem>>
          %dma_wait3A_426 = tpu.memref_squeeze %dma_wait3A_425 : memref<1x128xi32, #tpu.memory_space<vmem>> -> memref<128xi32, #tpu.memory_space<vmem>>
          %dma_wait3A_427 = arith.constant 0 : i32
          %dma_wait3A_428 = arith.constant 0 : i32
          %dma_wait3A_429 = tpu.memref_slice %arg2[%dma_wait3A_427, %dma_wait3A_428] : memref<100000x128xf32, #tpu.memory_space<hbm>> -> memref<100000x128xf32, #tpu.memory_space<hbm>>
          tpu.wait_indirect_dma semaphore(%arg16 : memref<!tpu.dma_semaphore, #tpu.memory_space<semaphore_mem>>) src(%dma_wait3A_429 : memref<100000x128xf32, #tpu.memory_space<hbm>>) dst(%arg11 : memref<128x128xf32, #tpu.memory_space<vmem>>)
          "tpu.region"() ({
            %run_scoped3A_430 = tpu.sem_alloc : memref<!tpu.dma_semaphore, #tpu.memory_space<semaphore_mem>>
            %dma_start3A_431 = arith.constant 0 : i32
            %dma_start3A_432 = tpu.memref_slice %arg10[%while3A_419, %dma_start3A_431] : memref<64x128xi32, #tpu.memory_space<vmem>> -> memref<1x128xi32, #tpu.memory_space<vmem>>
            %dma_start3A_433 = tpu.memref_squeeze %dma_start3A_432 : memref<1x128xi32, #tpu.memory_space<vmem>> -> memref<128xi32, #tpu.memory_space<vmem>>
            %dma_start3A_434 = arith.constant 0 : i32
            %dma_start3A_435 = arith.constant 0 : i32
            %dma_start3A_436 = tpu.memref_slice %arg14[%dma_start3A_434, %dma_start3A_435] : memref<7184x128xf32, #tpu.memory_space<vmem_shared>> -> memref<7184x128xf32, #tpu.memory_space<vmem_shared>>
            tpu.enqueue_indirect_dma source(%arg11 : memref<128x128xf32, #tpu.memory_space<vmem>>) target(%dma_start3A_436 : memref<7184x128xf32, #tpu.memory_space<vmem_shared>>) offsets(%dma_start3A_433 : memref<128xi32, #tpu.memory_space<vmem>>) semaphore(%run_scoped3A_430 : memref<!tpu.dma_semaphore, #tpu.memory_space<semaphore_mem>>) {add = true}
            %dma_wait3A_437 = arith.constant 0 : i32
            %dma_wait3A_438 = tpu.memref_slice %arg10[%while3A_419, %dma_wait3A_437] : memref<64x128xi32, #tpu.memory_space<vmem>> -> memref<1x128xi32, #tpu.memory_space<vmem>>
            %dma_wait3A_439 = tpu.memref_squeeze %dma_wait3A_438 : memref<1x128xi32, #tpu.memory_space<vmem>> -> memref<128xi32, #tpu.memory_space<vmem>>
            %dma_wait3A_440 = arith.constant 0 : i32
            %dma_wait3A_441 = arith.constant 0 : i32
            %dma_wait3A_442 = tpu.memref_slice %arg14[%dma_wait3A_440, %dma_wait3A_441] : memref<7184x128xf32, #tpu.memory_space<vmem_shared>> -> memref<7184x128xf32, #tpu.memory_space<vmem_shared>>
            tpu.wait_indirect_dma semaphore(%run_scoped3A_430 : memref<!tpu.dma_semaphore, #tpu.memory_space<semaphore_mem>>) src(%arg11 : memref<128x128xf32, #tpu.memory_space<vmem>>) dst(%dma_wait3A_442 : memref<7184x128xf32, #tpu.memory_space<vmem_shared>>)
            tpu.yield
          }) : () -> ()
        }
        %while3A_418 = arith.constant 1 : i32
        scf.for %while3A_419 = %while3A_416 to %while3A_412 step %while3A_418  : i32 {
          %dma_start3A = arith.constant 0 : i32
          %dma_start3A_420 = tpu.memref_slice %arg9[%while3A_419, %dma_start3A] : memref<64x128xi32, #tpu.memory_space<vmem>> -> memref<1x128xi32, #tpu.memory_space<vmem>>
          %dma_start3A_421 = tpu.memref_squeeze %dma_start3A_420 : memref<1x128xi32, #tpu.memory_space<vmem>> -> memref<128xi32, #tpu.memory_space<vmem>>
          %dma_start3A_422 = arith.constant 0 : i32
          %dma_start3A_423 = arith.constant 0 : i32
          %dma_start3A_424 = tpu.memref_slice %arg2[%dma_start3A_422, %dma_start3A_423] : memref<100000x128xf32, #tpu.memory_space<hbm>> -> memref<100000x128xf32, #tpu.memory_space<hbm>>
          tpu.enqueue_indirect_dma source(%dma_start3A_424 : memref<100000x128xf32, #tpu.memory_space<hbm>>) target(%arg11 : memref<128x128xf32, #tpu.memory_space<vmem>>) offsets(%dma_start3A_421 : memref<128xi32, #tpu.memory_space<vmem>>) semaphore(%arg16 : memref<!tpu.dma_semaphore, #tpu.memory_space<semaphore_mem>>)
          %dma_wait3A = arith.constant 0 : i32
          %dma_wait3A_425 = tpu.memref_slice %arg9[%while3A_419, %dma_wait3A] : memref<64x128xi32, #tpu.memory_space<vmem>> -> memref<1x128xi32, #tpu.memory_space<vmem>>
          %dma_wait3A_426 = tpu.memref_squeeze %dma_wait3A_425 : memref<1x128xi32, #tpu.memory_space<vmem>> -> memref<128xi32, #tpu.memory_space<vmem>>
          %dma_wait3A_427 = arith.constant 0 : i32
          %dma_wait3A_428 = arith.constant 0 : i32
          %dma_wait3A_429 = tpu.memref_slice %arg2[%dma_wait3A_427, %dma_wait3A_428] : memref<100000x128xf32, #tpu.memory_space<hbm>> -> memref<100000x128xf32, #tpu.memory_space<hbm>>
          tpu.wait_indirect_dma semaphore(%arg16 : memref<!tpu.dma_semaphore, #tpu.memory_space<semaphore_mem>>) src(%dma_wait3A_429 : memref<100000x128xf32, #tpu.memory_space<hbm>>) dst(%arg11 : memref<128x128xf32, #tpu.memory_space<vmem>>)
          "tpu.region"() ({
            %run_scoped3A_430 = tpu.sem_alloc : memref<!tpu.dma_semaphore, #tpu.memory_space<semaphore_mem>>
            %dma_start3A_431 = arith.constant 0 : i32
            %dma_start3A_432 = tpu.memref_slice %arg10[%while3A_419, %dma_start3A_431] : memref<64x128xi32, #tpu.memory_space<vmem>> -> memref<1x128xi32, #tpu.memory_space<vmem>>
            %dma_start3A_433 = tpu.memref_squeeze %dma_start3A_432 : memref<1x128xi32, #tpu.memory_space<vmem>> -> memref<128xi32, #tpu.memory_space<vmem>>
            %dma_start3A_434 = arith.constant 0 : i32
            %dma_start3A_435 = arith.constant 0 : i32
            %dma_start3A_436 = tpu.memref_slice %arg14[%dma_start3A_434, %dma_start3A_435] : memref<7184x128xf32, #tpu.memory_space<vmem_shared>> -> memref<7184x128xf32, #tpu.memory_space<vmem_shared>>
            tpu.enqueue_indirect_dma source(%arg11 : memref<128x128xf32, #tpu.memory_space<vmem>>) target(%dma_start3A_436 : memref<7184x128xf32, #tpu.memory_space<vmem_shared>>) offsets(%dma_start3A_433 : memref<128xi32, #tpu.memory_space<vmem>>) semaphore(%run_scoped3A_430 : memref<!tpu.dma_semaphore, #tpu.memory_space<semaphore_mem>>) {add = true}
            %dma_wait3A_437 = arith.constant 0 : i32
            %dma_wait3A_438 = tpu.memref_slice %arg10[%while3A_419, %dma_wait3A_437] : memref<64x128xi32, #tpu.memory_space<vmem>> -> memref<1x128xi32, #tpu.memory_space<vmem>>
            %dma_wait3A_439 = tpu.memref_squeeze %dma_wait3A_438 : memref<1x128xi32, #tpu.memory_space<vmem>> -> memref<128xi32, #tpu.memory_space<vmem>>
            %dma_wait3A_440 = arith.constant 0 : i32
            %dma_wait3A_441 = arith.constant 0 : i32
            %dma_wait3A_442 = tpu.memref_slice %arg14[%dma_wait3A_440, %dma_wait3A_441] : memref<7184x128xf32, #tpu.memory_space<vmem_shared>> -> memref<7184x128xf32, #tpu.memory_space<vmem_shared>>
            tpu.wait_indirect_dma semaphore(%run_scoped3A_430 : memref<!tpu.dma_semaphore, #tpu.memory_space<semaphore_mem>>) src(%arg11 : memref<128x128xf32, #tpu.memory_space<vmem>>) dst(%dma_wait3A_442 : memref<7184x128xf32, #tpu.memory_space<vmem_shared>>)
            tpu.yield
          }) : () -> ()
        }
      } else {
      }
      %jit3A_172 = arith.constant 0 : i32
      %select_n3A_173 = arith.select %gt3A_168, %jit3A_172, %scan3A_165 : i32
      %add3A_174 = arith.constant 4096 : i32
      %add3A_175 = arith.addi %mul3A_156, %add3A_174 : i32
      "tpu.region"() ({
        %run_scoped3A_340 = tpu.sem_alloc : memref<!tpu.dma_semaphore, #tpu.memory_space<semaphore_mem>>
        %dma_start3A = arith.constant 0 : i32
        %dma_start3A_341 = tpu.memref_slice %arg7[%dma_start3A] : memref<4096xi32, #tpu.memory_space<vmem>> -> memref<4096xi32, #tpu.memory_space<vmem>>
        %dma_start3A_342 = tpu.memref_slice %arg3[%add3A_175] : memref<600064xi32, #tpu.memory_space<hbm>> -> memref<4096xi32, #tpu.memory_space<hbm>>
        %dma_start3A_343 = arith.constant 0 : i32
        %dma_start3A_344 = tpu.memref_slice %arg7[%dma_start3A_343] : memref<4096xi32, #tpu.memory_space<vmem>> -> memref<4096xi32, #tpu.memory_space<vmem>>
        %dma_start3A_345 = tpu.memref_slice %arg3[%add3A_175] : memref<600064xi32, #tpu.memory_space<hbm>> -> memref<4096xi32, #tpu.memory_space<hbm>>
        tpu.enqueue_dma source(%dma_start3A_345 : memref<4096xi32, #tpu.memory_space<hbm>>) target(%dma_start3A_344 : memref<4096xi32, #tpu.memory_space<vmem>>) target_semaphore(%run_scoped3A_340 : memref<!tpu.dma_semaphore, #tpu.memory_space<semaphore_mem>>)
        %dma_wait3A = arith.constant 0 : i32
        %dma_wait3A_346 = tpu.memref_slice %arg7[%dma_wait3A] : memref<4096xi32, #tpu.memory_space<vmem>> -> memref<4096xi32, #tpu.memory_space<vmem>>
        %dma_wait3A_347 = tpu.memref_slice %arg3[%add3A_175] : memref<600064xi32, #tpu.memory_space<hbm>> -> memref<4096xi32, #tpu.memory_space<hbm>>
        %dma_wait3A_348 = arith.constant 0 : i32
        %dma_wait3A_349 = tpu.memref_slice %arg7[%dma_wait3A_348] : memref<4096xi32, #tpu.memory_space<vmem>> -> memref<4096xi32, #tpu.memory_space<vmem>>
        %dma_wait3A_350 = tpu.memref_slice %arg3[%add3A_175] : memref<600064xi32, #tpu.memory_space<hbm>> -> memref<4096xi32, #tpu.memory_space<hbm>>
        tpu.wait_dma2 semaphore(%run_scoped3A_340 : memref<!tpu.dma_semaphore, #tpu.memory_space<semaphore_mem>>) src(%dma_wait3A_350 : memref<4096xi32, #tpu.memory_space<hbm>>) dst(%dma_wait3A_349 : memref<4096xi32, #tpu.memory_space<vmem>>)
        tpu.yield
      }) : () -> ()
      %add3A_176 = arith.constant 4096 : i32
      %add3A_177 = arith.addi %mul3A_156, %add3A_176 : i32
      "tpu.region"() ({
        %run_scoped3A_340 = tpu.sem_alloc : memref<!tpu.dma_semaphore, #tpu.memory_space<semaphore_mem>>
        %dma_start3A = arith.constant 0 : i32
        %dma_start3A_341 = tpu.memref_slice %arg8[%dma_start3A] : memref<4096xi32, #tpu.memory_space<vmem>> -> memref<4096xi32, #tpu.memory_space<vmem>>
        %dma_start3A_342 = tpu.memref_slice %arg4[%add3A_177] : memref<600064xi32, #tpu.memory_space<hbm>> -> memref<4096xi32, #tpu.memory_space<hbm>>
        %dma_start3A_343 = arith.constant 0 : i32
        %dma_start3A_344 = tpu.memref_slice %arg8[%dma_start3A_343] : memref<4096xi32, #tpu.memory_space<vmem>> -> memref<4096xi32, #tpu.memory_space<vmem>>
        %dma_start3A_345 = tpu.memref_slice %arg4[%add3A_177] : memref<600064xi32, #tpu.memory_space<hbm>> -> memref<4096xi32, #tpu.memory_space<hbm>>
        tpu.enqueue_dma source(%dma_start3A_345 : memref<4096xi32, #tpu.memory_space<hbm>>) target(%dma_start3A_344 : memref<4096xi32, #tpu.memory_space<vmem>>) target_semaphore(%run_scoped3A_340 : memref<!tpu.dma_semaphore, #tpu.memory_space<semaphore_mem>>)
        %dma_wait3A = arith.constant 0 : i32
        %dma_wait3A_346 = tpu.memref_slice %arg8[%dma_wait3A] : memref<4096xi32, #tpu.memory_space<vmem>> -> memref<4096xi32, #tpu.memory_space<vmem>>
        %dma_wait3A_347 = tpu.memref_slice %arg4[%add3A_177] : memref<600064xi32, #tpu.memory_space<hbm>> -> memref<4096xi32, #tpu.memory_space<hbm>>
        %dma_wait3A_348 = arith.constant 0 : i32
        %dma_wait3A_349 = tpu.memref_slice %arg8[%dma_wait3A_348] : memref<4096xi32, #tpu.memory_space<vmem>> -> memref<4096xi32, #tpu.memory_space<vmem>>
        %dma_wait3A_350 = tpu.memref_slice %arg4[%add3A_177] : memref<600064xi32, #tpu.memory_space<hbm>> -> memref<4096xi32, #tpu.memory_space<hbm>>
        tpu.wait_dma2 semaphore(%run_scoped3A_340 : memref<!tpu.dma_semaphore, #tpu.memory_space<semaphore_mem>>) src(%dma_wait3A_350 : memref<4096xi32, #tpu.memory_space<hbm>>) dst(%dma_wait3A_349 : memref<4096xi32, #tpu.memory_space<vmem>>)
        tpu.yield
      }) : () -> ()
      %scan3A_178 = arith.constant 0 : i32
      %scan3A_179 = arith.constant 256 : i32
      %scan3A_180 = arith.addi %scan3A_178, %scan3A_179 : i32
      %scan3A_181 = arith.constant 1 : i32
      %scan3A_182 = scf.for %scan3A_340 = %scan3A_178 to %scan3A_180 step %scan3A_181 iter_args(%scan3A_341 = %select_n3A_173) -> (i32)  : i32 {
        %mul3A_342 = arith.constant 16 : i32
        %mul3A_343 = arith.muli %scan3A_340, %mul3A_342 : i32
        %get3A = arith.index_cast %mul3A_343 : i32 to index
        %get3A_344 = tpu.vector_load %arg7[%get3A] {strides = array<i32>} : memref<4096xi32, #tpu.memory_space<vmem>>, vector<16xi32>,
        %mul3A_345 = arith.constant 16 : i32
        %mul3A_346 = arith.muli %scan3A_340, %mul3A_345 : i32
        %get3A_347 = arith.index_cast %mul3A_346 : i32 to index
        %get3A_348 = tpu.vector_load %arg8[%get3A_347] {strides = array<i32>} : memref<4096xi32, #tpu.memory_space<vmem>>, vector<16xi32>,
        %ge3A_349 = vector.broadcast %mul3A_38 : i32 to vector<16xi32>
        %ge3A_350 = arith.cmpi sge, %get3A_348, %ge3A_349 : vector<16xi32>
        %add3A_351 = arith.constant 7168 : i32
        %add3A_352 = arith.addi %mul3A_38, %add3A_351 : i32
        %lt3A_353 = vector.broadcast %add3A_352 : i32 to vector<16xi32>
        %lt3A_354 = arith.cmpi slt, %get3A_348, %lt3A_353 : vector<16xi32>
        %and3A = arith.andi %ge3A_350, %lt3A_354 : vector<16xi1>
        %jit3A_355 = arith.constant 1 : i32
        %jit3A_356 = arith.constant 0 : i32
        %broadcast_in_dim3A_357 = vector.broadcast %jit3A_355 : i32 to vector<16xi32>
        %broadcast_in_dim3A_358 = vector.broadcast %jit3A_356 : i32 to vector<16xi32>
        %select_n3A_359 = arith.select %and3A, %broadcast_in_dim3A_357, %broadcast_in_dim3A_358 : vector<16xi1>, vector<16xi32>
        %broadcast_in_dim3A_360 = arith.constant true
        %broadcast_in_dim3A_361 = vector.broadcast %broadcast_in_dim3A_360 : i1 to vector<16xi1>
        %masked_cumsum3A = tpu.scan <sum>, %select_n3A_359 masked %broadcast_in_dim3A_361 : vector<16xi32>, vector<16xi1> -> vector<16xi32>
        %sub3A = arith.subi %masked_cumsum3A, %select_n3A_359 : vector<16xi32>
        %add3A_362 = vector.broadcast %scan3A_341 : i32 to vector<16xi32>
        %add3A_363 = arith.addi %sub3A, %add3A_362 : vector<16xi32>
        %sub3A_364 = vector.broadcast %mul3A_38 : i32 to vector<16xi32>
        %sub3A_365 = arith.subi %get3A_348, %sub3A_364 : vector<16xi32>
        %shift_right_arithmetic3A_366 = arith.constant 7 : i32
        %shift_right_arithmetic3A_367 = vector.broadcast %shift_right_arithmetic3A_366 : i32 to vector<16xi32>
        %shift_right_arithmetic3A_368 = arith.shrsi %add3A_363, %shift_right_arithmetic3A_367 : vector<16xi32>
        %and3A_369 = arith.constant 127 : i32
        %and3A_370 = vector.broadcast %and3A_369 : i32 to vector<16xi32>
        %and3A_371 = arith.andi %add3A_363, %and3A_370 : vector<16xi32>
        tpu.vector_store_idx %arg9[%shift_right_arithmetic3A_368, %and3A_371], %get3A_344 masked %and3A : memref<64x128xi32, #tpu.memory_space<vmem>>[vector<16xi32>, vector<16xi32>], vector<16xi32>, vector<16xi1>
        %shift_right_arithmetic3A_372 = arith.constant 7 : i32
        %shift_right_arithmetic3A_373 = vector.broadcast %shift_right_arithmetic3A_372 : i32 to vector<16xi32>
        %shift_right_arithmetic3A_374 = arith.shrsi %add3A_363, %shift_right_arithmetic3A_373 : vector<16xi32>
        %and3A_375 = arith.constant 127 : i32
        %and3A_376 = vector.broadcast %and3A_375 : i32 to vector<16xi32>
        %and3A_377 = arith.andi %add3A_363, %and3A_376 : vector<16xi32>
        tpu.vector_store_idx %arg10[%shift_right_arithmetic3A_374, %and3A_377], %sub3A_365 masked %and3A : memref<64x128xi32, #tpu.memory_space<vmem>>[vector<16xi32>, vector<16xi32>], vector<16xi32>, vector<16xi1>
        %shift_right_arithmetic3A_378 = arith.constant 7 : i32
        %shift_right_arithmetic3A_379 = vector.broadcast %shift_right_arithmetic3A_378 : i32 to vector<16xi32>
        %shift_right_arithmetic3A_380 = arith.shrsi %sub3A_365, %shift_right_arithmetic3A_379 : vector<16xi32>
        %and3A_381 = arith.constant 127 : i32
        %and3A_382 = vector.broadcast %and3A_381 : i32 to vector<16xi32>
        %and3A_383 = arith.andi %sub3A_365, %and3A_382 : vector<16xi32>
        tpu.vector_store_idx %arg12[%shift_right_arithmetic3A_380, %and3A_383], %add3A_65 masked %and3A {add = true} : memref<56x128xf32, #tpu.memory_space<vmem>>[vector<16xi32>, vector<16xi32>], vector<16xf32>, vector<16xi1>
        %reduce_max3A = arith.constant true
        %reduce_max3A_384 = vector.broadcast %reduce_max3A : i1 to vector<16xi1>
        %reduce_max3A_385 = arith.constant -2147483648 : i32
        %reduce_max3A_386 = vector.broadcast %reduce_max3A_385 : i32 to vector<16xi32>
        %reduce_max3A_387 = arith.xori %masked_cumsum3A, %reduce_max3A_386 : vector<16xi32>
        %reduce_max3A_388 = tpu.scan <max>, %reduce_max3A_387 masked %reduce_max3A_384 : vector<16xi32>, vector<16xi1> -> vector<16xi32>
        %reduce_max3A_389 = arith.xori %reduce_max3A_388, %reduce_max3A_386 : vector<16xi32>
        %reduce_max3A_390 = vector.extract %reduce_max3A_389[15] : i32 from vector<16xi32>
        %add3A_391 = arith.addi %scan3A_341, %reduce_max3A_390 : i32
        scf.yield %add3A_391 : i32
      }
      %scan3A_183 = arith.constant 256 : i32
      %gt3A_184 = arith.constant 4096 : i32
      %gt3A_185 = arith.cmpi sgt, %scan3A_182, %gt3A_184 : i32
      %convert_element_type3A_186 = arith.extui %gt3A_185 : i1 to i32
      %cond3A_187 = arith.constant 0 : i32
      %cond3A_188 = arith.cmpi ne, %convert_element_type3A_186, %cond3A_187 : i32
      scf.if %cond3A_188 {
        %shift_right_arithmetic3A_340 = arith.constant 7 : i32
        %shift_right_arithmetic3A_341 = arith.shrsi %scan3A_182, %shift_right_arithmetic3A_340 : i32
        %add3A_342 = vector.broadcast %shift_right_arithmetic3A_341 : i32 to vector<16xi32>
        %add3A_343 = arith.addi %broadcast_in_dim3A_2, %add3A_342 : vector<16xi32>
        %shift_left3A_344 = arith.constant 7 : i32
        %shift_left3A_345 = arith.shli %shift_right_arithmetic3A_341, %shift_left3A_344 : i32
        %add3A_346 = arith.constant 7168 : i32
        %add3A_347 = vector.broadcast %add3A_346 : i32 to vector<16xi32>
        %add3A_348 = arith.addi %broadcast_in_dim3A_2, %add3A_347 : vector<16xi32>
        %add3A_349 = arith.constant 0 : i32
        %add3A_350 = vector.broadcast %add3A_349 : i32 to vector<16xi32>
        %add3A_351 = arith.addi %iota3A, %add3A_350 : vector<16xi32>
        %add3A_352 = vector.broadcast %shift_left3A_345 : i32 to vector<16xi32>
        %add3A_353 = arith.addi %add3A_352, %add3A_351 : vector<16xi32>
        %ge3A_354 = vector.broadcast %scan3A_182 : i32 to vector<16xi32>
        %ge3A_355 = arith.cmpi sge, %add3A_353, %ge3A_354 : vector<16xi32>
        tpu.vector_store_idx %arg9[%add3A_343, %add3A_351], %broadcast_in_dim3A_2 masked %ge3A_355 : memref<64x128xi32, #tpu.memory_space<vmem>>[vector<16xi32>, vector<16xi32>], vector<16xi32>, vector<16xi1>
        tpu.vector_store_idx %arg10[%add3A_343, %add3A_351], %add3A_348 masked %ge3A_355 : memref<64x128xi32, #tpu.memory_space<vmem>>[vector<16xi32>, vector<16xi32>], vector<16xi32>, vector<16xi1>
        %add3A_356 = arith.constant 16 : i32
        %add3A_357 = vector.broadcast %add3A_356 : i32 to vector<16xi32>
        %add3A_358 = arith.addi %iota3A, %add3A_357 : vector<16xi32>
        %add3A_359 = vector.broadcast %shift_left3A_345 : i32 to vector<16xi32>
        %add3A_360 = arith.addi %add3A_359, %add3A_358 : vector<16xi32>
        %ge3A_361 = vector.broadcast %scan3A_182 : i32 to vector<16xi32>
        %ge3A_362 = arith.cmpi sge, %add3A_360, %ge3A_361 : vector<16xi32>
        tpu.vector_store_idx %arg9[%add3A_343, %add3A_358], %broadcast_in_dim3A_2 masked %ge3A_362 : memref<64x128xi32, #tpu.memory_space<vmem>>[vector<16xi32>, vector<16xi32>], vector<16xi32>, vector<16xi1>
        tpu.vector_store_idx %arg10[%add3A_343, %add3A_358], %add3A_348 masked %ge3A_362 : memref<64x128xi32, #tpu.memory_space<vmem>>[vector<16xi32>, vector<16xi32>], vector<16xi32>, vector<16xi1>
        %add3A_363 = arith.constant 32 : i32
        %add3A_364 = vector.broadcast %add3A_363 : i32 to vector<16xi32>
        %add3A_365 = arith.addi %iota3A, %add3A_364 : vector<16xi32>
        %add3A_366 = vector.broadcast %shift_left3A_345 : i32 to vector<16xi32>
        %add3A_367 = arith.addi %add3A_366, %add3A_365 : vector<16xi32>
        %ge3A_368 = vector.broadcast %scan3A_182 : i32 to vector<16xi32>
        %ge3A_369 = arith.cmpi sge, %add3A_367, %ge3A_368 : vector<16xi32>
        tpu.vector_store_idx %arg9[%add3A_343, %add3A_365], %broadcast_in_dim3A_2 masked %ge3A_369 : memref<64x128xi32, #tpu.memory_space<vmem>>[vector<16xi32>, vector<16xi32>], vector<16xi32>, vector<16xi1>
        tpu.vector_store_idx %arg10[%add3A_343, %add3A_365], %add3A_348 masked %ge3A_369 : memref<64x128xi32, #tpu.memory_space<vmem>>[vector<16xi32>, vector<16xi32>], vector<16xi32>, vector<16xi1>
        %add3A_370 = arith.constant 48 : i32
        %add3A_371 = vector.broadcast %add3A_370 : i32 to vector<16xi32>
        %add3A_372 = arith.addi %iota3A, %add3A_371 : vector<16xi32>
        %add3A_373 = vector.broadcast %shift_left3A_345 : i32 to vector<16xi32>
        %add3A_374 = arith.addi %add3A_373, %add3A_372 : vector<16xi32>
        %ge3A_375 = vector.broadcast %scan3A_182 : i32 to vector<16xi32>
        %ge3A_376 = arith.cmpi sge, %add3A_374, %ge3A_375 : vector<16xi32>
        tpu.vector_store_idx %arg9[%add3A_343, %add3A_372], %broadcast_in_dim3A_2 masked %ge3A_376 : memref<64x128xi32, #tpu.memory_space<vmem>>[vector<16xi32>, vector<16xi32>], vector<16xi32>, vector<16xi1>
        tpu.vector_store_idx %arg10[%add3A_343, %add3A_372], %add3A_348 masked %ge3A_376 : memref<64x128xi32, #tpu.memory_space<vmem>>[vector<16xi32>, vector<16xi32>], vector<16xi32>, vector<16xi1>
        %add3A_377 = arith.constant 64 : i32
        %add3A_378 = vector.broadcast %add3A_377 : i32 to vector<16xi32>
        %add3A_379 = arith.addi %iota3A, %add3A_378 : vector<16xi32>
        %add3A_380 = vector.broadcast %shift_left3A_345 : i32 to vector<16xi32>
        %add3A_381 = arith.addi %add3A_380, %add3A_379 : vector<16xi32>
        %ge3A_382 = vector.broadcast %scan3A_182 : i32 to vector<16xi32>
        %ge3A_383 = arith.cmpi sge, %add3A_381, %ge3A_382 : vector<16xi32>
        tpu.vector_store_idx %arg9[%add3A_343, %add3A_379], %broadcast_in_dim3A_2 masked %ge3A_383 : memref<64x128xi32, #tpu.memory_space<vmem>>[vector<16xi32>, vector<16xi32>], vector<16xi32>, vector<16xi1>
        tpu.vector_store_idx %arg10[%add3A_343, %add3A_379], %add3A_348 masked %ge3A_383 : memref<64x128xi32, #tpu.memory_space<vmem>>[vector<16xi32>, vector<16xi32>], vector<16xi32>, vector<16xi1>
        %add3A_384 = arith.constant 80 : i32
        %add3A_385 = vector.broadcast %add3A_384 : i32 to vector<16xi32>
        %add3A_386 = arith.addi %iota3A, %add3A_385 : vector<16xi32>
        %add3A_387 = vector.broadcast %shift_left3A_345 : i32 to vector<16xi32>
        %add3A_388 = arith.addi %add3A_387, %add3A_386 : vector<16xi32>
        %ge3A_389 = vector.broadcast %scan3A_182 : i32 to vector<16xi32>
        %ge3A_390 = arith.cmpi sge, %add3A_388, %ge3A_389 : vector<16xi32>
        tpu.vector_store_idx %arg9[%add3A_343, %add3A_386], %broadcast_in_dim3A_2 masked %ge3A_390 : memref<64x128xi32, #tpu.memory_space<vmem>>[vector<16xi32>, vector<16xi32>], vector<16xi32>, vector<16xi1>
        tpu.vector_store_idx %arg10[%add3A_343, %add3A_386], %add3A_348 masked %ge3A_390 : memref<64x128xi32, #tpu.memory_space<vmem>>[vector<16xi32>, vector<16xi32>], vector<16xi32>, vector<16xi1>
        %add3A_391 = arith.constant 96 : i32
        %add3A_392 = vector.broadcast %add3A_391 : i32 to vector<16xi32>
        %add3A_393 = arith.addi %iota3A, %add3A_392 : vector<16xi32>
        %add3A_394 = vector.broadcast %shift_left3A_345 : i32 to vector<16xi32>
        %add3A_395 = arith.addi %add3A_394, %add3A_393 : vector<16xi32>
        %ge3A_396 = vector.broadcast %scan3A_182 : i32 to vector<16xi32>
        %ge3A_397 = arith.cmpi sge, %add3A_395, %ge3A_396 : vector<16xi32>
        tpu.vector_store_idx %arg9[%add3A_343, %add3A_393], %broadcast_in_dim3A_2 masked %ge3A_397 : memref<64x128xi32, #tpu.memory_space<vmem>>[vector<16xi32>, vector<16xi32>], vector<16xi32>, vector<16xi1>
        tpu.vector_store_idx %arg10[%add3A_343, %add3A_393], %add3A_348 masked %ge3A_397 : memref<64x128xi32, #tpu.memory_space<vmem>>[vector<16xi32>, vector<16xi32>], vector<16xi32>, vector<16xi1>
        %add3A_398 = arith.constant 112 : i32
        %add3A_399 = vector.broadcast %add3A_398 : i32 to vector<16xi32>
        %add3A_400 = arith.addi %iota3A, %add3A_399 : vector<16xi32>
        %add3A_401 = vector.broadcast %shift_left3A_345 : i32 to vector<16xi32>
        %add3A_402 = arith.addi %add3A_401, %add3A_400 : vector<16xi32>
        %ge3A_403 = vector.broadcast %scan3A_182 : i32 to vector<16xi32>
        %ge3A_404 = arith.cmpi sge, %add3A_402, %ge3A_403 : vector<16xi32>
        tpu.vector_store_idx %arg9[%add3A_343, %add3A_400], %broadcast_in_dim3A_2 masked %ge3A_404 : memref<64x128xi32, #tpu.memory_space<vmem>>[vector<16xi32>, vector<16xi32>], vector<16xi32>, vector<16xi1>
        tpu.vector_store_idx %arg10[%add3A_343, %add3A_400], %add3A_348 masked %ge3A_404 : memref<64x128xi32, #tpu.memory_space<vmem>>[vector<16xi32>, vector<16xi32>], vector<16xi32>, vector<16xi1>
        %add3A_405 = arith.constant 127 : i32
        %add3A_406 = arith.addi %scan3A_182, %add3A_405 : i32
        %shift_right_arithmetic3A_407 = arith.constant 7 : i32
        %shift_right_arithmetic3A_408 = arith.shrsi %add3A_406, %shift_right_arithmetic3A_407 : i32
        %while3A_409 = arith.constant 0 : i32
        %while3A_410 = arith.constant 0 : i32
        %while3A_411 = arith.subi %shift_right_arithmetic3A_408, %while3A_410 : i32
        %while3A_412 = arith.addi %while3A_410, %while3A_411 : i32
        %while3A_413 = arith.constant 1 : i32
        %while3A_414 = arith.divsi %while3A_411, %while3A_413 : i32
        %while3A_415 = arith.muli %while3A_414, %while3A_413 : i32
        %while3A_416 = arith.addi %while3A_410, %while3A_415 : i32
        %while3A_417 = arith.constant 1 : i32
        scf.for %while3A_419 = %while3A_410 to %while3A_416 step %while3A_417  : i32 {
          %dma_start3A = arith.constant 0 : i32
          %dma_start3A_420 = tpu.memref_slice %arg9[%while3A_419, %dma_start3A] : memref<64x128xi32, #tpu.memory_space<vmem>> -> memref<1x128xi32, #tpu.memory_space<vmem>>
          %dma_start3A_421 = tpu.memref_squeeze %dma_start3A_420 : memref<1x128xi32, #tpu.memory_space<vmem>> -> memref<128xi32, #tpu.memory_space<vmem>>
          %dma_start3A_422 = arith.constant 0 : i32
          %dma_start3A_423 = arith.constant 0 : i32
          %dma_start3A_424 = tpu.memref_slice %arg2[%dma_start3A_422, %dma_start3A_423] : memref<100000x128xf32, #tpu.memory_space<hbm>> -> memref<100000x128xf32, #tpu.memory_space<hbm>>
          tpu.enqueue_indirect_dma source(%dma_start3A_424 : memref<100000x128xf32, #tpu.memory_space<hbm>>) target(%arg11 : memref<128x128xf32, #tpu.memory_space<vmem>>) offsets(%dma_start3A_421 : memref<128xi32, #tpu.memory_space<vmem>>) semaphore(%arg16 : memref<!tpu.dma_semaphore, #tpu.memory_space<semaphore_mem>>)
          %dma_wait3A = arith.constant 0 : i32
          %dma_wait3A_425 = tpu.memref_slice %arg9[%while3A_419, %dma_wait3A] : memref<64x128xi32, #tpu.memory_space<vmem>> -> memref<1x128xi32, #tpu.memory_space<vmem>>
          %dma_wait3A_426 = tpu.memref_squeeze %dma_wait3A_425 : memref<1x128xi32, #tpu.memory_space<vmem>> -> memref<128xi32, #tpu.memory_space<vmem>>
          %dma_wait3A_427 = arith.constant 0 : i32
          %dma_wait3A_428 = arith.constant 0 : i32
          %dma_wait3A_429 = tpu.memref_slice %arg2[%dma_wait3A_427, %dma_wait3A_428] : memref<100000x128xf32, #tpu.memory_space<hbm>> -> memref<100000x128xf32, #tpu.memory_space<hbm>>
          tpu.wait_indirect_dma semaphore(%arg16 : memref<!tpu.dma_semaphore, #tpu.memory_space<semaphore_mem>>) src(%dma_wait3A_429 : memref<100000x128xf32, #tpu.memory_space<hbm>>) dst(%arg11 : memref<128x128xf32, #tpu.memory_space<vmem>>)
          "tpu.region"() ({
            %run_scoped3A_430 = tpu.sem_alloc : memref<!tpu.dma_semaphore, #tpu.memory_space<semaphore_mem>>
            %dma_start3A_431 = arith.constant 0 : i32
            %dma_start3A_432 = tpu.memref_slice %arg10[%while3A_419, %dma_start3A_431] : memref<64x128xi32, #tpu.memory_space<vmem>> -> memref<1x128xi32, #tpu.memory_space<vmem>>
            %dma_start3A_433 = tpu.memref_squeeze %dma_start3A_432 : memref<1x128xi32, #tpu.memory_space<vmem>> -> memref<128xi32, #tpu.memory_space<vmem>>
            %dma_start3A_434 = arith.constant 0 : i32
            %dma_start3A_435 = arith.constant 0 : i32
            %dma_start3A_436 = tpu.memref_slice %arg14[%dma_start3A_434, %dma_start3A_435] : memref<7184x128xf32, #tpu.memory_space<vmem_shared>> -> memref<7184x128xf32, #tpu.memory_space<vmem_shared>>
            tpu.enqueue_indirect_dma source(%arg11 : memref<128x128xf32, #tpu.memory_space<vmem>>) target(%dma_start3A_436 : memref<7184x128xf32, #tpu.memory_space<vmem_shared>>) offsets(%dma_start3A_433 : memref<128xi32, #tpu.memory_space<vmem>>) semaphore(%run_scoped3A_430 : memref<!tpu.dma_semaphore, #tpu.memory_space<semaphore_mem>>) {add = true}
            %dma_wait3A_437 = arith.constant 0 : i32
            %dma_wait3A_438 = tpu.memref_slice %arg10[%while3A_419, %dma_wait3A_437] : memref<64x128xi32, #tpu.memory_space<vmem>> -> memref<1x128xi32, #tpu.memory_space<vmem>>
            %dma_wait3A_439 = tpu.memref_squeeze %dma_wait3A_438 : memref<1x128xi32, #tpu.memory_space<vmem>> -> memref<128xi32, #tpu.memory_space<vmem>>
            %dma_wait3A_440 = arith.constant 0 : i32
            %dma_wait3A_441 = arith.constant 0 : i32
            %dma_wait3A_442 = tpu.memref_slice %arg14[%dma_wait3A_440, %dma_wait3A_441] : memref<7184x128xf32, #tpu.memory_space<vmem_shared>> -> memref<7184x128xf32, #tpu.memory_space<vmem_shared>>
            tpu.wait_indirect_dma semaphore(%run_scoped3A_430 : memref<!tpu.dma_semaphore, #tpu.memory_space<semaphore_mem>>) src(%arg11 : memref<128x128xf32, #tpu.memory_space<vmem>>) dst(%dma_wait3A_442 : memref<7184x128xf32, #tpu.memory_space<vmem_shared>>)
            tpu.yield
          }) : () -> ()
        }
        %while3A_418 = arith.constant 1 : i32
        scf.for %while3A_419 = %while3A_416 to %while3A_412 step %while3A_418  : i32 {
          %dma_start3A = arith.constant 0 : i32
          %dma_start3A_420 = tpu.memref_slice %arg9[%while3A_419, %dma_start3A] : memref<64x128xi32, #tpu.memory_space<vmem>> -> memref<1x128xi32, #tpu.memory_space<vmem>>
          %dma_start3A_421 = tpu.memref_squeeze %dma_start3A_420 : memref<1x128xi32, #tpu.memory_space<vmem>> -> memref<128xi32, #tpu.memory_space<vmem>>
          %dma_start3A_422 = arith.constant 0 : i32
          %dma_start3A_423 = arith.constant 0 : i32
          %dma_start3A_424 = tpu.memref_slice %arg2[%dma_start3A_422, %dma_start3A_423] : memref<100000x128xf32, #tpu.memory_space<hbm>> -> memref<100000x128xf32, #tpu.memory_space<hbm>>
          tpu.enqueue_indirect_dma source(%dma_start3A_424 : memref<100000x128xf32, #tpu.memory_space<hbm>>) target(%arg11 : memref<128x128xf32, #tpu.memory_space<vmem>>) offsets(%dma_start3A_421 : memref<128xi32, #tpu.memory_space<vmem>>) semaphore(%arg16 : memref<!tpu.dma_semaphore, #tpu.memory_space<semaphore_mem>>)
          %dma_wait3A = arith.constant 0 : i32
          %dma_wait3A_425 = tpu.memref_slice %arg9[%while3A_419, %dma_wait3A] : memref<64x128xi32, #tpu.memory_space<vmem>> -> memref<1x128xi32, #tpu.memory_space<vmem>>
          %dma_wait3A_426 = tpu.memref_squeeze %dma_wait3A_425 : memref<1x128xi32, #tpu.memory_space<vmem>> -> memref<128xi32, #tpu.memory_space<vmem>>
          %dma_wait3A_427 = arith.constant 0 : i32
          %dma_wait3A_428 = arith.constant 0 : i32
          %dma_wait3A_429 = tpu.memref_slice %arg2[%dma_wait3A_427, %dma_wait3A_428] : memref<100000x128xf32, #tpu.memory_space<hbm>> -> memref<100000x128xf32, #tpu.memory_space<hbm>>
          tpu.wait_indirect_dma semaphore(%arg16 : memref<!tpu.dma_semaphore, #tpu.memory_space<semaphore_mem>>) src(%dma_wait3A_429 : memref<100000x128xf32, #tpu.memory_space<hbm>>) dst(%arg11 : memref<128x128xf32, #tpu.memory_space<vmem>>)
          "tpu.region"() ({
            %run_scoped3A_430 = tpu.sem_alloc : memref<!tpu.dma_semaphore, #tpu.memory_space<semaphore_mem>>
            %dma_start3A_431 = arith.constant 0 : i32
            %dma_start3A_432 = tpu.memref_slice %arg10[%while3A_419, %dma_start3A_431] : memref<64x128xi32, #tpu.memory_space<vmem>> -> memref<1x128xi32, #tpu.memory_space<vmem>>
            %dma_start3A_433 = tpu.memref_squeeze %dma_start3A_432 : memref<1x128xi32, #tpu.memory_space<vmem>> -> memref<128xi32, #tpu.memory_space<vmem>>
            %dma_start3A_434 = arith.constant 0 : i32
            %dma_start3A_435 = arith.constant 0 : i32
            %dma_start3A_436 = tpu.memref_slice %arg14[%dma_start3A_434, %dma_start3A_435] : memref<7184x128xf32, #tpu.memory_space<vmem_shared>> -> memref<7184x128xf32, #tpu.memory_space<vmem_shared>>
            tpu.enqueue_indirect_dma source(%arg11 : memref<128x128xf32, #tpu.memory_space<vmem>>) target(%dma_start3A_436 : memref<7184x128xf32, #tpu.memory_space<vmem_shared>>) offsets(%dma_start3A_433 : memref<128xi32, #tpu.memory_space<vmem>>) semaphore(%run_scoped3A_430 : memref<!tpu.dma_semaphore, #tpu.memory_space<semaphore_mem>>) {add = true}
            %dma_wait3A_437 = arith.constant 0 : i32
            %dma_wait3A_438 = tpu.memref_slice %arg10[%while3A_419, %dma_wait3A_437] : memref<64x128xi32, #tpu.memory_space<vmem>> -> memref<1x128xi32, #tpu.memory_space<vmem>>
            %dma_wait3A_439 = tpu.memref_squeeze %dma_wait3A_438 : memref<1x128xi32, #tpu.memory_space<vmem>> -> memref<128xi32, #tpu.memory_space<vmem>>
            %dma_wait3A_440 = arith.constant 0 : i32
            %dma_wait3A_441 = arith.constant 0 : i32
            %dma_wait3A_442 = tpu.memref_slice %arg14[%dma_wait3A_440, %dma_wait3A_441] : memref<7184x128xf32, #tpu.memory_space<vmem_shared>> -> memref<7184x128xf32, #tpu.memory_space<vmem_shared>>
            tpu.wait_indirect_dma semaphore(%run_scoped3A_430 : memref<!tpu.dma_semaphore, #tpu.memory_space<semaphore_mem>>) src(%arg11 : memref<128x128xf32, #tpu.memory_space<vmem>>) dst(%dma_wait3A_442 : memref<7184x128xf32, #tpu.memory_space<vmem_shared>>)
            tpu.yield
          }) : () -> ()
        }
      } else {
      }
      %jit3A_189 = arith.constant 0 : i32
      %select_n3A_190 = arith.select %gt3A_185, %jit3A_189, %scan3A_182 : i32
      %add3A_191 = arith.constant 8192 : i32
      %add3A_192 = arith.addi %mul3A_156, %add3A_191 : i32
      "tpu.region"() ({
        %run_scoped3A_340 = tpu.sem_alloc : memref<!tpu.dma_semaphore, #tpu.memory_space<semaphore_mem>>
        %dma_start3A = arith.constant 0 : i32
        %dma_start3A_341 = tpu.memref_slice %arg7[%dma_start3A] : memref<4096xi32, #tpu.memory_space<vmem>> -> memref<4096xi32, #tpu.memory_space<vmem>>
        %dma_start3A_342 = tpu.memref_slice %arg3[%add3A_192] : memref<600064xi32, #tpu.memory_space<hbm>> -> memref<4096xi32, #tpu.memory_space<hbm>>
        %dma_start3A_343 = arith.constant 0 : i32
        %dma_start3A_344 = tpu.memref_slice %arg7[%dma_start3A_343] : memref<4096xi32, #tpu.memory_space<vmem>> -> memref<4096xi32, #tpu.memory_space<vmem>>
        %dma_start3A_345 = tpu.memref_slice %arg3[%add3A_192] : memref<600064xi32, #tpu.memory_space<hbm>> -> memref<4096xi32, #tpu.memory_space<hbm>>
        tpu.enqueue_dma source(%dma_start3A_345 : memref<4096xi32, #tpu.memory_space<hbm>>) target(%dma_start3A_344 : memref<4096xi32, #tpu.memory_space<vmem>>) target_semaphore(%run_scoped3A_340 : memref<!tpu.dma_semaphore, #tpu.memory_space<semaphore_mem>>)
        %dma_wait3A = arith.constant 0 : i32
        %dma_wait3A_346 = tpu.memref_slice %arg7[%dma_wait3A] : memref<4096xi32, #tpu.memory_space<vmem>> -> memref<4096xi32, #tpu.memory_space<vmem>>
        %dma_wait3A_347 = tpu.memref_slice %arg3[%add3A_192] : memref<600064xi32, #tpu.memory_space<hbm>> -> memref<4096xi32, #tpu.memory_space<hbm>>
        %dma_wait3A_348 = arith.constant 0 : i32
        %dma_wait3A_349 = tpu.memref_slice %arg7[%dma_wait3A_348] : memref<4096xi32, #tpu.memory_space<vmem>> -> memref<4096xi32, #tpu.memory_space<vmem>>
        %dma_wait3A_350 = tpu.memref_slice %arg3[%add3A_192] : memref<600064xi32, #tpu.memory_space<hbm>> -> memref<4096xi32, #tpu.memory_space<hbm>>
        tpu.wait_dma2 semaphore(%run_scoped3A_340 : memref<!tpu.dma_semaphore, #tpu.memory_space<semaphore_mem>>) src(%dma_wait3A_350 : memref<4096xi32, #tpu.memory_space<hbm>>) dst(%dma_wait3A_349 : memref<4096xi32, #tpu.memory_space<vmem>>)
        tpu.yield
      }) : () -> ()
      %add3A_193 = arith.constant 8192 : i32
      %add3A_194 = arith.addi %mul3A_156, %add3A_193 : i32
      "tpu.region"() ({
        %run_scoped3A_340 = tpu.sem_alloc : memref<!tpu.dma_semaphore, #tpu.memory_space<semaphore_mem>>
        %dma_start3A = arith.constant 0 : i32
        %dma_start3A_341 = tpu.memref_slice %arg8[%dma_start3A] : memref<4096xi32, #tpu.memory_space<vmem>> -> memref<4096xi32, #tpu.memory_space<vmem>>
        %dma_start3A_342 = tpu.memref_slice %arg4[%add3A_194] : memref<600064xi32, #tpu.memory_space<hbm>> -> memref<4096xi32, #tpu.memory_space<hbm>>
        %dma_start3A_343 = arith.constant 0 : i32
        %dma_start3A_344 = tpu.memref_slice %arg8[%dma_start3A_343] : memref<4096xi32, #tpu.memory_space<vmem>> -> memref<4096xi32, #tpu.memory_space<vmem>>
        %dma_start3A_345 = tpu.memref_slice %arg4[%add3A_194] : memref<600064xi32, #tpu.memory_space<hbm>> -> memref<4096xi32, #tpu.memory_space<hbm>>
        tpu.enqueue_dma source(%dma_start3A_345 : memref<4096xi32, #tpu.memory_space<hbm>>) target(%dma_start3A_344 : memref<4096xi32, #tpu.memory_space<vmem>>) target_semaphore(%run_scoped3A_340 : memref<!tpu.dma_semaphore, #tpu.memory_space<semaphore_mem>>)
        %dma_wait3A = arith.constant 0 : i32
        %dma_wait3A_346 = tpu.memref_slice %arg8[%dma_wait3A] : memref<4096xi32, #tpu.memory_space<vmem>> -> memref<4096xi32, #tpu.memory_space<vmem>>
        %dma_wait3A_347 = tpu.memref_slice %arg4[%add3A_194] : memref<600064xi32, #tpu.memory_space<hbm>> -> memref<4096xi32, #tpu.memory_space<hbm>>
        %dma_wait3A_348 = arith.constant 0 : i32
        %dma_wait3A_349 = tpu.memref_slice %arg8[%dma_wait3A_348] : memref<4096xi32, #tpu.memory_space<vmem>> -> memref<4096xi32, #tpu.memory_space<vmem>>
        %dma_wait3A_350 = tpu.memref_slice %arg4[%add3A_194] : memref<600064xi32, #tpu.memory_space<hbm>> -> memref<4096xi32, #tpu.memory_space<hbm>>
        tpu.wait_dma2 semaphore(%run_scoped3A_340 : memref<!tpu.dma_semaphore, #tpu.memory_space<semaphore_mem>>) src(%dma_wait3A_350 : memref<4096xi32, #tpu.memory_space<hbm>>) dst(%dma_wait3A_349 : memref<4096xi32, #tpu.memory_space<vmem>>)
        tpu.yield
      }) : () -> ()
      %scan3A_195 = arith.constant 0 : i32
      %scan3A_196 = arith.constant 256 : i32
      %scan3A_197 = arith.addi %scan3A_195, %scan3A_196 : i32
      %scan3A_198 = arith.constant 1 : i32
      %scan3A_199 = scf.for %scan3A_340 = %scan3A_195 to %scan3A_197 step %scan3A_198 iter_args(%scan3A_341 = %select_n3A_190) -> (i32)  : i32 {
        %mul3A_342 = arith.constant 16 : i32
        %mul3A_343 = arith.muli %scan3A_340, %mul3A_342 : i32
        %get3A = arith.index_cast %mul3A_343 : i32 to index
        %get3A_344 = tpu.vector_load %arg7[%get3A] {strides = array<i32>} : memref<4096xi32, #tpu.memory_space<vmem>>, vector<16xi32>,
        %mul3A_345 = arith.constant 16 : i32
        %mul3A_346 = arith.muli %scan3A_340, %mul3A_345 : i32
        %get3A_347 = arith.index_cast %mul3A_346 : i32 to index
        %get3A_348 = tpu.vector_load %arg8[%get3A_347] {strides = array<i32>} : memref<4096xi32, #tpu.memory_space<vmem>>, vector<16xi32>,
        %ge3A_349 = vector.broadcast %mul3A_38 : i32 to vector<16xi32>
        %ge3A_350 = arith.cmpi sge, %get3A_348, %ge3A_349 : vector<16xi32>
        %add3A_351 = arith.constant 7168 : i32
        %add3A_352 = arith.addi %mul3A_38, %add3A_351 : i32
        %lt3A_353 = vector.broadcast %add3A_352 : i32 to vector<16xi32>
        %lt3A_354 = arith.cmpi slt, %get3A_348, %lt3A_353 : vector<16xi32>
        %and3A = arith.andi %ge3A_350, %lt3A_354 : vector<16xi1>
        %jit3A_355 = arith.constant 1 : i32
        %jit3A_356 = arith.constant 0 : i32
        %broadcast_in_dim3A_357 = vector.broadcast %jit3A_355 : i32 to vector<16xi32>
        %broadcast_in_dim3A_358 = vector.broadcast %jit3A_356 : i32 to vector<16xi32>
        %select_n3A_359 = arith.select %and3A, %broadcast_in_dim3A_357, %broadcast_in_dim3A_358 : vector<16xi1>, vector<16xi32>
        %broadcast_in_dim3A_360 = arith.constant true
        %broadcast_in_dim3A_361 = vector.broadcast %broadcast_in_dim3A_360 : i1 to vector<16xi1>
        %masked_cumsum3A = tpu.scan <sum>, %select_n3A_359 masked %broadcast_in_dim3A_361 : vector<16xi32>, vector<16xi1> -> vector<16xi32>
        %sub3A = arith.subi %masked_cumsum3A, %select_n3A_359 : vector<16xi32>
        %add3A_362 = vector.broadcast %scan3A_341 : i32 to vector<16xi32>
        %add3A_363 = arith.addi %sub3A, %add3A_362 : vector<16xi32>
        %sub3A_364 = vector.broadcast %mul3A_38 : i32 to vector<16xi32>
        %sub3A_365 = arith.subi %get3A_348, %sub3A_364 : vector<16xi32>
        %shift_right_arithmetic3A_366 = arith.constant 7 : i32
        %shift_right_arithmetic3A_367 = vector.broadcast %shift_right_arithmetic3A_366 : i32 to vector<16xi32>
        %shift_right_arithmetic3A_368 = arith.shrsi %add3A_363, %shift_right_arithmetic3A_367 : vector<16xi32>
        %and3A_369 = arith.constant 127 : i32
        %and3A_370 = vector.broadcast %and3A_369 : i32 to vector<16xi32>
        %and3A_371 = arith.andi %add3A_363, %and3A_370 : vector<16xi32>
        tpu.vector_store_idx %arg9[%shift_right_arithmetic3A_368, %and3A_371], %get3A_344 masked %and3A : memref<64x128xi32, #tpu.memory_space<vmem>>[vector<16xi32>, vector<16xi32>], vector<16xi32>, vector<16xi1>
        %shift_right_arithmetic3A_372 = arith.constant 7 : i32
        %shift_right_arithmetic3A_373 = vector.broadcast %shift_right_arithmetic3A_372 : i32 to vector<16xi32>
        %shift_right_arithmetic3A_374 = arith.shrsi %add3A_363, %shift_right_arithmetic3A_373 : vector<16xi32>
        %and3A_375 = arith.constant 127 : i32
        %and3A_376 = vector.broadcast %and3A_375 : i32 to vector<16xi32>
        %and3A_377 = arith.andi %add3A_363, %and3A_376 : vector<16xi32>
        tpu.vector_store_idx %arg10[%shift_right_arithmetic3A_374, %and3A_377], %sub3A_365 masked %and3A : memref<64x128xi32, #tpu.memory_space<vmem>>[vector<16xi32>, vector<16xi32>], vector<16xi32>, vector<16xi1>
        %shift_right_arithmetic3A_378 = arith.constant 7 : i32
        %shift_right_arithmetic3A_379 = vector.broadcast %shift_right_arithmetic3A_378 : i32 to vector<16xi32>
        %shift_right_arithmetic3A_380 = arith.shrsi %sub3A_365, %shift_right_arithmetic3A_379 : vector<16xi32>
        %and3A_381 = arith.constant 127 : i32
        %and3A_382 = vector.broadcast %and3A_381 : i32 to vector<16xi32>
        %and3A_383 = arith.andi %sub3A_365, %and3A_382 : vector<16xi32>
        tpu.vector_store_idx %arg12[%shift_right_arithmetic3A_380, %and3A_383], %add3A_65 masked %and3A {add = true} : memref<56x128xf32, #tpu.memory_space<vmem>>[vector<16xi32>, vector<16xi32>], vector<16xf32>, vector<16xi1>
        %reduce_max3A = arith.constant true
        %reduce_max3A_384 = vector.broadcast %reduce_max3A : i1 to vector<16xi1>
        %reduce_max3A_385 = arith.constant -2147483648 : i32
        %reduce_max3A_386 = vector.broadcast %reduce_max3A_385 : i32 to vector<16xi32>
        %reduce_max3A_387 = arith.xori %masked_cumsum3A, %reduce_max3A_386 : vector<16xi32>
        %reduce_max3A_388 = tpu.scan <max>, %reduce_max3A_387 masked %reduce_max3A_384 : vector<16xi32>, vector<16xi1> -> vector<16xi32>
        %reduce_max3A_389 = arith.xori %reduce_max3A_388, %reduce_max3A_386 : vector<16xi32>
        %reduce_max3A_390 = vector.extract %reduce_max3A_389[15] : i32 from vector<16xi32>
        %add3A_391 = arith.addi %scan3A_341, %reduce_max3A_390 : i32
        scf.yield %add3A_391 : i32
      }
      %scan3A_200 = arith.constant 256 : i32
      %gt3A_201 = arith.constant 4096 : i32
      %gt3A_202 = arith.cmpi sgt, %scan3A_199, %gt3A_201 : i32
      %convert_element_type3A_203 = arith.extui %gt3A_202 : i1 to i32
      %cond3A_204 = arith.constant 0 : i32
      %cond3A_205 = arith.cmpi ne, %convert_element_type3A_203, %cond3A_204 : i32
      scf.if %cond3A_205 {
        %shift_right_arithmetic3A_340 = arith.constant 7 : i32
        %shift_right_arithmetic3A_341 = arith.shrsi %scan3A_199, %shift_right_arithmetic3A_340 : i32
        %add3A_342 = vector.broadcast %shift_right_arithmetic3A_341 : i32 to vector<16xi32>
        %add3A_343 = arith.addi %broadcast_in_dim3A_2, %add3A_342 : vector<16xi32>
        %shift_left3A_344 = arith.constant 7 : i32
        %shift_left3A_345 = arith.shli %shift_right_arithmetic3A_341, %shift_left3A_344 : i32
        %add3A_346 = arith.constant 7168 : i32
        %add3A_347 = vector.broadcast %add3A_346 : i32 to vector<16xi32>
        %add3A_348 = arith.addi %broadcast_in_dim3A_2, %add3A_347 : vector<16xi32>
        %add3A_349 = arith.constant 0 : i32
        %add3A_350 = vector.broadcast %add3A_349 : i32 to vector<16xi32>
        %add3A_351 = arith.addi %iota3A, %add3A_350 : vector<16xi32>
        %add3A_352 = vector.broadcast %shift_left3A_345 : i32 to vector<16xi32>
        %add3A_353 = arith.addi %add3A_352, %add3A_351 : vector<16xi32>
        %ge3A_354 = vector.broadcast %scan3A_199 : i32 to vector<16xi32>
        %ge3A_355 = arith.cmpi sge, %add3A_353, %ge3A_354 : vector<16xi32>
        tpu.vector_store_idx %arg9[%add3A_343, %add3A_351], %broadcast_in_dim3A_2 masked %ge3A_355 : memref<64x128xi32, #tpu.memory_space<vmem>>[vector<16xi32>, vector<16xi32>], vector<16xi32>, vector<16xi1>
        tpu.vector_store_idx %arg10[%add3A_343, %add3A_351], %add3A_348 masked %ge3A_355 : memref<64x128xi32, #tpu.memory_space<vmem>>[vector<16xi32>, vector<16xi32>], vector<16xi32>, vector<16xi1>
        %add3A_356 = arith.constant 16 : i32
        %add3A_357 = vector.broadcast %add3A_356 : i32 to vector<16xi32>
        %add3A_358 = arith.addi %iota3A, %add3A_357 : vector<16xi32>
        %add3A_359 = vector.broadcast %shift_left3A_345 : i32 to vector<16xi32>
        %add3A_360 = arith.addi %add3A_359, %add3A_358 : vector<16xi32>
        %ge3A_361 = vector.broadcast %scan3A_199 : i32 to vector<16xi32>
        %ge3A_362 = arith.cmpi sge, %add3A_360, %ge3A_361 : vector<16xi32>
        tpu.vector_store_idx %arg9[%add3A_343, %add3A_358], %broadcast_in_dim3A_2 masked %ge3A_362 : memref<64x128xi32, #tpu.memory_space<vmem>>[vector<16xi32>, vector<16xi32>], vector<16xi32>, vector<16xi1>
        tpu.vector_store_idx %arg10[%add3A_343, %add3A_358], %add3A_348 masked %ge3A_362 : memref<64x128xi32, #tpu.memory_space<vmem>>[vector<16xi32>, vector<16xi32>], vector<16xi32>, vector<16xi1>
        %add3A_363 = arith.constant 32 : i32
        %add3A_364 = vector.broadcast %add3A_363 : i32 to vector<16xi32>
        %add3A_365 = arith.addi %iota3A, %add3A_364 : vector<16xi32>
        %add3A_366 = vector.broadcast %shift_left3A_345 : i32 to vector<16xi32>
        %add3A_367 = arith.addi %add3A_366, %add3A_365 : vector<16xi32>
        %ge3A_368 = vector.broadcast %scan3A_199 : i32 to vector<16xi32>
        %ge3A_369 = arith.cmpi sge, %add3A_367, %ge3A_368 : vector<16xi32>
        tpu.vector_store_idx %arg9[%add3A_343, %add3A_365], %broadcast_in_dim3A_2 masked %ge3A_369 : memref<64x128xi32, #tpu.memory_space<vmem>>[vector<16xi32>, vector<16xi32>], vector<16xi32>, vector<16xi1>
        tpu.vector_store_idx %arg10[%add3A_343, %add3A_365], %add3A_348 masked %ge3A_369 : memref<64x128xi32, #tpu.memory_space<vmem>>[vector<16xi32>, vector<16xi32>], vector<16xi32>, vector<16xi1>
        %add3A_370 = arith.constant 48 : i32
        %add3A_371 = vector.broadcast %add3A_370 : i32 to vector<16xi32>
        %add3A_372 = arith.addi %iota3A, %add3A_371 : vector<16xi32>
        %add3A_373 = vector.broadcast %shift_left3A_345 : i32 to vector<16xi32>
        %add3A_374 = arith.addi %add3A_373, %add3A_372 : vector<16xi32>
        %ge3A_375 = vector.broadcast %scan3A_199 : i32 to vector<16xi32>
        %ge3A_376 = arith.cmpi sge, %add3A_374, %ge3A_375 : vector<16xi32>
        tpu.vector_store_idx %arg9[%add3A_343, %add3A_372], %broadcast_in_dim3A_2 masked %ge3A_376 : memref<64x128xi32, #tpu.memory_space<vmem>>[vector<16xi32>, vector<16xi32>], vector<16xi32>, vector<16xi1>
        tpu.vector_store_idx %arg10[%add3A_343, %add3A_372], %add3A_348 masked %ge3A_376 : memref<64x128xi32, #tpu.memory_space<vmem>>[vector<16xi32>, vector<16xi32>], vector<16xi32>, vector<16xi1>
        %add3A_377 = arith.constant 64 : i32
        %add3A_378 = vector.broadcast %add3A_377 : i32 to vector<16xi32>
        %add3A_379 = arith.addi %iota3A, %add3A_378 : vector<16xi32>
        %add3A_380 = vector.broadcast %shift_left3A_345 : i32 to vector<16xi32>
        %add3A_381 = arith.addi %add3A_380, %add3A_379 : vector<16xi32>
        %ge3A_382 = vector.broadcast %scan3A_199 : i32 to vector<16xi32>
        %ge3A_383 = arith.cmpi sge, %add3A_381, %ge3A_382 : vector<16xi32>
        tpu.vector_store_idx %arg9[%add3A_343, %add3A_379], %broadcast_in_dim3A_2 masked %ge3A_383 : memref<64x128xi32, #tpu.memory_space<vmem>>[vector<16xi32>, vector<16xi32>], vector<16xi32>, vector<16xi1>
        tpu.vector_store_idx %arg10[%add3A_343, %add3A_379], %add3A_348 masked %ge3A_383 : memref<64x128xi32, #tpu.memory_space<vmem>>[vector<16xi32>, vector<16xi32>], vector<16xi32>, vector<16xi1>
        %add3A_384 = arith.constant 80 : i32
        %add3A_385 = vector.broadcast %add3A_384 : i32 to vector<16xi32>
        %add3A_386 = arith.addi %iota3A, %add3A_385 : vector<16xi32>
        %add3A_387 = vector.broadcast %shift_left3A_345 : i32 to vector<16xi32>
        %add3A_388 = arith.addi %add3A_387, %add3A_386 : vector<16xi32>
        %ge3A_389 = vector.broadcast %scan3A_199 : i32 to vector<16xi32>
        %ge3A_390 = arith.cmpi sge, %add3A_388, %ge3A_389 : vector<16xi32>
        tpu.vector_store_idx %arg9[%add3A_343, %add3A_386], %broadcast_in_dim3A_2 masked %ge3A_390 : memref<64x128xi32, #tpu.memory_space<vmem>>[vector<16xi32>, vector<16xi32>], vector<16xi32>, vector<16xi1>
        tpu.vector_store_idx %arg10[%add3A_343, %add3A_386], %add3A_348 masked %ge3A_390 : memref<64x128xi32, #tpu.memory_space<vmem>>[vector<16xi32>, vector<16xi32>], vector<16xi32>, vector<16xi1>
        %add3A_391 = arith.constant 96 : i32
        %add3A_392 = vector.broadcast %add3A_391 : i32 to vector<16xi32>
        %add3A_393 = arith.addi %iota3A, %add3A_392 : vector<16xi32>
        %add3A_394 = vector.broadcast %shift_left3A_345 : i32 to vector<16xi32>
        %add3A_395 = arith.addi %add3A_394, %add3A_393 : vector<16xi32>
        %ge3A_396 = vector.broadcast %scan3A_199 : i32 to vector<16xi32>
        %ge3A_397 = arith.cmpi sge, %add3A_395, %ge3A_396 : vector<16xi32>
        tpu.vector_store_idx %arg9[%add3A_343, %add3A_393], %broadcast_in_dim3A_2 masked %ge3A_397 : memref<64x128xi32, #tpu.memory_space<vmem>>[vector<16xi32>, vector<16xi32>], vector<16xi32>, vector<16xi1>
        tpu.vector_store_idx %arg10[%add3A_343, %add3A_393], %add3A_348 masked %ge3A_397 : memref<64x128xi32, #tpu.memory_space<vmem>>[vector<16xi32>, vector<16xi32>], vector<16xi32>, vector<16xi1>
        %add3A_398 = arith.constant 112 : i32
        %add3A_399 = vector.broadcast %add3A_398 : i32 to vector<16xi32>
        %add3A_400 = arith.addi %iota3A, %add3A_399 : vector<16xi32>
        %add3A_401 = vector.broadcast %shift_left3A_345 : i32 to vector<16xi32>
        %add3A_402 = arith.addi %add3A_401, %add3A_400 : vector<16xi32>
        %ge3A_403 = vector.broadcast %scan3A_199 : i32 to vector<16xi32>
        %ge3A_404 = arith.cmpi sge, %add3A_402, %ge3A_403 : vector<16xi32>
        tpu.vector_store_idx %arg9[%add3A_343, %add3A_400], %broadcast_in_dim3A_2 masked %ge3A_404 : memref<64x128xi32, #tpu.memory_space<vmem>>[vector<16xi32>, vector<16xi32>], vector<16xi32>, vector<16xi1>
        tpu.vector_store_idx %arg10[%add3A_343, %add3A_400], %add3A_348 masked %ge3A_404 : memref<64x128xi32, #tpu.memory_space<vmem>>[vector<16xi32>, vector<16xi32>], vector<16xi32>, vector<16xi1>
        %add3A_405 = arith.constant 127 : i32
        %add3A_406 = arith.addi %scan3A_199, %add3A_405 : i32
        %shift_right_arithmetic3A_407 = arith.constant 7 : i32
        %shift_right_arithmetic3A_408 = arith.shrsi %add3A_406, %shift_right_arithmetic3A_407 : i32
        %while3A_409 = arith.constant 0 : i32
        %while3A_410 = arith.constant 0 : i32
        %while3A_411 = arith.subi %shift_right_arithmetic3A_408, %while3A_410 : i32
        %while3A_412 = arith.addi %while3A_410, %while3A_411 : i32
        %while3A_413 = arith.constant 1 : i32
        %while3A_414 = arith.divsi %while3A_411, %while3A_413 : i32
        %while3A_415 = arith.muli %while3A_414, %while3A_413 : i32
        %while3A_416 = arith.addi %while3A_410, %while3A_415 : i32
        %while3A_417 = arith.constant 1 : i32
        scf.for %while3A_419 = %while3A_410 to %while3A_416 step %while3A_417  : i32 {
          %dma_start3A = arith.constant 0 : i32
          %dma_start3A_420 = tpu.memref_slice %arg9[%while3A_419, %dma_start3A] : memref<64x128xi32, #tpu.memory_space<vmem>> -> memref<1x128xi32, #tpu.memory_space<vmem>>
          %dma_start3A_421 = tpu.memref_squeeze %dma_start3A_420 : memref<1x128xi32, #tpu.memory_space<vmem>> -> memref<128xi32, #tpu.memory_space<vmem>>
          %dma_start3A_422 = arith.constant 0 : i32
          %dma_start3A_423 = arith.constant 0 : i32
          %dma_start3A_424 = tpu.memref_slice %arg2[%dma_start3A_422, %dma_start3A_423] : memref<100000x128xf32, #tpu.memory_space<hbm>> -> memref<100000x128xf32, #tpu.memory_space<hbm>>
          tpu.enqueue_indirect_dma source(%dma_start3A_424 : memref<100000x128xf32, #tpu.memory_space<hbm>>) target(%arg11 : memref<128x128xf32, #tpu.memory_space<vmem>>) offsets(%dma_start3A_421 : memref<128xi32, #tpu.memory_space<vmem>>) semaphore(%arg16 : memref<!tpu.dma_semaphore, #tpu.memory_space<semaphore_mem>>)
          %dma_wait3A = arith.constant 0 : i32
          %dma_wait3A_425 = tpu.memref_slice %arg9[%while3A_419, %dma_wait3A] : memref<64x128xi32, #tpu.memory_space<vmem>> -> memref<1x128xi32, #tpu.memory_space<vmem>>
          %dma_wait3A_426 = tpu.memref_squeeze %dma_wait3A_425 : memref<1x128xi32, #tpu.memory_space<vmem>> -> memref<128xi32, #tpu.memory_space<vmem>>
          %dma_wait3A_427 = arith.constant 0 : i32
          %dma_wait3A_428 = arith.constant 0 : i32
          %dma_wait3A_429 = tpu.memref_slice %arg2[%dma_wait3A_427, %dma_wait3A_428] : memref<100000x128xf32, #tpu.memory_space<hbm>> -> memref<100000x128xf32, #tpu.memory_space<hbm>>
          tpu.wait_indirect_dma semaphore(%arg16 : memref<!tpu.dma_semaphore, #tpu.memory_space<semaphore_mem>>) src(%dma_wait3A_429 : memref<100000x128xf32, #tpu.memory_space<hbm>>) dst(%arg11 : memref<128x128xf32, #tpu.memory_space<vmem>>)
          "tpu.region"() ({
            %run_scoped3A_430 = tpu.sem_alloc : memref<!tpu.dma_semaphore, #tpu.memory_space<semaphore_mem>>
            %dma_start3A_431 = arith.constant 0 : i32
            %dma_start3A_432 = tpu.memref_slice %arg10[%while3A_419, %dma_start3A_431] : memref<64x128xi32, #tpu.memory_space<vmem>> -> memref<1x128xi32, #tpu.memory_space<vmem>>
            %dma_start3A_433 = tpu.memref_squeeze %dma_start3A_432 : memref<1x128xi32, #tpu.memory_space<vmem>> -> memref<128xi32, #tpu.memory_space<vmem>>
            %dma_start3A_434 = arith.constant 0 : i32
            %dma_start3A_435 = arith.constant 0 : i32
            %dma_start3A_436 = tpu.memref_slice %arg14[%dma_start3A_434, %dma_start3A_435] : memref<7184x128xf32, #tpu.memory_space<vmem_shared>> -> memref<7184x128xf32, #tpu.memory_space<vmem_shared>>
            tpu.enqueue_indirect_dma source(%arg11 : memref<128x128xf32, #tpu.memory_space<vmem>>) target(%dma_start3A_436 : memref<7184x128xf32, #tpu.memory_space<vmem_shared>>) offsets(%dma_start3A_433 : memref<128xi32, #tpu.memory_space<vmem>>) semaphore(%run_scoped3A_430 : memref<!tpu.dma_semaphore, #tpu.memory_space<semaphore_mem>>) {add = true}
            %dma_wait3A_437 = arith.constant 0 : i32
            %dma_wait3A_438 = tpu.memref_slice %arg10[%while3A_419, %dma_wait3A_437] : memref<64x128xi32, #tpu.memory_space<vmem>> -> memref<1x128xi32, #tpu.memory_space<vmem>>
            %dma_wait3A_439 = tpu.memref_squeeze %dma_wait3A_438 : memref<1x128xi32, #tpu.memory_space<vmem>> -> memref<128xi32, #tpu.memory_space<vmem>>
            %dma_wait3A_440 = arith.constant 0 : i32
            %dma_wait3A_441 = arith.constant 0 : i32
            %dma_wait3A_442 = tpu.memref_slice %arg14[%dma_wait3A_440, %dma_wait3A_441] : memref<7184x128xf32, #tpu.memory_space<vmem_shared>> -> memref<7184x128xf32, #tpu.memory_space<vmem_shared>>
            tpu.wait_indirect_dma semaphore(%run_scoped3A_430 : memref<!tpu.dma_semaphore, #tpu.memory_space<semaphore_mem>>) src(%arg11 : memref<128x128xf32, #tpu.memory_space<vmem>>) dst(%dma_wait3A_442 : memref<7184x128xf32, #tpu.memory_space<vmem_shared>>)
            tpu.yield
          }) : () -> ()
        }
        %while3A_418 = arith.constant 1 : i32
        scf.for %while3A_419 = %while3A_416 to %while3A_412 step %while3A_418  : i32 {
          %dma_start3A = arith.constant 0 : i32
          %dma_start3A_420 = tpu.memref_slice %arg9[%while3A_419, %dma_start3A] : memref<64x128xi32, #tpu.memory_space<vmem>> -> memref<1x128xi32, #tpu.memory_space<vmem>>
          %dma_start3A_421 = tpu.memref_squeeze %dma_start3A_420 : memref<1x128xi32, #tpu.memory_space<vmem>> -> memref<128xi32, #tpu.memory_space<vmem>>
          %dma_start3A_422 = arith.constant 0 : i32
          %dma_start3A_423 = arith.constant 0 : i32
          %dma_start3A_424 = tpu.memref_slice %arg2[%dma_start3A_422, %dma_start3A_423] : memref<100000x128xf32, #tpu.memory_space<hbm>> -> memref<100000x128xf32, #tpu.memory_space<hbm>>
          tpu.enqueue_indirect_dma source(%dma_start3A_424 : memref<100000x128xf32, #tpu.memory_space<hbm>>) target(%arg11 : memref<128x128xf32, #tpu.memory_space<vmem>>) offsets(%dma_start3A_421 : memref<128xi32, #tpu.memory_space<vmem>>) semaphore(%arg16 : memref<!tpu.dma_semaphore, #tpu.memory_space<semaphore_mem>>)
          %dma_wait3A = arith.constant 0 : i32
          %dma_wait3A_425 = tpu.memref_slice %arg9[%while3A_419, %dma_wait3A] : memref<64x128xi32, #tpu.memory_space<vmem>> -> memref<1x128xi32, #tpu.memory_space<vmem>>
          %dma_wait3A_426 = tpu.memref_squeeze %dma_wait3A_425 : memref<1x128xi32, #tpu.memory_space<vmem>> -> memref<128xi32, #tpu.memory_space<vmem>>
          %dma_wait3A_427 = arith.constant 0 : i32
          %dma_wait3A_428 = arith.constant 0 : i32
          %dma_wait3A_429 = tpu.memref_slice %arg2[%dma_wait3A_427, %dma_wait3A_428] : memref<100000x128xf32, #tpu.memory_space<hbm>> -> memref<100000x128xf32, #tpu.memory_space<hbm>>
          tpu.wait_indirect_dma semaphore(%arg16 : memref<!tpu.dma_semaphore, #tpu.memory_space<semaphore_mem>>) src(%dma_wait3A_429 : memref<100000x128xf32, #tpu.memory_space<hbm>>) dst(%arg11 : memref<128x128xf32, #tpu.memory_space<vmem>>)
          "tpu.region"() ({
            %run_scoped3A_430 = tpu.sem_alloc : memref<!tpu.dma_semaphore, #tpu.memory_space<semaphore_mem>>
            %dma_start3A_431 = arith.constant 0 : i32
            %dma_start3A_432 = tpu.memref_slice %arg10[%while3A_419, %dma_start3A_431] : memref<64x128xi32, #tpu.memory_space<vmem>> -> memref<1x128xi32, #tpu.memory_space<vmem>>
            %dma_start3A_433 = tpu.memref_squeeze %dma_start3A_432 : memref<1x128xi32, #tpu.memory_space<vmem>> -> memref<128xi32, #tpu.memory_space<vmem>>
            %dma_start3A_434 = arith.constant 0 : i32
            %dma_start3A_435 = arith.constant 0 : i32
            %dma_start3A_436 = tpu.memref_slice %arg14[%dma_start3A_434, %dma_start3A_435] : memref<7184x128xf32, #tpu.memory_space<vmem_shared>> -> memref<7184x128xf32, #tpu.memory_space<vmem_shared>>
            tpu.enqueue_indirect_dma source(%arg11 : memref<128x128xf32, #tpu.memory_space<vmem>>) target(%dma_start3A_436 : memref<7184x128xf32, #tpu.memory_space<vmem_shared>>) offsets(%dma_start3A_433 : memref<128xi32, #tpu.memory_space<vmem>>) semaphore(%run_scoped3A_430 : memref<!tpu.dma_semaphore, #tpu.memory_space<semaphore_mem>>) {add = true}
            %dma_wait3A_437 = arith.constant 0 : i32
            %dma_wait3A_438 = tpu.memref_slice %arg10[%while3A_419, %dma_wait3A_437] : memref<64x128xi32, #tpu.memory_space<vmem>> -> memref<1x128xi32, #tpu.memory_space<vmem>>
            %dma_wait3A_439 = tpu.memref_squeeze %dma_wait3A_438 : memref<1x128xi32, #tpu.memory_space<vmem>> -> memref<128xi32, #tpu.memory_space<vmem>>
            %dma_wait3A_440 = arith.constant 0 : i32
            %dma_wait3A_441 = arith.constant 0 : i32
            %dma_wait3A_442 = tpu.memref_slice %arg14[%dma_wait3A_440, %dma_wait3A_441] : memref<7184x128xf32, #tpu.memory_space<vmem_shared>> -> memref<7184x128xf32, #tpu.memory_space<vmem_shared>>
            tpu.wait_indirect_dma semaphore(%run_scoped3A_430 : memref<!tpu.dma_semaphore, #tpu.memory_space<semaphore_mem>>) src(%arg11 : memref<128x128xf32, #tpu.memory_space<vmem>>) dst(%dma_wait3A_442 : memref<7184x128xf32, #tpu.memory_space<vmem_shared>>)
            tpu.yield
          }) : () -> ()
        }
      } else {
      }
      %jit3A_206 = arith.constant 0 : i32
      %select_n3A_207 = arith.select %gt3A_202, %jit3A_206, %scan3A_199 : i32
      %add3A_208 = arith.constant 12288 : i32
      %add3A_209 = arith.addi %mul3A_156, %add3A_208 : i32
      "tpu.region"() ({
        %run_scoped3A_340 = tpu.sem_alloc : memref<!tpu.dma_semaphore, #tpu.memory_space<semaphore_mem>>
        %dma_start3A = arith.constant 0 : i32
        %dma_start3A_341 = tpu.memref_slice %arg7[%dma_start3A] : memref<4096xi32, #tpu.memory_space<vmem>> -> memref<4096xi32, #tpu.memory_space<vmem>>
        %dma_start3A_342 = tpu.memref_slice %arg3[%add3A_209] : memref<600064xi32, #tpu.memory_space<hbm>> -> memref<4096xi32, #tpu.memory_space<hbm>>
        %dma_start3A_343 = arith.constant 0 : i32
        %dma_start3A_344 = tpu.memref_slice %arg7[%dma_start3A_343] : memref<4096xi32, #tpu.memory_space<vmem>> -> memref<4096xi32, #tpu.memory_space<vmem>>
        %dma_start3A_345 = tpu.memref_slice %arg3[%add3A_209] : memref<600064xi32, #tpu.memory_space<hbm>> -> memref<4096xi32, #tpu.memory_space<hbm>>
        tpu.enqueue_dma source(%dma_start3A_345 : memref<4096xi32, #tpu.memory_space<hbm>>) target(%dma_start3A_344 : memref<4096xi32, #tpu.memory_space<vmem>>) target_semaphore(%run_scoped3A_340 : memref<!tpu.dma_semaphore, #tpu.memory_space<semaphore_mem>>)
        %dma_wait3A = arith.constant 0 : i32
        %dma_wait3A_346 = tpu.memref_slice %arg7[%dma_wait3A] : memref<4096xi32, #tpu.memory_space<vmem>> -> memref<4096xi32, #tpu.memory_space<vmem>>
        %dma_wait3A_347 = tpu.memref_slice %arg3[%add3A_209] : memref<600064xi32, #tpu.memory_space<hbm>> -> memref<4096xi32, #tpu.memory_space<hbm>>
        %dma_wait3A_348 = arith.constant 0 : i32
        %dma_wait3A_349 = tpu.memref_slice %arg7[%dma_wait3A_348] : memref<4096xi32, #tpu.memory_space<vmem>> -> memref<4096xi32, #tpu.memory_space<vmem>>
        %dma_wait3A_350 = tpu.memref_slice %arg3[%add3A_209] : memref<600064xi32, #tpu.memory_space<hbm>> -> memref<4096xi32, #tpu.memory_space<hbm>>
        tpu.wait_dma2 semaphore(%run_scoped3A_340 : memref<!tpu.dma_semaphore, #tpu.memory_space<semaphore_mem>>) src(%dma_wait3A_350 : memref<4096xi32, #tpu.memory_space<hbm>>) dst(%dma_wait3A_349 : memref<4096xi32, #tpu.memory_space<vmem>>)
        tpu.yield
      }) : () -> ()
      %add3A_210 = arith.constant 12288 : i32
      %add3A_211 = arith.addi %mul3A_156, %add3A_210 : i32
      "tpu.region"() ({
        %run_scoped3A_340 = tpu.sem_alloc : memref<!tpu.dma_semaphore, #tpu.memory_space<semaphore_mem>>
        %dma_start3A = arith.constant 0 : i32
        %dma_start3A_341 = tpu.memref_slice %arg8[%dma_start3A] : memref<4096xi32, #tpu.memory_space<vmem>> -> memref<4096xi32, #tpu.memory_space<vmem>>
        %dma_start3A_342 = tpu.memref_slice %arg4[%add3A_211] : memref<600064xi32, #tpu.memory_space<hbm>> -> memref<4096xi32, #tpu.memory_space<hbm>>
        %dma_start3A_343 = arith.constant 0 : i32
        %dma_start3A_344 = tpu.memref_slice %arg8[%dma_start3A_343] : memref<4096xi32, #tpu.memory_space<vmem>> -> memref<4096xi32, #tpu.memory_space<vmem>>
        %dma_start3A_345 = tpu.memref_slice %arg4[%add3A_211] : memref<600064xi32, #tpu.memory_space<hbm>> -> memref<4096xi32, #tpu.memory_space<hbm>>
        tpu.enqueue_dma source(%dma_start3A_345 : memref<4096xi32, #tpu.memory_space<hbm>>) target(%dma_start3A_344 : memref<4096xi32, #tpu.memory_space<vmem>>) target_semaphore(%run_scoped3A_340 : memref<!tpu.dma_semaphore, #tpu.memory_space<semaphore_mem>>)
        %dma_wait3A = arith.constant 0 : i32
        %dma_wait3A_346 = tpu.memref_slice %arg8[%dma_wait3A] : memref<4096xi32, #tpu.memory_space<vmem>> -> memref<4096xi32, #tpu.memory_space<vmem>>
        %dma_wait3A_347 = tpu.memref_slice %arg4[%add3A_211] : memref<600064xi32, #tpu.memory_space<hbm>> -> memref<4096xi32, #tpu.memory_space<hbm>>
        %dma_wait3A_348 = arith.constant 0 : i32
        %dma_wait3A_349 = tpu.memref_slice %arg8[%dma_wait3A_348] : memref<4096xi32, #tpu.memory_space<vmem>> -> memref<4096xi32, #tpu.memory_space<vmem>>
        %dma_wait3A_350 = tpu.memref_slice %arg4[%add3A_211] : memref<600064xi32, #tpu.memory_space<hbm>> -> memref<4096xi32, #tpu.memory_space<hbm>>
        tpu.wait_dma2 semaphore(%run_scoped3A_340 : memref<!tpu.dma_semaphore, #tpu.memory_space<semaphore_mem>>) src(%dma_wait3A_350 : memref<4096xi32, #tpu.memory_space<hbm>>) dst(%dma_wait3A_349 : memref<4096xi32, #tpu.memory_space<vmem>>)
        tpu.yield
      }) : () -> ()
      %scan3A_212 = arith.constant 0 : i32
      %scan3A_213 = arith.constant 256 : i32
      %scan3A_214 = arith.addi %scan3A_212, %scan3A_213 : i32
      %scan3A_215 = arith.constant 1 : i32
      %scan3A_216 = scf.for %scan3A_340 = %scan3A_212 to %scan3A_214 step %scan3A_215 iter_args(%scan3A_341 = %select_n3A_207) -> (i32)  : i32 {
        %mul3A_342 = arith.constant 16 : i32
        %mul3A_343 = arith.muli %scan3A_340, %mul3A_342 : i32
        %get3A = arith.index_cast %mul3A_343 : i32 to index
        %get3A_344 = tpu.vector_load %arg7[%get3A] {strides = array<i32>} : memref<4096xi32, #tpu.memory_space<vmem>>, vector<16xi32>,
        %mul3A_345 = arith.constant 16 : i32
        %mul3A_346 = arith.muli %scan3A_340, %mul3A_345 : i32
        %get3A_347 = arith.index_cast %mul3A_346 : i32 to index
        %get3A_348 = tpu.vector_load %arg8[%get3A_347] {strides = array<i32>} : memref<4096xi32, #tpu.memory_space<vmem>>, vector<16xi32>,
        %ge3A_349 = vector.broadcast %mul3A_38 : i32 to vector<16xi32>
        %ge3A_350 = arith.cmpi sge, %get3A_348, %ge3A_349 : vector<16xi32>
        %add3A_351 = arith.constant 7168 : i32
        %add3A_352 = arith.addi %mul3A_38, %add3A_351 : i32
        %lt3A_353 = vector.broadcast %add3A_352 : i32 to vector<16xi32>
        %lt3A_354 = arith.cmpi slt, %get3A_348, %lt3A_353 : vector<16xi32>
        %and3A = arith.andi %ge3A_350, %lt3A_354 : vector<16xi1>
        %jit3A_355 = arith.constant 1 : i32
        %jit3A_356 = arith.constant 0 : i32
        %broadcast_in_dim3A_357 = vector.broadcast %jit3A_355 : i32 to vector<16xi32>
        %broadcast_in_dim3A_358 = vector.broadcast %jit3A_356 : i32 to vector<16xi32>
        %select_n3A_359 = arith.select %and3A, %broadcast_in_dim3A_357, %broadcast_in_dim3A_358 : vector<16xi1>, vector<16xi32>
        %broadcast_in_dim3A_360 = arith.constant true
        %broadcast_in_dim3A_361 = vector.broadcast %broadcast_in_dim3A_360 : i1 to vector<16xi1>
        %masked_cumsum3A = tpu.scan <sum>, %select_n3A_359 masked %broadcast_in_dim3A_361 : vector<16xi32>, vector<16xi1> -> vector<16xi32>
        %sub3A = arith.subi %masked_cumsum3A, %select_n3A_359 : vector<16xi32>
        %add3A_362 = vector.broadcast %scan3A_341 : i32 to vector<16xi32>
        %add3A_363 = arith.addi %sub3A, %add3A_362 : vector<16xi32>
        %sub3A_364 = vector.broadcast %mul3A_38 : i32 to vector<16xi32>
        %sub3A_365 = arith.subi %get3A_348, %sub3A_364 : vector<16xi32>
        %shift_right_arithmetic3A_366 = arith.constant 7 : i32
        %shift_right_arithmetic3A_367 = vector.broadcast %shift_right_arithmetic3A_366 : i32 to vector<16xi32>
        %shift_right_arithmetic3A_368 = arith.shrsi %add3A_363, %shift_right_arithmetic3A_367 : vector<16xi32>
        %and3A_369 = arith.constant 127 : i32
        %and3A_370 = vector.broadcast %and3A_369 : i32 to vector<16xi32>
        %and3A_371 = arith.andi %add3A_363, %and3A_370 : vector<16xi32>
        tpu.vector_store_idx %arg9[%shift_right_arithmetic3A_368, %and3A_371], %get3A_344 masked %and3A : memref<64x128xi32, #tpu.memory_space<vmem>>[vector<16xi32>, vector<16xi32>], vector<16xi32>, vector<16xi1>
        %shift_right_arithmetic3A_372 = arith.constant 7 : i32
        %shift_right_arithmetic3A_373 = vector.broadcast %shift_right_arithmetic3A_372 : i32 to vector<16xi32>
        %shift_right_arithmetic3A_374 = arith.shrsi %add3A_363, %shift_right_arithmetic3A_373 : vector<16xi32>
        %and3A_375 = arith.constant 127 : i32
        %and3A_376 = vector.broadcast %and3A_375 : i32 to vector<16xi32>
        %and3A_377 = arith.andi %add3A_363, %and3A_376 : vector<16xi32>
        tpu.vector_store_idx %arg10[%shift_right_arithmetic3A_374, %and3A_377], %sub3A_365 masked %and3A : memref<64x128xi32, #tpu.memory_space<vmem>>[vector<16xi32>, vector<16xi32>], vector<16xi32>, vector<16xi1>
        %shift_right_arithmetic3A_378 = arith.constant 7 : i32
        %shift_right_arithmetic3A_379 = vector.broadcast %shift_right_arithmetic3A_378 : i32 to vector<16xi32>
        %shift_right_arithmetic3A_380 = arith.shrsi %sub3A_365, %shift_right_arithmetic3A_379 : vector<16xi32>
        %and3A_381 = arith.constant 127 : i32
        %and3A_382 = vector.broadcast %and3A_381 : i32 to vector<16xi32>
        %and3A_383 = arith.andi %sub3A_365, %and3A_382 : vector<16xi32>
        tpu.vector_store_idx %arg12[%shift_right_arithmetic3A_380, %and3A_383], %add3A_65 masked %and3A {add = true} : memref<56x128xf32, #tpu.memory_space<vmem>>[vector<16xi32>, vector<16xi32>], vector<16xf32>, vector<16xi1>
        %reduce_max3A = arith.constant true
        %reduce_max3A_384 = vector.broadcast %reduce_max3A : i1 to vector<16xi1>
        %reduce_max3A_385 = arith.constant -2147483648 : i32
        %reduce_max3A_386 = vector.broadcast %reduce_max3A_385 : i32 to vector<16xi32>
        %reduce_max3A_387 = arith.xori %masked_cumsum3A, %reduce_max3A_386 : vector<16xi32>
        %reduce_max3A_388 = tpu.scan <max>, %reduce_max3A_387 masked %reduce_max3A_384 : vector<16xi32>, vector<16xi1> -> vector<16xi32>
        %reduce_max3A_389 = arith.xori %reduce_max3A_388, %reduce_max3A_386 : vector<16xi32>
        %reduce_max3A_390 = vector.extract %reduce_max3A_389[15] : i32 from vector<16xi32>
        %add3A_391 = arith.addi %scan3A_341, %reduce_max3A_390 : i32
        scf.yield %add3A_391 : i32
      }
      %scan3A_217 = arith.constant 256 : i32
      %gt3A_218 = arith.constant 4096 : i32
      %gt3A_219 = arith.cmpi sgt, %scan3A_216, %gt3A_218 : i32
      %convert_element_type3A_220 = arith.extui %gt3A_219 : i1 to i32
      %cond3A_221 = arith.constant 0 : i32
      %cond3A_222 = arith.cmpi ne, %convert_element_type3A_220, %cond3A_221 : i32
      scf.if %cond3A_222 {
        %shift_right_arithmetic3A_340 = arith.constant 7 : i32
        %shift_right_arithmetic3A_341 = arith.shrsi %scan3A_216, %shift_right_arithmetic3A_340 : i32
        %add3A_342 = vector.broadcast %shift_right_arithmetic3A_341 : i32 to vector<16xi32>
        %add3A_343 = arith.addi %broadcast_in_dim3A_2, %add3A_342 : vector<16xi32>
        %shift_left3A_344 = arith.constant 7 : i32
        %shift_left3A_345 = arith.shli %shift_right_arithmetic3A_341, %shift_left3A_344 : i32
        %add3A_346 = arith.constant 7168 : i32
        %add3A_347 = vector.broadcast %add3A_346 : i32 to vector<16xi32>
        %add3A_348 = arith.addi %broadcast_in_dim3A_2, %add3A_347 : vector<16xi32>
        %add3A_349 = arith.constant 0 : i32
        %add3A_350 = vector.broadcast %add3A_349 : i32 to vector<16xi32>
        %add3A_351 = arith.addi %iota3A, %add3A_350 : vector<16xi32>
        %add3A_352 = vector.broadcast %shift_left3A_345 : i32 to vector<16xi32>
        %add3A_353 = arith.addi %add3A_352, %add3A_351 : vector<16xi32>
        %ge3A_354 = vector.broadcast %scan3A_216 : i32 to vector<16xi32>
        %ge3A_355 = arith.cmpi sge, %add3A_353, %ge3A_354 : vector<16xi32>
        tpu.vector_store_idx %arg9[%add3A_343, %add3A_351], %broadcast_in_dim3A_2 masked %ge3A_355 : memref<64x128xi32, #tpu.memory_space<vmem>>[vector<16xi32>, vector<16xi32>], vector<16xi32>, vector<16xi1>
        tpu.vector_store_idx %arg10[%add3A_343, %add3A_351], %add3A_348 masked %ge3A_355 : memref<64x128xi32, #tpu.memory_space<vmem>>[vector<16xi32>, vector<16xi32>], vector<16xi32>, vector<16xi1>
        %add3A_356 = arith.constant 16 : i32
        %add3A_357 = vector.broadcast %add3A_356 : i32 to vector<16xi32>
        %add3A_358 = arith.addi %iota3A, %add3A_357 : vector<16xi32>
        %add3A_359 = vector.broadcast %shift_left3A_345 : i32 to vector<16xi32>
        %add3A_360 = arith.addi %add3A_359, %add3A_358 : vector<16xi32>
        %ge3A_361 = vector.broadcast %scan3A_216 : i32 to vector<16xi32>
        %ge3A_362 = arith.cmpi sge, %add3A_360, %ge3A_361 : vector<16xi32>
        tpu.vector_store_idx %arg9[%add3A_343, %add3A_358], %broadcast_in_dim3A_2 masked %ge3A_362 : memref<64x128xi32, #tpu.memory_space<vmem>>[vector<16xi32>, vector<16xi32>], vector<16xi32>, vector<16xi1>
        tpu.vector_store_idx %arg10[%add3A_343, %add3A_358], %add3A_348 masked %ge3A_362 : memref<64x128xi32, #tpu.memory_space<vmem>>[vector<16xi32>, vector<16xi32>], vector<16xi32>, vector<16xi1>
        %add3A_363 = arith.constant 32 : i32
        %add3A_364 = vector.broadcast %add3A_363 : i32 to vector<16xi32>
        %add3A_365 = arith.addi %iota3A, %add3A_364 : vector<16xi32>
        %add3A_366 = vector.broadcast %shift_left3A_345 : i32 to vector<16xi32>
        %add3A_367 = arith.addi %add3A_366, %add3A_365 : vector<16xi32>
        %ge3A_368 = vector.broadcast %scan3A_216 : i32 to vector<16xi32>
        %ge3A_369 = arith.cmpi sge, %add3A_367, %ge3A_368 : vector<16xi32>
        tpu.vector_store_idx %arg9[%add3A_343, %add3A_365], %broadcast_in_dim3A_2 masked %ge3A_369 : memref<64x128xi32, #tpu.memory_space<vmem>>[vector<16xi32>, vector<16xi32>], vector<16xi32>, vector<16xi1>
        tpu.vector_store_idx %arg10[%add3A_343, %add3A_365], %add3A_348 masked %ge3A_369 : memref<64x128xi32, #tpu.memory_space<vmem>>[vector<16xi32>, vector<16xi32>], vector<16xi32>, vector<16xi1>
        %add3A_370 = arith.constant 48 : i32
        %add3A_371 = vector.broadcast %add3A_370 : i32 to vector<16xi32>
        %add3A_372 = arith.addi %iota3A, %add3A_371 : vector<16xi32>
        %add3A_373 = vector.broadcast %shift_left3A_345 : i32 to vector<16xi32>
        %add3A_374 = arith.addi %add3A_373, %add3A_372 : vector<16xi32>
        %ge3A_375 = vector.broadcast %scan3A_216 : i32 to vector<16xi32>
        %ge3A_376 = arith.cmpi sge, %add3A_374, %ge3A_375 : vector<16xi32>
        tpu.vector_store_idx %arg9[%add3A_343, %add3A_372], %broadcast_in_dim3A_2 masked %ge3A_376 : memref<64x128xi32, #tpu.memory_space<vmem>>[vector<16xi32>, vector<16xi32>], vector<16xi32>, vector<16xi1>
        tpu.vector_store_idx %arg10[%add3A_343, %add3A_372], %add3A_348 masked %ge3A_376 : memref<64x128xi32, #tpu.memory_space<vmem>>[vector<16xi32>, vector<16xi32>], vector<16xi32>, vector<16xi1>
        %add3A_377 = arith.constant 64 : i32
        %add3A_378 = vector.broadcast %add3A_377 : i32 to vector<16xi32>
        %add3A_379 = arith.addi %iota3A, %add3A_378 : vector<16xi32>
        %add3A_380 = vector.broadcast %shift_left3A_345 : i32 to vector<16xi32>
        %add3A_381 = arith.addi %add3A_380, %add3A_379 : vector<16xi32>
        %ge3A_382 = vector.broadcast %scan3A_216 : i32 to vector<16xi32>
        %ge3A_383 = arith.cmpi sge, %add3A_381, %ge3A_382 : vector<16xi32>
        tpu.vector_store_idx %arg9[%add3A_343, %add3A_379], %broadcast_in_dim3A_2 masked %ge3A_383 : memref<64x128xi32, #tpu.memory_space<vmem>>[vector<16xi32>, vector<16xi32>], vector<16xi32>, vector<16xi1>
        tpu.vector_store_idx %arg10[%add3A_343, %add3A_379], %add3A_348 masked %ge3A_383 : memref<64x128xi32, #tpu.memory_space<vmem>>[vector<16xi32>, vector<16xi32>], vector<16xi32>, vector<16xi1>
        %add3A_384 = arith.constant 80 : i32
        %add3A_385 = vector.broadcast %add3A_384 : i32 to vector<16xi32>
        %add3A_386 = arith.addi %iota3A, %add3A_385 : vector<16xi32>
        %add3A_387 = vector.broadcast %shift_left3A_345 : i32 to vector<16xi32>
        %add3A_388 = arith.addi %add3A_387, %add3A_386 : vector<16xi32>
        %ge3A_389 = vector.broadcast %scan3A_216 : i32 to vector<16xi32>
        %ge3A_390 = arith.cmpi sge, %add3A_388, %ge3A_389 : vector<16xi32>
        tpu.vector_store_idx %arg9[%add3A_343, %add3A_386], %broadcast_in_dim3A_2 masked %ge3A_390 : memref<64x128xi32, #tpu.memory_space<vmem>>[vector<16xi32>, vector<16xi32>], vector<16xi32>, vector<16xi1>
        tpu.vector_store_idx %arg10[%add3A_343, %add3A_386], %add3A_348 masked %ge3A_390 : memref<64x128xi32, #tpu.memory_space<vmem>>[vector<16xi32>, vector<16xi32>], vector<16xi32>, vector<16xi1>
        %add3A_391 = arith.constant 96 : i32
        %add3A_392 = vector.broadcast %add3A_391 : i32 to vector<16xi32>
        %add3A_393 = arith.addi %iota3A, %add3A_392 : vector<16xi32>
        %add3A_394 = vector.broadcast %shift_left3A_345 : i32 to vector<16xi32>
        %add3A_395 = arith.addi %add3A_394, %add3A_393 : vector<16xi32>
        %ge3A_396 = vector.broadcast %scan3A_216 : i32 to vector<16xi32>
        %ge3A_397 = arith.cmpi sge, %add3A_395, %ge3A_396 : vector<16xi32>
        tpu.vector_store_idx %arg9[%add3A_343, %add3A_393], %broadcast_in_dim3A_2 masked %ge3A_397 : memref<64x128xi32, #tpu.memory_space<vmem>>[vector<16xi32>, vector<16xi32>], vector<16xi32>, vector<16xi1>
        tpu.vector_store_idx %arg10[%add3A_343, %add3A_393], %add3A_348 masked %ge3A_397 : memref<64x128xi32, #tpu.memory_space<vmem>>[vector<16xi32>, vector<16xi32>], vector<16xi32>, vector<16xi1>
        %add3A_398 = arith.constant 112 : i32
        %add3A_399 = vector.broadcast %add3A_398 : i32 to vector<16xi32>
        %add3A_400 = arith.addi %iota3A, %add3A_399 : vector<16xi32>
        %add3A_401 = vector.broadcast %shift_left3A_345 : i32 to vector<16xi32>
        %add3A_402 = arith.addi %add3A_401, %add3A_400 : vector<16xi32>
        %ge3A_403 = vector.broadcast %scan3A_216 : i32 to vector<16xi32>
        %ge3A_404 = arith.cmpi sge, %add3A_402, %ge3A_403 : vector<16xi32>
        tpu.vector_store_idx %arg9[%add3A_343, %add3A_400], %broadcast_in_dim3A_2 masked %ge3A_404 : memref<64x128xi32, #tpu.memory_space<vmem>>[vector<16xi32>, vector<16xi32>], vector<16xi32>, vector<16xi1>
        tpu.vector_store_idx %arg10[%add3A_343, %add3A_400], %add3A_348 masked %ge3A_404 : memref<64x128xi32, #tpu.memory_space<vmem>>[vector<16xi32>, vector<16xi32>], vector<16xi32>, vector<16xi1>
        %add3A_405 = arith.constant 127 : i32
        %add3A_406 = arith.addi %scan3A_216, %add3A_405 : i32
        %shift_right_arithmetic3A_407 = arith.constant 7 : i32
        %shift_right_arithmetic3A_408 = arith.shrsi %add3A_406, %shift_right_arithmetic3A_407 : i32
        %while3A_409 = arith.constant 0 : i32
        %while3A_410 = arith.constant 0 : i32
        %while3A_411 = arith.subi %shift_right_arithmetic3A_408, %while3A_410 : i32
        %while3A_412 = arith.addi %while3A_410, %while3A_411 : i32
        %while3A_413 = arith.constant 1 : i32
        %while3A_414 = arith.divsi %while3A_411, %while3A_413 : i32
        %while3A_415 = arith.muli %while3A_414, %while3A_413 : i32
        %while3A_416 = arith.addi %while3A_410, %while3A_415 : i32
        %while3A_417 = arith.constant 1 : i32
        scf.for %while3A_419 = %while3A_410 to %while3A_416 step %while3A_417  : i32 {
          %dma_start3A = arith.constant 0 : i32
          %dma_start3A_420 = tpu.memref_slice %arg9[%while3A_419, %dma_start3A] : memref<64x128xi32, #tpu.memory_space<vmem>> -> memref<1x128xi32, #tpu.memory_space<vmem>>
          %dma_start3A_421 = tpu.memref_squeeze %dma_start3A_420 : memref<1x128xi32, #tpu.memory_space<vmem>> -> memref<128xi32, #tpu.memory_space<vmem>>
          %dma_start3A_422 = arith.constant 0 : i32
          %dma_start3A_423 = arith.constant 0 : i32
          %dma_start3A_424 = tpu.memref_slice %arg2[%dma_start3A_422, %dma_start3A_423] : memref<100000x128xf32, #tpu.memory_space<hbm>> -> memref<100000x128xf32, #tpu.memory_space<hbm>>
          tpu.enqueue_indirect_dma source(%dma_start3A_424 : memref<100000x128xf32, #tpu.memory_space<hbm>>) target(%arg11 : memref<128x128xf32, #tpu.memory_space<vmem>>) offsets(%dma_start3A_421 : memref<128xi32, #tpu.memory_space<vmem>>) semaphore(%arg16 : memref<!tpu.dma_semaphore, #tpu.memory_space<semaphore_mem>>)
          %dma_wait3A = arith.constant 0 : i32
          %dma_wait3A_425 = tpu.memref_slice %arg9[%while3A_419, %dma_wait3A] : memref<64x128xi32, #tpu.memory_space<vmem>> -> memref<1x128xi32, #tpu.memory_space<vmem>>
          %dma_wait3A_426 = tpu.memref_squeeze %dma_wait3A_425 : memref<1x128xi32, #tpu.memory_space<vmem>> -> memref<128xi32, #tpu.memory_space<vmem>>
          %dma_wait3A_427 = arith.constant 0 : i32
          %dma_wait3A_428 = arith.constant 0 : i32
          %dma_wait3A_429 = tpu.memref_slice %arg2[%dma_wait3A_427, %dma_wait3A_428] : memref<100000x128xf32, #tpu.memory_space<hbm>> -> memref<100000x128xf32, #tpu.memory_space<hbm>>
          tpu.wait_indirect_dma semaphore(%arg16 : memref<!tpu.dma_semaphore, #tpu.memory_space<semaphore_mem>>) src(%dma_wait3A_429 : memref<100000x128xf32, #tpu.memory_space<hbm>>) dst(%arg11 : memref<128x128xf32, #tpu.memory_space<vmem>>)
          "tpu.region"() ({
            %run_scoped3A_430 = tpu.sem_alloc : memref<!tpu.dma_semaphore, #tpu.memory_space<semaphore_mem>>
            %dma_start3A_431 = arith.constant 0 : i32
            %dma_start3A_432 = tpu.memref_slice %arg10[%while3A_419, %dma_start3A_431] : memref<64x128xi32, #tpu.memory_space<vmem>> -> memref<1x128xi32, #tpu.memory_space<vmem>>
            %dma_start3A_433 = tpu.memref_squeeze %dma_start3A_432 : memref<1x128xi32, #tpu.memory_space<vmem>> -> memref<128xi32, #tpu.memory_space<vmem>>
            %dma_start3A_434 = arith.constant 0 : i32
            %dma_start3A_435 = arith.constant 0 : i32
            %dma_start3A_436 = tpu.memref_slice %arg14[%dma_start3A_434, %dma_start3A_435] : memref<7184x128xf32, #tpu.memory_space<vmem_shared>> -> memref<7184x128xf32, #tpu.memory_space<vmem_shared>>
            tpu.enqueue_indirect_dma source(%arg11 : memref<128x128xf32, #tpu.memory_space<vmem>>) target(%dma_start3A_436 : memref<7184x128xf32, #tpu.memory_space<vmem_shared>>) offsets(%dma_start3A_433 : memref<128xi32, #tpu.memory_space<vmem>>) semaphore(%run_scoped3A_430 : memref<!tpu.dma_semaphore, #tpu.memory_space<semaphore_mem>>) {add = true}
            %dma_wait3A_437 = arith.constant 0 : i32
            %dma_wait3A_438 = tpu.memref_slice %arg10[%while3A_419, %dma_wait3A_437] : memref<64x128xi32, #tpu.memory_space<vmem>> -> memref<1x128xi32, #tpu.memory_space<vmem>>
            %dma_wait3A_439 = tpu.memref_squeeze %dma_wait3A_438 : memref<1x128xi32, #tpu.memory_space<vmem>> -> memref<128xi32, #tpu.memory_space<vmem>>
            %dma_wait3A_440 = arith.constant 0 : i32
            %dma_wait3A_441 = arith.constant 0 : i32
            %dma_wait3A_442 = tpu.memref_slice %arg14[%dma_wait3A_440, %dma_wait3A_441] : memref<7184x128xf32, #tpu.memory_space<vmem_shared>> -> memref<7184x128xf32, #tpu.memory_space<vmem_shared>>
            tpu.wait_indirect_dma semaphore(%run_scoped3A_430 : memref<!tpu.dma_semaphore, #tpu.memory_space<semaphore_mem>>) src(%arg11 : memref<128x128xf32, #tpu.memory_space<vmem>>) dst(%dma_wait3A_442 : memref<7184x128xf32, #tpu.memory_space<vmem_shared>>)
            tpu.yield
          }) : () -> ()
        }
        %while3A_418 = arith.constant 1 : i32
        scf.for %while3A_419 = %while3A_416 to %while3A_412 step %while3A_418  : i32 {
          %dma_start3A = arith.constant 0 : i32
          %dma_start3A_420 = tpu.memref_slice %arg9[%while3A_419, %dma_start3A] : memref<64x128xi32, #tpu.memory_space<vmem>> -> memref<1x128xi32, #tpu.memory_space<vmem>>
          %dma_start3A_421 = tpu.memref_squeeze %dma_start3A_420 : memref<1x128xi32, #tpu.memory_space<vmem>> -> memref<128xi32, #tpu.memory_space<vmem>>
          %dma_start3A_422 = arith.constant 0 : i32
          %dma_start3A_423 = arith.constant 0 : i32
          %dma_start3A_424 = tpu.memref_slice %arg2[%dma_start3A_422, %dma_start3A_423] : memref<100000x128xf32, #tpu.memory_space<hbm>> -> memref<100000x128xf32, #tpu.memory_space<hbm>>
          tpu.enqueue_indirect_dma source(%dma_start3A_424 : memref<100000x128xf32, #tpu.memory_space<hbm>>) target(%arg11 : memref<128x128xf32, #tpu.memory_space<vmem>>) offsets(%dma_start3A_421 : memref<128xi32, #tpu.memory_space<vmem>>) semaphore(%arg16 : memref<!tpu.dma_semaphore, #tpu.memory_space<semaphore_mem>>)
          %dma_wait3A = arith.constant 0 : i32
          %dma_wait3A_425 = tpu.memref_slice %arg9[%while3A_419, %dma_wait3A] : memref<64x128xi32, #tpu.memory_space<vmem>> -> memref<1x128xi32, #tpu.memory_space<vmem>>
          %dma_wait3A_426 = tpu.memref_squeeze %dma_wait3A_425 : memref<1x128xi32, #tpu.memory_space<vmem>> -> memref<128xi32, #tpu.memory_space<vmem>>
          %dma_wait3A_427 = arith.constant 0 : i32
          %dma_wait3A_428 = arith.constant 0 : i32
          %dma_wait3A_429 = tpu.memref_slice %arg2[%dma_wait3A_427, %dma_wait3A_428] : memref<100000x128xf32, #tpu.memory_space<hbm>> -> memref<100000x128xf32, #tpu.memory_space<hbm>>
          tpu.wait_indirect_dma semaphore(%arg16 : memref<!tpu.dma_semaphore, #tpu.memory_space<semaphore_mem>>) src(%dma_wait3A_429 : memref<100000x128xf32, #tpu.memory_space<hbm>>) dst(%arg11 : memref<128x128xf32, #tpu.memory_space<vmem>>)
          "tpu.region"() ({
            %run_scoped3A_430 = tpu.sem_alloc : memref<!tpu.dma_semaphore, #tpu.memory_space<semaphore_mem>>
            %dma_start3A_431 = arith.constant 0 : i32
            %dma_start3A_432 = tpu.memref_slice %arg10[%while3A_419, %dma_start3A_431] : memref<64x128xi32, #tpu.memory_space<vmem>> -> memref<1x128xi32, #tpu.memory_space<vmem>>
            %dma_start3A_433 = tpu.memref_squeeze %dma_start3A_432 : memref<1x128xi32, #tpu.memory_space<vmem>> -> memref<128xi32, #tpu.memory_space<vmem>>
            %dma_start3A_434 = arith.constant 0 : i32
            %dma_start3A_435 = arith.constant 0 : i32
            %dma_start3A_436 = tpu.memref_slice %arg14[%dma_start3A_434, %dma_start3A_435] : memref<7184x128xf32, #tpu.memory_space<vmem_shared>> -> memref<7184x128xf32, #tpu.memory_space<vmem_shared>>
            tpu.enqueue_indirect_dma source(%arg11 : memref<128x128xf32, #tpu.memory_space<vmem>>) target(%dma_start3A_436 : memref<7184x128xf32, #tpu.memory_space<vmem_shared>>) offsets(%dma_start3A_433 : memref<128xi32, #tpu.memory_space<vmem>>) semaphore(%run_scoped3A_430 : memref<!tpu.dma_semaphore, #tpu.memory_space<semaphore_mem>>) {add = true}
            %dma_wait3A_437 = arith.constant 0 : i32
            %dma_wait3A_438 = tpu.memref_slice %arg10[%while3A_419, %dma_wait3A_437] : memref<64x128xi32, #tpu.memory_space<vmem>> -> memref<1x128xi32, #tpu.memory_space<vmem>>
            %dma_wait3A_439 = tpu.memref_squeeze %dma_wait3A_438 : memref<1x128xi32, #tpu.memory_space<vmem>> -> memref<128xi32, #tpu.memory_space<vmem>>
            %dma_wait3A_440 = arith.constant 0 : i32
            %dma_wait3A_441 = arith.constant 0 : i32
            %dma_wait3A_442 = tpu.memref_slice %arg14[%dma_wait3A_440, %dma_wait3A_441] : memref<7184x128xf32, #tpu.memory_space<vmem_shared>> -> memref<7184x128xf32, #tpu.memory_space<vmem_shared>>
            tpu.wait_indirect_dma semaphore(%run_scoped3A_430 : memref<!tpu.dma_semaphore, #tpu.memory_space<semaphore_mem>>) src(%arg11 : memref<128x128xf32, #tpu.memory_space<vmem>>) dst(%dma_wait3A_442 : memref<7184x128xf32, #tpu.memory_space<vmem_shared>>)
            tpu.yield
          }) : () -> ()
        }
      } else {
      }
      %jit3A_223 = arith.constant 0 : i32
      %select_n3A_224 = arith.select %gt3A_219, %jit3A_223, %scan3A_216 : i32
      %add3A_225 = arith.constant 16384 : i32
      %add3A_226 = arith.addi %mul3A_156, %add3A_225 : i32
      "tpu.region"() ({
        %run_scoped3A_340 = tpu.sem_alloc : memref<!tpu.dma_semaphore, #tpu.memory_space<semaphore_mem>>
        %dma_start3A = arith.constant 0 : i32
        %dma_start3A_341 = tpu.memref_slice %arg7[%dma_start3A] : memref<4096xi32, #tpu.memory_space<vmem>> -> memref<2368xi32, #tpu.memory_space<vmem>>
        %dma_start3A_342 = tpu.memref_slice %arg3[%add3A_226] : memref<600064xi32, #tpu.memory_space<hbm>> -> memref<2368xi32, #tpu.memory_space<hbm>>
        %dma_start3A_343 = arith.constant 0 : i32
        %dma_start3A_344 = tpu.memref_slice %arg7[%dma_start3A_343] : memref<4096xi32, #tpu.memory_space<vmem>> -> memref<2368xi32, #tpu.memory_space<vmem>>
        %dma_start3A_345 = tpu.memref_slice %arg3[%add3A_226] : memref<600064xi32, #tpu.memory_space<hbm>> -> memref<2368xi32, #tpu.memory_space<hbm>>
        tpu.enqueue_dma source(%dma_start3A_345 : memref<2368xi32, #tpu.memory_space<hbm>>) target(%dma_start3A_344 : memref<2368xi32, #tpu.memory_space<vmem>>) target_semaphore(%run_scoped3A_340 : memref<!tpu.dma_semaphore, #tpu.memory_space<semaphore_mem>>)
        %dma_wait3A = arith.constant 0 : i32
        %dma_wait3A_346 = tpu.memref_slice %arg7[%dma_wait3A] : memref<4096xi32, #tpu.memory_space<vmem>> -> memref<2368xi32, #tpu.memory_space<vmem>>
        %dma_wait3A_347 = tpu.memref_slice %arg3[%add3A_226] : memref<600064xi32, #tpu.memory_space<hbm>> -> memref<2368xi32, #tpu.memory_space<hbm>>
        %dma_wait3A_348 = arith.constant 0 : i32
        %dma_wait3A_349 = tpu.memref_slice %arg7[%dma_wait3A_348] : memref<4096xi32, #tpu.memory_space<vmem>> -> memref<2368xi32, #tpu.memory_space<vmem>>
        %dma_wait3A_350 = tpu.memref_slice %arg3[%add3A_226] : memref<600064xi32, #tpu.memory_space<hbm>> -> memref<2368xi32, #tpu.memory_space<hbm>>
        tpu.wait_dma2 semaphore(%run_scoped3A_340 : memref<!tpu.dma_semaphore, #tpu.memory_space<semaphore_mem>>) src(%dma_wait3A_350 : memref<2368xi32, #tpu.memory_space<hbm>>) dst(%dma_wait3A_349 : memref<2368xi32, #tpu.memory_space<vmem>>)
        tpu.yield
      }) : () -> ()
      %add3A_227 = arith.constant 16384 : i32
      %add3A_228 = arith.addi %mul3A_156, %add3A_227 : i32
      "tpu.region"() ({
        %run_scoped3A_340 = tpu.sem_alloc : memref<!tpu.dma_semaphore, #tpu.memory_space<semaphore_mem>>
        %dma_start3A = arith.constant 0 : i32
        %dma_start3A_341 = tpu.memref_slice %arg8[%dma_start3A] : memref<4096xi32, #tpu.memory_space<vmem>> -> memref<2368xi32, #tpu.memory_space<vmem>>
        %dma_start3A_342 = tpu.memref_slice %arg4[%add3A_228] : memref<600064xi32, #tpu.memory_space<hbm>> -> memref<2368xi32, #tpu.memory_space<hbm>>
        %dma_start3A_343 = arith.constant 0 : i32
        %dma_start3A_344 = tpu.memref_slice %arg8[%dma_start3A_343] : memref<4096xi32, #tpu.memory_space<vmem>> -> memref<2368xi32, #tpu.memory_space<vmem>>
        %dma_start3A_345 = tpu.memref_slice %arg4[%add3A_228] : memref<600064xi32, #tpu.memory_space<hbm>> -> memref<2368xi32, #tpu.memory_space<hbm>>
        tpu.enqueue_dma source(%dma_start3A_345 : memref<2368xi32, #tpu.memory_space<hbm>>) target(%dma_start3A_344 : memref<2368xi32, #tpu.memory_space<vmem>>) target_semaphore(%run_scoped3A_340 : memref<!tpu.dma_semaphore, #tpu.memory_space<semaphore_mem>>)
        %dma_wait3A = arith.constant 0 : i32
        %dma_wait3A_346 = tpu.memref_slice %arg8[%dma_wait3A] : memref<4096xi32, #tpu.memory_space<vmem>> -> memref<2368xi32, #tpu.memory_space<vmem>>
        %dma_wait3A_347 = tpu.memref_slice %arg4[%add3A_228] : memref<600064xi32, #tpu.memory_space<hbm>> -> memref<2368xi32, #tpu.memory_space<hbm>>
        %dma_wait3A_348 = arith.constant 0 : i32
        %dma_wait3A_349 = tpu.memref_slice %arg8[%dma_wait3A_348] : memref<4096xi32, #tpu.memory_space<vmem>> -> memref<2368xi32, #tpu.memory_space<vmem>>
        %dma_wait3A_350 = tpu.memref_slice %arg4[%add3A_228] : memref<600064xi32, #tpu.memory_space<hbm>> -> memref<2368xi32, #tpu.memory_space<hbm>>
        tpu.wait_dma2 semaphore(%run_scoped3A_340 : memref<!tpu.dma_semaphore, #tpu.memory_space<semaphore_mem>>) src(%dma_wait3A_350 : memref<2368xi32, #tpu.memory_space<hbm>>) dst(%dma_wait3A_349 : memref<2368xi32, #tpu.memory_space<vmem>>)
        tpu.yield
      }) : () -> ()
      %scan3A_229 = arith.constant 0 : i32
      %scan3A_230 = arith.constant 148 : i32
      %scan3A_231 = arith.addi %scan3A_229, %scan3A_230 : i32
      %scan3A_232 = arith.constant 1 : i32
      %scan3A_233 = scf.for %scan3A_340 = %scan3A_229 to %scan3A_231 step %scan3A_232 iter_args(%scan3A_341 = %select_n3A_224) -> (i32)  : i32 {
        %mul3A_342 = arith.constant 16 : i32
        %mul3A_343 = arith.muli %scan3A_340, %mul3A_342 : i32
        %get3A = arith.index_cast %mul3A_343 : i32 to index
        %get3A_344 = tpu.vector_load %arg7[%get3A] {strides = array<i32>} : memref<4096xi32, #tpu.memory_space<vmem>>, vector<16xi32>,
        %mul3A_345 = arith.constant 16 : i32
        %mul3A_346 = arith.muli %scan3A_340, %mul3A_345 : i32
        %get3A_347 = arith.index_cast %mul3A_346 : i32 to index
        %get3A_348 = tpu.vector_load %arg8[%get3A_347] {strides = array<i32>} : memref<4096xi32, #tpu.memory_space<vmem>>, vector<16xi32>,
        %ge3A_349 = vector.broadcast %mul3A_38 : i32 to vector<16xi32>
        %ge3A_350 = arith.cmpi sge, %get3A_348, %ge3A_349 : vector<16xi32>
        %add3A_351 = arith.constant 7168 : i32
        %add3A_352 = arith.addi %mul3A_38, %add3A_351 : i32
        %lt3A_353 = vector.broadcast %add3A_352 : i32 to vector<16xi32>
        %lt3A_354 = arith.cmpi slt, %get3A_348, %lt3A_353 : vector<16xi32>
        %and3A = arith.andi %ge3A_350, %lt3A_354 : vector<16xi1>
        %jit3A_355 = arith.constant 1 : i32
        %jit3A_356 = arith.constant 0 : i32
        %broadcast_in_dim3A_357 = vector.broadcast %jit3A_355 : i32 to vector<16xi32>
        %broadcast_in_dim3A_358 = vector.broadcast %jit3A_356 : i32 to vector<16xi32>
        %select_n3A_359 = arith.select %and3A, %broadcast_in_dim3A_357, %broadcast_in_dim3A_358 : vector<16xi1>, vector<16xi32>
        %broadcast_in_dim3A_360 = arith.constant true
        %broadcast_in_dim3A_361 = vector.broadcast %broadcast_in_dim3A_360 : i1 to vector<16xi1>
        %masked_cumsum3A = tpu.scan <sum>, %select_n3A_359 masked %broadcast_in_dim3A_361 : vector<16xi32>, vector<16xi1> -> vector<16xi32>
        %sub3A = arith.subi %masked_cumsum3A, %select_n3A_359 : vector<16xi32>
        %add3A_362 = vector.broadcast %scan3A_341 : i32 to vector<16xi32>
        %add3A_363 = arith.addi %sub3A, %add3A_362 : vector<16xi32>
        %sub3A_364 = vector.broadcast %mul3A_38 : i32 to vector<16xi32>
        %sub3A_365 = arith.subi %get3A_348, %sub3A_364 : vector<16xi32>
        %shift_right_arithmetic3A_366 = arith.constant 7 : i32
        %shift_right_arithmetic3A_367 = vector.broadcast %shift_right_arithmetic3A_366 : i32 to vector<16xi32>
        %shift_right_arithmetic3A_368 = arith.shrsi %add3A_363, %shift_right_arithmetic3A_367 : vector<16xi32>
        %and3A_369 = arith.constant 127 : i32
        %and3A_370 = vector.broadcast %and3A_369 : i32 to vector<16xi32>
        %and3A_371 = arith.andi %add3A_363, %and3A_370 : vector<16xi32>
        tpu.vector_store_idx %arg9[%shift_right_arithmetic3A_368, %and3A_371], %get3A_344 masked %and3A : memref<64x128xi32, #tpu.memory_space<vmem>>[vector<16xi32>, vector<16xi32>], vector<16xi32>, vector<16xi1>
        %shift_right_arithmetic3A_372 = arith.constant 7 : i32
        %shift_right_arithmetic3A_373 = vector.broadcast %shift_right_arithmetic3A_372 : i32 to vector<16xi32>
        %shift_right_arithmetic3A_374 = arith.shrsi %add3A_363, %shift_right_arithmetic3A_373 : vector<16xi32>
        %and3A_375 = arith.constant 127 : i32
        %and3A_376 = vector.broadcast %and3A_375 : i32 to vector<16xi32>
        %and3A_377 = arith.andi %add3A_363, %and3A_376 : vector<16xi32>
        tpu.vector_store_idx %arg10[%shift_right_arithmetic3A_374, %and3A_377], %sub3A_365 masked %and3A : memref<64x128xi32, #tpu.memory_space<vmem>>[vector<16xi32>, vector<16xi32>], vector<16xi32>, vector<16xi1>
        %shift_right_arithmetic3A_378 = arith.constant 7 : i32
        %shift_right_arithmetic3A_379 = vector.broadcast %shift_right_arithmetic3A_378 : i32 to vector<16xi32>
        %shift_right_arithmetic3A_380 = arith.shrsi %sub3A_365, %shift_right_arithmetic3A_379 : vector<16xi32>
        %and3A_381 = arith.constant 127 : i32
        %and3A_382 = vector.broadcast %and3A_381 : i32 to vector<16xi32>
        %and3A_383 = arith.andi %sub3A_365, %and3A_382 : vector<16xi32>
        tpu.vector_store_idx %arg12[%shift_right_arithmetic3A_380, %and3A_383], %add3A_65 masked %and3A {add = true} : memref<56x128xf32, #tpu.memory_space<vmem>>[vector<16xi32>, vector<16xi32>], vector<16xf32>, vector<16xi1>
        %reduce_max3A = arith.constant true
        %reduce_max3A_384 = vector.broadcast %reduce_max3A : i1 to vector<16xi1>
        %reduce_max3A_385 = arith.constant -2147483648 : i32
        %reduce_max3A_386 = vector.broadcast %reduce_max3A_385 : i32 to vector<16xi32>
        %reduce_max3A_387 = arith.xori %masked_cumsum3A, %reduce_max3A_386 : vector<16xi32>
        %reduce_max3A_388 = tpu.scan <max>, %reduce_max3A_387 masked %reduce_max3A_384 : vector<16xi32>, vector<16xi1> -> vector<16xi32>
        %reduce_max3A_389 = arith.xori %reduce_max3A_388, %reduce_max3A_386 : vector<16xi32>
        %reduce_max3A_390 = vector.extract %reduce_max3A_389[15] : i32 from vector<16xi32>
        %add3A_391 = arith.addi %scan3A_341, %reduce_max3A_390 : i32
        scf.yield %add3A_391 : i32
      }
      %scan3A_234 = arith.constant 148 : i32
      %gt3A_235 = arith.constant 4096 : i32
      %gt3A_236 = arith.cmpi sgt, %scan3A_233, %gt3A_235 : i32
      %convert_element_type3A_237 = arith.extui %gt3A_236 : i1 to i32
      %cond3A_238 = arith.constant 0 : i32
      %cond3A_239 = arith.cmpi ne, %convert_element_type3A_237, %cond3A_238 : i32
      scf.if %cond3A_239 {
        %shift_right_arithmetic3A_340 = arith.constant 7 : i32
        %shift_right_arithmetic3A_341 = arith.shrsi %scan3A_233, %shift_right_arithmetic3A_340 : i32
        %add3A_342 = vector.broadcast %shift_right_arithmetic3A_341 : i32 to vector<16xi32>
        %add3A_343 = arith.addi %broadcast_in_dim3A_2, %add3A_342 : vector<16xi32>
        %shift_left3A_344 = arith.constant 7 : i32
        %shift_left3A_345 = arith.shli %shift_right_arithmetic3A_341, %shift_left3A_344 : i32
        %add3A_346 = arith.constant 7168 : i32
        %add3A_347 = vector.broadcast %add3A_346 : i32 to vector<16xi32>
        %add3A_348 = arith.addi %broadcast_in_dim3A_2, %add3A_347 : vector<16xi32>
        %add3A_349 = arith.constant 0 : i32
        %add3A_350 = vector.broadcast %add3A_349 : i32 to vector<16xi32>
        %add3A_351 = arith.addi %iota3A, %add3A_350 : vector<16xi32>
        %add3A_352 = vector.broadcast %shift_left3A_345 : i32 to vector<16xi32>
        %add3A_353 = arith.addi %add3A_352, %add3A_351 : vector<16xi32>
        %ge3A_354 = vector.broadcast %scan3A_233 : i32 to vector<16xi32>
        %ge3A_355 = arith.cmpi sge, %add3A_353, %ge3A_354 : vector<16xi32>
        tpu.vector_store_idx %arg9[%add3A_343, %add3A_351], %broadcast_in_dim3A_2 masked %ge3A_355 : memref<64x128xi32, #tpu.memory_space<vmem>>[vector<16xi32>, vector<16xi32>], vector<16xi32>, vector<16xi1>
        tpu.vector_store_idx %arg10[%add3A_343, %add3A_351], %add3A_348 masked %ge3A_355 : memref<64x128xi32, #tpu.memory_space<vmem>>[vector<16xi32>, vector<16xi32>], vector<16xi32>, vector<16xi1>
        %add3A_356 = arith.constant 16 : i32
        %add3A_357 = vector.broadcast %add3A_356 : i32 to vector<16xi32>
        %add3A_358 = arith.addi %iota3A, %add3A_357 : vector<16xi32>
        %add3A_359 = vector.broadcast %shift_left3A_345 : i32 to vector<16xi32>
        %add3A_360 = arith.addi %add3A_359, %add3A_358 : vector<16xi32>
        %ge3A_361 = vector.broadcast %scan3A_233 : i32 to vector<16xi32>
        %ge3A_362 = arith.cmpi sge, %add3A_360, %ge3A_361 : vector<16xi32>
        tpu.vector_store_idx %arg9[%add3A_343, %add3A_358], %broadcast_in_dim3A_2 masked %ge3A_362 : memref<64x128xi32, #tpu.memory_space<vmem>>[vector<16xi32>, vector<16xi32>], vector<16xi32>, vector<16xi1>
        tpu.vector_store_idx %arg10[%add3A_343, %add3A_358], %add3A_348 masked %ge3A_362 : memref<64x128xi32, #tpu.memory_space<vmem>>[vector<16xi32>, vector<16xi32>], vector<16xi32>, vector<16xi1>
        %add3A_363 = arith.constant 32 : i32
        %add3A_364 = vector.broadcast %add3A_363 : i32 to vector<16xi32>
        %add3A_365 = arith.addi %iota3A, %add3A_364 : vector<16xi32>
        %add3A_366 = vector.broadcast %shift_left3A_345 : i32 to vector<16xi32>
        %add3A_367 = arith.addi %add3A_366, %add3A_365 : vector<16xi32>
        %ge3A_368 = vector.broadcast %scan3A_233 : i32 to vector<16xi32>
        %ge3A_369 = arith.cmpi sge, %add3A_367, %ge3A_368 : vector<16xi32>
        tpu.vector_store_idx %arg9[%add3A_343, %add3A_365], %broadcast_in_dim3A_2 masked %ge3A_369 : memref<64x128xi32, #tpu.memory_space<vmem>>[vector<16xi32>, vector<16xi32>], vector<16xi32>, vector<16xi1>
        tpu.vector_store_idx %arg10[%add3A_343, %add3A_365], %add3A_348 masked %ge3A_369 : memref<64x128xi32, #tpu.memory_space<vmem>>[vector<16xi32>, vector<16xi32>], vector<16xi32>, vector<16xi1>
        %add3A_370 = arith.constant 48 : i32
        %add3A_371 = vector.broadcast %add3A_370 : i32 to vector<16xi32>
        %add3A_372 = arith.addi %iota3A, %add3A_371 : vector<16xi32>
        %add3A_373 = vector.broadcast %shift_left3A_345 : i32 to vector<16xi32>
        %add3A_374 = arith.addi %add3A_373, %add3A_372 : vector<16xi32>
        %ge3A_375 = vector.broadcast %scan3A_233 : i32 to vector<16xi32>
        %ge3A_376 = arith.cmpi sge, %add3A_374, %ge3A_375 : vector<16xi32>
        tpu.vector_store_idx %arg9[%add3A_343, %add3A_372], %broadcast_in_dim3A_2 masked %ge3A_376 : memref<64x128xi32, #tpu.memory_space<vmem>>[vector<16xi32>, vector<16xi32>], vector<16xi32>, vector<16xi1>
        tpu.vector_store_idx %arg10[%add3A_343, %add3A_372], %add3A_348 masked %ge3A_376 : memref<64x128xi32, #tpu.memory_space<vmem>>[vector<16xi32>, vector<16xi32>], vector<16xi32>, vector<16xi1>
        %add3A_377 = arith.constant 64 : i32
        %add3A_378 = vector.broadcast %add3A_377 : i32 to vector<16xi32>
        %add3A_379 = arith.addi %iota3A, %add3A_378 : vector<16xi32>
        %add3A_380 = vector.broadcast %shift_left3A_345 : i32 to vector<16xi32>
        %add3A_381 = arith.addi %add3A_380, %add3A_379 : vector<16xi32>
        %ge3A_382 = vector.broadcast %scan3A_233 : i32 to vector<16xi32>
        %ge3A_383 = arith.cmpi sge, %add3A_381, %ge3A_382 : vector<16xi32>
        tpu.vector_store_idx %arg9[%add3A_343, %add3A_379], %broadcast_in_dim3A_2 masked %ge3A_383 : memref<64x128xi32, #tpu.memory_space<vmem>>[vector<16xi32>, vector<16xi32>], vector<16xi32>, vector<16xi1>
        tpu.vector_store_idx %arg10[%add3A_343, %add3A_379], %add3A_348 masked %ge3A_383 : memref<64x128xi32, #tpu.memory_space<vmem>>[vector<16xi32>, vector<16xi32>], vector<16xi32>, vector<16xi1>
        %add3A_384 = arith.constant 80 : i32
        %add3A_385 = vector.broadcast %add3A_384 : i32 to vector<16xi32>
        %add3A_386 = arith.addi %iota3A, %add3A_385 : vector<16xi32>
        %add3A_387 = vector.broadcast %shift_left3A_345 : i32 to vector<16xi32>
        %add3A_388 = arith.addi %add3A_387, %add3A_386 : vector<16xi32>
        %ge3A_389 = vector.broadcast %scan3A_233 : i32 to vector<16xi32>
        %ge3A_390 = arith.cmpi sge, %add3A_388, %ge3A_389 : vector<16xi32>
        tpu.vector_store_idx %arg9[%add3A_343, %add3A_386], %broadcast_in_dim3A_2 masked %ge3A_390 : memref<64x128xi32, #tpu.memory_space<vmem>>[vector<16xi32>, vector<16xi32>], vector<16xi32>, vector<16xi1>
        tpu.vector_store_idx %arg10[%add3A_343, %add3A_386], %add3A_348 masked %ge3A_390 : memref<64x128xi32, #tpu.memory_space<vmem>>[vector<16xi32>, vector<16xi32>], vector<16xi32>, vector<16xi1>
        %add3A_391 = arith.constant 96 : i32
        %add3A_392 = vector.broadcast %add3A_391 : i32 to vector<16xi32>
        %add3A_393 = arith.addi %iota3A, %add3A_392 : vector<16xi32>
        %add3A_394 = vector.broadcast %shift_left3A_345 : i32 to vector<16xi32>
        %add3A_395 = arith.addi %add3A_394, %add3A_393 : vector<16xi32>
        %ge3A_396 = vector.broadcast %scan3A_233 : i32 to vector<16xi32>
        %ge3A_397 = arith.cmpi sge, %add3A_395, %ge3A_396 : vector<16xi32>
        tpu.vector_store_idx %arg9[%add3A_343, %add3A_393], %broadcast_in_dim3A_2 masked %ge3A_397 : memref<64x128xi32, #tpu.memory_space<vmem>>[vector<16xi32>, vector<16xi32>], vector<16xi32>, vector<16xi1>
        tpu.vector_store_idx %arg10[%add3A_343, %add3A_393], %add3A_348 masked %ge3A_397 : memref<64x128xi32, #tpu.memory_space<vmem>>[vector<16xi32>, vector<16xi32>], vector<16xi32>, vector<16xi1>
        %add3A_398 = arith.constant 112 : i32
        %add3A_399 = vector.broadcast %add3A_398 : i32 to vector<16xi32>
        %add3A_400 = arith.addi %iota3A, %add3A_399 : vector<16xi32>
        %add3A_401 = vector.broadcast %shift_left3A_345 : i32 to vector<16xi32>
        %add3A_402 = arith.addi %add3A_401, %add3A_400 : vector<16xi32>
        %ge3A_403 = vector.broadcast %scan3A_233 : i32 to vector<16xi32>
        %ge3A_404 = arith.cmpi sge, %add3A_402, %ge3A_403 : vector<16xi32>
        tpu.vector_store_idx %arg9[%add3A_343, %add3A_400], %broadcast_in_dim3A_2 masked %ge3A_404 : memref<64x128xi32, #tpu.memory_space<vmem>>[vector<16xi32>, vector<16xi32>], vector<16xi32>, vector<16xi1>
        tpu.vector_store_idx %arg10[%add3A_343, %add3A_400], %add3A_348 masked %ge3A_404 : memref<64x128xi32, #tpu.memory_space<vmem>>[vector<16xi32>, vector<16xi32>], vector<16xi32>, vector<16xi1>
        %add3A_405 = arith.constant 127 : i32
        %add3A_406 = arith.addi %scan3A_233, %add3A_405 : i32
        %shift_right_arithmetic3A_407 = arith.constant 7 : i32
        %shift_right_arithmetic3A_408 = arith.shrsi %add3A_406, %shift_right_arithmetic3A_407 : i32
        %while3A_409 = arith.constant 0 : i32
        %while3A_410 = arith.constant 0 : i32
        %while3A_411 = arith.subi %shift_right_arithmetic3A_408, %while3A_410 : i32
        %while3A_412 = arith.addi %while3A_410, %while3A_411 : i32
        %while3A_413 = arith.constant 1 : i32
        %while3A_414 = arith.divsi %while3A_411, %while3A_413 : i32
        %while3A_415 = arith.muli %while3A_414, %while3A_413 : i32
        %while3A_416 = arith.addi %while3A_410, %while3A_415 : i32
        %while3A_417 = arith.constant 1 : i32
        scf.for %while3A_419 = %while3A_410 to %while3A_416 step %while3A_417  : i32 {
          %dma_start3A = arith.constant 0 : i32
          %dma_start3A_420 = tpu.memref_slice %arg9[%while3A_419, %dma_start3A] : memref<64x128xi32, #tpu.memory_space<vmem>> -> memref<1x128xi32, #tpu.memory_space<vmem>>
          %dma_start3A_421 = tpu.memref_squeeze %dma_start3A_420 : memref<1x128xi32, #tpu.memory_space<vmem>> -> memref<128xi32, #tpu.memory_space<vmem>>
          %dma_start3A_422 = arith.constant 0 : i32
          %dma_start3A_423 = arith.constant 0 : i32
          %dma_start3A_424 = tpu.memref_slice %arg2[%dma_start3A_422, %dma_start3A_423] : memref<100000x128xf32, #tpu.memory_space<hbm>> -> memref<100000x128xf32, #tpu.memory_space<hbm>>
          tpu.enqueue_indirect_dma source(%dma_start3A_424 : memref<100000x128xf32, #tpu.memory_space<hbm>>) target(%arg11 : memref<128x128xf32, #tpu.memory_space<vmem>>) offsets(%dma_start3A_421 : memref<128xi32, #tpu.memory_space<vmem>>) semaphore(%arg16 : memref<!tpu.dma_semaphore, #tpu.memory_space<semaphore_mem>>)
          %dma_wait3A = arith.constant 0 : i32
          %dma_wait3A_425 = tpu.memref_slice %arg9[%while3A_419, %dma_wait3A] : memref<64x128xi32, #tpu.memory_space<vmem>> -> memref<1x128xi32, #tpu.memory_space<vmem>>
          %dma_wait3A_426 = tpu.memref_squeeze %dma_wait3A_425 : memref<1x128xi32, #tpu.memory_space<vmem>> -> memref<128xi32, #tpu.memory_space<vmem>>
          %dma_wait3A_427 = arith.constant 0 : i32
          %dma_wait3A_428 = arith.constant 0 : i32
          %dma_wait3A_429 = tpu.memref_slice %arg2[%dma_wait3A_427, %dma_wait3A_428] : memref<100000x128xf32, #tpu.memory_space<hbm>> -> memref<100000x128xf32, #tpu.memory_space<hbm>>
          tpu.wait_indirect_dma semaphore(%arg16 : memref<!tpu.dma_semaphore, #tpu.memory_space<semaphore_mem>>) src(%dma_wait3A_429 : memref<100000x128xf32, #tpu.memory_space<hbm>>) dst(%arg11 : memref<128x128xf32, #tpu.memory_space<vmem>>)
          "tpu.region"() ({
            %run_scoped3A_430 = tpu.sem_alloc : memref<!tpu.dma_semaphore, #tpu.memory_space<semaphore_mem>>
            %dma_start3A_431 = arith.constant 0 : i32
            %dma_start3A_432 = tpu.memref_slice %arg10[%while3A_419, %dma_start3A_431] : memref<64x128xi32, #tpu.memory_space<vmem>> -> memref<1x128xi32, #tpu.memory_space<vmem>>
            %dma_start3A_433 = tpu.memref_squeeze %dma_start3A_432 : memref<1x128xi32, #tpu.memory_space<vmem>> -> memref<128xi32, #tpu.memory_space<vmem>>
            %dma_start3A_434 = arith.constant 0 : i32
            %dma_start3A_435 = arith.constant 0 : i32
            %dma_start3A_436 = tpu.memref_slice %arg14[%dma_start3A_434, %dma_start3A_435] : memref<7184x128xf32, #tpu.memory_space<vmem_shared>> -> memref<7184x128xf32, #tpu.memory_space<vmem_shared>>
            tpu.enqueue_indirect_dma source(%arg11 : memref<128x128xf32, #tpu.memory_space<vmem>>) target(%dma_start3A_436 : memref<7184x128xf32, #tpu.memory_space<vmem_shared>>) offsets(%dma_start3A_433 : memref<128xi32, #tpu.memory_space<vmem>>) semaphore(%run_scoped3A_430 : memref<!tpu.dma_semaphore, #tpu.memory_space<semaphore_mem>>) {add = true}
            %dma_wait3A_437 = arith.constant 0 : i32
            %dma_wait3A_438 = tpu.memref_slice %arg10[%while3A_419, %dma_wait3A_437] : memref<64x128xi32, #tpu.memory_space<vmem>> -> memref<1x128xi32, #tpu.memory_space<vmem>>
            %dma_wait3A_439 = tpu.memref_squeeze %dma_wait3A_438 : memref<1x128xi32, #tpu.memory_space<vmem>> -> memref<128xi32, #tpu.memory_space<vmem>>
            %dma_wait3A_440 = arith.constant 0 : i32
            %dma_wait3A_441 = arith.constant 0 : i32
            %dma_wait3A_442 = tpu.memref_slice %arg14[%dma_wait3A_440, %dma_wait3A_441] : memref<7184x128xf32, #tpu.memory_space<vmem_shared>> -> memref<7184x128xf32, #tpu.memory_space<vmem_shared>>
            tpu.wait_indirect_dma semaphore(%run_scoped3A_430 : memref<!tpu.dma_semaphore, #tpu.memory_space<semaphore_mem>>) src(%arg11 : memref<128x128xf32, #tpu.memory_space<vmem>>) dst(%dma_wait3A_442 : memref<7184x128xf32, #tpu.memory_space<vmem_shared>>)
            tpu.yield
          }) : () -> ()
        }
        %while3A_418 = arith.constant 1 : i32
        scf.for %while3A_419 = %while3A_416 to %while3A_412 step %while3A_418  : i32 {
          %dma_start3A = arith.constant 0 : i32
          %dma_start3A_420 = tpu.memref_slice %arg9[%while3A_419, %dma_start3A] : memref<64x128xi32, #tpu.memory_space<vmem>> -> memref<1x128xi32, #tpu.memory_space<vmem>>
          %dma_start3A_421 = tpu.memref_squeeze %dma_start3A_420 : memref<1x128xi32, #tpu.memory_space<vmem>> -> memref<128xi32, #tpu.memory_space<vmem>>
          %dma_start3A_422 = arith.constant 0 : i32
          %dma_start3A_423 = arith.constant 0 : i32
          %dma_start3A_424 = tpu.memref_slice %arg2[%dma_start3A_422, %dma_start3A_423] : memref<100000x128xf32, #tpu.memory_space<hbm>> -> memref<100000x128xf32, #tpu.memory_space<hbm>>
          tpu.enqueue_indirect_dma source(%dma_start3A_424 : memref<100000x128xf32, #tpu.memory_space<hbm>>) target(%arg11 : memref<128x128xf32, #tpu.memory_space<vmem>>) offsets(%dma_start3A_421 : memref<128xi32, #tpu.memory_space<vmem>>) semaphore(%arg16 : memref<!tpu.dma_semaphore, #tpu.memory_space<semaphore_mem>>)
          %dma_wait3A = arith.constant 0 : i32
          %dma_wait3A_425 = tpu.memref_slice %arg9[%while3A_419, %dma_wait3A] : memref<64x128xi32, #tpu.memory_space<vmem>> -> memref<1x128xi32, #tpu.memory_space<vmem>>
          %dma_wait3A_426 = tpu.memref_squeeze %dma_wait3A_425 : memref<1x128xi32, #tpu.memory_space<vmem>> -> memref<128xi32, #tpu.memory_space<vmem>>
          %dma_wait3A_427 = arith.constant 0 : i32
          %dma_wait3A_428 = arith.constant 0 : i32
          %dma_wait3A_429 = tpu.memref_slice %arg2[%dma_wait3A_427, %dma_wait3A_428] : memref<100000x128xf32, #tpu.memory_space<hbm>> -> memref<100000x128xf32, #tpu.memory_space<hbm>>
          tpu.wait_indirect_dma semaphore(%arg16 : memref<!tpu.dma_semaphore, #tpu.memory_space<semaphore_mem>>) src(%dma_wait3A_429 : memref<100000x128xf32, #tpu.memory_space<hbm>>) dst(%arg11 : memref<128x128xf32, #tpu.memory_space<vmem>>)
          "tpu.region"() ({
            %run_scoped3A_430 = tpu.sem_alloc : memref<!tpu.dma_semaphore, #tpu.memory_space<semaphore_mem>>
            %dma_start3A_431 = arith.constant 0 : i32
            %dma_start3A_432 = tpu.memref_slice %arg10[%while3A_419, %dma_start3A_431] : memref<64x128xi32, #tpu.memory_space<vmem>> -> memref<1x128xi32, #tpu.memory_space<vmem>>
            %dma_start3A_433 = tpu.memref_squeeze %dma_start3A_432 : memref<1x128xi32, #tpu.memory_space<vmem>> -> memref<128xi32, #tpu.memory_space<vmem>>
            %dma_start3A_434 = arith.constant 0 : i32
            %dma_start3A_435 = arith.constant 0 : i32
            %dma_start3A_436 = tpu.memref_slice %arg14[%dma_start3A_434, %dma_start3A_435] : memref<7184x128xf32, #tpu.memory_space<vmem_shared>> -> memref<7184x128xf32, #tpu.memory_space<vmem_shared>>
            tpu.enqueue_indirect_dma source(%arg11 : memref<128x128xf32, #tpu.memory_space<vmem>>) target(%dma_start3A_436 : memref<7184x128xf32, #tpu.memory_space<vmem_shared>>) offsets(%dma_start3A_433 : memref<128xi32, #tpu.memory_space<vmem>>) semaphore(%run_scoped3A_430 : memref<!tpu.dma_semaphore, #tpu.memory_space<semaphore_mem>>) {add = true}
            %dma_wait3A_437 = arith.constant 0 : i32
            %dma_wait3A_438 = tpu.memref_slice %arg10[%while3A_419, %dma_wait3A_437] : memref<64x128xi32, #tpu.memory_space<vmem>> -> memref<1x128xi32, #tpu.memory_space<vmem>>
            %dma_wait3A_439 = tpu.memref_squeeze %dma_wait3A_438 : memref<1x128xi32, #tpu.memory_space<vmem>> -> memref<128xi32, #tpu.memory_space<vmem>>
            %dma_wait3A_440 = arith.constant 0 : i32
            %dma_wait3A_441 = arith.constant 0 : i32
            %dma_wait3A_442 = tpu.memref_slice %arg14[%dma_wait3A_440, %dma_wait3A_441] : memref<7184x128xf32, #tpu.memory_space<vmem_shared>> -> memref<7184x128xf32, #tpu.memory_space<vmem_shared>>
            tpu.wait_indirect_dma semaphore(%run_scoped3A_430 : memref<!tpu.dma_semaphore, #tpu.memory_space<semaphore_mem>>) src(%arg11 : memref<128x128xf32, #tpu.memory_space<vmem>>) dst(%dma_wait3A_442 : memref<7184x128xf32, #tpu.memory_space<vmem_shared>>)
            tpu.yield
          }) : () -> ()
        }
      } else {
      }
      %jit3A_240 = arith.constant 0 : i32
      %select_n3A_241 = arith.select %gt3A_236, %jit3A_240, %scan3A_233 : i32
      %shift_right_arithmetic3A = arith.constant 7 : i32
      %shift_right_arithmetic3A_242 = arith.shrsi %select_n3A_241, %shift_right_arithmetic3A : i32
      %add3A_243 = vector.broadcast %shift_right_arithmetic3A_242 : i32 to vector<16xi32>
      %add3A_244 = arith.addi %broadcast_in_dim3A_2, %add3A_243 : vector<16xi32>
      %shift_left3A = arith.constant 7 : i32
      %shift_left3A_245 = arith.shli %shift_right_arithmetic3A_242, %shift_left3A : i32
      %add3A_246 = arith.constant 7168 : i32
      %add3A_247 = vector.broadcast %add3A_246 : i32 to vector<16xi32>
      %add3A_248 = arith.addi %broadcast_in_dim3A_2, %add3A_247 : vector<16xi32>
      %add3A_249 = arith.constant 0 : i32
      %add3A_250 = vector.broadcast %add3A_249 : i32 to vector<16xi32>
      %add3A_251 = arith.addi %iota3A, %add3A_250 : vector<16xi32>
      %add3A_252 = vector.broadcast %shift_left3A_245 : i32 to vector<16xi32>
      %add3A_253 = arith.addi %add3A_252, %add3A_251 : vector<16xi32>
      %ge3A = vector.broadcast %select_n3A_241 : i32 to vector<16xi32>
      %ge3A_254 = arith.cmpi sge, %add3A_253, %ge3A : vector<16xi32>
      tpu.vector_store_idx %arg9[%add3A_244, %add3A_251], %broadcast_in_dim3A_2 masked %ge3A_254 : memref<64x128xi32, #tpu.memory_space<vmem>>[vector<16xi32>, vector<16xi32>], vector<16xi32>, vector<16xi1>
      tpu.vector_store_idx %arg10[%add3A_244, %add3A_251], %add3A_248 masked %ge3A_254 : memref<64x128xi32, #tpu.memory_space<vmem>>[vector<16xi32>, vector<16xi32>], vector<16xi32>, vector<16xi1>
      %add3A_255 = arith.constant 16 : i32
      %add3A_256 = vector.broadcast %add3A_255 : i32 to vector<16xi32>
      %add3A_257 = arith.addi %iota3A, %add3A_256 : vector<16xi32>
      %add3A_258 = vector.broadcast %shift_left3A_245 : i32 to vector<16xi32>
      %add3A_259 = arith.addi %add3A_258, %add3A_257 : vector<16xi32>
      %ge3A_260 = vector.broadcast %select_n3A_241 : i32 to vector<16xi32>
      %ge3A_261 = arith.cmpi sge, %add3A_259, %ge3A_260 : vector<16xi32>
      tpu.vector_store_idx %arg9[%add3A_244, %add3A_257], %broadcast_in_dim3A_2 masked %ge3A_261 : memref<64x128xi32, #tpu.memory_space<vmem>>[vector<16xi32>, vector<16xi32>], vector<16xi32>, vector<16xi1>
      tpu.vector_store_idx %arg10[%add3A_244, %add3A_257], %add3A_248 masked %ge3A_261 : memref<64x128xi32, #tpu.memory_space<vmem>>[vector<16xi32>, vector<16xi32>], vector<16xi32>, vector<16xi1>
      %add3A_262 = arith.constant 32 : i32
      %add3A_263 = vector.broadcast %add3A_262 : i32 to vector<16xi32>
      %add3A_264 = arith.addi %iota3A, %add3A_263 : vector<16xi32>
      %add3A_265 = vector.broadcast %shift_left3A_245 : i32 to vector<16xi32>
      %add3A_266 = arith.addi %add3A_265, %add3A_264 : vector<16xi32>
      %ge3A_267 = vector.broadcast %select_n3A_241 : i32 to vector<16xi32>
      %ge3A_268 = arith.cmpi sge, %add3A_266, %ge3A_267 : vector<16xi32>
      tpu.vector_store_idx %arg9[%add3A_244, %add3A_264], %broadcast_in_dim3A_2 masked %ge3A_268 : memref<64x128xi32, #tpu.memory_space<vmem>>[vector<16xi32>, vector<16xi32>], vector<16xi32>, vector<16xi1>
      tpu.vector_store_idx %arg10[%add3A_244, %add3A_264], %add3A_248 masked %ge3A_268 : memref<64x128xi32, #tpu.memory_space<vmem>>[vector<16xi32>, vector<16xi32>], vector<16xi32>, vector<16xi1>
      %add3A_269 = arith.constant 48 : i32
      %add3A_270 = vector.broadcast %add3A_269 : i32 to vector<16xi32>
      %add3A_271 = arith.addi %iota3A, %add3A_270 : vector<16xi32>
      %add3A_272 = vector.broadcast %shift_left3A_245 : i32 to vector<16xi32>
      %add3A_273 = arith.addi %add3A_272, %add3A_271 : vector<16xi32>
      %ge3A_274 = vector.broadcast %select_n3A_241 : i32 to vector<16xi32>
      %ge3A_275 = arith.cmpi sge, %add3A_273, %ge3A_274 : vector<16xi32>
      tpu.vector_store_idx %arg9[%add3A_244, %add3A_271], %broadcast_in_dim3A_2 masked %ge3A_275 : memref<64x128xi32, #tpu.memory_space<vmem>>[vector<16xi32>, vector<16xi32>], vector<16xi32>, vector<16xi1>
      tpu.vector_store_idx %arg10[%add3A_244, %add3A_271], %add3A_248 masked %ge3A_275 : memref<64x128xi32, #tpu.memory_space<vmem>>[vector<16xi32>, vector<16xi32>], vector<16xi32>, vector<16xi1>
      %add3A_276 = arith.constant 64 : i32
      %add3A_277 = vector.broadcast %add3A_276 : i32 to vector<16xi32>
      %add3A_278 = arith.addi %iota3A, %add3A_277 : vector<16xi32>
      %add3A_279 = vector.broadcast %shift_left3A_245 : i32 to vector<16xi32>
      %add3A_280 = arith.addi %add3A_279, %add3A_278 : vector<16xi32>
      %ge3A_281 = vector.broadcast %select_n3A_241 : i32 to vector<16xi32>
      %ge3A_282 = arith.cmpi sge, %add3A_280, %ge3A_281 : vector<16xi32>
      tpu.vector_store_idx %arg9[%add3A_244, %add3A_278], %broadcast_in_dim3A_2 masked %ge3A_282 : memref<64x128xi32, #tpu.memory_space<vmem>>[vector<16xi32>, vector<16xi32>], vector<16xi32>, vector<16xi1>
      tpu.vector_store_idx %arg10[%add3A_244, %add3A_278], %add3A_248 masked %ge3A_282 : memref<64x128xi32, #tpu.memory_space<vmem>>[vector<16xi32>, vector<16xi32>], vector<16xi32>, vector<16xi1>
      %add3A_283 = arith.constant 80 : i32
      %add3A_284 = vector.broadcast %add3A_283 : i32 to vector<16xi32>
      %add3A_285 = arith.addi %iota3A, %add3A_284 : vector<16xi32>
      %add3A_286 = vector.broadcast %shift_left3A_245 : i32 to vector<16xi32>
      %add3A_287 = arith.addi %add3A_286, %add3A_285 : vector<16xi32>
      %ge3A_288 = vector.broadcast %select_n3A_241 : i32 to vector<16xi32>
      %ge3A_289 = arith.cmpi sge, %add3A_287, %ge3A_288 : vector<16xi32>
      tpu.vector_store_idx %arg9[%add3A_244, %add3A_285], %broadcast_in_dim3A_2 masked %ge3A_289 : memref<64x128xi32, #tpu.memory_space<vmem>>[vector<16xi32>, vector<16xi32>], vector<16xi32>, vector<16xi1>
      tpu.vector_store_idx %arg10[%add3A_244, %add3A_285], %add3A_248 masked %ge3A_289 : memref<64x128xi32, #tpu.memory_space<vmem>>[vector<16xi32>, vector<16xi32>], vector<16xi32>, vector<16xi1>
      %add3A_290 = arith.constant 96 : i32
      %add3A_291 = vector.broadcast %add3A_290 : i32 to vector<16xi32>
      %add3A_292 = arith.addi %iota3A, %add3A_291 : vector<16xi32>
      %add3A_293 = vector.broadcast %shift_left3A_245 : i32 to vector<16xi32>
      %add3A_294 = arith.addi %add3A_293, %add3A_292 : vector<16xi32>
      %ge3A_295 = vector.broadcast %select_n3A_241 : i32 to vector<16xi32>
      %ge3A_296 = arith.cmpi sge, %add3A_294, %ge3A_295 : vector<16xi32>
      tpu.vector_store_idx %arg9[%add3A_244, %add3A_292], %broadcast_in_dim3A_2 masked %ge3A_296 : memref<64x128xi32, #tpu.memory_space<vmem>>[vector<16xi32>, vector<16xi32>], vector<16xi32>, vector<16xi1>
      tpu.vector_store_idx %arg10[%add3A_244, %add3A_292], %add3A_248 masked %ge3A_296 : memref<64x128xi32, #tpu.memory_space<vmem>>[vector<16xi32>, vector<16xi32>], vector<16xi32>, vector<16xi1>
      %add3A_297 = arith.constant 112 : i32
      %add3A_298 = vector.broadcast %add3A_297 : i32 to vector<16xi32>
      %add3A_299 = arith.addi %iota3A, %add3A_298 : vector<16xi32>
      %add3A_300 = vector.broadcast %shift_left3A_245 : i32 to vector<16xi32>
      %add3A_301 = arith.addi %add3A_300, %add3A_299 : vector<16xi32>
      %ge3A_302 = vector.broadcast %select_n3A_241 : i32 to vector<16xi32>
      %ge3A_303 = arith.cmpi sge, %add3A_301, %ge3A_302 : vector<16xi32>
      tpu.vector_store_idx %arg9[%add3A_244, %add3A_299], %broadcast_in_dim3A_2 masked %ge3A_303 : memref<64x128xi32, #tpu.memory_space<vmem>>[vector<16xi32>, vector<16xi32>], vector<16xi32>, vector<16xi1>
      tpu.vector_store_idx %arg10[%add3A_244, %add3A_299], %add3A_248 masked %ge3A_303 : memref<64x128xi32, #tpu.memory_space<vmem>>[vector<16xi32>, vector<16xi32>], vector<16xi32>, vector<16xi1>
      %add3A_304 = arith.constant 127 : i32
      %add3A_305 = arith.addi %select_n3A_241, %add3A_304 : i32
      %shift_right_arithmetic3A_306 = arith.constant 7 : i32
      %shift_right_arithmetic3A_307 = arith.shrsi %add3A_305, %shift_right_arithmetic3A_306 : i32
      %while3A = arith.constant 0 : i32
      %while3A_308 = arith.constant 0 : i32
      %while3A_309 = arith.subi %shift_right_arithmetic3A_307, %while3A_308 : i32
      %while3A_310 = arith.addi %while3A_308, %while3A_309 : i32
      %while3A_311 = arith.constant 1 : i32
      %while3A_312 = arith.divsi %while3A_309, %while3A_311 : i32
      %while3A_313 = arith.muli %while3A_312, %while3A_311 : i32
      %while3A_314 = arith.addi %while3A_308, %while3A_313 : i32
      %while3A_315 = arith.constant 1 : i32
      scf.for %while3A_340 = %while3A_308 to %while3A_314 step %while3A_315  : i32 {
        %dma_start3A = arith.constant 0 : i32
        %dma_start3A_341 = tpu.memref_slice %arg9[%while3A_340, %dma_start3A] : memref<64x128xi32, #tpu.memory_space<vmem>> -> memref<1x128xi32, #tpu.memory_space<vmem>>
        %dma_start3A_342 = tpu.memref_squeeze %dma_start3A_341 : memref<1x128xi32, #tpu.memory_space<vmem>> -> memref<128xi32, #tpu.memory_space<vmem>>
        %dma_start3A_343 = arith.constant 0 : i32
        %dma_start3A_344 = arith.constant 0 : i32
        %dma_start3A_345 = tpu.memref_slice %arg2[%dma_start3A_343, %dma_start3A_344] : memref<100000x128xf32, #tpu.memory_space<hbm>> -> memref<100000x128xf32, #tpu.memory_space<hbm>>
        tpu.enqueue_indirect_dma source(%dma_start3A_345 : memref<100000x128xf32, #tpu.memory_space<hbm>>) target(%arg11 : memref<128x128xf32, #tpu.memory_space<vmem>>) offsets(%dma_start3A_342 : memref<128xi32, #tpu.memory_space<vmem>>) semaphore(%arg16 : memref<!tpu.dma_semaphore, #tpu.memory_space<semaphore_mem>>)
        %dma_wait3A = arith.constant 0 : i32
        %dma_wait3A_346 = tpu.memref_slice %arg9[%while3A_340, %dma_wait3A] : memref<64x128xi32, #tpu.memory_space<vmem>> -> memref<1x128xi32, #tpu.memory_space<vmem>>
        %dma_wait3A_347 = tpu.memref_squeeze %dma_wait3A_346 : memref<1x128xi32, #tpu.memory_space<vmem>> -> memref<128xi32, #tpu.memory_space<vmem>>
        %dma_wait3A_348 = arith.constant 0 : i32
        %dma_wait3A_349 = arith.constant 0 : i32
        %dma_wait3A_350 = tpu.memref_slice %arg2[%dma_wait3A_348, %dma_wait3A_349] : memref<100000x128xf32, #tpu.memory_space<hbm>> -> memref<100000x128xf32, #tpu.memory_space<hbm>>
        tpu.wait_indirect_dma semaphore(%arg16 : memref<!tpu.dma_semaphore, #tpu.memory_space<semaphore_mem>>) src(%dma_wait3A_350 : memref<100000x128xf32, #tpu.memory_space<hbm>>) dst(%arg11 : memref<128x128xf32, #tpu.memory_space<vmem>>)
        "tpu.region"() ({
          %run_scoped3A_351 = tpu.sem_alloc : memref<!tpu.dma_semaphore, #tpu.memory_space<semaphore_mem>>
          %dma_start3A_352 = arith.constant 0 : i32
          %dma_start3A_353 = tpu.memref_slice %arg10[%while3A_340, %dma_start3A_352] : memref<64x128xi32, #tpu.memory_space<vmem>> -> memref<1x128xi32, #tpu.memory_space<vmem>>
          %dma_start3A_354 = tpu.memref_squeeze %dma_start3A_353 : memref<1x128xi32, #tpu.memory_space<vmem>> -> memref<128xi32, #tpu.memory_space<vmem>>
          %dma_start3A_355 = arith.constant 0 : i32
          %dma_start3A_356 = arith.constant 0 : i32
          %dma_start3A_357 = tpu.memref_slice %arg14[%dma_start3A_355, %dma_start3A_356] : memref<7184x128xf32, #tpu.memory_space<vmem_shared>> -> memref<7184x128xf32, #tpu.memory_space<vmem_shared>>
          tpu.enqueue_indirect_dma source(%arg11 : memref<128x128xf32, #tpu.memory_space<vmem>>) target(%dma_start3A_357 : memref<7184x128xf32, #tpu.memory_space<vmem_shared>>) offsets(%dma_start3A_354 : memref<128xi32, #tpu.memory_space<vmem>>) semaphore(%run_scoped3A_351 : memref<!tpu.dma_semaphore, #tpu.memory_space<semaphore_mem>>) {add = true}
          %dma_wait3A_358 = arith.constant 0 : i32
          %dma_wait3A_359 = tpu.memref_slice %arg10[%while3A_340, %dma_wait3A_358] : memref<64x128xi32, #tpu.memory_space<vmem>> -> memref<1x128xi32, #tpu.memory_space<vmem>>
          %dma_wait3A_360 = tpu.memref_squeeze %dma_wait3A_359 : memref<1x128xi32, #tpu.memory_space<vmem>> -> memref<128xi32, #tpu.memory_space<vmem>>
          %dma_wait3A_361 = arith.constant 0 : i32
          %dma_wait3A_362 = arith.constant 0 : i32
          %dma_wait3A_363 = tpu.memref_slice %arg14[%dma_wait3A_361, %dma_wait3A_362] : memref<7184x128xf32, #tpu.memory_space<vmem_shared>> -> memref<7184x128xf32, #tpu.memory_space<vmem_shared>>
          tpu.wait_indirect_dma semaphore(%run_scoped3A_351 : memref<!tpu.dma_semaphore, #tpu.memory_space<semaphore_mem>>) src(%arg11 : memref<128x128xf32, #tpu.memory_space<vmem>>) dst(%dma_wait3A_363 : memref<7184x128xf32, #tpu.memory_space<vmem_shared>>)
          tpu.yield
        }) : () -> ()
      }
      %while3A_316 = arith.constant 1 : i32
      scf.for %while3A_340 = %while3A_314 to %while3A_310 step %while3A_316  : i32 {
        %dma_start3A = arith.constant 0 : i32
        %dma_start3A_341 = tpu.memref_slice %arg9[%while3A_340, %dma_start3A] : memref<64x128xi32, #tpu.memory_space<vmem>> -> memref<1x128xi32, #tpu.memory_space<vmem>>
        %dma_start3A_342 = tpu.memref_squeeze %dma_start3A_341 : memref<1x128xi32, #tpu.memory_space<vmem>> -> memref<128xi32, #tpu.memory_space<vmem>>
        %dma_start3A_343 = arith.constant 0 : i32
        %dma_start3A_344 = arith.constant 0 : i32
        %dma_start3A_345 = tpu.memref_slice %arg2[%dma_start3A_343, %dma_start3A_344] : memref<100000x128xf32, #tpu.memory_space<hbm>> -> memref<100000x128xf32, #tpu.memory_space<hbm>>
        tpu.enqueue_indirect_dma source(%dma_start3A_345 : memref<100000x128xf32, #tpu.memory_space<hbm>>) target(%arg11 : memref<128x128xf32, #tpu.memory_space<vmem>>) offsets(%dma_start3A_342 : memref<128xi32, #tpu.memory_space<vmem>>) semaphore(%arg16 : memref<!tpu.dma_semaphore, #tpu.memory_space<semaphore_mem>>)
        %dma_wait3A = arith.constant 0 : i32
        %dma_wait3A_346 = tpu.memref_slice %arg9[%while3A_340, %dma_wait3A] : memref<64x128xi32, #tpu.memory_space<vmem>> -> memref<1x128xi32, #tpu.memory_space<vmem>>
        %dma_wait3A_347 = tpu.memref_squeeze %dma_wait3A_346 : memref<1x128xi32, #tpu.memory_space<vmem>> -> memref<128xi32, #tpu.memory_space<vmem>>
        %dma_wait3A_348 = arith.constant 0 : i32
        %dma_wait3A_349 = arith.constant 0 : i32
        %dma_wait3A_350 = tpu.memref_slice %arg2[%dma_wait3A_348, %dma_wait3A_349] : memref<100000x128xf32, #tpu.memory_space<hbm>> -> memref<100000x128xf32, #tpu.memory_space<hbm>>
        tpu.wait_indirect_dma semaphore(%arg16 : memref<!tpu.dma_semaphore, #tpu.memory_space<semaphore_mem>>) src(%dma_wait3A_350 : memref<100000x128xf32, #tpu.memory_space<hbm>>) dst(%arg11 : memref<128x128xf32, #tpu.memory_space<vmem>>)
        "tpu.region"() ({
          %run_scoped3A_351 = tpu.sem_alloc : memref<!tpu.dma_semaphore, #tpu.memory_space<semaphore_mem>>
          %dma_start3A_352 = arith.constant 0 : i32
          %dma_start3A_353 = tpu.memref_slice %arg10[%while3A_340, %dma_start3A_352] : memref<64x128xi32, #tpu.memory_space<vmem>> -> memref<1x128xi32, #tpu.memory_space<vmem>>
          %dma_start3A_354 = tpu.memref_squeeze %dma_start3A_353 : memref<1x128xi32, #tpu.memory_space<vmem>> -> memref<128xi32, #tpu.memory_space<vmem>>
          %dma_start3A_355 = arith.constant 0 : i32
          %dma_start3A_356 = arith.constant 0 : i32
          %dma_start3A_357 = tpu.memref_slice %arg14[%dma_start3A_355, %dma_start3A_356] : memref<7184x128xf32, #tpu.memory_space<vmem_shared>> -> memref<7184x128xf32, #tpu.memory_space<vmem_shared>>
          tpu.enqueue_indirect_dma source(%arg11 : memref<128x128xf32, #tpu.memory_space<vmem>>) target(%dma_start3A_357 : memref<7184x128xf32, #tpu.memory_space<vmem_shared>>) offsets(%dma_start3A_354 : memref<128xi32, #tpu.memory_space<vmem>>) semaphore(%run_scoped3A_351 : memref<!tpu.dma_semaphore, #tpu.memory_space<semaphore_mem>>) {add = true}
          %dma_wait3A_358 = arith.constant 0 : i32
          %dma_wait3A_359 = tpu.memref_slice %arg10[%while3A_340, %dma_wait3A_358] : memref<64x128xi32, #tpu.memory_space<vmem>> -> memref<1x128xi32, #tpu.memory_space<vmem>>
          %dma_wait3A_360 = tpu.memref_squeeze %dma_wait3A_359 : memref<1x128xi32, #tpu.memory_space<vmem>> -> memref<128xi32, #tpu.memory_space<vmem>>
          %dma_wait3A_361 = arith.constant 0 : i32
          %dma_wait3A_362 = arith.constant 0 : i32
          %dma_wait3A_363 = tpu.memref_slice %arg14[%dma_wait3A_361, %dma_wait3A_362] : memref<7184x128xf32, #tpu.memory_space<vmem_shared>> -> memref<7184x128xf32, #tpu.memory_space<vmem_shared>>
          tpu.wait_indirect_dma semaphore(%run_scoped3A_351 : memref<!tpu.dma_semaphore, #tpu.memory_space<semaphore_mem>>) src(%arg11 : memref<128x128xf32, #tpu.memory_space<vmem>>) dst(%dma_wait3A_363 : memref<7184x128xf32, #tpu.memory_space<vmem_shared>>)
          tpu.yield
        }) : () -> ()
      }
      %run_scoped3A = arith.constant 0 : i32
      "tpu.region"() ({
        %run_scoped3A_340 = tpu.sem_alloc : memref<!tpu.dma_semaphore, #tpu.memory_space<semaphore_mem>>
        %dma_start3A = arith.constant 0 : i32
        %dma_start3A_341 = tpu.memref_slice %arg13[%run_scoped3A, %dma_start3A] : memref<1x56xi32, #tpu.memory_space<vmem>> -> memref<1x56xi32, #tpu.memory_space<vmem>>
        %dma_start3A_342 = tpu.memref_squeeze %dma_start3A_341 : memref<1x56xi32, #tpu.memory_space<vmem>> -> memref<56xi32, #tpu.memory_space<vmem>>
        %dma_start3A_343 = arith.constant 0 : i32
        %dma_start3A_344 = arith.constant 0 : i32
        %dma_start3A_345 = tpu.memref_slice %arg15[%dma_start3A_343, %dma_start3A_344] : memref<56x128xf32, #tpu.memory_space<vmem_shared>> -> memref<56x128xf32, #tpu.memory_space<vmem_shared>>
        tpu.enqueue_indirect_dma source(%arg12 : memref<56x128xf32, #tpu.memory_space<vmem>>) target(%dma_start3A_345 : memref<56x128xf32, #tpu.memory_space<vmem_shared>>) offsets(%dma_start3A_342 : memref<56xi32, #tpu.memory_space<vmem>>) semaphore(%run_scoped3A_340 : memref<!tpu.dma_semaphore, #tpu.memory_space<semaphore_mem>>) {add = true}
        %dma_wait3A = arith.constant 0 : i32
        %dma_wait3A_346 = tpu.memref_slice %arg13[%run_scoped3A, %dma_wait3A] : memref<1x56xi32, #tpu.memory_space<vmem>> -> memref<1x56xi32, #tpu.memory_space<vmem>>
        %dma_wait3A_347 = tpu.memref_squeeze %dma_wait3A_346 : memref<1x56xi32, #tpu.memory_space<vmem>> -> memref<56xi32, #tpu.memory_space<vmem>>
        %dma_wait3A_348 = arith.constant 0 : i32
        %dma_wait3A_349 = arith.constant 0 : i32
        %dma_wait3A_350 = tpu.memref_slice %arg15[%dma_wait3A_348, %dma_wait3A_349] : memref<56x128xf32, #tpu.memory_space<vmem_shared>> -> memref<56x128xf32, #tpu.memory_space<vmem_shared>>
        tpu.wait_indirect_dma semaphore(%run_scoped3A_340 : memref<!tpu.dma_semaphore, #tpu.memory_space<semaphore_mem>>) src(%arg12 : memref<56x128xf32, #tpu.memory_space<vmem>>) dst(%dma_wait3A_350 : memref<56x128xf32, #tpu.memory_space<vmem_shared>>)
        tpu.yield
      }) : () -> ()
      %barrier3A_317 = arith.constant 0 : index
      tpu.barrier barrier_id(%barrier3A_317)
      %add3A_318 = arith.addi %mul3A_38, %mul3A_40 : i32
      %add3A_319 = arith.constant 0 : i32
      %add3A_320 = arith.addi %mul3A_40, %add3A_319 : i32
      %add3A_321 = arith.constant 0 : i32
      %add3A_322 = arith.addi %add3A_318, %add3A_321 : i32
      "tpu.region"() ({
        %run_scoped3A_340 = tpu.sem_alloc : memref<!tpu.dma_semaphore, #tpu.memory_space<semaphore_mem>>
        %dma_start3A = arith.constant 0 : i32
        %dma_start3A_341 = tpu.memref_slice %arg5[%add3A_322, %dma_start3A] : memref<301056x128xf32, #tpu.memory_space<hbm>> -> memref<128x128xf32, #tpu.memory_space<hbm>>
        %dma_start3A_342 = arith.constant 0 : i32
        %dma_start3A_343 = tpu.memref_slice %arg14[%add3A_320, %dma_start3A_342] : memref<7184x128xf32, #tpu.memory_space<vmem_shared>> -> memref<128x128xf32, #tpu.memory_space<vmem_shared>>
        tpu.enqueue_dma source(%dma_start3A_343 : memref<128x128xf32, #tpu.memory_space<vmem_shared>>) target(%dma_start3A_341 : memref<128x128xf32, #tpu.memory_space<hbm>>) target_semaphore(%run_scoped3A_340 : memref<!tpu.dma_semaphore, #tpu.memory_space<semaphore_mem>>)
        %dma_wait3A = arith.constant 0 : i32
        %dma_wait3A_344 = tpu.memref_slice %arg5[%add3A_322, %dma_wait3A] : memref<301056x128xf32, #tpu.memory_space<hbm>> -> memref<128x128xf32, #tpu.memory_space<hbm>>
        %dma_wait3A_345 = arith.constant 0 : i32
        %dma_wait3A_346 = tpu.memref_slice %arg14[%add3A_320, %dma_wait3A_345] : memref<7184x128xf32, #tpu.memory_space<vmem_shared>> -> memref<128x128xf32, #tpu.memory_space<vmem_shared>>
        tpu.wait_dma2 semaphore(%run_scoped3A_340 : memref<!tpu.dma_semaphore, #tpu.memory_space<semaphore_mem>>) src(%dma_wait3A_346 : memref<128x128xf32, #tpu.memory_space<vmem_shared>>) dst(%dma_wait3A_344 : memref<128x128xf32, #tpu.memory_space<hbm>>)
        tpu.yield
      }) : () -> ()
      %add3A_323 = arith.constant 128 : i32
      %add3A_324 = arith.addi %mul3A_40, %add3A_323 : i32
      %add3A_325 = arith.constant 128 : i32
      %add3A_326 = arith.addi %add3A_318, %add3A_325 : i32
      "tpu.region"() ({
        %run_scoped3A_340 = tpu.sem_alloc : memref<!tpu.dma_semaphore, #tpu.memory_space<semaphore_mem>>
        %dma_start3A = arith.constant 0 : i32
        %dma_start3A_341 = tpu.memref_slice %arg5[%add3A_326, %dma_start3A] : memref<301056x128xf32, #tpu.memory_space<hbm>> -> memref<128x128xf32, #tpu.memory_space<hbm>>
        %dma_start3A_342 = arith.constant 0 : i32
        %dma_start3A_343 = tpu.memref_slice %arg14[%add3A_324, %dma_start3A_342] : memref<7184x128xf32, #tpu.memory_space<vmem_shared>> -> memref<128x128xf32, #tpu.memory_space<vmem_shared>>
        tpu.enqueue_dma source(%dma_start3A_343 : memref<128x128xf32, #tpu.memory_space<vmem_shared>>) target(%dma_start3A_341 : memref<128x128xf32, #tpu.memory_space<hbm>>) target_semaphore(%run_scoped3A_340 : memref<!tpu.dma_semaphore, #tpu.memory_space<semaphore_mem>>)
        %dma_wait3A = arith.constant 0 : i32
        %dma_wait3A_344 = tpu.memref_slice %arg5[%add3A_326, %dma_wait3A] : memref<301056x128xf32, #tpu.memory_space<hbm>> -> memref<128x128xf32, #tpu.memory_space<hbm>>
        %dma_wait3A_345 = arith.constant 0 : i32
        %dma_wait3A_346 = tpu.memref_slice %arg14[%add3A_324, %dma_wait3A_345] : memref<7184x128xf32, #tpu.memory_space<vmem_shared>> -> memref<128x128xf32, #tpu.memory_space<vmem_shared>>
        tpu.wait_dma2 semaphore(%run_scoped3A_340 : memref<!tpu.dma_semaphore, #tpu.memory_space<semaphore_mem>>) src(%dma_wait3A_346 : memref<128x128xf32, #tpu.memory_space<vmem_shared>>) dst(%dma_wait3A_344 : memref<128x128xf32, #tpu.memory_space<hbm>>)
        tpu.yield
      }) : () -> ()
      %add3A_327 = arith.constant 256 : i32
      %add3A_328 = arith.addi %mul3A_40, %add3A_327 : i32
      %add3A_329 = arith.constant 256 : i32
      %add3A_330 = arith.addi %add3A_318, %add3A_329 : i32
      "tpu.region"() ({
        %run_scoped3A_340 = tpu.sem_alloc : memref<!tpu.dma_semaphore, #tpu.memory_space<semaphore_mem>>
        %dma_start3A = arith.constant 0 : i32
        %dma_start3A_341 = tpu.memref_slice %arg5[%add3A_330, %dma_start3A] : memref<301056x128xf32, #tpu.memory_space<hbm>> -> memref<128x128xf32, #tpu.memory_space<hbm>>
        %dma_start3A_342 = arith.constant 0 : i32
        %dma_start3A_343 = tpu.memref_slice %arg14[%add3A_328, %dma_start3A_342] : memref<7184x128xf32, #tpu.memory_space<vmem_shared>> -> memref<128x128xf32, #tpu.memory_space<vmem_shared>>
        tpu.enqueue_dma source(%dma_start3A_343 : memref<128x128xf32, #tpu.memory_space<vmem_shared>>) target(%dma_start3A_341 : memref<128x128xf32, #tpu.memory_space<hbm>>) target_semaphore(%run_scoped3A_340 : memref<!tpu.dma_semaphore, #tpu.memory_space<semaphore_mem>>)
        %dma_wait3A = arith.constant 0 : i32
        %dma_wait3A_344 = tpu.memref_slice %arg5[%add3A_330, %dma_wait3A] : memref<301056x128xf32, #tpu.memory_space<hbm>> -> memref<128x128xf32, #tpu.memory_space<hbm>>
        %dma_wait3A_345 = arith.constant 0 : i32
        %dma_wait3A_346 = tpu.memref_slice %arg14[%add3A_328, %dma_wait3A_345] : memref<7184x128xf32, #tpu.memory_space<vmem_shared>> -> memref<128x128xf32, #tpu.memory_space<vmem_shared>>
        tpu.wait_dma2 semaphore(%run_scoped3A_340 : memref<!tpu.dma_semaphore, #tpu.memory_space<semaphore_mem>>) src(%dma_wait3A_346 : memref<128x128xf32, #tpu.memory_space<vmem_shared>>) dst(%dma_wait3A_344 : memref<128x128xf32, #tpu.memory_space<hbm>>)
        tpu.yield
      }) : () -> ()
      %add3A_331 = arith.constant 384 : i32
      %add3A_332 = arith.addi %mul3A_40, %add3A_331 : i32
      %add3A_333 = arith.constant 384 : i32
      %add3A_334 = arith.addi %add3A_318, %add3A_333 : i32
      "tpu.region"() ({
        %run_scoped3A_340 = tpu.sem_alloc : memref<!tpu.dma_semaphore, #tpu.memory_space<semaphore_mem>>
        %dma_start3A = arith.constant 0 : i32
        %dma_start3A_341 = tpu.memref_slice %arg5[%add3A_334, %dma_start3A] : memref<301056x128xf32, #tpu.memory_space<hbm>> -> memref<64x128xf32, #tpu.memory_space<hbm>>
        %dma_start3A_342 = arith.constant 0 : i32
        %dma_start3A_343 = tpu.memref_slice %arg14[%add3A_332, %dma_start3A_342] : memref<7184x128xf32, #tpu.memory_space<vmem_shared>> -> memref<64x128xf32, #tpu.memory_space<vmem_shared>>
        tpu.enqueue_dma source(%dma_start3A_343 : memref<64x128xf32, #tpu.memory_space<vmem_shared>>) target(%dma_start3A_341 : memref<64x128xf32, #tpu.memory_space<hbm>>) target_semaphore(%run_scoped3A_340 : memref<!tpu.dma_semaphore, #tpu.memory_space<semaphore_mem>>)
        %dma_wait3A = arith.constant 0 : i32
        %dma_wait3A_344 = tpu.memref_slice %arg5[%add3A_334, %dma_wait3A] : memref<301056x128xf32, #tpu.memory_space<hbm>> -> memref<64x128xf32, #tpu.memory_space<hbm>>
        %dma_wait3A_345 = arith.constant 0 : i32
        %dma_wait3A_346 = tpu.memref_slice %arg14[%add3A_332, %dma_wait3A_345] : memref<7184x128xf32, #tpu.memory_space<vmem_shared>> -> memref<64x128xf32, #tpu.memory_space<vmem_shared>>
        tpu.wait_dma2 semaphore(%run_scoped3A_340 : memref<!tpu.dma_semaphore, #tpu.memory_space<semaphore_mem>>) src(%dma_wait3A_346 : memref<64x128xf32, #tpu.memory_space<vmem_shared>>) dst(%dma_wait3A_344 : memref<64x128xf32, #tpu.memory_space<hbm>>)
        tpu.yield
      }) : () -> ()
      %lt3A_335 = arith.constant 7 : i32
      %lt3A_336 = arith.cmpi slt, %arg1, %lt3A_335 : i32
      %convert_element_type3A_337 = arith.extui %lt3A_336 : i1 to i32
      %cond3A_338 = arith.constant 0 : i32
      %cond3A_339 = arith.cmpi ne, %convert_element_type3A_337, %cond3A_338 : i32
      scf.if %cond3A_339 {
        %mul3A_340 = arith.constant 8 : i32
        %mul3A_341 = arith.muli %arg1, %mul3A_340 : i32
        %mul3A_342 = arith.constant 56 : i32
        %mul3A_343 = arith.muli %add3A_36, %mul3A_342 : i32
        %mul3A_344 = arith.constant 8 : i32
        %mul3A_345 = arith.muli %arg1, %mul3A_344 : i32
        %add3A_346 = arith.addi %mul3A_343, %mul3A_345 : i32
        "tpu.region"() ({
          %run_scoped3A_347 = tpu.sem_alloc : memref<!tpu.dma_semaphore, #tpu.memory_space<semaphore_mem>>
          %dma_start3A = arith.constant 0 : i32
          %dma_start3A_348 = tpu.memref_slice %arg6[%add3A_346, %dma_start3A] : memref<2352x128xf32, #tpu.memory_space<hbm>> -> memref<8x128xf32, #tpu.memory_space<hbm>>
          %dma_start3A_349 = arith.constant 0 : i32
          %dma_start3A_350 = tpu.memref_slice %arg15[%mul3A_341, %dma_start3A_349] : memref<56x128xf32, #tpu.memory_space<vmem_shared>> -> memref<8x128xf32, #tpu.memory_space<vmem_shared>>
          tpu.enqueue_dma source(%dma_start3A_350 : memref<8x128xf32, #tpu.memory_space<vmem_shared>>) target(%dma_start3A_348 : memref<8x128xf32, #tpu.memory_space<hbm>>) target_semaphore(%run_scoped3A_347 : memref<!tpu.dma_semaphore, #tpu.memory_space<semaphore_mem>>)
          %dma_wait3A = arith.constant 0 : i32
          %dma_wait3A_351 = tpu.memref_slice %arg6[%add3A_346, %dma_wait3A] : memref<2352x128xf32, #tpu.memory_space<hbm>> -> memref<8x128xf32, #tpu.memory_space<hbm>>
          %dma_wait3A_352 = arith.constant 0 : i32
          %dma_wait3A_353 = tpu.memref_slice %arg15[%mul3A_341, %dma_wait3A_352] : memref<56x128xf32, #tpu.memory_space<vmem_shared>> -> memref<8x128xf32, #tpu.memory_space<vmem_shared>>
          tpu.wait_dma2 semaphore(%run_scoped3A_347 : memref<!tpu.dma_semaphore, #tpu.memory_space<semaphore_mem>>) src(%dma_wait3A_353 : memref<8x128xf32, #tpu.memory_space<vmem_shared>>) dst(%dma_wait3A_351 : memref<8x128xf32, #tpu.memory_space<hbm>>)
          tpu.yield
        }) : () -> ()
      } else {
      }
    }
    %scan3A_33 = arith.constant 21 : i32
    return
  }
}

module attributes {stable_mosaic.version = 14 : i64} {
  func.func @_tc_body(%arg0: i32, %arg1: memref<1024x128xf32, #tpu.memory_space<vmem>>, %arg2: memref<1024x128xf32, #tpu.memory_space<vmem>>, %arg3: memref<1024x128xf32, #tpu.memory_space<vmem>>, %arg4: memref<8x128xf32, #tpu.memory_space<vmem>>, %arg5: memref<8x128xf32, #tpu.memory_space<vmem>>, %arg6: memref<8x128xf32, #tpu.memory_space<vmem>>, %arg7: memref<128x128xf32, #tpu.memory_space<vmem>>, %arg8: memref<128x128xf32, #tpu.memory_space<vmem>>, %arg9: memref<128x128xf32, #tpu.memory_space<vmem>>, %arg10: memref<8x128xf32, #tpu.memory_space<vmem>>, %arg11: memref<1024x128xf32, #tpu.memory_space<vmem>>) attributes {dimension_semantics = [#tpu.dimension_semantics<arbitrary>], iteration_bounds = array<i64: 98>, scalar_prefetch = 0 : i64, scratch_operands = 0 : i64, tpu.core_type = #tpu.core_type<tc>, window_params = [{transform_indices = @transform_0, window_bounds = array<i64: 1024, 128>}, {transform_indices = @transform_1, window_bounds = array<i64: 1024, 128>}, {transform_indices = @transform_2, window_bounds = array<i64: 1024, 128>}, {transform_indices = @transform_3, window_bounds = array<i64: 8, 128>}, {transform_indices = @transform_4, window_bounds = array<i64: 8, 128>}, {transform_indices = @transform_5, window_bounds = array<i64: 8, 128>}, {pipeline_mode = #tpu.pipeline_mode<synchronous>, transform_indices = @transform_6, window_bounds = array<i64: 128, 128>}, {pipeline_mode = #tpu.pipeline_mode<synchronous>, transform_indices = @transform_7, window_bounds = array<i64: 128, 128>}, {pipeline_mode = #tpu.pipeline_mode<synchronous>, transform_indices = @transform_8, window_bounds = array<i64: 128, 128>}, {pipeline_mode = #tpu.pipeline_mode<synchronous>, transform_indices = @transform_9, window_bounds = array<i64: 8, 128>}, {transform_indices = @transform_10, window_bounds = array<i64: 1024, 128>}]} {
    %iota3A = tpu.iota {dimensions = array<i32: 0>} : vector<1024x8xi32>
    %iota3A_0 = tpu.iota {dimensions = array<i32: 1>} : vector<1024x8xi32>
    %shift_right_arithmetic3A = arith.constant 7 : i32
    %shift_right_arithmetic3A_1 = vector.broadcast %shift_right_arithmetic3A : i32 to vector<1024x8xi32>
    %shift_right_arithmetic3A_2 = arith.shrsi %iota3A, %shift_right_arithmetic3A_1 : vector<1024x8xi32>
    %eq3A = arith.cmpi eq, %shift_right_arithmetic3A_2, %iota3A_0 : vector<1024x8xi32>
    %jit3A = arith.constant 1.000000e+00 : f32
    %jit3A_3 = arith.constant 0.000000e+00 : f32
    %broadcast_in_dim3A = vector.broadcast %jit3A : f32 to vector<1024x8xf32>
    %broadcast_in_dim3A_4 = vector.broadcast %jit3A_3 : f32 to vector<1024x8xf32>
    %select_n3A = arith.select %eq3A, %broadcast_in_dim3A, %broadcast_in_dim3A_4 : vector<1024x8xi1>, vector<1024x8xf32>
    %iota3A_5 = tpu.iota {dimensions = array<i32: 0>} : vector<1024x128xi32>
    %iota3A_6 = tpu.iota {dimensions = array<i32: 1>} : vector<1024x128xi32>
    %and3A = arith.constant 127 : i32
    %and3A_7 = vector.broadcast %and3A : i32 to vector<1024x128xi32>
    %and3A_8 = arith.andi %iota3A_5, %and3A_7 : vector<1024x128xi32>
    %eq3A_9 = arith.cmpi eq, %and3A_8, %iota3A_6 : vector<1024x128xi32>
    %jit3A_10 = arith.constant 1.000000e+00 : f32
    %jit3A_11 = arith.constant 0.000000e+00 : f32
    %broadcast_in_dim3A_12 = vector.broadcast %jit3A_10 : f32 to vector<1024x128xf32>
    %broadcast_in_dim3A_13 = vector.broadcast %jit3A_11 : f32 to vector<1024x128xf32>
    %select_n3A_14 = arith.select %eq3A_9, %broadcast_in_dim3A_12, %broadcast_in_dim3A_13 : vector<1024x128xi1>, vector<1024x128xf32>
    %get3A = arith.constant 0 : index
    %get3A_15 = arith.constant 0 : index
    %get3A_16 = vector.load %arg4[%get3A, %get3A_15] : memref<8x128xf32, #tpu.memory_space<vmem>>, vector<8x128xf32>
    %max3A = arith.constant 1.000000e+00 : f32
    %max3A_17 = vector.broadcast %max3A : f32 to vector<8x128xf32>
    %max3A_18 = arith.maximumf %get3A_16, %max3A_17 : vector<8x128xf32>
    %div3A = arith.constant 1.000000e+00 : f32
    %div3A_19 = vector.broadcast %div3A : f32 to vector<8x128xf32>
    %div3A_20 = arith.divf %div3A_19, %max3A_18 : vector<8x128xf32>
    %dot_general3A = arith.constant dense<0.000000e+00> : vector<1024x128xf32>
    %dot_general3A_21 = tpu.matmul %select_n3A, %div3A_20, %dot_general3A {dimension_numbers = #tpu.dot_dimension_numbers<[1], [0], [0], [1], [0, 0, 1, 1], [], []>, transpose_lhs_hint = false} : vector<1024x8xf32>, vector<8x128xf32>, vector<1024x128xf32> -> vector<1024x128xf32>
    %mul3A = arith.mulf %dot_general3A_21, %select_n3A_14 : vector<1024x128xf32>
    %reduce_sum3A = arith.constant dense<0.000000e+00> : vector<1024xf32>
    %reduce_sum3A_22 = vector.multi_reduction <add>, %mul3A, %reduce_sum3A [1] : vector<1024x128xf32> to vector<1024xf32>
    %broadcast_in_dim3A_23 = vector.shape_cast %reduce_sum3A_22 : vector<1024xf32> to vector<1024x1xf32>
    %get3A_24 = arith.constant 0 : index
    %get3A_25 = arith.constant 0 : index
    %get3A_26 = vector.load %arg1[%get3A_24, %get3A_25] : memref<1024x128xf32, #tpu.memory_space<vmem>>, vector<1024x128xf32>
    %mul3A_27 = vector.broadcast %broadcast_in_dim3A_23 : vector<1024x1xf32> to vector<1024x128xf32>
    %mul3A_28 = arith.mulf %get3A_26, %mul3A_27 : vector<1024x128xf32>
    %get3A_29 = arith.constant 0 : index
    %get3A_30 = arith.constant 0 : index
    %get3A_31 = vector.load %arg7[%get3A_29, %get3A_30] : memref<128x128xf32, #tpu.memory_space<vmem>>, vector<128x128xf32>
    %dot_general3A_32 = arith.constant dense<0.000000e+00> : vector<1024x128xf32>
    %dot_general3A_33 = tpu.matmul %mul3A_28, %get3A_31, %dot_general3A_32 {dimension_numbers = #tpu.dot_dimension_numbers<[1], [0], [0], [1], [0, 0, 1, 1], [], []>, transpose_lhs_hint = false} : vector<1024x128xf32>, vector<128x128xf32>, vector<1024x128xf32> -> vector<1024x128xf32>
    %get3A_34 = arith.constant 0 : index
    %get3A_35 = arith.constant 0 : index
    %get3A_36 = vector.load %arg5[%get3A_34, %get3A_35] : memref<8x128xf32, #tpu.memory_space<vmem>>, vector<8x128xf32>
    %max3A_37 = arith.constant 1.000000e+00 : f32
    %max3A_38 = vector.broadcast %max3A_37 : f32 to vector<8x128xf32>
    %max3A_39 = arith.maximumf %get3A_36, %max3A_38 : vector<8x128xf32>
    %div3A_40 = arith.constant 1.000000e+00 : f32
    %div3A_41 = vector.broadcast %div3A_40 : f32 to vector<8x128xf32>
    %div3A_42 = arith.divf %div3A_41, %max3A_39 : vector<8x128xf32>
    %dot_general3A_43 = arith.constant dense<0.000000e+00> : vector<1024x128xf32>
    %dot_general3A_44 = tpu.matmul %select_n3A, %div3A_42, %dot_general3A_43 {dimension_numbers = #tpu.dot_dimension_numbers<[1], [0], [0], [1], [0, 0, 1, 1], [], []>, transpose_lhs_hint = false} : vector<1024x8xf32>, vector<8x128xf32>, vector<1024x128xf32> -> vector<1024x128xf32>
    %mul3A_45 = arith.mulf %dot_general3A_44, %select_n3A_14 : vector<1024x128xf32>
    %reduce_sum3A_46 = arith.constant dense<0.000000e+00> : vector<1024xf32>
    %reduce_sum3A_47 = vector.multi_reduction <add>, %mul3A_45, %reduce_sum3A_46 [1] : vector<1024x128xf32> to vector<1024xf32>
    %broadcast_in_dim3A_48 = vector.shape_cast %reduce_sum3A_47 : vector<1024xf32> to vector<1024x1xf32>
    %get3A_49 = arith.constant 0 : index
    %get3A_50 = arith.constant 0 : index
    %get3A_51 = vector.load %arg2[%get3A_49, %get3A_50] : memref<1024x128xf32, #tpu.memory_space<vmem>>, vector<1024x128xf32>
    %mul3A_52 = vector.broadcast %broadcast_in_dim3A_48 : vector<1024x1xf32> to vector<1024x128xf32>
    %mul3A_53 = arith.mulf %get3A_51, %mul3A_52 : vector<1024x128xf32>
    %get3A_54 = arith.constant 0 : index
    %get3A_55 = arith.constant 0 : index
    %get3A_56 = vector.load %arg8[%get3A_54, %get3A_55] : memref<128x128xf32, #tpu.memory_space<vmem>>, vector<128x128xf32>
    %dot_general3A_57 = arith.constant dense<0.000000e+00> : vector<1024x128xf32>
    %dot_general3A_58 = tpu.matmul %mul3A_53, %get3A_56, %dot_general3A_57 {dimension_numbers = #tpu.dot_dimension_numbers<[1], [0], [0], [1], [0, 0, 1, 1], [], []>, transpose_lhs_hint = false} : vector<1024x128xf32>, vector<128x128xf32>, vector<1024x128xf32> -> vector<1024x128xf32>
    %add3A = arith.addf %dot_general3A_33, %dot_general3A_58 : vector<1024x128xf32>
    %get3A_59 = arith.constant 0 : index
    %get3A_60 = arith.constant 0 : index
    %get3A_61 = vector.load %arg6[%get3A_59, %get3A_60] : memref<8x128xf32, #tpu.memory_space<vmem>>, vector<8x128xf32>
    %max3A_62 = arith.constant 1.000000e+00 : f32
    %max3A_63 = vector.broadcast %max3A_62 : f32 to vector<8x128xf32>
    %max3A_64 = arith.maximumf %get3A_61, %max3A_63 : vector<8x128xf32>
    %div3A_65 = arith.constant 1.000000e+00 : f32
    %div3A_66 = vector.broadcast %div3A_65 : f32 to vector<8x128xf32>
    %div3A_67 = arith.divf %div3A_66, %max3A_64 : vector<8x128xf32>
    %dot_general3A_68 = arith.constant dense<0.000000e+00> : vector<1024x128xf32>
    %dot_general3A_69 = tpu.matmul %select_n3A, %div3A_67, %dot_general3A_68 {dimension_numbers = #tpu.dot_dimension_numbers<[1], [0], [0], [1], [0, 0, 1, 1], [], []>, transpose_lhs_hint = false} : vector<1024x8xf32>, vector<8x128xf32>, vector<1024x128xf32> -> vector<1024x128xf32>
    %mul3A_70 = arith.mulf %dot_general3A_69, %select_n3A_14 : vector<1024x128xf32>
    %reduce_sum3A_71 = arith.constant dense<0.000000e+00> : vector<1024xf32>
    %reduce_sum3A_72 = vector.multi_reduction <add>, %mul3A_70, %reduce_sum3A_71 [1] : vector<1024x128xf32> to vector<1024xf32>
    %broadcast_in_dim3A_73 = vector.shape_cast %reduce_sum3A_72 : vector<1024xf32> to vector<1024x1xf32>
    %get3A_74 = arith.constant 0 : index
    %get3A_75 = arith.constant 0 : index
    %get3A_76 = vector.load %arg3[%get3A_74, %get3A_75] : memref<1024x128xf32, #tpu.memory_space<vmem>>, vector<1024x128xf32>
    %mul3A_77 = vector.broadcast %broadcast_in_dim3A_73 : vector<1024x1xf32> to vector<1024x128xf32>
    %mul3A_78 = arith.mulf %get3A_76, %mul3A_77 : vector<1024x128xf32>
    %get3A_79 = arith.constant 0 : index
    %get3A_80 = arith.constant 0 : index
    %get3A_81 = vector.load %arg9[%get3A_79, %get3A_80] : memref<128x128xf32, #tpu.memory_space<vmem>>, vector<128x128xf32>
    %dot_general3A_82 = arith.constant dense<0.000000e+00> : vector<1024x128xf32>
    %dot_general3A_83 = tpu.matmul %mul3A_78, %get3A_81, %dot_general3A_82 {dimension_numbers = #tpu.dot_dimension_numbers<[1], [0], [0], [1], [0, 0, 1, 1], [], []>, transpose_lhs_hint = false} : vector<1024x128xf32>, vector<128x128xf32>, vector<1024x128xf32> -> vector<1024x128xf32>
    %add3A_84 = arith.addf %add3A, %dot_general3A_83 : vector<1024x128xf32>
    %get3A_85 = arith.constant 0 : index
    %get3A_86 = arith.constant 0 : index
    %get3A_87 = vector.load %arg10[%get3A_85, %get3A_86] : memref<8x128xf32, #tpu.memory_space<vmem>>, vector<1x128xf32>
    %add3A_88 = vector.broadcast %get3A_87 : vector<1x128xf32> to vector<1024x128xf32>
    %add3A_89 = arith.addf %add3A_84, %add3A_88 : vector<1024x128xf32>
    %max3A_90 = arith.constant 0.000000e+00 : f32
    %max3A_91 = vector.broadcast %max3A_90 : f32 to vector<1024x128xf32>
    %max3A_92 = arith.maximumf %add3A_89, %max3A_91 : vector<1024x128xf32>
    %swap3A = arith.constant 0 : index
    %swap3A_93 = arith.constant 0 : index
    %swap3A_94 = vector.load %arg11[%swap3A, %swap3A_93] : memref<1024x128xf32, #tpu.memory_space<vmem>>, vector<1024x128xf32>
    tpu.vector_store %arg11[%swap3A, %swap3A_93], %max3A_92 {strides = array<i32>} : memref<1024x128xf32, #tpu.memory_space<vmem>>, vector<1024x128xf32>,
    return
  }
  func.func @transform_0(%arg0: i32) -> (i32, i32) {
    %add3A = arith.constant 0 : i32
    %add3A_0 = arith.addi %add3A, %arg0 : i32
    %c0_i32 = arith.constant 0 : i32
    %c0_i32_1 = arith.constant 0 : i32
    return %add3A_0, %c0_i32 : i32, i32
  }
  func.func @transform_1(%arg0: i32) -> (i32, i32) {
    %add3A = arith.constant 98 : i32
    %add3A_0 = arith.addi %add3A, %arg0 : i32
    %c0_i32 = arith.constant 0 : i32
    %c0_i32_1 = arith.constant 0 : i32
    return %add3A_0, %c0_i32 : i32, i32
  }
  func.func @transform_2(%arg0: i32) -> (i32, i32) {
    %add3A = arith.constant 196 : i32
    %add3A_0 = arith.addi %add3A, %arg0 : i32
    %c0_i32 = arith.constant 0 : i32
    %c0_i32_1 = arith.constant 0 : i32
    return %add3A_0, %c0_i32 : i32, i32
  }
  func.func @transform_3(%arg0: i32) -> (i32, i32) {
    %add3A = arith.constant 0 : i32
    %add3A_0 = arith.addi %add3A, %arg0 : i32
    %c0_i32 = arith.constant 0 : i32
    %c0_i32_1 = arith.constant 0 : i32
    return %add3A_0, %c0_i32 : i32, i32
  }
  func.func @transform_4(%arg0: i32) -> (i32, i32) {
    %add3A = arith.constant 98 : i32
    %add3A_0 = arith.addi %add3A, %arg0 : i32
    %c0_i32 = arith.constant 0 : i32
    %c0_i32_1 = arith.constant 0 : i32
    return %add3A_0, %c0_i32 : i32, i32
  }
  func.func @transform_5(%arg0: i32) -> (i32, i32) {
    %add3A = arith.constant 196 : i32
    %add3A_0 = arith.addi %add3A, %arg0 : i32
    %c0_i32 = arith.constant 0 : i32
    %c0_i32_1 = arith.constant 0 : i32
    return %add3A_0, %c0_i32 : i32, i32
  }
  func.func @transform_6(%arg0: i32) -> (i32, i32) {
    %c0_i32 = arith.constant 0 : i32
    %c0_i32_0 = arith.constant 0 : i32
    %c0_i32_1 = arith.constant 0 : i32
    return %c0_i32, %c0_i32_0 : i32, i32
  }
  func.func @transform_7(%arg0: i32) -> (i32, i32) {
    %c0_i32 = arith.constant 0 : i32
    %c0_i32_0 = arith.constant 0 : i32
    %c0_i32_1 = arith.constant 0 : i32
    return %c0_i32, %c0_i32_0 : i32, i32
  }
  func.func @transform_8(%arg0: i32) -> (i32, i32) {
    %c0_i32 = arith.constant 0 : i32
    %c0_i32_0 = arith.constant 0 : i32
    %c0_i32_1 = arith.constant 0 : i32
    return %c0_i32, %c0_i32_0 : i32, i32
  }
  func.func @transform_9(%arg0: i32) -> (i32, i32) {
    %c0_i32 = arith.constant 0 : i32
    %c0_i32_0 = arith.constant 0 : i32
    %c0_i32_1 = arith.constant 0 : i32
    return %c0_i32, %c0_i32_0 : i32, i32
  }
  func.func @transform_10(%arg0: i32) -> (i32, i32) {
    %c0_i32 = arith.constant 0 : i32
    %c0_i32_0 = arith.constant 0 : i32
    return %arg0, %c0_i32 : i32, i32
  }
}

</mosaic_0001>

<sc_bundles>
// kernel: kernel.4.cloned.1.call-start
scs
__scs_entry_jumppad:
0x0: {  	(pc) =	sbr.rel $0x88, $3  }
0x1: {  	(tag) =	ssettag $0x0;
	lr =	simm.s32 $0x1  }
0x2: {  	[smem:$0x3F97] =	sst lr;
	_ =	strace $0xD0000000  }
0x3: {  	_ = 	snop  }
0x4: {  	_ = 	snop  }
0x5: {  	_ = 	snop  }
0x6: {  	_ = 	snop  }
0x7: {  	_ = 	snop  }
__scs_overlays_trampoline_lowered:
0x8: {  	[smem:$0x3FA6] =	sst s0  }
0x9: {  	[smem:$0x3FA7] =	sst s1  }
0xa: {  	[smem:$0x3FA8] =	sst s2  }
0xb: {  	[smem:$0x3FA9] =	sst s3  }
0xc: {  	[smem:$0x3FAA] =	sst s4  }
0xd: {  	[smem:$0x3FAB] =	sst s5  }
0xe: {  	[smem:$0x3FAC] =	sst s6  }
0xf: {  	[smem:$0x3FAD] =	sst s7  }
0x10: {  	[smem:$0x3FAE] =	sst s8  }
0x11: {  	[smem:$0x3FAF] =	sst s9;
	s0 =	simm.s32 @!p0 $0x0  }
0x12: {  	s1 =	sld [smem:$0x3F95];
	s0 =	simm.s32 @p0 $0x1  }
0x13: {  	[smem:$0x3FB0] =	sst s0;
	s0 =	simm.s32 @!p1 $0x0  }
0x14: {  	s2 =	sld [smem:$0x3F94];
	s0 =	simm.s32 @p1 $0x1  }
0x15: {  	[smem:$0x3FB1] =	sst s0;
	s0 =	simm.s32 @!p2 $0x0  }
0x16: {  	s3 =	sld [smem:$0x3FDB];
	s0 =	simm.s32 @p2 $0x1  }
0x17: {  	s4 =	simm.s32 $0x1BF5;
	[smem:$0x3FB3] =	sst s0  }
0x18: {  	s0 =	sld [smem:$0x3F96];
	_ =	swait.ge [sflag:s4], $0x0  }
0x19: {  	s7 =	sld [smem:$0x3F97]  }
0x1a: {  	s8 =	sadd.s32 $0xFFFFE003, lr  }
0x1b: {  	s9 =	sadd.s32 $0xFFFFFEF7, lr;
	s5 =	simm.s32 $0xFFFFFFFF;
	p2 =	slt.u32 s8, $0xFFFFF086  }
0x1c: {  	p1 =	slt.u32 s9, $0xF7A;
	s5 =	simm.s32 @!p2 $0x0  }
0x1d: {  	s5 =	simm.s32 @p1 $0x1;
	p0 =	seq.s32 s7, s2  }
0x1e: {  	s7 =	smul.u32 @!p0 $0xF7A, s2;
	p2 =	seq.s32 @!p0 s5, $0x0  }
0x1f: {  	s9 =	smul.u32 $0xF7A, s1;
	s8 =	simm.s32 @!p0 $0x1BF5;
	p2 =	por !p2, p0  }
0x20: {  	[sflag:s8] =	ssyncset.s32 @!p0 $0xFFFFF086;
	s6 =	sadd.s32 @!p0 s3, s7;
	s7 =	simm.s32 @!p0 $0x108  }
0x21: {  	s3 =	sadd.s32 s3, s9;
	s6 =	sadd.s32 @!p0 $0x88, s6;
	s7 =	simm.s32 @p2 $0x1082  }
0x22: {  	[simem:s7], [sflag:s8] =	dma.local @!p0 [hbm:s6], $0xF7A  }
0x23: {  	s9 =	sor.u32 $0xD0000000, s2;
	s6 =	simm.s32 $0x108;
	_ =	swait.ge @!p0 [sflag:s8], $0x0  }
0x24: {  	s3 =	sadd.s32 $0x88, s3;
	s6 =	simm.s32 @!p1 $0x1082;
	[sflag:s4] =	ssyncset.s32 $0xFFFFF086  }
0x25: {  	[simem:s6], [sflag:s4] =	dma.local [hbm:s3], $0xF7A  }
0x26: {  	[smem:$0x3F97] =	sst s1;
	(tag) =	ssettag s2;
	_ =	strace s9  }
0x27: {  	s1 =	sld [smem:$0x3FA7]  }
0x28: {  	s2 =	sld [smem:$0x3FA8]  }
0x29: {  	s4 =	sld [smem:$0x3FAA]  }
0x2a: {  	p0 =	seq.s32 s5, $0x0;
	s5 =	sld [smem:$0x3FAB]  }
0x2b: {  	s6 =	sld [smem:$0x3FAC]  }
0x2c: {  	s7 =	sld [smem:$0x3FAD]  }
0x2d: {  	s3 =	simm.s32 $0x108;
	s8 =	sld [smem:$0x3FAE]  }
0x2e: {  	s3 =	simm.s32 @!p0 $0x1082;
	s9 =	sld [smem:$0x3FAF]  }
0x2f: {  	lr =	sadd.s32 s0, s3;
	s0 =	sld [smem:$0x3FA6]  }
0x30: {  	s3 =	sld [smem:$0x3FA9]  }
0x31: {  	[smem:$0x3FB2] =	sst s10  }
0x32: {  	s10 =	sld [smem:$0x3FB0];
	_ =	sdelay $0x3  }
0x33: {  	p0 =	seq.s32 s10, $0x1;
	s10 =	sld [smem:$0x3FB2];
	_ =	sdelay $0x3  }
0x34: {  	[smem:$0x3FB2] =	sst s10  }
0x35: {  	s10 =	sld [smem:$0x3FB1];
	_ =	sdelay $0x3  }
0x36: {  	p1 =	seq.s32 s10, $0x1;
	s10 =	sld [smem:$0x3FB2];
	_ =	sdelay $0x3  }
0x37: {  	[smem:$0x3FB2] =	sst s10  }
0x38: {  	s10 =	sld [smem:$0x3FB3]  }
0x39: {  	_ = 	snop;
	(pc) =	sbr.ind lr, $3  }
0x3a: {  	_ = 	snop  }
0x3b: {  	_ = 	snop  }
0x3c: {  	p2 =	seq.s32 s10, $0x1;
	s10 =	sld [smem:$0x3FB2]  }
0x3d: {  	_ =	shalt  }
0x3e: {  	_ =	shalt  }
0x3f: {  	_ =	shalt  }
0x40: {  	_ =	shalt  }
0x41: {  	_ =	shalt  }
0x42: {  	_ =	shalt  }
0x43: {  	_ =	shalt  }
0x44: {  	_ =	shalt  }
0x45: {  	_ =	shalt  }
0x46: {  	_ =	shalt  }
0x47: {  	_ =	shalt  }
0x48: {  	_ =	shalt  }
0x49: {  	_ =	shalt  }
0x4a: {  	_ =	shalt  }
0x4b: {  	_ =	shalt  }
0x4c: {  	_ =	shalt  }
0x4d: {  	_ =	shalt  }
0x4e: {  	_ =	shalt  }
0x4f: {  	_ =	shalt  }
0x50: {  	_ =	shalt  }
0x51: {  	_ =	shalt  }
0x52: {  	_ =	shalt  }
0x53: {  	_ =	shalt  }
0x54: {  	_ =	shalt  }
0x55: {  	_ =	shalt  }
0x56: {  	_ =	shalt  }
0x57: {  	_ =	shalt  }
0x58: {  	_ =	shalt  }
0x59: {  	_ =	shalt  }
0x5a: {  	_ =	shalt  }
0x5b: {  	_ =	shalt  }
0x5c: {  	_ =	shalt  }
0x5d: {  	_ =	shalt  }
0x5e: {  	_ =	shalt  }
0x5f: {  	_ =	shalt  }
0x60: {  	_ =	shalt  }
0x61: {  	_ =	shalt  }
0x62: {  	_ =	shalt  }
0x63: {  	_ =	shalt  }
0x64: {  	_ =	shalt  }
0x65: {  	_ =	shalt  }
0x66: {  	_ =	shalt  }
0x67: {  	_ =	shalt  }
0x68: {  	_ =	shalt  }
0x69: {  	_ =	shalt  }
0x6a: {  	_ =	shalt  }
0x6b: {  	_ =	shalt  }
0x6c: {  	_ =	shalt  }
0x6d: {  	_ =	shalt  }
0x6e: {  	_ =	shalt  }
0x6f: {  	_ =	shalt  }
0x70: {  	_ =	shalt  }
0x71: {  	_ =	shalt  }
0x72: {  	_ =	shalt  }
0x73: {  	_ =	shalt  }
0x74: {  	_ =	shalt  }
0x75: {  	_ =	shalt  }
0x76: {  	_ =	shalt  }
0x77: {  	_ =	shalt  }
0x78: {  	_ =	shalt  }
0x79: {  	_ =	shalt  }
0x7a: {  	_ =	shalt  }
0x7b: {  	_ =	shalt  }
0x7c: {  	_ =	shalt  }
0x7d: {  	_ =	shalt  }
0x7e: {  	_ =	shalt  }
0x7f: {  	_ =	shalt  }
0x80: {  	_ =	shalt  }
0x81: {  	_ =	shalt  }
0x82: {  	_ =	shalt  }
0x83: {  	_ =	shalt  }
0x84: {  	_ =	shalt  }
0x85: {  	_ =	shalt  }
0x86: {  	_ =	shalt  }
0x87: {  	_ =	shalt  }
.Lfunc_end0:
.L_simem_size_0:
called_computation_lowered:
.L_overlay_start_0:
0x88: {  	s2 =	sld [smem:$0x3FD9]  }
0x89: {  	s3 =	sld [smem:$0x3FFE];
	_ =	sdelay $0x1  }
0x8a: {  	s1 =	srdreg.scid  }
0x8b: {  	s0 =	sand.u32 $0x1, s1  }
0x8c: {  	s17 =	sshll.u32 s0, $0xA;
	s2 =	sadd.s32 s3, s2  }
0x8d: {  	s2 =	sadd.s32 s2, s17  }
0x8e: {  	[smem:$0x3FBE] =	sst s2  }
0x8f: {  	_ = 	snop  }
0x90: {  	s2 =	sld [smem:$0x3FC9]  }
0x91: {  	s18 =	sld [smem:$0x3FD0];
	(tm) =	ssettm $0x1  }
0x92: {  	s4 =	sld [smem:$0x3FFB];
	_ =	sdelay $0x3  }
0x93: {  	_ =	strace s4  }
0x94: {  	s4 =	sld [smem:$0x3FFC];
	_ =	sdelay $0x3  }
0x95: {  	_ =	strace s4  }
0x96: {  	s4 =	sld [smem:$0x3FFD];
	_ =	sdelay $0x3  }
0x97: {  	_ =	strace s4  }
0x98: {  	_ =	strace $0x8FFFFFFF  }
0x99: {  	s19 =	sld [smem:$0x3FDB];
	_ =	sdelay $0x1  }
0x9a: {  	s5 =	simm.s32 $_scs_section_size  }
0x9b: {  	s6 =	simm.s32 $_size__tile_overlayer_lowered;
	s7 =	simm.s32 $_tile_overlayer_lowered  }
0x9c: {  	s22 =	simm.s32 $0x1BFF;
	s21 =	sshll.u32 s7, $0x1;
	s4 =	sadd.s32 s5, s19  }
0x9d: {  	s8 =	simm.s32 $0x0;
	s20 =	sshll.u32 s6, $0x1;
	s6 =	sadd.s32 s21, s4  }
0x9e: {  	[timem:s8], [sflag:s22] =	dma.local [hbm:s6], s20  }
0x9f: {  	_ =	swait.ge [sflag:s22], s20  }
0xa0: {  	s5 =	ssub.s32 $0x0, s20;
	[sflag:s22] =	ssyncset.done $0x0  }
0xa1: {  	[sflag:s22] =	ssyncadd.s32 s5;
	_ =	sdelay $0x1  }
0xa2: {  	s23 =	simm.s32 $0x1B8B  }
0xa3: {  	_ =	swait.ge [sflag:s23], $0x1  }
0xa4: {  	[sflag:s23] =	ssyncset.done $0x0  }
0xa5: {  	s25 =	simm.s32 $0x1B8E;
	s24 =	sld [smem:$0x3FFE];
	[sflag:s23] =	ssyncadd.s32 $0xFFFFFFFF  }
0xa6: {  	s26 =	simm.s32 $execute0_lowered;
	[smem:$0x3FD2] =	sst s25  }
0xa7: {  	s6 =	sshll.u32 s26, $0x1;
	_ =	strace $0x80000046;
	[dreg:$0x1] =	wrdreg $0xFFFFFFFF  }
0xa8: {  	s28 =	simm.s32 $_size_execute0_lowered;
	s4 =	sadd.s32 s4, s6;
	[dreg:$0x0] =	wrdreg $0x0  }
0xa9: {  	s6 =	sshll.u32 s28, $0x1;
	[dreg:$0x2] =	wrdreg s4  }
0xaa: {  	[dreg:$0x3] =	wrdreg s6  }
0xab: {  	[dreg:$0x4] =	wrdreg $0xC0  }
0xac: {  	_ =	task [dreg:s8], $0x5FFFF  }
0xad: {  	[dreg:$0x1] =	wrdreg $0xFFFFFFFF  }
0xae: {  	[dreg:$0x0] =	wrdreg $0x60  }
0xaf: {  	[dreg:$0x2] =	wrdreg s2  }
0xb0: {  	[dreg:$0x3] =	wrdreg s18  }
0xb1: {  	[dreg:$0x4] =	wrdreg s24  }
0xb2: {  	[dreg:$0x5] =	wrdreg $0xBC800  }
0xb3: {  	[dreg:$0x6] =	wrdreg $0x19D000  }
0xb4: {  	[dreg:$0x7] =	wrdreg $0x9  }
0xb5: {  	_ =	task.clear_ibuf [dreg:s8], $0x8FFFF;
	_ =	strace $0x90000046  }
0xb6: {  	s29 =	simm.s32 $0x9;
	_ =	strace $0x80000048  }
0xb7: {  	_ =	swait.ge [sflag:s29], $0x1  }
0xb8: {  	[sflag:s29] =	ssyncadd.s32 $0xFFFFFFFF  }
0xb9: {  	_ =	strace $0x90000048  }
0xba: {  	_ =	sfence  }
0xbb: {  	s30 =	sld [smem:$0x0];
	_ =	sdelay $0x2  }
0xbc: {  	s31 =	sshll.u32 s1, $0xD;
	s1 =	sshrl.u32 s1, $0x2  }
0xbd: {  	s3 =	sand.u32 $0x4000, s31;
	s1 =	sadd.s32 s1, s30  }
0xbe: {  	s0 =	sor.u32 s3, s0;
	s1 =	sshll.u32 s1, $0x11  }
0xbf: {  	s0 =	sor.u32 s1, s0  }
0xc0: {  	s0 =	sadd.s32 $0x8F2B, s0  }
0xc1: {  	[sflag:s0] =	ssyncadd.remote.s32 $0x1  }
0xc2: {  	_ =	sfence.sel $0xFFFF  }
0xc3: {  	[dreg:$0x0] =	wrdreg $0xFFFFFFFF;
	(pc) =	sbr.abs _section_cstart, $3  }
0xc4: {  	[dreg:$0x1] =	wrdreg $0xFFFFFFFF  }
0xc5: {  	_ =	task.clear_ibuf [dreg:s8], $0x2FFFF;
	_ =	strace $0x9FFFFFFF  }
0xc6: {  	(tm) =	ssettm $0x7FFFFFFF  }
0xc7: {  	_ =	shalt  }
tec
execute0_lowered:
.L_overlay_start_1:
0x0: {  	(tag) =	ssettag $0x1  }
0x1: {  	s1 =	rddreg [dreg:$0x0]  }
0x2: {  	s0 =	rddreg [dreg:$0x1]  }
0x3: {  	s2 =	rddreg [dreg:$0x2]  }
0x4: {  	s3 =	rddreg [dreg:$0x3]  }
0x5: {  	s10 =	rddreg [dreg:$0x4];
	s8 =	stileid.u32  }
0x6: {  	s19 =	simm.s32 $0x0;
	s4 =	srdreg.scid;
	s5 =	smul.u32 $0x38000, s8  }
0x7: {  	[smem:$0x7FF] =	sst s19;
	s6 =	sand.u32 $0x1, s4;
	s22 =	smul.u32 $0x4940, s8  }
0x8: {  	s29 =	sadd.s32 $0x1BA00, s2;
	s30 =	sadd.s32 $0x12600, s2;
	s31 =	sadd.s32 $0x1C200, s2  }
0x9: {  	_ =	strace $0x80000047;
	[dreg:$0x7] =	wrdreg s6;
	s6 =	ssub.s32 $0x2, s6  }
0xa: {  	p0 =	sgt.u32 s8, $0x6;
	s7 =	sshrl.u32 s6, $0x1;
	s4 =	sshrl.u32 s22, $0x3  }
0xb: {  	s5 =	sshrl.u32 s5, $0x2;
	s6 =	ssub.s32 s6, s7;
	s21 =	sadd.s32 s0, s4  }
0xc: {  	s23 =	sadd.s32 $0x200, s4;
	s22 =	sadd.s32 s2, s4;
	[dreg:$0x16] =	wrdreg s21  }
0xd: {  	s7 =	sadd.s32 s5, s3;
	s9 =	sadd.s32 s0, s23;
	[dreg:$0x17] =	wrdreg s22  }
0xe: {  	s24 =	sadd.s32 $0x400, s4;
	s5 =	sadd.s32 s2, s23;
	[dreg:$0x8] =	wrdreg s9  }
0xf: {  	s26 =	sadd.s32 $0x600, s4;
	s25 =	sadd.s32 s0, s24;
	[dreg:$0x9] =	wrdreg s5  }
0x10: {  	s12 =	sadd.s32 $0x800, s4;
	s11 =	sadd.s32 s0, s26;
	[dreg:$0xa] =	wrdreg s25  }
0x11: {  	s14 =	sadd.s32 $0x9280, s4;
	s13 =	sadd.s32 s0, s12;
	[dreg:$0xc] =	wrdreg s11  }
0x12: {  	s16 =	sadd.s32 $0x9480, s4;
	s15 =	sadd.s32 s0, s14;
	[dreg:$0xe] =	wrdreg s13  }
0x13: {  	s18 =	sadd.s32 $0x9680, s4;
	s17 =	sadd.s32 s0, s16;
	[dreg:$0x10] =	wrdreg s15  }
0x14: {  	s20 =	sadd.s32 s0, s18;
	s23 =	sadd.s32 $0x9880, s4;
	[dreg:$0x12] =	wrdreg s17  }
0x15: {  	s4 =	sadd.s32 $0x9A80, s4;
	s5 =	sadd.s32 s2, s24;
	[dreg:$0x14] =	wrdreg s20  }
0x16: {  	s24 =	sadd.s32 s0, s23;
	s28 =	sadd.s32 s2, s4;
	s25 =	smax.u32 s6, $0x1  }
0x17: {  	s6 =	sadd.s32 $0x8000, s7;
	s9 =	sadd.s32 $0xC000, s7;
	s11 =	simm.s32 $0x6000  }
0x18: {  	s13 =	simm.s32 $0x1000;
	s15 =	simm.s32 $0x4000;
	[dreg:$0xb] =	wrdreg s5  }
0x19: {  	s17 =	simm.s32 $0x80;
	s5 =	sadd.s32 s2, s26;
	[dreg:$0x18] =	wrdreg s24  }
0x1a: {  	s26 =	sadd.s32 s0, s4;
	s0 =	sadd.s32 $0x1CA00, s2;
	[dreg:$0x1a] =	wrdreg s25  }
0x1b: {  	s4 =	smul.u32 $0x1C0, s8;
	s8 =	sshll.u32 s8, $0xA;
	[dreg:$0xd] =	wrdreg s5  }
0x1c: {  	s5 =	sadd.s32 s2, s12;
	s10 =	sadd.s32 s8, s10;
	s12 =	simm.s32 $0x3  }
.Ltmp0:
0x1d: {  	[dreg:$0xf] =	wrdreg s5;
	s5 =	sadd.s32 s2, s14;
	(pc) =	sbr.rel .LBB2_1-.Ltmp0, $4  }
0x1e: {  	s14 =	simm.s32 $0x2000;
	[dreg:$0x11] =	wrdreg s5;
	s5 =	sadd.s32 s2, s16  }
0x1f: {  	v0 =	vlaneseq.u32;
	v4 =	vimm.f32 $0.0e+00;
	s16 =	simm.s32 $0xA000;
	[dreg:$0x13] =	wrdreg s5;
	s5 =	sadd.s32 s2, s18  }
0x20: {  	v5 =	vimm.s32 $0x0;
	v6 =	vimm.f32 $1.000000000e+00;
	v7 =	vimm.s32 $0x1C00;
	s18 =	simm.s32 $0x1;
	[dreg:$0x15] =	wrdreg s5;
	s5 =	sadd.s32 s2, s23  }
0x21: {  	v1 =	vor.u32 $0x10, v0;
	v2 =	vor.u32 $0x20, v0;
	v3 =	vadd.s32 $0x28, v0;
	[dreg:$0x19] =	wrdreg s5;
	s5 =	sadd.s32 $0x1D200, s2;
	s2 =	sadd.s32 $0x4000, s7  }
.LBB2_81:
0x22: {  	s19 =	rddreg [dreg:$0x6]  }
0x23: {  	s20 =	rddreg [dreg:$0x1a];
	s19 =	sadd.s32 $0x1, s19  }
0x24: {  	p1 =	sne.s32 s19, s20  }
.Ltmp1:
0x25: {  	_ = 	snop;
	(pc) =	sbr.rel @!p1 .LBB2_82-.Ltmp1, $1  }
0x26: {  	_ =	sdelay $0x3  }
.LBB2_1:
.Ltmp2:
0x27: {  	(pc) =	sbr.rel .LBB2_2-.Ltmp2, $4  }
0x28: {  	[tilespmem:$0xBC00] =	vst v0  }
0x29: {  	[tilespmem:$0xBC10] =	vst v1  }
0x2a: {  	[tilespmem:$0xBC20] =	vst v2  }
0x2b: {  	[dreg:$0x6] =	wrdreg s19;
	s19 =	simm.s32 $0x0;
	[tilespmem:$0xBC28] =	vst v3  }
.LBB2_79:
0x2c: {  	[sflag:s12] =	ssyncadd.s32 $0xFFFFC000  }
.LBB2_80:
0x2d: {  	s21 =	rddreg [dreg:$0x4];
	s22 =	simm.s32 $0x38;
	s23 =	simm.s32 $0xBC00  }
0x2e: {  	[spmem:s21] =	stream.indirect.scatter.add.f32 [tilespmem:s16], [sflag:$0x3], $0x80, s23, s22, $0xb8;
	[tilespmem:$0x19EC0] =	vst v63  }
0x2f: {  	s25 =	stileid.u32;
	_ =	swait.ge [sflag:s12], $0x1C00  }
0x30: {  	s23 =	sadd.s32 s4, s20;
	s24 =	sshll.u32 s25, $0x6;
	[sflag:s12] =	ssyncset.done $0x0  }
0x31: {  	s21 =	sshll.u32 s23, $0x4;
	s22 =	sor.u32 $0x1C03, s24;
	[sflag:s12] =	ssyncadd.s32 $0xFFFFE400  }
0x32: {  	s24 =	sshrl.u32 s7, $0x3;
	s23 =	sadd.s32 s29, s21;
	[bflag:$0x0] =	sbarrier.arrive $0xFFFF  }
0x33: {  	[hbm:s23], [sflag:s22] =	dma.local [spmem:s24], $0x800  }
0x34: {  	_ =	swait.ge [sflag:s12], $0x800  }
0x35: {  	[sflag:s12] =	ssyncset.done $0x0  }
0x36: {  	s23 =	sadd.s32 s21, s31;
	s24 =	sshrl.u32 s2, $0x3;
	[sflag:s12] =	ssyncadd.s32 $0xFFFFF800  }
0x37: {  	[hbm:s23], [sflag:s22] =	dma.local [spmem:s24], $0x800  }
0x38: {  	_ =	swait.ge [sflag:s12], $0x800  }
0x39: {  	[sflag:s12] =	ssyncset.done $0x0  }
0x3a: {  	s23 =	sadd.s32 s21, s0;
	s24 =	sshrl.u32 s6, $0x3;
	[sflag:s12] =	ssyncadd.s32 $0xFFFFF800  }
0x3b: {  	[hbm:s23], [sflag:s22] =	dma.local [spmem:s24], $0x800  }
0x3c: {  	_ =	swait.ge [sflag:s12], $0x800  }
0x3d: {  	s19 =	sadd.s32 $0x1, s19;
	s20 =	sadd.s32 @!p0 s8, s20;
	[sflag:s12] =	ssyncset.done $0x0  }
0x3e: {  	s21 =	sadd.s32 s21, s5;
	s24 =	sshrl.u32 s9, $0x3;
	[sflag:s12] =	ssyncadd.s32 $0xFFFFF800  }
0x3f: {  	[hbm:s21], [sflag:s22] =	dma.local [spmem:s24], $0x400  }
0x40: {  	p1 =	sne.s32 s19, $0x15;
	s20 =	sshrl.u32 @!p0 s20, $0x3;
	_ =	swait.ge [sflag:s12], $0x400  }
0x41: {  	s20 =	sadd.s32 @!p0 s30, s20;
	s21 =	sshll.u32 @!p0 s25, $0x6;
	[sflag:s12] =	ssyncset.done $0x0  }
0x42: {  	s22 =	sshrl.u32 @!p0 s10, $0x3;
	s21 =	sor.u32 @!p0 $0x1C02, s21;
	[sflag:s12] =	ssyncadd.s32 $0xFFFFFC00  }
0x43: {  	[hbm:s20], [sflag:s21] =	dma.local @!p0 [spmem:s22], $0x80  }
.Ltmp3:
0x44: {  	_ = 	snop;
	(pc) =	sbr.rel @!p1 .LBB2_81-.Ltmp3, $4  }
0x45: {  	s20 =	simm.s32 @!p0 $0x2  }
0x46: {  	_ =	swait.ge @!p0 [sflag:s20], $0x80  }
0x47: {  	[sflag:s20] =	ssyncset.done @!p0 $0x0  }
0x48: {  	s23 =	stileid.u32;
	[sflag:s20] =	ssyncadd.s32 @!p0 $0xFFFFFF80  }
.LBB2_2:
0x49: {  	s20 =	simm.s32 $0x0;
	s21 =	simm.s32 $0x200  }
.LBB2_3:
0x4a: {  	p1 =	sne.s32 s21, $0xFE00;
	[tilespmem:s20+$0x6070] =	vst v4  }
0x4b: {  	[tilespmem:s20+$0x6000] =	vst v4  }
0x4c: {  	[tilespmem:s20+$0x6010] =	vst v4  }
.Ltmp4:
0x4d: {  	[tilespmem:s20+$0x6020] =	vst v4;
	(pc) =	sbr.rel @p1 .LBB2_3-.Ltmp4, $4  }
0x4e: {  	[tilespmem:s20+$0x6030] =	vst v4  }
0x4f: {  	[tilespmem:s20+$0x6040] =	vst v4  }
0x50: {  	[tilespmem:s20+$0x6050] =	vst v4  }
0x51: {  	[tilespmem:s20+$0x6060] =	vst v4;
	s20 =	sshra.s32 s21, $0x2;
	s21 =	sadd.s32 $0x200, s21  }
0x52: {  	[tilespmem:s20+$0x6070] =	vst v4  }
0x53: {  	[tilespmem:s20+$0x6000] =	vst v4  }
0x54: {  	[tilespmem:s20+$0x6010] =	vst v4  }
0x55: {  	[tilespmem:s20+$0x6020] =	vst v4  }
0x56: {  	[tilespmem:s20+$0x6030] =	vst v4  }
0x57: {  	[tilespmem:s20+$0x6040] =	vst v4  }
0x58: {  	[tilespmem:s20+$0x6050] =	vst v4  }
0x59: {  	[tilespmem:s20+$0x6060] =	vst v4  }
0x5a: {  	[spmem:s7] =	stream.linear.scatter [tilespmem:s11], [sflag:$0x3], $0x4000, $0x38;
	[tilespmem:$0x19EC0] =	vst v63  }
0x5b: {  	_ =	swait.ge [sflag:s12], $0x4000  }
0x5c: {  	[sflag:s12] =	ssyncset.done $0x0  }
0x5d: {  	[sflag:s12] =	ssyncadd.s32 $0xFFFFC000  }
0x5e: {  	[spmem:s2] =	stream.linear.scatter [tilespmem:s11], [sflag:$0x3], $0x4000, $0x38;
	[tilespmem:$0x19EC0] =	vst v63  }
0x5f: {  	_ =	swait.ge [sflag:s12], $0x4000  }
0x60: {  	[sflag:s12] =	ssyncset.done $0x0  }
0x61: {  	[sflag:s12] =	ssyncadd.s32 $0xFFFFC000  }
0x62: {  	[spmem:s6] =	stream.linear.scatter [tilespmem:s11], [sflag:$0x3], $0x4000, $0x38;
	[tilespmem:$0x19EC0] =	vst v63  }
0x63: {  	_ =	swait.ge [sflag:s12], $0x4000  }
0x64: {  	[sflag:s12] =	ssyncset.done $0x0  }
0x65: {  	[sflag:s12] =	ssyncadd.s32 $0xFFFFC000  }
0x66: {  	[spmem:s9] =	stream.linear.scatter [tilespmem:s11], [sflag:$0x3], $0x2000, $0x38;
	[tilespmem:$0x19EC0] =	vst v63  }
0x67: {  	_ =	swait.ge [sflag:s12], $0x2000  }
0x68: {  	[sflag:s12] =	ssyncset.done $0x0  }
0x69: {  	s20 =	simm.s32 @!p0 $0x6000;
	s21 =	simm.s32 @!p0 $0x3;
	[sflag:s12] =	ssyncadd.s32 $0xFFFFE000  }
0x6a: {  	[spmem:s10] =	stream.linear.scatter @!p0 [tilespmem:s20], [sflag:$0x3], $0x400, $0x38;
	[tilespmem:$0x19EC0] =	vst v63  }
0x6b: {  	s25 =	sshll.u32 s19, $0x1;
	s22 =	rddreg [dreg:$0x7];
	_ =	swait.ge @!p0 [sflag:s21], $0x400  }
0x6c: {  	s20 =	sor.u32 s22, s25;
	s22 =	simm.s32 $0x200;
	[sflag:s21] =	ssyncset.done @!p0 $0x0  }
0x6d: {  	s20 =	smul.u32 $0x1C00, s20;
	[sflag:s21] =	ssyncadd.s32 @!p0 $0xFFFFFC00;
	s21 =	simm.s32 $0x0  }
.LBB2_5:
0x6e: {  	p1 =	sne.s32 s22, $0x6E00;
	[tilespmem:s21+$0xA070] =	vst v4  }
0x6f: {  	[tilespmem:s21+$0xA000] =	vst v4  }
0x70: {  	[tilespmem:s21+$0xA010] =	vst v4  }
.Ltmp5:
0x71: {  	[tilespmem:s21+$0xA020] =	vst v4;
	(pc) =	sbr.rel @p1 .LBB2_5-.Ltmp5, $4  }
0x72: {  	[tilespmem:s21+$0xA030] =	vst v4  }
0x73: {  	[tilespmem:s21+$0xA040] =	vst v4  }
0x74: {  	[tilespmem:s21+$0xA050] =	vst v4  }
0x75: {  	[tilespmem:s21+$0xA060] =	vst v4;
	s21 =	sshra.s32 s22, $0x2;
	s22 =	sadd.s32 $0x200, s22  }
0x76: {  	[tilespmem:s21+$0xA070] =	vst v4  }
0x77: {  	[tilespmem:s21+$0xA000] =	vst v4  }
0x78: {  	[tilespmem:s21+$0xA010] =	vst v4  }
0x79: {  	[tilespmem:s21+$0xA020] =	vst v4  }
0x7a: {  	[tilespmem:s21+$0xA030] =	vst v4  }
0x7b: {  	[tilespmem:s21+$0xA040] =	vst v4  }
0x7c: {  	[tilespmem:s21+$0xA050] =	vst v4  }
0x7d: {  	[tilespmem:s21+$0xA060] =	vst v4  }
0x7e: {  	[bflag:$0x0] =	sbarrier.arrive $0xFFFF  }
0x7f: {  	s21 =	simm.s32 $0x0;
	s22 =	rddreg [dreg:$0x16]  }
0x80: {  	[tilespmem:s21], [sflag:$0x3] =	stream.linear.gather [hbm4b:s22+s21], $0x1000, $0x38;
	[tilespmem:$0x19EC0] =	vst v63  }
0x81: {  	_ =	swait.ge [sflag:s12], $0x1000  }
0x82: {  	[sflag:s12] =	ssyncset.done $0x0  }
0x83: {  	s24 =	rddreg [dreg:$0x17];
	[sflag:s12] =	ssyncadd.s32 $0xFFFFF000  }
0x84: {  	[tilespmem:s13], [sflag:$0x3] =	stream.linear.gather [hbm4b:s24+s21], $0x1000, $0x38;
	[tilespmem:$0x19EC0] =	vst v63  }
0x85: {  	_ =	swait.ge [sflag:s12], $0x1000  }
0x86: {  	[sflag:s12] =	ssyncset.done $0x0  }
0x87: {  	s25 =	simm.s32 $0x0;
	[sflag:s12] =	ssyncadd.s32 $0xFFFFF000  }
0x88: {  	v10 =	vld [tilespmem:s25+$0x1000];
	_ =	sdelay $0x2  }
0x89: {  	s23 =	sadd.s32 $0x1C00, s20  }
0x8a: {  	v8 =	vmov s20;
	v9 =	vmov s23  }
0x8b: {  	vm0 =	vge.s32 v10, v8;
	vm1 =	vlt.s32 v10, v9  }
0x8c: {  	vm0 =	vmand vm0, vm1  }
0x8d: {  	v11 =	vsel vm0, $0x1, v5  }
0x8e: {  	(xrf0) =	vadd.scan.msk.s32 $0xffff, v11;
	_ =	sdelay $0x5  }
0x8f: {  	v12, _, _ =	vpop (xrf0)  }
0x90: {  	v11 =	vsub.s32 v12, v11;
	v12 =	vxor.u32 $0x80000000, v12  }
0x91: {  	v13 =	vld [tilespmem:s25+$0x0];
	v14 =	vsub.s32 v10, v8;
	v11 =	vadd.s32 s21, v11;
	(xrf0) =	vmax.scan.msk.u32 $0xffff, v12  }
0x92: {  	v10 =	vand.u32 $0x7F, v10;
	v63 =	vand.u32 $0xFFFFFF80, v14  }
0x93: {  	v10 =	vor.u32 v10, v63;
	_ =	sdelay $0x2  }
0x94: {  	[tilespmem:v11+s14+$0x0] =	vst.idx.msk vm0, v13  }
0x95: {  	[tilespmem:v11+s15+$0x0] =	vst.idx.msk vm0, v14;
	v11, _, _ =	vpop (xrf0)  }
0x96: {  	s23 =	simm.s32 $0x10;
	[tilespmem:v10+s16+$0x0] =	vst.idx.add.f32.msk vm0, v6;
	(v2sf) =	vpush v11, $0xF  }
0x97: {  	s22 =	simm.s32 $0x80;
	v10 =	vld [tilespmem:s23+$0x0]  }
.LBB2_7:
0x98: {  	p1 =	sne.s32 s22, $0x3FC0;
	v11 =	vld [tilespmem:s23+$0x1000];
	_ =	sdelay $0x4  }
0x99: {  	vm0 =	vge.s32 v11, v8;
	vm1 =	vlt.s32 v11, v9;
	v12 =	vsub.s32 v11, v8  }
0x9a: {  	v11 =	vand.u32 $0x7F, v11;
	vm0 =	vmand vm0, vm1  }
0x9b: {  	v13 =	vsel vm0, $0x1, v5  }
0x9c: {  	(xrf0) =	vadd.scan.msk.s32 $0xffff, v13;
	_ =	sdelay $0x4  }
0x9d: {  	s23 =	spop (v2sf)  }
0x9e: {  	v14, _, _ =	vpop (xrf0);
	s21 =	sadd.s32 s23, s21  }
0x9f: {  	v13 =	vsub.s32 v14, v13;
	v14 =	vxor.u32 $0x80000000, v14;
	s21 =	sadd.s32 $0x80000000, s21  }
0xa0: {  	v13 =	vadd.s32 s21, v13;
	(xrf0) =	vmax.scan.msk.u32 $0xffff, v14  }
0xa1: {  	v14 =	vand.u32 $0xFFFFFF80, v12  }
0xa2: {  	v11 =	vor.u32 v11, v14;
	_ =	sdelay $0x1  }
.Ltmp6:
0xa3: {  	(pc) =	sbr.rel @p1 .LBB2_7-.Ltmp6, $4  }
0xa4: {  	[tilespmem:v13+s14+$0x0] =	vst.idx.msk vm0, v10  }
0xa5: {  	[tilespmem:v13+s15+$0x0] =	vst.idx.msk vm0, v12;
	v10, _, _ =	vpop (xrf0)  }
0xa6: {  	s23 =	sshra.s32 s22, $0x2;
	[tilespmem:v11+s16+$0x0] =	vst.idx.add.f32.msk vm0, v6;
	(v2sf) =	vpush v10, $0xF  }
0xa7: {  	s22 =	sadd.s32 $0x40, s22;
	v10 =	vld [tilespmem:s23+$0x0]  }
0xa8: {  	v11 =	vld [tilespmem:s23+$0x1000];
	_ =	sdelay $0x4  }
0xa9: {  	vm0 =	vge.s32 v11, v8;
	vm1 =	vlt.s32 v11, v9  }
0xaa: {  	vm0 =	vmand vm0, vm1  }
0xab: {  	v12 =	vsel vm0, $0x1, v5  }
0xac: {  	(xrf0) =	vadd.scan.msk.s32 $0xffff, v12;
	_ =	sdelay $0x5  }
0xad: {  	v13, _, _ =	vpop (xrf0)  }
0xae: {  	v14 =	vxor.u32 $0x80000000, v13  }
0xaf: {  	(xrf0) =	vmax.scan.msk.u32 $0xffff, v14;
	_ =	sdelay $0x5  }
0xb0: {  	v14, _, _ =	vpop (xrf0)  }
0xb1: {  	(v2sf) =	vpush v14, $0xF;
	_ =	sdelay $0xc  }
0xb2: {  	s22 =	spop (v2sf)  }
0xb3: {  	s21 =	sadd.s32 s22, s21  }
0xb4: {  	s22 =	sadd.s32 $0x80000000, s21;
	s25 =	spop (v2sf)  }
0xb5: {  	s21 =	sadd.s32 s25, s22  }
0xb6: {  	s21 =	sadd.s32 $0x80000000, s21  }
0xb7: {  	v12 =	vsub.s32 v13, v12;
	p1 =	slt.s32 s21, $0x1001  }
0xb8: {  	v63 =	vsub.s32 v11, v8;
	v12 =	vadd.s32 s22, v12;
	s24 =	sand.u32 @!p1 $0x7FFFFF80, s21;
	v14 =	vlaneseq.u32 @!p1  }
0xb9: {  	v11 =	vand.u32 $0x7F, v11;
	v15 =	vand.u32 $0xFFFFFF80, v63;
	v16 =	vor.u32 @!p1 s24, v14  }
0xba: {  	v11 =	vor.u32 v11, v15;
	s25 =	sand.u32 @!p1 $0xFFFFFF80, s21;
	v15 =	vor.u32 @!p1 $0x10, v14;
	vm1 =	vge.s32 @!p1 v16, s21  }
0xbb: {  	v16 =	vor.u32 @!p1 s25, v14;
	v17 =	vor.u32 @!p1 s24, v15  }
0xbc: {  	vm2 =	vge.s32 @!p1 v17, s21;
	v17 =	vor.u32 @!p1 $0x20, v14  }
0xbd: {  	[tilespmem:v12+s14+$0x0] =	vst.idx.msk vm0, v10;
	v10 =	vor.u32 @!p1 s25, v15;
	v15 =	vor.u32 @!p1 s24, v17  }
0xbe: {  	[tilespmem:v12+s15+$0x0] =	vst.idx.msk vm0, v63;
	v12 =	vor.u32 @!p1 $0x30, v14;
	vm3 =	vge.s32 @!p1 v15, s21  }
0xbf: {  	[tilespmem:v11+s16+$0x0] =	vst.idx.add.f32.msk vm0, v6;
	v11 =	vimm.s32 @!p1 $0x0;
	s22 =	simm.s32 @!p1 $0x2000;
	v13 =	vor.u32 @!p1 s25, v17;
	v15 =	vor.u32 @!p1 s24, v12  }
0xc0: {  	s23 =	simm.s32 @!p1 $0x4000;
	v17 =	vimm.s32 @!p1 $0x1C00;
	vm0 =	vge.s32 @!p1 v15, s21;
	v15 =	vor.u32 @!p1 $0x40, v14;
	[tilespmem:v16+s22+$0x0] =	vst.idx.msk @!p1 vm1, v11  }
0xc1: {  	v12 =	vor.u32 @!p1 s25, v12;
	[tilespmem:v16+s23+$0x0] =	vst.idx.msk @!p1 vm1, v17;
	v16 =	vor.u32 @!p1 s24, v15  }
0xc2: {  	[tilespmem:v10+s22+$0x0] =	vst.idx.msk @!p1 vm2, v11;
	vm1 =	vge.s32 @!p1 v16, s21;
	v16 =	vor.u32 @!p1 $0x50, v14  }
0xc3: {  	[tilespmem:v10+s23+$0x0] =	vst.idx.msk @!p1 vm2, v17;
	v10 =	vor.u32 @!p1 s25, v15;
	v15 =	vor.u32 @!p1 s24, v16  }
0xc4: {  	[tilespmem:v13+s22+$0x0] =	vst.idx.msk @!p1 vm3, v11;
	vm2 =	vge.s32 @!p1 v15, s21;
	v15 =	vor.u32 @!p1 $0x60, v14  }
0xc5: {  	[tilespmem:v13+s23+$0x0] =	vst.idx.msk @!p1 vm3, v17;
	v13 =	vor.u32 @!p1 s25, v16;
	v16 =	vor.u32 @!p1 s24, v15  }
0xc6: {  	v14 =	vor.u32 @!p1 $0x70, v14;
	vm3 =	vge.s32 @!p1 v16, s21;
	[tilespmem:v12+s22+$0x0] =	vst.idx.msk @!p1 vm0, v11  }
0xc7: {  	[tilespmem:v12+s23+$0x0] =	vst.idx.msk @!p1 vm0, v17;
	v12 =	vor.u32 @!p1 s25, v15;
	v15 =	vor.u32 @!p1 s24, v14;
	s24 =	sadd.s32 @!p1 $0x7F, s21  }
0xc8: {  	vm0 =	vge.s32 @!p1 v15, s21;
	[tilespmem:v10+s22+$0x0] =	vst.idx.msk @!p1 vm1, v11;
	s24 =	sshra.s32 @!p1 s24, $0x7  }
0xc9: {  	[tilespmem:v10+s23+$0x0] =	vst.idx.msk @!p1 vm1, v17;
	v10 =	vor.u32 @!p1 s25, v14;
	p2 =	slt.s32 @!p1 s24, $0x1  }
0xca: {  	[tilespmem:v13+s22+$0x0] =	vst.idx.msk @!p1 vm2, v11;
	p2 =	por p1, p2  }
.Ltmp7:
0xcb: {  	[tilespmem:v13+s23+$0x0] =	vst.idx.msk @!p1 vm2, v17;
	(pc) =	sbr.rel @p2 .LBB2_9-.Ltmp7, $4  }
0xcc: {  	[tilespmem:v12+s22+$0x0] =	vst.idx.msk @!p1 vm3, v11  }
0xcd: {  	[tilespmem:v12+s23+$0x0] =	vst.idx.msk @!p1 vm3, v17  }
0xce: {  	[tilespmem:v10+s22+$0x0] =	vst.idx.msk @!p1 vm0, v11  }
0xcf: {  	[tilespmem:v10+s23+$0x0] =	vst.idx.msk @!p1 vm0, v17  }
0xd0: {  	[tilespmem:s11], [sflag:$0x1] =	stream.indirect.gather [hbm4b:s1+s17], $0x80, s22, s17, $0xb8;
	[tilespmem:$0x19EC0] =	vst v63  }
0xd1: {  	p1 =	sne.s32 s24, $0x1;
	_ =	swait.ge [sflag:s18], $0x4000  }
.Ltmp8:
0xd2: {  	[sflag:s18] =	ssyncset.done $0x0;
	(pc) =	sbr.rel @!p1 .LBB2_12-.Ltmp8, $4  }
0xd3: {  	[sflag:s18] =	ssyncadd.s32 $0xFFFFC000  }
0xd4: {  	[spmem:s3] =	stream.indirect.scatter.add.f32 [tilespmem:s11], [sflag:$0x3], $0x80, s23, s17, $0xb8;
	[tilespmem:$0x19EC0] =	vst v63  }
0xd5: {  	_ =	swait.ge [sflag:s12], $0x4000  }
0xd6: {  	s21 =	sadd.s32 $0xFFFFFFFF, s24;
	[sflag:s12] =	ssyncset.done $0x0  }
.LBB2_11:
0xd7: {  	[sflag:s12] =	ssyncadd.s32 $0xFFFFC000;
	s22 =	sadd.s32 $0x80, s22;
	s23 =	sadd.s32 $0x80, s23  }
0xd8: {  	[tilespmem:s11], [sflag:$0x1] =	stream.indirect.gather [hbm4b:s1+s17], $0x80, s22, s17, $0xb8;
	[tilespmem:$0x19EC0] =	vst v63  }
0xd9: {  	p1 =	sne.s32 s21, $0x1;
	s21 =	sadd.s32 $0xFFFFFFFF, s21;
	_ =	swait.ge [sflag:s18], $0x4000  }
.Ltmp9:
0xda: {  	[sflag:s18] =	ssyncset.done $0x0;
	(pc) =	sbr.rel @p1 .LBB2_11-.Ltmp9, $4  }
0xdb: {  	[sflag:s18] =	ssyncadd.s32 $0xFFFFC000  }
0xdc: {  	[spmem:s3] =	stream.indirect.scatter.add.f32 [tilespmem:s11], [sflag:$0x3], $0x80, s23, s17, $0xb8;
	[tilespmem:$0x19EC0] =	vst v63  }
0xdd: {  	_ =	swait.ge [sflag:s12], $0x4000  }
0xde: {  	[sflag:s12] =	ssyncset.done $0x0  }
.LBB2_12:
.Ltmp10:
0xdf: {  	(pc) =	sbr.rel .LBB2_13-.Ltmp10, $2  }
0xe0: {  	_ =	sdelay $0x2  }
0xe1: {  	[sflag:s12] =	ssyncadd.s32 $0xFFFFC000;
	s21 =	simm.s32 $0x0  }
.LBB2_9:
0xe2: {  	s21 =	simm.s32 @!p1 $0x0  }
.LBB2_13:
0xe3: {  	s22 =	simm.s32 $0x0;
	s23 =	rddreg [dreg:$0x8]  }
0xe4: {  	[tilespmem:s22], [sflag:$0x3] =	stream.linear.gather [hbm4b:s23+s22], $0x1000, $0x38;
	[tilespmem:$0x19EC0] =	vst v63  }
0xe5: {  	_ =	swait.ge [sflag:s12], $0x1000  }
0xe6: {  	[sflag:s12] =	ssyncset.done $0x0  }
0xe7: {  	s24 =	rddreg [dreg:$0x9];
	[sflag:s12] =	ssyncadd.s32 $0xFFFFF000  }
0xe8: {  	[tilespmem:s13], [sflag:$0x3] =	stream.linear.gather [hbm4b:s24+s22], $0x1000, $0x38;
	[tilespmem:$0x19EC0] =	vst v63  }
0xe9: {  	_ =	swait.ge [sflag:s12], $0x1000  }
0xea: {  	[sflag:s12] =	ssyncset.done $0x0  }
0xeb: {  	s25 =	simm.s32 $0x0;
	[sflag:s12] =	ssyncadd.s32 $0xFFFFF000  }
0xec: {  	v10 =	vld [tilespmem:s25+$0x1000];
	_ =	sdelay $0x4  }
0xed: {  	vm0 =	vge.s32 v10, v8;
	vm1 =	vlt.s32 v10, v9  }
0xee: {  	vm0 =	vmand vm0, vm1  }
0xef: {  	v11 =	vsel vm0, $0x1, v5  }
0xf0: {  	(xrf0) =	vadd.scan.msk.s32 $0xffff, v11;
	_ =	sdelay $0x5  }
0xf1: {  	v12, _, _ =	vpop (xrf0)  }
0xf2: {  	v11 =	vsub.s32 v12, v11;
	v12 =	vxor.u32 $0x80000000, v12  }
0xf3: {  	v13 =	vld [tilespmem:s25+$0x0];
	v14 =	vsub.s32 v10, v8;
	v11 =	vadd.s32 s21, v11;
	(xrf0) =	vmax.scan.msk.u32 $0xffff, v12  }
0xf4: {  	v10 =	vand.u32 $0x7F, v10;
	v63 =	vand.u32 $0xFFFFFF80, v14  }
0xf5: {  	v10 =	vor.u32 v10, v63;
	_ =	sdelay $0x2  }
0xf6: {  	[tilespmem:v11+s14+$0x0] =	vst.idx.msk vm0, v13  }
0xf7: {  	[tilespmem:v11+s15+$0x0] =	vst.idx.msk vm0, v14;
	v11, _, _ =	vpop (xrf0)  }
0xf8: {  	s23 =	simm.s32 $0x10;
	[tilespmem:v10+s16+$0x0] =	vst.idx.add.f32.msk vm0, v6;
	(v2sf) =	vpush v11, $0xF  }
0xf9: {  	s22 =	simm.s32 $0x80;
	v10 =	vld [tilespmem:s23+$0x0]  }
.LBB2_14:
0xfa: {  	p1 =	sne.s32 s22, $0x3FC0;
	v11 =	vld [tilespmem:s23+$0x1000];
	_ =	sdelay $0x4  }
0xfb: {  	vm0 =	vge.s32 v11, v8;
	vm1 =	vlt.s32 v11, v9;
	v12 =	vsub.s32 v11, v8  }
0xfc: {  	v11 =	vand.u32 $0x7F, v11;
	vm0 =	vmand vm0, vm1  }
0xfd: {  	v13 =	vsel vm0, $0x1, v5  }
0xfe: {  	(xrf0) =	vadd.scan.msk.s32 $0xffff, v13;
	_ =	sdelay $0x4  }
0xff: {  	s23 =	spop (v2sf)  }
0x100: {  	v14, _, _ =	vpop (xrf0);
	s21 =	sadd.s32 s23, s21  }
0x101: {  	v13 =	vsub.s32 v14, v13;
	v14 =	vxor.u32 $0x80000000, v14;
	s21 =	sadd.s32 $0x80000000, s21  }
0x102: {  	v13 =	vadd.s32 s21, v13;
	(xrf0) =	vmax.scan.msk.u32 $0xffff, v14  }
0x103: {  	v14 =	vand.u32 $0xFFFFFF80, v12  }
0x104: {  	v11 =	vor.u32 v11, v14;
	_ =	sdelay $0x1  }
.Ltmp11:
0x105: {  	(pc) =	sbr.rel @p1 .LBB2_14-.Ltmp11, $4  }
0x106: {  	[tilespmem:v13+s14+$0x0] =	vst.idx.msk vm0, v10  }
0x107: {  	[tilespmem:v13+s15+$0x0] =	vst.idx.msk vm0, v12;
	v10, _, _ =	vpop (xrf0)  }
0x108: {  	s23 =	sshra.s32 s22, $0x2;
	[tilespmem:v11+s16+$0x0] =	vst.idx.add.f32.msk vm0, v6;
	(v2sf) =	vpush v10, $0xF  }
0x109: {  	s22 =	sadd.s32 $0x40, s22;
	v10 =	vld [tilespmem:s23+$0x0]  }
0x10a: {  	v11 =	vld [tilespmem:s23+$0x1000];
	_ =	sdelay $0x4  }
0x10b: {  	vm0 =	vge.s32 v11, v8;
	vm1 =	vlt.s32 v11, v9  }
0x10c: {  	vm0 =	vmand vm0, vm1  }
0x10d: {  	v12 =	vsel vm0, $0x1, v5  }
0x10e: {  	(xrf0) =	vadd.scan.msk.s32 $0xffff, v12;
	_ =	sdelay $0x5  }
0x10f: {  	v13, _, _ =	vpop (xrf0)  }
0x110: {  	v14 =	vxor.u32 $0x80000000, v13  }
0x111: {  	(xrf0) =	vmax.scan.msk.u32 $0xffff, v14;
	_ =	sdelay $0x5  }
0x112: {  	v14, _, _ =	vpop (xrf0)  }
0x113: {  	(v2sf) =	vpush v14, $0xF;
	_ =	sdelay $0xc  }
0x114: {  	s22 =	spop (v2sf)  }
0x115: {  	s21 =	sadd.s32 s22, s21  }
0x116: {  	s22 =	sadd.s32 $0x80000000, s21;
	s25 =	spop (v2sf)  }
0x117: {  	s21 =	sadd.s32 s25, s22  }
0x118: {  	s21 =	sadd.s32 $0x80000000, s21  }
0x119: {  	v12 =	vsub.s32 v13, v12;
	p1 =	slt.s32 s21, $0x1001  }
0x11a: {  	v63 =	vsub.s32 v11, v8;
	v12 =	vadd.s32 s22, v12;
	s24 =	sand.u32 @!p1 $0x7FFFFF80, s21;
	v14 =	vlaneseq.u32 @!p1  }
0x11b: {  	v11 =	vand.u32 $0x7F, v11;
	v15 =	vand.u32 $0xFFFFFF80, v63;
	v16 =	vor.u32 @!p1 s24, v14  }
0x11c: {  	v11 =	vor.u32 v11, v15;
	s25 =	sand.u32 @!p1 $0xFFFFFF80, s21;
	v15 =	vor.u32 @!p1 $0x10, v14;
	vm1 =	vge.s32 @!p1 v16, s21  }
0x11d: {  	v16 =	vor.u32 @!p1 s25, v14;
	v17 =	vor.u32 @!p1 s24, v15  }
0x11e: {  	vm2 =	vge.s32 @!p1 v17, s21;
	v17 =	vor.u32 @!p1 $0x20, v14  }
0x11f: {  	[tilespmem:v12+s14+$0x0] =	vst.idx.msk vm0, v10;
	v10 =	vor.u32 @!p1 s25, v15;
	v15 =	vor.u32 @!p1 s24, v17  }
0x120: {  	[tilespmem:v12+s15+$0x0] =	vst.idx.msk vm0, v63;
	v12 =	vor.u32 @!p1 $0x30, v14;
	vm3 =	vge.s32 @!p1 v15, s21  }
0x121: {  	[tilespmem:v11+s16+$0x0] =	vst.idx.add.f32.msk vm0, v6;
	v11 =	vimm.s32 @!p1 $0x0;
	s22 =	simm.s32 @!p1 $0x2000;
	v13 =	vor.u32 @!p1 s25, v17;
	v15 =	vor.u32 @!p1 s24, v12  }
0x122: {  	s23 =	simm.s32 @!p1 $0x4000;
	v17 =	vimm.s32 @!p1 $0x1C00;
	vm0 =	vge.s32 @!p1 v15, s21;
	v15 =	vor.u32 @!p1 $0x40, v14;
	[tilespmem:v16+s22+$0x0] =	vst.idx.msk @!p1 vm1, v11  }
0x123: {  	v12 =	vor.u32 @!p1 s25, v12;
	[tilespmem:v16+s23+$0x0] =	vst.idx.msk @!p1 vm1, v17;
	v16 =	vor.u32 @!p1 s24, v15  }
0x124: {  	[tilespmem:v10+s22+$0x0] =	vst.idx.msk @!p1 vm2, v11;
	vm1 =	vge.s32 @!p1 v16, s21;
	v16 =	vor.u32 @!p1 $0x50, v14  }
0x125: {  	[tilespmem:v10+s23+$0x0] =	vst.idx.msk @!p1 vm2, v17;
	v10 =	vor.u32 @!p1 s25, v15;
	v15 =	vor.u32 @!p1 s24, v16  }
0x126: {  	[tilespmem:v13+s22+$0x0] =	vst.idx.msk @!p1 vm3, v11;
	vm2 =	vge.s32 @!p1 v15, s21;
	v15 =	vor.u32 @!p1 $0x60, v14  }
0x127: {  	[tilespmem:v13+s23+$0x0] =	vst.idx.msk @!p1 vm3, v17;
	v13 =	vor.u32 @!p1 s25, v16;
	v16 =	vor.u32 @!p1 s24, v15  }
0x128: {  	v14 =	vor.u32 @!p1 $0x70, v14;
	vm3 =	vge.s32 @!p1 v16, s21;
	[tilespmem:v12+s22+$0x0] =	vst.idx.msk @!p1 vm0, v11  }
0x129: {  	[tilespmem:v12+s23+$0x0] =	vst.idx.msk @!p1 vm0, v17;
	v12 =	vor.u32 @!p1 s25, v15;
	v15 =	vor.u32 @!p1 s24, v14;
	s24 =	sadd.s32 @!p1 $0x7F, s21  }
0x12a: {  	vm0 =	vge.s32 @!p1 v15, s21;
	[tilespmem:v10+s22+$0x0] =	vst.idx.msk @!p1 vm1, v11;
	s24 =	sshra.s32 @!p1 s24, $0x7  }
0x12b: {  	[tilespmem:v10+s23+$0x0] =	vst.idx.msk @!p1 vm1, v17;
	v10 =	vor.u32 @!p1 s25, v14;
	p2 =	slt.s32 @!p1 s24, $0x1  }
0x12c: {  	[tilespmem:v13+s22+$0x0] =	vst.idx.msk @!p1 vm2, v11;
	p2 =	por p1, p2  }
.Ltmp12:
0x12d: {  	[tilespmem:v13+s23+$0x0] =	vst.idx.msk @!p1 vm2, v17;
	(pc) =	sbr.rel @p2 .LBB2_16-.Ltmp12, $4  }
0x12e: {  	[tilespmem:v12+s22+$0x0] =	vst.idx.msk @!p1 vm3, v11  }
0x12f: {  	[tilespmem:v12+s23+$0x0] =	vst.idx.msk @!p1 vm3, v17  }
0x130: {  	[tilespmem:v10+s22+$0x0] =	vst.idx.msk @!p1 vm0, v11  }
0x131: {  	[tilespmem:v10+s23+$0x0] =	vst.idx.msk @!p1 vm0, v17  }
0x132: {  	[tilespmem:s11], [sflag:$0x1] =	stream.indirect.gather [hbm4b:s1+s17], $0x80, s22, s17, $0xb8;
	[tilespmem:$0x19EC0] =	vst v63  }
0x133: {  	p1 =	sne.s32 s24, $0x1;
	_ =	swait.ge [sflag:s18], $0x4000  }
.Ltmp13:
0x134: {  	[sflag:s18] =	ssyncset.done $0x0;
	(pc) =	sbr.rel @!p1 .LBB2_19-.Ltmp13, $4  }
0x135: {  	[sflag:s18] =	ssyncadd.s32 $0xFFFFC000  }
0x136: {  	[spmem:s3] =	stream.indirect.scatter.add.f32 [tilespmem:s11], [sflag:$0x3], $0x80, s23, s17, $0xb8;
	[tilespmem:$0x19EC0] =	vst v63  }
0x137: {  	_ =	swait.ge [sflag:s12], $0x4000  }
0x138: {  	s21 =	sadd.s32 $0xFFFFFFFF, s24;
	[sflag:s12] =	ssyncset.done $0x0  }
.LBB2_18:
0x139: {  	[sflag:s12] =	ssyncadd.s32 $0xFFFFC000;
	s22 =	sadd.s32 $0x80, s22;
	s23 =	sadd.s32 $0x80, s23  }
0x13a: {  	[tilespmem:s11], [sflag:$0x1] =	stream.indirect.gather [hbm4b:s1+s17], $0x80, s22, s17, $0xb8;
	[tilespmem:$0x19EC0] =	vst v63  }
0x13b: {  	p1 =	sne.s32 s21, $0x1;
	s21 =	sadd.s32 $0xFFFFFFFF, s21;
	_ =	swait.ge [sflag:s18], $0x4000  }
.Ltmp14:
0x13c: {  	[sflag:s18] =	ssyncset.done $0x0;
	(pc) =	sbr.rel @p1 .LBB2_18-.Ltmp14, $4  }
0x13d: {  	[sflag:s18] =	ssyncadd.s32 $0xFFFFC000  }
0x13e: {  	[spmem:s3] =	stream.indirect.scatter.add.f32 [tilespmem:s11], [sflag:$0x3], $0x80, s23, s17, $0xb8;
	[tilespmem:$0x19EC0] =	vst v63  }
0x13f: {  	_ =	swait.ge [sflag:s12], $0x4000  }
0x140: {  	[sflag:s12] =	ssyncset.done $0x0  }
.LBB2_19:
.Ltmp15:
0x141: {  	(pc) =	sbr.rel .LBB2_20-.Ltmp15, $2  }
0x142: {  	_ =	sdelay $0x2  }
0x143: {  	[sflag:s12] =	ssyncadd.s32 $0xFFFFC000;
	s21 =	simm.s32 $0x0  }
.LBB2_16:
0x144: {  	s21 =	simm.s32 @!p1 $0x0  }
.LBB2_20:
0x145: {  	s22 =	simm.s32 $0x0;
	s23 =	rddreg [dreg:$0xa]  }
0x146: {  	[tilespmem:s22], [sflag:$0x3] =	stream.linear.gather [hbm4b:s23+s22], $0x1000, $0x38;
	[tilespmem:$0x19EC0] =	vst v63  }
0x147: {  	_ =	swait.ge [sflag:s12], $0x1000  }
0x148: {  	[sflag:s12] =	ssyncset.done $0x0  }
0x149: {  	s24 =	rddreg [dreg:$0xb];
	[sflag:s12] =	ssyncadd.s32 $0xFFFFF000  }
0x14a: {  	[tilespmem:s13], [sflag:$0x3] =	stream.linear.gather [hbm4b:s24+s22], $0x1000, $0x38;
	[tilespmem:$0x19EC0] =	vst v63  }
0x14b: {  	_ =	swait.ge [sflag:s12], $0x1000  }
0x14c: {  	[sflag:s12] =	ssyncset.done $0x0  }
0x14d: {  	s25 =	simm.s32 $0x0;
	[sflag:s12] =	ssyncadd.s32 $0xFFFFF000  }
0x14e: {  	v10 =	vld [tilespmem:s25+$0x1000];
	_ =	sdelay $0x4  }
0x14f: {  	vm0 =	vge.s32 v10, v8;
	vm1 =	vlt.s32 v10, v9  }
0x150: {  	vm0 =	vmand vm0, vm1  }
0x151: {  	v11 =	vsel vm0, $0x1, v5  }
0x152: {  	(xrf0) =	vadd.scan.msk.s32 $0xffff, v11;
	_ =	sdelay $0x5  }
0x153: {  	v12, _, _ =	vpop (xrf0)  }
0x154: {  	v11 =	vsub.s32 v12, v11;
	v12 =	vxor.u32 $0x80000000, v12  }
0x155: {  	v13 =	vld [tilespmem:s25+$0x0];
	v14 =	vsub.s32 v10, v8;
	v11 =	vadd.s32 s21, v11;
	(xrf0) =	vmax.scan.msk.u32 $0xffff, v12  }
0x156: {  	v10 =	vand.u32 $0x7F, v10;
	v63 =	vand.u32 $0xFFFFFF80, v14  }
0x157: {  	v10 =	vor.u32 v10, v63;
	_ =	sdelay $0x2  }
0x158: {  	[tilespmem:v11+s14+$0x0] =	vst.idx.msk vm0, v13  }
0x159: {  	[tilespmem:v11+s15+$0x0] =	vst.idx.msk vm0, v14;
	v11, _, _ =	vpop (xrf0)  }
0x15a: {  	s23 =	simm.s32 $0x10;
	[tilespmem:v10+s16+$0x0] =	vst.idx.add.f32.msk vm0, v6;
	(v2sf) =	vpush v11, $0xF  }
0x15b: {  	s22 =	simm.s32 $0x80;
	v10 =	vld [tilespmem:s23+$0x0]  }
.LBB2_21:
0x15c: {  	p1 =	sne.s32 s22, $0x3FC0;
	v11 =	vld [tilespmem:s23+$0x1000];
	_ =	sdelay $0x4  }
0x15d: {  	vm0 =	vge.s32 v11, v8;
	vm1 =	vlt.s32 v11, v9;
	v12 =	vsub.s32 v11, v8  }
0x15e: {  	v11 =	vand.u32 $0x7F, v11;
	vm0 =	vmand vm0, vm1  }
0x15f: {  	v13 =	vsel vm0, $0x1, v5  }
0x160: {  	(xrf0) =	vadd.scan.msk.s32 $0xffff, v13;
	_ =	sdelay $0x4  }
0x161: {  	s23 =	spop (v2sf)  }
0x162: {  	v14, _, _ =	vpop (xrf0);
	s21 =	sadd.s32 s23, s21  }
0x163: {  	v13 =	vsub.s32 v14, v13;
	v14 =	vxor.u32 $0x80000000, v14;
	s21 =	sadd.s32 $0x80000000, s21  }
0x164: {  	v13 =	vadd.s32 s21, v13;
	(xrf0) =	vmax.scan.msk.u32 $0xffff, v14  }
0x165: {  	v14 =	vand.u32 $0xFFFFFF80, v12  }
0x166: {  	v11 =	vor.u32 v11, v14;
	_ =	sdelay $0x1  }
.Ltmp16:
0x167: {  	(pc) =	sbr.rel @p1 .LBB2_21-.Ltmp16, $4  }
0x168: {  	[tilespmem:v13+s14+$0x0] =	vst.idx.msk vm0, v10  }
0x169: {  	[tilespmem:v13+s15+$0x0] =	vst.idx.msk vm0, v12;
	v10, _, _ =	vpop (xrf0)  }
0x16a: {  	s23 =	sshra.s32 s22, $0x2;
	[tilespmem:v11+s16+$0x0] =	vst.idx.add.f32.msk vm0, v6;
	(v2sf) =	vpush v10, $0xF  }
0x16b: {  	s22 =	sadd.s32 $0x40, s22;
	v10 =	vld [tilespmem:s23+$0x0]  }
0x16c: {  	v11 =	vld [tilespmem:s23+$0x1000];
	_ =	sdelay $0x4  }
0x16d: {  	vm0 =	vge.s32 v11, v8;
	vm1 =	vlt.s32 v11, v9  }
0x16e: {  	vm0 =	vmand vm0, vm1  }
0x16f: {  	v12 =	vsel vm0, $0x1, v5  }
0x170: {  	(xrf0) =	vadd.scan.msk.s32 $0xffff, v12;
	_ =	sdelay $0x5  }
0x171: {  	v13, _, _ =	vpop (xrf0)  }
0x172: {  	v14 =	vxor.u32 $0x80000000, v13  }
0x173: {  	(xrf0) =	vmax.scan.msk.u32 $0xffff, v14;
	_ =	sdelay $0x5  }
0x174: {  	v14, _, _ =	vpop (xrf0)  }
0x175: {  	(v2sf) =	vpush v14, $0xF;
	_ =	sdelay $0xc  }
0x176: {  	s22 =	spop (v2sf)  }
0x177: {  	s21 =	sadd.s32 s22, s21  }
0x178: {  	s22 =	sadd.s32 $0x80000000, s21;
	s25 =	spop (v2sf)  }
0x179: {  	s21 =	sadd.s32 s25, s22  }
0x17a: {  	s21 =	sadd.s32 $0x80000000, s21  }
0x17b: {  	v12 =	vsub.s32 v13, v12;
	p1 =	slt.s32 s21, $0x1001  }
0x17c: {  	v63 =	vsub.s32 v11, v8;
	v12 =	vadd.s32 s22, v12;
	s24 =	sand.u32 @!p1 $0x7FFFFF80, s21;
	v14 =	vlaneseq.u32 @!p1  }
0x17d: {  	v11 =	vand.u32 $0x7F, v11;
	v15 =	vand.u32 $0xFFFFFF80, v63;
	v16 =	vor.u32 @!p1 s24, v14  }
0x17e: {  	v11 =	vor.u32 v11, v15;
	s25 =	sand.u32 @!p1 $0xFFFFFF80, s21;
	v15 =	vor.u32 @!p1 $0x10, v14;
	vm1 =	vge.s32 @!p1 v16, s21  }
0x17f: {  	v16 =	vor.u32 @!p1 s25, v14;
	v17 =	vor.u32 @!p1 s24, v15  }
0x180: {  	vm2 =	vge.s32 @!p1 v17, s21;
	v17 =	vor.u32 @!p1 $0x20, v14  }
0x181: {  	[tilespmem:v12+s14+$0x0] =	vst.idx.msk vm0, v10;
	v10 =	vor.u32 @!p1 s25, v15;
	v15 =	vor.u32 @!p1 s24, v17  }
0x182: {  	[tilespmem:v12+s15+$0x0] =	vst.idx.msk vm0, v63;
	v12 =	vor.u32 @!p1 $0x30, v14;
	vm3 =	vge.s32 @!p1 v15, s21  }
0x183: {  	[tilespmem:v11+s16+$0x0] =	vst.idx.add.f32.msk vm0, v6;
	v11 =	vimm.s32 @!p1 $0x0;
	s22 =	simm.s32 @!p1 $0x2000;
	v13 =	vor.u32 @!p1 s25, v17;
	v15 =	vor.u32 @!p1 s24, v12  }
0x184: {  	s23 =	simm.s32 @!p1 $0x4000;
	v17 =	vimm.s32 @!p1 $0x1C00;
	vm0 =	vge.s32 @!p1 v15, s21;
	v15 =	vor.u32 @!p1 $0x40, v14;
	[tilespmem:v16+s22+$0x0] =	vst.idx.msk @!p1 vm1, v11  }
0x185: {  	v12 =	vor.u32 @!p1 s25, v12;
	[tilespmem:v16+s23+$0x0] =	vst.idx.msk @!p1 vm1, v17;
	v16 =	vor.u32 @!p1 s24, v15  }
0x186: {  	[tilespmem:v10+s22+$0x0] =	vst.idx.msk @!p1 vm2, v11;
	vm1 =	vge.s32 @!p1 v16, s21;
	v16 =	vor.u32 @!p1 $0x50, v14  }
0x187: {  	[tilespmem:v10+s23+$0x0] =	vst.idx.msk @!p1 vm2, v17;
	v10 =	vor.u32 @!p1 s25, v15;
	v15 =	vor.u32 @!p1 s24, v16  }
0x188: {  	[tilespmem:v13+s22+$0x0] =	vst.idx.msk @!p1 vm3, v11;
	vm2 =	vge.s32 @!p1 v15, s21;
	v15 =	vor.u32 @!p1 $0x60, v14  }
0x189: {  	[tilespmem:v13+s23+$0x0] =	vst.idx.msk @!p1 vm3, v17;
	v13 =	vor.u32 @!p1 s25, v16;
	v16 =	vor.u32 @!p1 s24, v15  }
0x18a: {  	v14 =	vor.u32 @!p1 $0x70, v14;
	vm3 =	vge.s32 @!p1 v16, s21;
	[tilespmem:v12+s22+$0x0] =	vst.idx.msk @!p1 vm0, v11  }
0x18b: {  	[tilespmem:v12+s23+$0x0] =	vst.idx.msk @!p1 vm0, v17;
	v12 =	vor.u32 @!p1 s25, v15;
	v15 =	vor.u32 @!p1 s24, v14;
	s24 =	sadd.s32 @!p1 $0x7F, s21  }
0x18c: {  	vm0 =	vge.s32 @!p1 v15, s21;
	[tilespmem:v10+s22+$0x0] =	vst.idx.msk @!p1 vm1, v11;
	s24 =	sshra.s32 @!p1 s24, $0x7  }
0x18d: {  	[tilespmem:v10+s23+$0x0] =	vst.idx.msk @!p1 vm1, v17;
	v10 =	vor.u32 @!p1 s25, v14;
	p2 =	slt.s32 @!p1 s24, $0x1  }
0x18e: {  	[tilespmem:v13+s22+$0x0] =	vst.idx.msk @!p1 vm2, v11;
	p2 =	por p1, p2  }
.Ltmp17:
0x18f: {  	[tilespmem:v13+s23+$0x0] =	vst.idx.msk @!p1 vm2, v17;
	(pc) =	sbr.rel @p2 .LBB2_23-.Ltmp17, $4  }
0x190: {  	[tilespmem:v12+s22+$0x0] =	vst.idx.msk @!p1 vm3, v11  }
0x191: {  	[tilespmem:v12+s23+$0x0] =	vst.idx.msk @!p1 vm3, v17  }
0x192: {  	[tilespmem:v10+s22+$0x0] =	vst.idx.msk @!p1 vm0, v11  }
0x193: {  	[tilespmem:v10+s23+$0x0] =	vst.idx.msk @!p1 vm0, v17  }
0x194: {  	[tilespmem:s11], [sflag:$0x1] =	stream.indirect.gather [hbm4b:s1+s17], $0x80, s22, s17, $0xb8;
	[tilespmem:$0x19EC0] =	vst v63  }
0x195: {  	p1 =	sne.s32 s24, $0x1;
	_ =	swait.ge [sflag:s18], $0x4000  }
.Ltmp18:
0x196: {  	[sflag:s18] =	ssyncset.done $0x0;
	(pc) =	sbr.rel @!p1 .LBB2_26-.Ltmp18, $4  }
0x197: {  	[sflag:s18] =	ssyncadd.s32 $0xFFFFC000  }
0x198: {  	[spmem:s3] =	stream.indirect.scatter.add.f32 [tilespmem:s11], [sflag:$0x3], $0x80, s23, s17, $0xb8;
	[tilespmem:$0x19EC0] =	vst v63  }
0x199: {  	_ =	swait.ge [sflag:s12], $0x4000  }
0x19a: {  	s21 =	sadd.s32 $0xFFFFFFFF, s24;
	[sflag:s12] =	ssyncset.done $0x0  }
.LBB2_25:
0x19b: {  	[sflag:s12] =	ssyncadd.s32 $0xFFFFC000;
	s22 =	sadd.s32 $0x80, s22;
	s23 =	sadd.s32 $0x80, s23  }
0x19c: {  	[tilespmem:s11], [sflag:$0x1] =	stream.indirect.gather [hbm4b:s1+s17], $0x80, s22, s17, $0xb8;
	[tilespmem:$0x19EC0] =	vst v63  }
0x19d: {  	p1 =	sne.s32 s21, $0x1;
	s21 =	sadd.s32 $0xFFFFFFFF, s21;
	_ =	swait.ge [sflag:s18], $0x4000  }
.Ltmp19:
0x19e: {  	[sflag:s18] =	ssyncset.done $0x0;
	(pc) =	sbr.rel @p1 .LBB2_25-.Ltmp19, $4  }
0x19f: {  	[sflag:s18] =	ssyncadd.s32 $0xFFFFC000  }
0x1a0: {  	[spmem:s3] =	stream.indirect.scatter.add.f32 [tilespmem:s11], [sflag:$0x3], $0x80, s23, s17, $0xb8;
	[tilespmem:$0x19EC0] =	vst v63  }
0x1a1: {  	_ =	swait.ge [sflag:s12], $0x4000  }
0x1a2: {  	[sflag:s12] =	ssyncset.done $0x0  }
.LBB2_26:
.Ltmp20:
0x1a3: {  	(pc) =	sbr.rel .LBB2_27-.Ltmp20, $2  }
0x1a4: {  	_ =	sdelay $0x2  }
0x1a5: {  	[sflag:s12] =	ssyncadd.s32 $0xFFFFC000;
	s21 =	simm.s32 $0x0  }
.LBB2_23:
0x1a6: {  	s21 =	simm.s32 @!p1 $0x0  }
.LBB2_27:
0x1a7: {  	s22 =	simm.s32 $0x0;
	s23 =	rddreg [dreg:$0xc]  }
0x1a8: {  	[tilespmem:s22], [sflag:$0x3] =	stream.linear.gather [hbm4b:s23+s22], $0x1000, $0x38;
	[tilespmem:$0x19EC0] =	vst v63  }
0x1a9: {  	_ =	swait.ge [sflag:s12], $0x1000  }
0x1aa: {  	[sflag:s12] =	ssyncset.done $0x0  }
0x1ab: {  	s24 =	rddreg [dreg:$0xd];
	[sflag:s12] =	ssyncadd.s32 $0xFFFFF000  }
0x1ac: {  	[tilespmem:s13], [sflag:$0x3] =	stream.linear.gather [hbm4b:s24+s22], $0x1000, $0x38;
	[tilespmem:$0x19EC0] =	vst v63  }
0x1ad: {  	_ =	swait.ge [sflag:s12], $0x1000  }
0x1ae: {  	[sflag:s12] =	ssyncset.done $0x0  }
0x1af: {  	s25 =	simm.s32 $0x0;
	[sflag:s12] =	ssyncadd.s32 $0xFFFFF000  }
0x1b0: {  	v10 =	vld [tilespmem:s25+$0x1000];
	_ =	sdelay $0x4  }
0x1b1: {  	vm0 =	vge.s32 v10, v8;
	vm1 =	vlt.s32 v10, v9  }
0x1b2: {  	vm0 =	vmand vm0, vm1  }
0x1b3: {  	v11 =	vsel vm0, $0x1, v5  }
0x1b4: {  	(xrf0) =	vadd.scan.msk.s32 $0xffff, v11;
	_ =	sdelay $0x5  }
0x1b5: {  	v12, _, _ =	vpop (xrf0)  }
0x1b6: {  	v11 =	vsub.s32 v12, v11;
	v12 =	vxor.u32 $0x80000000, v12  }
0x1b7: {  	v13 =	vld [tilespmem:s25+$0x0];
	v14 =	vsub.s32 v10, v8;
	v11 =	vadd.s32 s21, v11;
	(xrf0) =	vmax.scan.msk.u32 $0xffff, v12  }
0x1b8: {  	v10 =	vand.u32 $0x7F, v10;
	v63 =	vand.u32 $0xFFFFFF80, v14  }
0x1b9: {  	v10 =	vor.u32 v10, v63;
	_ =	sdelay $0x2  }
0x1ba: {  	[tilespmem:v11+s14+$0x0] =	vst.idx.msk vm0, v13  }
0x1bb: {  	[tilespmem:v11+s15+$0x0] =	vst.idx.msk vm0, v14;
	v11, _, _ =	vpop (xrf0)  }
0x1bc: {  	s23 =	simm.s32 $0x10;
	[tilespmem:v10+s16+$0x0] =	vst.idx.add.f32.msk vm0, v6;
	(v2sf) =	vpush v11, $0xF  }
0x1bd: {  	s22 =	simm.s32 $0x80;
	v10 =	vld [tilespmem:s23+$0x0]  }
.LBB2_28:
0x1be: {  	p1 =	sne.s32 s22, $0x3FC0;
	v11 =	vld [tilespmem:s23+$0x1000];
	_ =	sdelay $0x4  }
0x1bf: {  	vm0 =	vge.s32 v11, v8;
	vm1 =	vlt.s32 v11, v9;
	v12 =	vsub.s32 v11, v8  }
0x1c0: {  	v11 =	vand.u32 $0x7F, v11;
	vm0 =	vmand vm0, vm1  }
0x1c1: {  	v13 =	vsel vm0, $0x1, v5  }
0x1c2: {  	(xrf0) =	vadd.scan.msk.s32 $0xffff, v13;
	_ =	sdelay $0x4  }
0x1c3: {  	s23 =	spop (v2sf)  }
0x1c4: {  	v14, _, _ =	vpop (xrf0);
	s21 =	sadd.s32 s23, s21  }
0x1c5: {  	v13 =	vsub.s32 v14, v13;
	v14 =	vxor.u32 $0x80000000, v14;
	s21 =	sadd.s32 $0x80000000, s21  }
0x1c6: {  	v13 =	vadd.s32 s21, v13;
	(xrf0) =	vmax.scan.msk.u32 $0xffff, v14  }
0x1c7: {  	v14 =	vand.u32 $0xFFFFFF80, v12  }
0x1c8: {  	v11 =	vor.u32 v11, v14;
	_ =	sdelay $0x1  }
.Ltmp21:
0x1c9: {  	(pc) =	sbr.rel @p1 .LBB2_28-.Ltmp21, $4  }
0x1ca: {  	[tilespmem:v13+s14+$0x0] =	vst.idx.msk vm0, v10  }
0x1cb: {  	[tilespmem:v13+s15+$0x0] =	vst.idx.msk vm0, v12;
	v10, _, _ =	vpop (xrf0)  }
0x1cc: {  	s23 =	sshra.s32 s22, $0x2;
	[tilespmem:v11+s16+$0x0] =	vst.idx.add.f32.msk vm0, v6;
	(v2sf) =	vpush v10, $0xF  }
0x1cd: {  	s22 =	sadd.s32 $0x40, s22;
	v10 =	vld [tilespmem:s23+$0x0]  }
0x1ce: {  	v11 =	vld [tilespmem:s23+$0x1000];
	_ =	sdelay $0x4  }
0x1cf: {  	vm0 =	vge.s32 v11, v8;
	vm1 =	vlt.s32 v11, v9  }
0x1d0: {  	vm0 =	vmand vm0, vm1  }
0x1d1: {  	v12 =	vsel vm0, $0x1, v5  }
0x1d2: {  	(xrf0) =	vadd.scan.msk.s32 $0xffff, v12;
	_ =	sdelay $0x5  }
0x1d3: {  	v13, _, _ =	vpop (xrf0)  }
0x1d4: {  	v14 =	vxor.u32 $0x80000000, v13  }
0x1d5: {  	(xrf0) =	vmax.scan.msk.u32 $0xffff, v14;
	_ =	sdelay $0x5  }
0x1d6: {  	v14, _, _ =	vpop (xrf0)  }
0x1d7: {  	(v2sf) =	vpush v14, $0xF;
	_ =	sdelay $0xc  }
0x1d8: {  	s22 =	spop (v2sf)  }
0x1d9: {  	s21 =	sadd.s32 s22, s21  }
0x1da: {  	s22 =	sadd.s32 $0x80000000, s21;
	s25 =	spop (v2sf)  }
0x1db: {  	s21 =	sadd.s32 s25, s22  }
0x1dc: {  	s21 =	sadd.s32 $0x80000000, s21  }
0x1dd: {  	v12 =	vsub.s32 v13, v12;
	p1 =	slt.s32 s21, $0x1001  }
0x1de: {  	v63 =	vsub.s32 v11, v8;
	v12 =	vadd.s32 s22, v12;
	s24 =	sand.u32 @!p1 $0x7FFFFF80, s21;
	v14 =	vlaneseq.u32 @!p1  }
0x1df: {  	v11 =	vand.u32 $0x7F, v11;
	v15 =	vand.u32 $0xFFFFFF80, v63;
	v16 =	vor.u32 @!p1 s24, v14  }
0x1e0: {  	v11 =	vor.u32 v11, v15;
	s25 =	sand.u32 @!p1 $0xFFFFFF80, s21;
	v15 =	vor.u32 @!p1 $0x10, v14;
	vm1 =	vge.s32 @!p1 v16, s21  }
0x1e1: {  	v16 =	vor.u32 @!p1 s25, v14;
	v17 =	vor.u32 @!p1 s24, v15  }
0x1e2: {  	vm2 =	vge.s32 @!p1 v17, s21;
	v17 =	vor.u32 @!p1 $0x20, v14  }
0x1e3: {  	[tilespmem:v12+s14+$0x0] =	vst.idx.msk vm0, v10;
	v10 =	vor.u32 @!p1 s25, v15;
	v15 =	vor.u32 @!p1 s24, v17  }
0x1e4: {  	[tilespmem:v12+s15+$0x0] =	vst.idx.msk vm0, v63;
	v12 =	vor.u32 @!p1 $0x30, v14;
	vm3 =	vge.s32 @!p1 v15, s21  }
0x1e5: {  	[tilespmem:v11+s16+$0x0] =	vst.idx.add.f32.msk vm0, v6;
	v11 =	vimm.s32 @!p1 $0x0;
	s22 =	simm.s32 @!p1 $0x2000;
	v13 =	vor.u32 @!p1 s25, v17;
	v15 =	vor.u32 @!p1 s24, v12  }
0x1e6: {  	s23 =	simm.s32 @!p1 $0x4000;
	v17 =	vimm.s32 @!p1 $0x1C00;
	vm0 =	vge.s32 @!p1 v15, s21;
	v15 =	vor.u32 @!p1 $0x40, v14;
	[tilespmem:v16+s22+$0x0] =	vst.idx.msk @!p1 vm1, v11  }
0x1e7: {  	v12 =	vor.u32 @!p1 s25, v12;
	[tilespmem:v16+s23+$0x0] =	vst.idx.msk @!p1 vm1, v17;
	v16 =	vor.u32 @!p1 s24, v15  }
0x1e8: {  	[tilespmem:v10+s22+$0x0] =	vst.idx.msk @!p1 vm2, v11;
	vm1 =	vge.s32 @!p1 v16, s21;
	v16 =	vor.u32 @!p1 $0x50, v14  }
0x1e9: {  	[tilespmem:v10+s23+$0x0] =	vst.idx.msk @!p1 vm2, v17;
	v10 =	vor.u32 @!p1 s25, v15;
	v15 =	vor.u32 @!p1 s24, v16  }
0x1ea: {  	[tilespmem:v13+s22+$0x0] =	vst.idx.msk @!p1 vm3, v11;
	vm2 =	vge.s32 @!p1 v15, s21;
	v15 =	vor.u32 @!p1 $0x60, v14  }
0x1eb: {  	[tilespmem:v13+s23+$0x0] =	vst.idx.msk @!p1 vm3, v17;
	v13 =	vor.u32 @!p1 s25, v16;
	v16 =	vor.u32 @!p1 s24, v15  }
0x1ec: {  	v14 =	vor.u32 @!p1 $0x70, v14;
	vm3 =	vge.s32 @!p1 v16, s21;
	[tilespmem:v12+s22+$0x0] =	vst.idx.msk @!p1 vm0, v11  }
0x1ed: {  	[tilespmem:v12+s23+$0x0] =	vst.idx.msk @!p1 vm0, v17;
	v12 =	vor.u32 @!p1 s25, v15;
	v15 =	vor.u32 @!p1 s24, v14;
	s24 =	sadd.s32 @!p1 $0x7F, s21  }
0x1ee: {  	vm0 =	vge.s32 @!p1 v15, s21;
	[tilespmem:v10+s22+$0x0] =	vst.idx.msk @!p1 vm1, v11;
	s24 =	sshra.s32 @!p1 s24, $0x7  }
0x1ef: {  	[tilespmem:v10+s23+$0x0] =	vst.idx.msk @!p1 vm1, v17;
	v10 =	vor.u32 @!p1 s25, v14;
	p2 =	slt.s32 @!p1 s24, $0x1  }
0x1f0: {  	[tilespmem:v13+s22+$0x0] =	vst.idx.msk @!p1 vm2, v11;
	p2 =	por p1, p2  }
.Ltmp22:
0x1f1: {  	[tilespmem:v13+s23+$0x0] =	vst.idx.msk @!p1 vm2, v17;
	(pc) =	sbr.rel @p2 .LBB2_30-.Ltmp22, $4  }
0x1f2: {  	[tilespmem:v12+s22+$0x0] =	vst.idx.msk @!p1 vm3, v11  }
0x1f3: {  	[tilespmem:v12+s23+$0x0] =	vst.idx.msk @!p1 vm3, v17  }
0x1f4: {  	[tilespmem:v10+s22+$0x0] =	vst.idx.msk @!p1 vm0, v11  }
0x1f5: {  	[tilespmem:v10+s23+$0x0] =	vst.idx.msk @!p1 vm0, v17  }
0x1f6: {  	[tilespmem:s11], [sflag:$0x1] =	stream.indirect.gather [hbm4b:s1+s17], $0x80, s22, s17, $0xb8;
	[tilespmem:$0x19EC0] =	vst v63  }
0x1f7: {  	p1 =	sne.s32 s24, $0x1;
	_ =	swait.ge [sflag:s18], $0x4000  }
.Ltmp23:
0x1f8: {  	[sflag:s18] =	ssyncset.done $0x0;
	(pc) =	sbr.rel @!p1 .LBB2_33-.Ltmp23, $4  }
0x1f9: {  	[sflag:s18] =	ssyncadd.s32 $0xFFFFC000  }
0x1fa: {  	[spmem:s3] =	stream.indirect.scatter.add.f32 [tilespmem:s11], [sflag:$0x3], $0x80, s23, s17, $0xb8;
	[tilespmem:$0x19EC0] =	vst v63  }
0x1fb: {  	_ =	swait.ge [sflag:s12], $0x4000  }
0x1fc: {  	s21 =	sadd.s32 $0xFFFFFFFF, s24;
	[sflag:s12] =	ssyncset.done $0x0  }
.LBB2_32:
0x1fd: {  	[sflag:s12] =	ssyncadd.s32 $0xFFFFC000;
	s22 =	sadd.s32 $0x80, s22;
	s23 =	sadd.s32 $0x80, s23  }
0x1fe: {  	[tilespmem:s11], [sflag:$0x1] =	stream.indirect.gather [hbm4b:s1+s17], $0x80, s22, s17, $0xb8;
	[tilespmem:$0x19EC0] =	vst v63  }
0x1ff: {  	p1 =	sne.s32 s21, $0x1;
	s21 =	sadd.s32 $0xFFFFFFFF, s21;
	_ =	swait.ge [sflag:s18], $0x4000  }
.Ltmp24:
0x200: {  	[sflag:s18] =	ssyncset.done $0x0;
	(pc) =	sbr.rel @p1 .LBB2_32-.Ltmp24, $4  }
0x201: {  	[sflag:s18] =	ssyncadd.s32 $0xFFFFC000  }
0x202: {  	[spmem:s3] =	stream.indirect.scatter.add.f32 [tilespmem:s11], [sflag:$0x3], $0x80, s23, s17, $0xb8;
	[tilespmem:$0x19EC0] =	vst v63  }
0x203: {  	_ =	swait.ge [sflag:s12], $0x4000  }
0x204: {  	[sflag:s12] =	ssyncset.done $0x0  }
.LBB2_33:
.Ltmp25:
0x205: {  	(pc) =	sbr.rel .LBB2_34-.Ltmp25, $2  }
0x206: {  	_ =	sdelay $0x2  }
0x207: {  	[sflag:s12] =	ssyncadd.s32 $0xFFFFC000;
	s21 =	simm.s32 $0x0  }
.LBB2_30:
0x208: {  	s21 =	simm.s32 @!p1 $0x0  }
.LBB2_34:
0x209: {  	s22 =	simm.s32 $0x0;
	s23 =	rddreg [dreg:$0xe]  }
0x20a: {  	[tilespmem:s22], [sflag:$0x3] =	stream.linear.gather [hbm4b:s23+s22], $0x940, $0x38;
	[tilespmem:$0x19EC0] =	vst v63  }
0x20b: {  	_ =	swait.ge [sflag:s12], $0x940  }
0x20c: {  	[sflag:s12] =	ssyncset.done $0x0  }
0x20d: {  	s24 =	rddreg [dreg:$0xf];
	[sflag:s12] =	ssyncadd.s32 $0xFFFFF6C0  }
0x20e: {  	[tilespmem:s13], [sflag:$0x3] =	stream.linear.gather [hbm4b:s24+s22], $0x940, $0x38;
	[tilespmem:$0x19EC0] =	vst v63  }
0x20f: {  	_ =	swait.ge [sflag:s12], $0x940  }
0x210: {  	[sflag:s12] =	ssyncset.done $0x0  }
0x211: {  	s25 =	simm.s32 $0x0;
	[sflag:s12] =	ssyncadd.s32 $0xFFFFF6C0  }
0x212: {  	v10 =	vld [tilespmem:s25+$0x1000];
	_ =	sdelay $0x4  }
0x213: {  	vm0 =	vge.s32 v10, v8;
	vm1 =	vlt.s32 v10, v9  }
0x214: {  	vm0 =	vmand vm0, vm1  }
0x215: {  	v11 =	vsel vm0, $0x1, v5  }
0x216: {  	(xrf0) =	vadd.scan.msk.s32 $0xffff, v11;
	_ =	sdelay $0x5  }
0x217: {  	v12, _, _ =	vpop (xrf0)  }
0x218: {  	v11 =	vsub.s32 v12, v11;
	v12 =	vxor.u32 $0x80000000, v12  }
0x219: {  	v13 =	vld [tilespmem:s25+$0x0];
	v14 =	vsub.s32 v10, v8;
	v11 =	vadd.s32 s21, v11;
	(xrf0) =	vmax.scan.msk.u32 $0xffff, v12  }
0x21a: {  	v10 =	vand.u32 $0x7F, v10;
	v63 =	vand.u32 $0xFFFFFF80, v14  }
0x21b: {  	v10 =	vor.u32 v10, v63;
	_ =	sdelay $0x2  }
0x21c: {  	[tilespmem:v11+s14+$0x0] =	vst.idx.msk vm0, v13  }
0x21d: {  	[tilespmem:v11+s15+$0x0] =	vst.idx.msk vm0, v14;
	v11, _, _ =	vpop (xrf0)  }
0x21e: {  	s23 =	simm.s32 $0x10;
	[tilespmem:v10+s16+$0x0] =	vst.idx.add.f32.msk vm0, v6;
	(v2sf) =	vpush v11, $0xF  }
0x21f: {  	s22 =	simm.s32 $0x80;
	v10 =	vld [tilespmem:s23+$0x0]  }
.LBB2_35:
0x220: {  	p1 =	sne.s32 s22, $0x24C0;
	v11 =	vld [tilespmem:s23+$0x1000];
	_ =	sdelay $0x4  }
0x221: {  	vm0 =	vge.s32 v11, v8;
	vm1 =	vlt.s32 v11, v9;
	v12 =	vsub.s32 v11, v8  }
0x222: {  	v11 =	vand.u32 $0x7F, v11;
	vm0 =	vmand vm0, vm1  }
0x223: {  	v13 =	vsel vm0, $0x1, v5  }
0x224: {  	(xrf0) =	vadd.scan.msk.s32 $0xffff, v13;
	_ =	sdelay $0x4  }
0x225: {  	s23 =	spop (v2sf)  }
0x226: {  	v14, _, _ =	vpop (xrf0);
	s21 =	sadd.s32 s23, s21  }
0x227: {  	v13 =	vsub.s32 v14, v13;
	v14 =	vxor.u32 $0x80000000, v14;
	s21 =	sadd.s32 $0x80000000, s21  }
0x228: {  	v13 =	vadd.s32 s21, v13;
	(xrf0) =	vmax.scan.msk.u32 $0xffff, v14  }
0x229: {  	v14 =	vand.u32 $0xFFFFFF80, v12  }
0x22a: {  	v11 =	vor.u32 v11, v14;
	_ =	sdelay $0x1  }
.Ltmp26:
0x22b: {  	(pc) =	sbr.rel @p1 .LBB2_35-.Ltmp26, $4  }
0x22c: {  	[tilespmem:v13+s14+$0x0] =	vst.idx.msk vm0, v10  }
0x22d: {  	[tilespmem:v13+s15+$0x0] =	vst.idx.msk vm0, v12;
	v10, _, _ =	vpop (xrf0)  }
0x22e: {  	s23 =	sshra.s32 s22, $0x2;
	[tilespmem:v11+s16+$0x0] =	vst.idx.add.f32.msk vm0, v6;
	(v2sf) =	vpush v10, $0xF  }
0x22f: {  	s22 =	sadd.s32 $0x40, s22;
	v10 =	vld [tilespmem:s23+$0x0]  }
0x230: {  	v11 =	vld [tilespmem:s23+$0x1000];
	_ =	sdelay $0x4  }
0x231: {  	vm0 =	vge.s32 v11, v8;
	vm1 =	vlt.s32 v11, v9  }
0x232: {  	vm0 =	vmand vm0, vm1  }
0x233: {  	v12 =	vsel vm0, $0x1, v5  }
0x234: {  	(xrf0) =	vadd.scan.msk.s32 $0xffff, v12;
	_ =	sdelay $0x5  }
0x235: {  	v13, _, _ =	vpop (xrf0)  }
0x236: {  	v14 =	vxor.u32 $0x80000000, v13  }
0x237: {  	(xrf0) =	vmax.scan.msk.u32 $0xffff, v14;
	_ =	sdelay $0x5  }
0x238: {  	v14, _, _ =	vpop (xrf0)  }
0x239: {  	(v2sf) =	vpush v14, $0xF;
	_ =	sdelay $0xc  }
0x23a: {  	s22 =	spop (v2sf)  }
0x23b: {  	s21 =	sadd.s32 s22, s21  }
0x23c: {  	s22 =	sadd.s32 $0x80000000, s21;
	s25 =	spop (v2sf)  }
0x23d: {  	s21 =	sadd.s32 s25, s22  }
0x23e: {  	s21 =	sadd.s32 $0x80000000, s21  }
0x23f: {  	v12 =	vsub.s32 v13, v12;
	p1 =	slt.s32 s21, $0x1001  }
0x240: {  	v63 =	vsub.s32 v11, v8;
	v12 =	vadd.s32 s22, v12;
	s24 =	sand.u32 @!p1 $0x7FFFFF80, s21;
	v14 =	vlaneseq.u32 @!p1  }
0x241: {  	v11 =	vand.u32 $0x7F, v11;
	v15 =	vand.u32 $0xFFFFFF80, v63;
	v16 =	vor.u32 @!p1 s24, v14  }
0x242: {  	v11 =	vor.u32 v11, v15;
	s25 =	sand.u32 @!p1 $0xFFFFFF80, s21;
	v15 =	vor.u32 @!p1 $0x10, v14;
	vm1 =	vge.s32 @!p1 v16, s21  }
0x243: {  	v16 =	vor.u32 @!p1 s25, v14;
	v17 =	vor.u32 @!p1 s24, v15  }
0x244: {  	vm2 =	vge.s32 @!p1 v17, s21;
	v17 =	vor.u32 @!p1 $0x20, v14  }
0x245: {  	[tilespmem:v12+s14+$0x0] =	vst.idx.msk vm0, v10;
	v10 =	vor.u32 @!p1 s25, v15;
	v15 =	vor.u32 @!p1 s24, v17  }
0x246: {  	[tilespmem:v12+s15+$0x0] =	vst.idx.msk vm0, v63;
	v12 =	vor.u32 @!p1 $0x30, v14;
	vm3 =	vge.s32 @!p1 v15, s21  }
0x247: {  	[tilespmem:v11+s16+$0x0] =	vst.idx.add.f32.msk vm0, v6;
	v11 =	vimm.s32 @!p1 $0x0;
	s22 =	simm.s32 @!p1 $0x2000;
	v13 =	vor.u32 @!p1 s25, v17;
	v15 =	vor.u32 @!p1 s24, v12  }
0x248: {  	s23 =	simm.s32 @!p1 $0x4000;
	v17 =	vimm.s32 @!p1 $0x1C00;
	vm0 =	vge.s32 @!p1 v15, s21;
	v15 =	vor.u32 @!p1 $0x40, v14;
	[tilespmem:v16+s22+$0x0] =	vst.idx.msk @!p1 vm1, v11  }
0x249: {  	v12 =	vor.u32 @!p1 s25, v12;
	[tilespmem:v16+s23+$0x0] =	vst.idx.msk @!p1 vm1, v17;
	v16 =	vor.u32 @!p1 s24, v15  }
0x24a: {  	[tilespmem:v10+s22+$0x0] =	vst.idx.msk @!p1 vm2, v11;
	vm1 =	vge.s32 @!p1 v16, s21;
	v16 =	vor.u32 @!p1 $0x50, v14  }
0x24b: {  	[tilespmem:v10+s23+$0x0] =	vst.idx.msk @!p1 vm2, v17;
	v10 =	vor.u32 @!p1 s25, v15;
	v15 =	vor.u32 @!p1 s24, v16  }
0x24c: {  	[tilespmem:v13+s22+$0x0] =	vst.idx.msk @!p1 vm3, v11;
	vm2 =	vge.s32 @!p1 v15, s21;
	v15 =	vor.u32 @!p1 $0x60, v14  }
0x24d: {  	[tilespmem:v13+s23+$0x0] =	vst.idx.msk @!p1 vm3, v17;
	v13 =	vor.u32 @!p1 s25, v16;
	v16 =	vor.u32 @!p1 s24, v15  }
0x24e: {  	v14 =	vor.u32 @!p1 $0x70, v14;
	vm3 =	vge.s32 @!p1 v16, s21;
	[tilespmem:v12+s22+$0x0] =	vst.idx.msk @!p1 vm0, v11  }
0x24f: {  	[tilespmem:v12+s23+$0x0] =	vst.idx.msk @!p1 vm0, v17;
	v12 =	vor.u32 @!p1 s25, v15;
	v15 =	vor.u32 @!p1 s24, v14;
	s24 =	sadd.s32 @!p1 $0x7F, s21  }
0x250: {  	vm0 =	vge.s32 @!p1 v15, s21;
	[tilespmem:v10+s22+$0x0] =	vst.idx.msk @!p1 vm1, v11;
	s24 =	sshra.s32 @!p1 s24, $0x7  }
0x251: {  	[tilespmem:v10+s23+$0x0] =	vst.idx.msk @!p1 vm1, v17;
	v10 =	vor.u32 @!p1 s25, v14;
	p2 =	slt.s32 @!p1 s24, $0x1  }
0x252: {  	[tilespmem:v13+s22+$0x0] =	vst.idx.msk @!p1 vm2, v11;
	p2 =	por p1, p2  }
.Ltmp27:
0x253: {  	[tilespmem:v13+s23+$0x0] =	vst.idx.msk @!p1 vm2, v17;
	(pc) =	sbr.rel @p2 .LBB2_37-.Ltmp27, $4  }
0x254: {  	[tilespmem:v12+s22+$0x0] =	vst.idx.msk @!p1 vm3, v11  }
0x255: {  	[tilespmem:v12+s23+$0x0] =	vst.idx.msk @!p1 vm3, v17  }
0x256: {  	[tilespmem:v10+s22+$0x0] =	vst.idx.msk @!p1 vm0, v11  }
0x257: {  	[tilespmem:v10+s23+$0x0] =	vst.idx.msk @!p1 vm0, v17  }
0x258: {  	[tilespmem:s11], [sflag:$0x1] =	stream.indirect.gather [hbm4b:s1+s17], $0x80, s22, s17, $0xb8;
	[tilespmem:$0x19EC0] =	vst v63  }
0x259: {  	p1 =	sne.s32 s24, $0x1;
	_ =	swait.ge [sflag:s18], $0x4000  }
.Ltmp28:
0x25a: {  	[sflag:s18] =	ssyncset.done $0x0;
	(pc) =	sbr.rel @!p1 .LBB2_40-.Ltmp28, $4  }
0x25b: {  	[sflag:s18] =	ssyncadd.s32 $0xFFFFC000  }
0x25c: {  	[spmem:s3] =	stream.indirect.scatter.add.f32 [tilespmem:s11], [sflag:$0x3], $0x80, s23, s17, $0xb8;
	[tilespmem:$0x19EC0] =	vst v63  }
0x25d: {  	_ =	swait.ge [sflag:s12], $0x4000  }
0x25e: {  	s21 =	sadd.s32 $0xFFFFFFFF, s24;
	[sflag:s12] =	ssyncset.done $0x0  }
.LBB2_39:
0x25f: {  	[sflag:s12] =	ssyncadd.s32 $0xFFFFC000;
	s22 =	sadd.s32 $0x80, s22;
	s23 =	sadd.s32 $0x80, s23  }
0x260: {  	[tilespmem:s11], [sflag:$0x1] =	stream.indirect.gather [hbm4b:s1+s17], $0x80, s22, s17, $0xb8;
	[tilespmem:$0x19EC0] =	vst v63  }
0x261: {  	p1 =	sne.s32 s21, $0x1;
	s21 =	sadd.s32 $0xFFFFFFFF, s21;
	_ =	swait.ge [sflag:s18], $0x4000  }
.Ltmp29:
0x262: {  	[sflag:s18] =	ssyncset.done $0x0;
	(pc) =	sbr.rel @p1 .LBB2_39-.Ltmp29, $4  }
0x263: {  	[sflag:s18] =	ssyncadd.s32 $0xFFFFC000  }
0x264: {  	[spmem:s3] =	stream.indirect.scatter.add.f32 [tilespmem:s11], [sflag:$0x3], $0x80, s23, s17, $0xb8;
	[tilespmem:$0x19EC0] =	vst v63  }
0x265: {  	_ =	swait.ge [sflag:s12], $0x4000  }
0x266: {  	[sflag:s12] =	ssyncset.done $0x0  }
.LBB2_40:
.Ltmp30:
0x267: {  	(pc) =	sbr.rel .LBB2_41-.Ltmp30, $2  }
0x268: {  	_ =	sdelay $0x2  }
0x269: {  	[sflag:s12] =	ssyncadd.s32 $0xFFFFC000;
	s21 =	simm.s32 $0x0  }
.LBB2_37:
0x26a: {  	s21 =	simm.s32 @!p1 $0x0  }
.LBB2_41:
0x26b: {  	s22 =	simm.s32 $0x0;
	s23 =	rddreg [dreg:$0x10]  }
0x26c: {  	[tilespmem:s22], [sflag:$0x3] =	stream.linear.gather [hbm4b:s23+s22], $0x1000, $0x38;
	[tilespmem:$0x19EC0] =	vst v63  }
0x26d: {  	_ =	swait.ge [sflag:s12], $0x1000  }
0x26e: {  	[sflag:s12] =	ssyncset.done $0x0  }
0x26f: {  	s24 =	rddreg [dreg:$0x11];
	[sflag:s12] =	ssyncadd.s32 $0xFFFFF000  }
0x270: {  	[tilespmem:s13], [sflag:$0x3] =	stream.linear.gather [hbm4b:s24+s22], $0x1000, $0x38;
	[tilespmem:$0x19EC0] =	vst v63  }
0x271: {  	_ =	swait.ge [sflag:s12], $0x1000  }
0x272: {  	[sflag:s12] =	ssyncset.done $0x0  }
0x273: {  	s25 =	simm.s32 $0x0;
	[sflag:s12] =	ssyncadd.s32 $0xFFFFF000  }
0x274: {  	v10 =	vld [tilespmem:s25+$0x1000];
	_ =	sdelay $0x4  }
0x275: {  	vm0 =	vge.s32 v10, v8;
	vm1 =	vlt.s32 v10, v9  }
0x276: {  	vm0 =	vmand vm0, vm1  }
0x277: {  	v11 =	vsel vm0, $0x1, v5  }
0x278: {  	(xrf0) =	vadd.scan.msk.s32 $0xffff, v11;
	_ =	sdelay $0x5  }
0x279: {  	v12, _, _ =	vpop (xrf0)  }
0x27a: {  	v11 =	vsub.s32 v12, v11;
	v12 =	vxor.u32 $0x80000000, v12  }
0x27b: {  	v13 =	vld [tilespmem:s25+$0x0];
	v14 =	vsub.s32 v10, v8;
	v11 =	vadd.s32 s21, v11;
	(xrf0) =	vmax.scan.msk.u32 $0xffff, v12  }
0x27c: {  	v10 =	vand.u32 $0x7F, v10;
	v63 =	vand.u32 $0xFFFFFF80, v14  }
0x27d: {  	v10 =	vor.u32 v10, v63;
	_ =	sdelay $0x2  }
0x27e: {  	[tilespmem:v11+s14+$0x0] =	vst.idx.msk vm0, v13  }
0x27f: {  	[tilespmem:v11+s15+$0x0] =	vst.idx.msk vm0, v14;
	v11, _, _ =	vpop (xrf0)  }
0x280: {  	s23 =	simm.s32 $0x10;
	[tilespmem:v10+s16+$0x0] =	vst.idx.add.f32.msk vm0, v6;
	(v2sf) =	vpush v11, $0xF  }
0x281: {  	s22 =	simm.s32 $0x80;
	v10 =	vld [tilespmem:s23+$0x0]  }
.LBB2_42:
0x282: {  	p1 =	sne.s32 s22, $0x3FC0;
	v11 =	vld [tilespmem:s23+$0x1000];
	_ =	sdelay $0x4  }
0x283: {  	vm0 =	vge.s32 v11, v8;
	vm1 =	vlt.s32 v11, v9;
	v12 =	vsub.s32 v11, v8  }
0x284: {  	v11 =	vand.u32 $0x7F, v11;
	vm0 =	vmand vm0, vm1  }
0x285: {  	v13 =	vsel vm0, $0x1, v5  }
0x286: {  	(xrf0) =	vadd.scan.msk.s32 $0xffff, v13;
	_ =	sdelay $0x4  }
0x287: {  	s23 =	spop (v2sf)  }
0x288: {  	v14, _, _ =	vpop (xrf0);
	s21 =	sadd.s32 s23, s21  }
0x289: {  	v13 =	vsub.s32 v14, v13;
	v14 =	vxor.u32 $0x80000000, v14;
	s21 =	sadd.s32 $0x80000000, s21  }
0x28a: {  	v13 =	vadd.s32 s21, v13;
	(xrf0) =	vmax.scan.msk.u32 $0xffff, v14  }
0x28b: {  	v14 =	vand.u32 $0xFFFFFF80, v12  }
0x28c: {  	v11 =	vor.u32 v11, v14;
	_ =	sdelay $0x1  }
.Ltmp31:
0x28d: {  	(pc) =	sbr.rel @p1 .LBB2_42-.Ltmp31, $4  }
0x28e: {  	[tilespmem:v13+s14+$0x0] =	vst.idx.msk vm0, v10  }
0x28f: {  	[tilespmem:v13+s15+$0x0] =	vst.idx.msk vm0, v12;
	v10, _, _ =	vpop (xrf0)  }
0x290: {  	s23 =	sshra.s32 s22, $0x2;
	[tilespmem:v11+s16+$0x0] =	vst.idx.add.f32.msk vm0, v6;
	(v2sf) =	vpush v10, $0xF  }
0x291: {  	s22 =	sadd.s32 $0x40, s22;
	v10 =	vld [tilespmem:s23+$0x0]  }
0x292: {  	v11 =	vld [tilespmem:s23+$0x1000];
	_ =	sdelay $0x4  }
0x293: {  	vm0 =	vge.s32 v11, v8;
	vm1 =	vlt.s32 v11, v9  }
0x294: {  	vm0 =	vmand vm0, vm1  }
0x295: {  	v12 =	vsel vm0, $0x1, v5  }
0x296: {  	(xrf0) =	vadd.scan.msk.s32 $0xffff, v12;
	_ =	sdelay $0x5  }
0x297: {  	v13, _, _ =	vpop (xrf0)  }
0x298: {  	v14 =	vxor.u32 $0x80000000, v13  }
0x299: {  	(xrf0) =	vmax.scan.msk.u32 $0xffff, v14;
	_ =	sdelay $0x5  }
0x29a: {  	v14, _, _ =	vpop (xrf0)  }
0x29b: {  	(v2sf) =	vpush v14, $0xF;
	_ =	sdelay $0xc  }
0x29c: {  	s22 =	spop (v2sf)  }
0x29d: {  	s21 =	sadd.s32 s22, s21  }
0x29e: {  	s22 =	sadd.s32 $0x80000000, s21;
	s25 =	spop (v2sf)  }
0x29f: {  	s21 =	sadd.s32 s25, s22  }
0x2a0: {  	s21 =	sadd.s32 $0x80000000, s21  }
0x2a1: {  	v12 =	vsub.s32 v13, v12;
	p1 =	slt.s32 s21, $0x1001  }
0x2a2: {  	v63 =	vsub.s32 v11, v8;
	v12 =	vadd.s32 s22, v12;
	s24 =	sand.u32 @!p1 $0x7FFFFF80, s21;
	v14 =	vlaneseq.u32 @!p1  }
0x2a3: {  	v11 =	vand.u32 $0x7F, v11;
	v15 =	vand.u32 $0xFFFFFF80, v63;
	v16 =	vor.u32 @!p1 s24, v14  }
0x2a4: {  	v11 =	vor.u32 v11, v15;
	s25 =	sand.u32 @!p1 $0xFFFFFF80, s21;
	v15 =	vor.u32 @!p1 $0x10, v14;
	vm1 =	vge.s32 @!p1 v16, s21  }
0x2a5: {  	v16 =	vor.u32 @!p1 s25, v14;
	v17 =	vor.u32 @!p1 s24, v15  }
0x2a6: {  	vm2 =	vge.s32 @!p1 v17, s21;
	v17 =	vor.u32 @!p1 $0x20, v14  }
0x2a7: {  	[tilespmem:v12+s14+$0x0] =	vst.idx.msk vm0, v10;
	v10 =	vor.u32 @!p1 s25, v15;
	v15 =	vor.u32 @!p1 s24, v17  }
0x2a8: {  	[tilespmem:v12+s15+$0x0] =	vst.idx.msk vm0, v63;
	v12 =	vor.u32 @!p1 $0x30, v14;
	vm3 =	vge.s32 @!p1 v15, s21  }
0x2a9: {  	[tilespmem:v11+s16+$0x0] =	vst.idx.add.f32.msk vm0, v6;
	v11 =	vimm.s32 @!p1 $0x0;
	s22 =	simm.s32 @!p1 $0x2000;
	v13 =	vor.u32 @!p1 s25, v17;
	v15 =	vor.u32 @!p1 s24, v12  }
0x2aa: {  	s23 =	simm.s32 @!p1 $0x4000;
	v17 =	vimm.s32 @!p1 $0x1C00;
	vm0 =	vge.s32 @!p1 v15, s21;
	v15 =	vor.u32 @!p1 $0x40, v14;
	[tilespmem:v16+s22+$0x0] =	vst.idx.msk @!p1 vm1, v11  }
0x2ab: {  	v12 =	vor.u32 @!p1 s25, v12;
	[tilespmem:v16+s23+$0x0] =	vst.idx.msk @!p1 vm1, v17;
	v16 =	vor.u32 @!p1 s24, v15  }
0x2ac: {  	[tilespmem:v10+s22+$0x0] =	vst.idx.msk @!p1 vm2, v11;
	vm1 =	vge.s32 @!p1 v16, s21;
	v16 =	vor.u32 @!p1 $0x50, v14  }
0x2ad: {  	[tilespmem:v10+s23+$0x0] =	vst.idx.msk @!p1 vm2, v17;
	v10 =	vor.u32 @!p1 s25, v15;
	v15 =	vor.u32 @!p1 s24, v16  }
0x2ae: {  	[tilespmem:v13+s22+$0x0] =	vst.idx.msk @!p1 vm3, v11;
	vm2 =	vge.s32 @!p1 v15, s21;
	v15 =	vor.u32 @!p1 $0x60, v14  }
0x2af: {  	[tilespmem:v13+s23+$0x0] =	vst.idx.msk @!p1 vm3, v17;
	v13 =	vor.u32 @!p1 s25, v16;
	v16 =	vor.u32 @!p1 s24, v15  }
0x2b0: {  	v14 =	vor.u32 @!p1 $0x70, v14;
	vm3 =	vge.s32 @!p1 v16, s21;
	[tilespmem:v12+s22+$0x0] =	vst.idx.msk @!p1 vm0, v11  }
0x2b1: {  	[tilespmem:v12+s23+$0x0] =	vst.idx.msk @!p1 vm0, v17;
	v12 =	vor.u32 @!p1 s25, v15;
	v15 =	vor.u32 @!p1 s24, v14;
	s24 =	sadd.s32 @!p1 $0x7F, s21  }
0x2b2: {  	vm0 =	vge.s32 @!p1 v15, s21;
	[tilespmem:v10+s22+$0x0] =	vst.idx.msk @!p1 vm1, v11;
	s24 =	sshra.s32 @!p1 s24, $0x7  }
0x2b3: {  	[tilespmem:v10+s23+$0x0] =	vst.idx.msk @!p1 vm1, v17;
	v10 =	vor.u32 @!p1 s25, v14;
	p2 =	slt.s32 @!p1 s24, $0x1  }
0x2b4: {  	[tilespmem:v13+s22+$0x0] =	vst.idx.msk @!p1 vm2, v11;
	p2 =	por p1, p2  }
.Ltmp32:
0x2b5: {  	[tilespmem:v13+s23+$0x0] =	vst.idx.msk @!p1 vm2, v17;
	(pc) =	sbr.rel @p2 .LBB2_44-.Ltmp32, $4  }
0x2b6: {  	[tilespmem:v12+s22+$0x0] =	vst.idx.msk @!p1 vm3, v11  }
0x2b7: {  	[tilespmem:v12+s23+$0x0] =	vst.idx.msk @!p1 vm3, v17  }
0x2b8: {  	[tilespmem:v10+s22+$0x0] =	vst.idx.msk @!p1 vm0, v11  }
0x2b9: {  	[tilespmem:v10+s23+$0x0] =	vst.idx.msk @!p1 vm0, v17  }
0x2ba: {  	[tilespmem:s11], [sflag:$0x1] =	stream.indirect.gather [hbm4b:s1+s17], $0x80, s22, s17, $0xb8;
	[tilespmem:$0x19EC0] =	vst v63  }
0x2bb: {  	p1 =	sne.s32 s24, $0x1;
	_ =	swait.ge [sflag:s18], $0x4000  }
.Ltmp33:
0x2bc: {  	[sflag:s18] =	ssyncset.done $0x0;
	(pc) =	sbr.rel @!p1 .LBB2_47-.Ltmp33, $4  }
0x2bd: {  	[sflag:s18] =	ssyncadd.s32 $0xFFFFC000  }
0x2be: {  	[spmem:s3] =	stream.indirect.scatter.add.f32 [tilespmem:s11], [sflag:$0x3], $0x80, s23, s17, $0xb8;
	[tilespmem:$0x19EC0] =	vst v63  }
0x2bf: {  	_ =	swait.ge [sflag:s12], $0x4000  }
0x2c0: {  	s21 =	sadd.s32 $0xFFFFFFFF, s24;
	[sflag:s12] =	ssyncset.done $0x0  }
.LBB2_46:
0x2c1: {  	[sflag:s12] =	ssyncadd.s32 $0xFFFFC000;
	s22 =	sadd.s32 $0x80, s22;
	s23 =	sadd.s32 $0x80, s23  }
0x2c2: {  	[tilespmem:s11], [sflag:$0x1] =	stream.indirect.gather [hbm4b:s1+s17], $0x80, s22, s17, $0xb8;
	[tilespmem:$0x19EC0] =	vst v63  }
0x2c3: {  	p1 =	sne.s32 s21, $0x1;
	s21 =	sadd.s32 $0xFFFFFFFF, s21;
	_ =	swait.ge [sflag:s18], $0x4000  }
.Ltmp34:
0x2c4: {  	[sflag:s18] =	ssyncset.done $0x0;
	(pc) =	sbr.rel @p1 .LBB2_46-.Ltmp34, $4  }
0x2c5: {  	[sflag:s18] =	ssyncadd.s32 $0xFFFFC000  }
0x2c6: {  	[spmem:s3] =	stream.indirect.scatter.add.f32 [tilespmem:s11], [sflag:$0x3], $0x80, s23, s17, $0xb8;
	[tilespmem:$0x19EC0] =	vst v63  }
0x2c7: {  	_ =	swait.ge [sflag:s12], $0x4000  }
0x2c8: {  	[sflag:s12] =	ssyncset.done $0x0  }
.LBB2_47:
.Ltmp35:
0x2c9: {  	(pc) =	sbr.rel .LBB2_48-.Ltmp35, $2  }
0x2ca: {  	_ =	sdelay $0x2  }
0x2cb: {  	[sflag:s12] =	ssyncadd.s32 $0xFFFFC000;
	s21 =	simm.s32 $0x0  }
.LBB2_44:
0x2cc: {  	s21 =	simm.s32 @!p1 $0x0  }
.LBB2_48:
0x2cd: {  	s22 =	simm.s32 $0x0;
	s23 =	rddreg [dreg:$0x12]  }
0x2ce: {  	[tilespmem:s22], [sflag:$0x3] =	stream.linear.gather [hbm4b:s23+s22], $0x1000, $0x38;
	[tilespmem:$0x19EC0] =	vst v63  }
0x2cf: {  	_ =	swait.ge [sflag:s12], $0x1000  }
0x2d0: {  	[sflag:s12] =	ssyncset.done $0x0  }
0x2d1: {  	s24 =	rddreg [dreg:$0x13];
	[sflag:s12] =	ssyncadd.s32 $0xFFFFF000  }
0x2d2: {  	[tilespmem:s13], [sflag:$0x3] =	stream.linear.gather [hbm4b:s24+s22], $0x1000, $0x38;
	[tilespmem:$0x19EC0] =	vst v63  }
0x2d3: {  	_ =	swait.ge [sflag:s12], $0x1000  }
0x2d4: {  	[sflag:s12] =	ssyncset.done $0x0  }
0x2d5: {  	s25 =	simm.s32 $0x0;
	[sflag:s12] =	ssyncadd.s32 $0xFFFFF000  }
0x2d6: {  	v10 =	vld [tilespmem:s25+$0x1000];
	_ =	sdelay $0x4  }
0x2d7: {  	vm0 =	vge.s32 v10, v8;
	vm1 =	vlt.s32 v10, v9  }
0x2d8: {  	vm0 =	vmand vm0, vm1  }
0x2d9: {  	v11 =	vsel vm0, $0x1, v5  }
0x2da: {  	(xrf0) =	vadd.scan.msk.s32 $0xffff, v11;
	_ =	sdelay $0x5  }
0x2db: {  	v12, _, _ =	vpop (xrf0)  }
0x2dc: {  	v11 =	vsub.s32 v12, v11;
	v12 =	vxor.u32 $0x80000000, v12  }
0x2dd: {  	v13 =	vld [tilespmem:s25+$0x0];
	v14 =	vsub.s32 v10, v8;
	v11 =	vadd.s32 s21, v11;
	(xrf0) =	vmax.scan.msk.u32 $0xffff, v12  }
0x2de: {  	v10 =	vand.u32 $0x7F, v10;
	v63 =	vand.u32 $0xFFFFFF80, v14  }
0x2df: {  	v10 =	vor.u32 v10, v63;
	_ =	sdelay $0x2  }
0x2e0: {  	[tilespmem:v11+s14+$0x0] =	vst.idx.msk vm0, v13  }
0x2e1: {  	[tilespmem:v11+s15+$0x0] =	vst.idx.msk vm0, v14;
	v11, _, _ =	vpop (xrf0)  }
0x2e2: {  	s23 =	simm.s32 $0x10;
	[tilespmem:v10+s16+$0x0] =	vst.idx.add.f32.msk vm0, v6;
	(v2sf) =	vpush v11, $0xF  }
0x2e3: {  	s22 =	simm.s32 $0x80;
	v10 =	vld [tilespmem:s23+$0x0]  }
.LBB2_49:
0x2e4: {  	p1 =	sne.s32 s22, $0x3FC0;
	v11 =	vld [tilespmem:s23+$0x1000];
	_ =	sdelay $0x4  }
0x2e5: {  	vm0 =	vge.s32 v11, v8;
	vm1 =	vlt.s32 v11, v9;
	v12 =	vsub.s32 v11, v8  }
0x2e6: {  	v11 =	vand.u32 $0x7F, v11;
	vm0 =	vmand vm0, vm1  }
0x2e7: {  	v13 =	vsel vm0, $0x1, v5  }
0x2e8: {  	(xrf0) =	vadd.scan.msk.s32 $0xffff, v13;
	_ =	sdelay $0x4  }
0x2e9: {  	s23 =	spop (v2sf)  }
0x2ea: {  	v14, _, _ =	vpop (xrf0);
	s21 =	sadd.s32 s23, s21  }
0x2eb: {  	v13 =	vsub.s32 v14, v13;
	v14 =	vxor.u32 $0x80000000, v14;
	s21 =	sadd.s32 $0x80000000, s21  }
0x2ec: {  	v13 =	vadd.s32 s21, v13;
	(xrf0) =	vmax.scan.msk.u32 $0xffff, v14  }
0x2ed: {  	v14 =	vand.u32 $0xFFFFFF80, v12  }
0x2ee: {  	v11 =	vor.u32 v11, v14;
	_ =	sdelay $0x1  }
.Ltmp36:
0x2ef: {  	(pc) =	sbr.rel @p1 .LBB2_49-.Ltmp36, $4  }
0x2f0: {  	[tilespmem:v13+s14+$0x0] =	vst.idx.msk vm0, v10  }
0x2f1: {  	[tilespmem:v13+s15+$0x0] =	vst.idx.msk vm0, v12;
	v10, _, _ =	vpop (xrf0)  }
0x2f2: {  	s23 =	sshra.s32 s22, $0x2;
	[tilespmem:v11+s16+$0x0] =	vst.idx.add.f32.msk vm0, v6;
	(v2sf) =	vpush v10, $0xF  }
0x2f3: {  	s22 =	sadd.s32 $0x40, s22;
	v10 =	vld [tilespmem:s23+$0x0]  }
0x2f4: {  	v11 =	vld [tilespmem:s23+$0x1000];
	_ =	sdelay $0x4  }
0x2f5: {  	vm0 =	vge.s32 v11, v8;
	vm1 =	vlt.s32 v11, v9  }
0x2f6: {  	vm0 =	vmand vm0, vm1  }
0x2f7: {  	v12 =	vsel vm0, $0x1, v5  }
0x2f8: {  	(xrf0) =	vadd.scan.msk.s32 $0xffff, v12;
	_ =	sdelay $0x5  }
0x2f9: {  	v13, _, _ =	vpop (xrf0)  }
0x2fa: {  	v14 =	vxor.u32 $0x80000000, v13  }
0x2fb: {  	(xrf0) =	vmax.scan.msk.u32 $0xffff, v14;
	_ =	sdelay $0x5  }
0x2fc: {  	v14, _, _ =	vpop (xrf0)  }
0x2fd: {  	(v2sf) =	vpush v14, $0xF;
	_ =	sdelay $0xc  }
0x2fe: {  	s22 =	spop (v2sf)  }
0x2ff: {  	s21 =	sadd.s32 s22, s21  }
0x300: {  	s22 =	sadd.s32 $0x80000000, s21;
	s25 =	spop (v2sf)  }
0x301: {  	s21 =	sadd.s32 s25, s22  }
0x302: {  	s21 =	sadd.s32 $0x80000000, s21  }
0x303: {  	v12 =	vsub.s32 v13, v12;
	p1 =	slt.s32 s21, $0x1001  }
0x304: {  	v63 =	vsub.s32 v11, v8;
	v12 =	vadd.s32 s22, v12;
	s24 =	sand.u32 @!p1 $0x7FFFFF80, s21;
	v14 =	vlaneseq.u32 @!p1  }
0x305: {  	v11 =	vand.u32 $0x7F, v11;
	v15 =	vand.u32 $0xFFFFFF80, v63;
	v16 =	vor.u32 @!p1 s24, v14  }
0x306: {  	v11 =	vor.u32 v11, v15;
	s25 =	sand.u32 @!p1 $0xFFFFFF80, s21;
	v15 =	vor.u32 @!p1 $0x10, v14;
	vm1 =	vge.s32 @!p1 v16, s21  }
0x307: {  	v16 =	vor.u32 @!p1 s25, v14;
	v17 =	vor.u32 @!p1 s24, v15  }
0x308: {  	vm2 =	vge.s32 @!p1 v17, s21;
	v17 =	vor.u32 @!p1 $0x20, v14  }
0x309: {  	[tilespmem:v12+s14+$0x0] =	vst.idx.msk vm0, v10;
	v10 =	vor.u32 @!p1 s25, v15;
	v15 =	vor.u32 @!p1 s24, v17  }
0x30a: {  	[tilespmem:v12+s15+$0x0] =	vst.idx.msk vm0, v63;
	v12 =	vor.u32 @!p1 $0x30, v14;
	vm3 =	vge.s32 @!p1 v15, s21  }
0x30b: {  	[tilespmem:v11+s16+$0x0] =	vst.idx.add.f32.msk vm0, v6;
	v11 =	vimm.s32 @!p1 $0x0;
	s22 =	simm.s32 @!p1 $0x2000;
	v13 =	vor.u32 @!p1 s25, v17;
	v15 =	vor.u32 @!p1 s24, v12  }
0x30c: {  	s23 =	simm.s32 @!p1 $0x4000;
	v17 =	vimm.s32 @!p1 $0x1C00;
	vm0 =	vge.s32 @!p1 v15, s21;
	v15 =	vor.u32 @!p1 $0x40, v14;
	[tilespmem:v16+s22+$0x0] =	vst.idx.msk @!p1 vm1, v11  }
0x30d: {  	v12 =	vor.u32 @!p1 s25, v12;
	[tilespmem:v16+s23+$0x0] =	vst.idx.msk @!p1 vm1, v17;
	v16 =	vor.u32 @!p1 s24, v15  }
0x30e: {  	[tilespmem:v10+s22+$0x0] =	vst.idx.msk @!p1 vm2, v11;
	vm1 =	vge.s32 @!p1 v16, s21;
	v16 =	vor.u32 @!p1 $0x50, v14  }
0x30f: {  	[tilespmem:v10+s23+$0x0] =	vst.idx.msk @!p1 vm2, v17;
	v10 =	vor.u32 @!p1 s25, v15;
	v15 =	vor.u32 @!p1 s24, v16  }
0x310: {  	[tilespmem:v13+s22+$0x0] =	vst.idx.msk @!p1 vm3, v11;
	vm2 =	vge.s32 @!p1 v15, s21;
	v15 =	vor.u32 @!p1 $0x60, v14  }
0x311: {  	[tilespmem:v13+s23+$0x0] =	vst.idx.msk @!p1 vm3, v17;
	v13 =	vor.u32 @!p1 s25, v16;
	v16 =	vor.u32 @!p1 s24, v15  }
0x312: {  	v14 =	vor.u32 @!p1 $0x70, v14;
	vm3 =	vge.s32 @!p1 v16, s21;
	[tilespmem:v12+s22+$0x0] =	vst.idx.msk @!p1 vm0, v11  }
0x313: {  	[tilespmem:v12+s23+$0x0] =	vst.idx.msk @!p1 vm0, v17;
	v12 =	vor.u32 @!p1 s25, v15;
	v15 =	vor.u32 @!p1 s24, v14;
	s24 =	sadd.s32 @!p1 $0x7F, s21  }
0x314: {  	vm0 =	vge.s32 @!p1 v15, s21;
	[tilespmem:v10+s22+$0x0] =	vst.idx.msk @!p1 vm1, v11;
	s24 =	sshra.s32 @!p1 s24, $0x7  }
0x315: {  	[tilespmem:v10+s23+$0x0] =	vst.idx.msk @!p1 vm1, v17;
	v10 =	vor.u32 @!p1 s25, v14;
	p2 =	slt.s32 @!p1 s24, $0x1  }
0x316: {  	[tilespmem:v13+s22+$0x0] =	vst.idx.msk @!p1 vm2, v11;
	p2 =	por p1, p2  }
.Ltmp37:
0x317: {  	[tilespmem:v13+s23+$0x0] =	vst.idx.msk @!p1 vm2, v17;
	(pc) =	sbr.rel @p2 .LBB2_51-.Ltmp37, $4  }
0x318: {  	[tilespmem:v12+s22+$0x0] =	vst.idx.msk @!p1 vm3, v11  }
0x319: {  	[tilespmem:v12+s23+$0x0] =	vst.idx.msk @!p1 vm3, v17  }
0x31a: {  	[tilespmem:v10+s22+$0x0] =	vst.idx.msk @!p1 vm0, v11  }
0x31b: {  	[tilespmem:v10+s23+$0x0] =	vst.idx.msk @!p1 vm0, v17  }
0x31c: {  	[tilespmem:s11], [sflag:$0x1] =	stream.indirect.gather [hbm4b:s1+s17], $0x80, s22, s17, $0xb8;
	[tilespmem:$0x19EC0] =	vst v63  }
0x31d: {  	p1 =	sne.s32 s24, $0x1;
	_ =	swait.ge [sflag:s18], $0x4000  }
.Ltmp38:
0x31e: {  	[sflag:s18] =	ssyncset.done $0x0;
	(pc) =	sbr.rel @!p1 .LBB2_54-.Ltmp38, $4  }
0x31f: {  	[sflag:s18] =	ssyncadd.s32 $0xFFFFC000  }
0x320: {  	[spmem:s3] =	stream.indirect.scatter.add.f32 [tilespmem:s11], [sflag:$0x3], $0x80, s23, s17, $0xb8;
	[tilespmem:$0x19EC0] =	vst v63  }
0x321: {  	_ =	swait.ge [sflag:s12], $0x4000  }
0x322: {  	s21 =	sadd.s32 $0xFFFFFFFF, s24;
	[sflag:s12] =	ssyncset.done $0x0  }
.LBB2_53:
0x323: {  	[sflag:s12] =	ssyncadd.s32 $0xFFFFC000;
	s22 =	sadd.s32 $0x80, s22;
	s23 =	sadd.s32 $0x80, s23  }
0x324: {  	[tilespmem:s11], [sflag:$0x1] =	stream.indirect.gather [hbm4b:s1+s17], $0x80, s22, s17, $0xb8;
	[tilespmem:$0x19EC0] =	vst v63  }
0x325: {  	p1 =	sne.s32 s21, $0x1;
	s21 =	sadd.s32 $0xFFFFFFFF, s21;
	_ =	swait.ge [sflag:s18], $0x4000  }
.Ltmp39:
0x326: {  	[sflag:s18] =	ssyncset.done $0x0;
	(pc) =	sbr.rel @p1 .LBB2_53-.Ltmp39, $4  }
0x327: {  	[sflag:s18] =	ssyncadd.s32 $0xFFFFC000  }
0x328: {  	[spmem:s3] =	stream.indirect.scatter.add.f32 [tilespmem:s11], [sflag:$0x3], $0x80, s23, s17, $0xb8;
	[tilespmem:$0x19EC0] =	vst v63  }
0x329: {  	_ =	swait.ge [sflag:s12], $0x4000  }
0x32a: {  	[sflag:s12] =	ssyncset.done $0x0  }
.LBB2_54:
.Ltmp40:
0x32b: {  	(pc) =	sbr.rel .LBB2_55-.Ltmp40, $2  }
0x32c: {  	_ =	sdelay $0x2  }
0x32d: {  	[sflag:s12] =	ssyncadd.s32 $0xFFFFC000;
	s21 =	simm.s32 $0x0  }
.LBB2_51:
0x32e: {  	s21 =	simm.s32 @!p1 $0x0  }
.LBB2_55:
0x32f: {  	s22 =	simm.s32 $0x0;
	s23 =	rddreg [dreg:$0x14]  }
0x330: {  	[tilespmem:s22], [sflag:$0x3] =	stream.linear.gather [hbm4b:s23+s22], $0x1000, $0x38;
	[tilespmem:$0x19EC0] =	vst v63  }
0x331: {  	_ =	swait.ge [sflag:s12], $0x1000  }
0x332: {  	[sflag:s12] =	ssyncset.done $0x0  }
0x333: {  	s24 =	rddreg [dreg:$0x15];
	[sflag:s12] =	ssyncadd.s32 $0xFFFFF000  }
0x334: {  	[tilespmem:s13], [sflag:$0x3] =	stream.linear.gather [hbm4b:s24+s22], $0x1000, $0x38;
	[tilespmem:$0x19EC0] =	vst v63  }
0x335: {  	_ =	swait.ge [sflag:s12], $0x1000  }
0x336: {  	[sflag:s12] =	ssyncset.done $0x0  }
0x337: {  	s25 =	simm.s32 $0x0;
	[sflag:s12] =	ssyncadd.s32 $0xFFFFF000  }
0x338: {  	v10 =	vld [tilespmem:s25+$0x1000];
	_ =	sdelay $0x4  }
0x339: {  	vm0 =	vge.s32 v10, v8;
	vm1 =	vlt.s32 v10, v9  }
0x33a: {  	vm0 =	vmand vm0, vm1  }
0x33b: {  	v11 =	vsel vm0, $0x1, v5  }
0x33c: {  	(xrf0) =	vadd.scan.msk.s32 $0xffff, v11;
	_ =	sdelay $0x5  }
0x33d: {  	v12, _, _ =	vpop (xrf0)  }
0x33e: {  	v11 =	vsub.s32 v12, v11;
	v12 =	vxor.u32 $0x80000000, v12  }
0x33f: {  	v13 =	vld [tilespmem:s25+$0x0];
	v14 =	vsub.s32 v10, v8;
	v11 =	vadd.s32 s21, v11;
	(xrf0) =	vmax.scan.msk.u32 $0xffff, v12  }
0x340: {  	v10 =	vand.u32 $0x7F, v10;
	v63 =	vand.u32 $0xFFFFFF80, v14  }
0x341: {  	v10 =	vor.u32 v10, v63;
	_ =	sdelay $0x2  }
0x342: {  	[tilespmem:v11+s14+$0x0] =	vst.idx.msk vm0, v13  }
0x343: {  	[tilespmem:v11+s15+$0x0] =	vst.idx.msk vm0, v14;
	v11, _, _ =	vpop (xrf0)  }
0x344: {  	s23 =	simm.s32 $0x10;
	[tilespmem:v10+s16+$0x0] =	vst.idx.add.f32.msk vm0, v6;
	(v2sf) =	vpush v11, $0xF  }
0x345: {  	s22 =	simm.s32 $0x80;
	v10 =	vld [tilespmem:s23+$0x0]  }
.LBB2_56:
0x346: {  	p1 =	sne.s32 s22, $0x3FC0;
	v11 =	vld [tilespmem:s23+$0x1000];
	_ =	sdelay $0x4  }
0x347: {  	vm0 =	vge.s32 v11, v8;
	vm1 =	vlt.s32 v11, v9;
	v12 =	vsub.s32 v11, v8  }
0x348: {  	v11 =	vand.u32 $0x7F, v11;
	vm0 =	vmand vm0, vm1  }
0x349: {  	v13 =	vsel vm0, $0x1, v5  }
0x34a: {  	(xrf0) =	vadd.scan.msk.s32 $0xffff, v13;
	_ =	sdelay $0x4  }
0x34b: {  	s23 =	spop (v2sf)  }
0x34c: {  	v14, _, _ =	vpop (xrf0);
	s21 =	sadd.s32 s23, s21  }
0x34d: {  	v13 =	vsub.s32 v14, v13;
	v14 =	vxor.u32 $0x80000000, v14;
	s21 =	sadd.s32 $0x80000000, s21  }
0x34e: {  	v13 =	vadd.s32 s21, v13;
	(xrf0) =	vmax.scan.msk.u32 $0xffff, v14  }
0x34f: {  	v14 =	vand.u32 $0xFFFFFF80, v12  }
0x350: {  	v11 =	vor.u32 v11, v14;
	_ =	sdelay $0x1  }
.Ltmp41:
0x351: {  	(pc) =	sbr.rel @p1 .LBB2_56-.Ltmp41, $4  }
0x352: {  	[tilespmem:v13+s14+$0x0] =	vst.idx.msk vm0, v10  }
0x353: {  	[tilespmem:v13+s15+$0x0] =	vst.idx.msk vm0, v12;
	v10, _, _ =	vpop (xrf0)  }
0x354: {  	s23 =	sshra.s32 s22, $0x2;
	[tilespmem:v11+s16+$0x0] =	vst.idx.add.f32.msk vm0, v6;
	(v2sf) =	vpush v10, $0xF  }
0x355: {  	s22 =	sadd.s32 $0x40, s22;
	v10 =	vld [tilespmem:s23+$0x0]  }
0x356: {  	v11 =	vld [tilespmem:s23+$0x1000];
	_ =	sdelay $0x4  }
0x357: {  	vm0 =	vge.s32 v11, v8;
	vm1 =	vlt.s32 v11, v9  }
0x358: {  	vm0 =	vmand vm0, vm1  }
0x359: {  	v12 =	vsel vm0, $0x1, v5  }
0x35a: {  	(xrf0) =	vadd.scan.msk.s32 $0xffff, v12;
	_ =	sdelay $0x5  }
0x35b: {  	v13, _, _ =	vpop (xrf0)  }
0x35c: {  	v14 =	vxor.u32 $0x80000000, v13  }
0x35d: {  	(xrf0) =	vmax.scan.msk.u32 $0xffff, v14;
	_ =	sdelay $0x5  }
0x35e: {  	v14, _, _ =	vpop (xrf0)  }
0x35f: {  	(v2sf) =	vpush v14, $0xF;
	_ =	sdelay $0xc  }
0x360: {  	s22 =	spop (v2sf)  }
0x361: {  	s21 =	sadd.s32 s22, s21  }
0x362: {  	s22 =	sadd.s32 $0x80000000, s21;
	s25 =	spop (v2sf)  }
0x363: {  	s21 =	sadd.s32 s25, s22  }
0x364: {  	s21 =	sadd.s32 $0x80000000, s21  }
0x365: {  	v12 =	vsub.s32 v13, v12;
	p1 =	slt.s32 s21, $0x1001  }
0x366: {  	v63 =	vsub.s32 v11, v8;
	v12 =	vadd.s32 s22, v12;
	s24 =	sand.u32 @!p1 $0x7FFFFF80, s21;
	v14 =	vlaneseq.u32 @!p1  }
0x367: {  	v11 =	vand.u32 $0x7F, v11;
	v15 =	vand.u32 $0xFFFFFF80, v63;
	v16 =	vor.u32 @!p1 s24, v14  }
0x368: {  	v11 =	vor.u32 v11, v15;
	s25 =	sand.u32 @!p1 $0xFFFFFF80, s21;
	v15 =	vor.u32 @!p1 $0x10, v14;
	vm1 =	vge.s32 @!p1 v16, s21  }
0x369: {  	v16 =	vor.u32 @!p1 s25, v14;
	v17 =	vor.u32 @!p1 s24, v15  }
0x36a: {  	vm2 =	vge.s32 @!p1 v17, s21;
	v17 =	vor.u32 @!p1 $0x20, v14  }
0x36b: {  	[tilespmem:v12+s14+$0x0] =	vst.idx.msk vm0, v10;
	v10 =	vor.u32 @!p1 s25, v15;
	v15 =	vor.u32 @!p1 s24, v17  }
0x36c: {  	[tilespmem:v12+s15+$0x0] =	vst.idx.msk vm0, v63;
	v12 =	vor.u32 @!p1 $0x30, v14;
	vm3 =	vge.s32 @!p1 v15, s21  }
0x36d: {  	[tilespmem:v11+s16+$0x0] =	vst.idx.add.f32.msk vm0, v6;
	v11 =	vimm.s32 @!p1 $0x0;
	s22 =	simm.s32 @!p1 $0x2000;
	v13 =	vor.u32 @!p1 s25, v17;
	v15 =	vor.u32 @!p1 s24, v12  }
0x36e: {  	s23 =	simm.s32 @!p1 $0x4000;
	v17 =	vimm.s32 @!p1 $0x1C00;
	vm0 =	vge.s32 @!p1 v15, s21;
	v15 =	vor.u32 @!p1 $0x40, v14;
	[tilespmem:v16+s22+$0x0] =	vst.idx.msk @!p1 vm1, v11  }
0x36f: {  	v12 =	vor.u32 @!p1 s25, v12;
	[tilespmem:v16+s23+$0x0] =	vst.idx.msk @!p1 vm1, v17;
	v16 =	vor.u32 @!p1 s24, v15  }
0x370: {  	[tilespmem:v10+s22+$0x0] =	vst.idx.msk @!p1 vm2, v11;
	vm1 =	vge.s32 @!p1 v16, s21;
	v16 =	vor.u32 @!p1 $0x50, v14  }
0x371: {  	[tilespmem:v10+s23+$0x0] =	vst.idx.msk @!p1 vm2, v17;
	v10 =	vor.u32 @!p1 s25, v15;
	v15 =	vor.u32 @!p1 s24, v16  }
0x372: {  	[tilespmem:v13+s22+$0x0] =	vst.idx.msk @!p1 vm3, v11;
	vm2 =	vge.s32 @!p1 v15, s21;
	v15 =	vor.u32 @!p1 $0x60, v14  }
0x373: {  	[tilespmem:v13+s23+$0x0] =	vst.idx.msk @!p1 vm3, v17;
	v13 =	vor.u32 @!p1 s25, v16;
	v16 =	vor.u32 @!p1 s24, v15  }
0x374: {  	v14 =	vor.u32 @!p1 $0x70, v14;
	vm3 =	vge.s32 @!p1 v16, s21;
	[tilespmem:v12+s22+$0x0] =	vst.idx.msk @!p1 vm0, v11  }
0x375: {  	[tilespmem:v12+s23+$0x0] =	vst.idx.msk @!p1 vm0, v17;
	v12 =	vor.u32 @!p1 s25, v15;
	v15 =	vor.u32 @!p1 s24, v14;
	s24 =	sadd.s32 @!p1 $0x7F, s21  }
0x376: {  	vm0 =	vge.s32 @!p1 v15, s21;
	[tilespmem:v10+s22+$0x0] =	vst.idx.msk @!p1 vm1, v11;
	s24 =	sshra.s32 @!p1 s24, $0x7  }
0x377: {  	[tilespmem:v10+s23+$0x0] =	vst.idx.msk @!p1 vm1, v17;
	v10 =	vor.u32 @!p1 s25, v14;
	p2 =	slt.s32 @!p1 s24, $0x1  }
0x378: {  	[tilespmem:v13+s22+$0x0] =	vst.idx.msk @!p1 vm2, v11;
	p2 =	por p1, p2  }
.Ltmp42:
0x379: {  	[tilespmem:v13+s23+$0x0] =	vst.idx.msk @!p1 vm2, v17;
	(pc) =	sbr.rel @p2 .LBB2_58-.Ltmp42, $4  }
0x37a: {  	[tilespmem:v12+s22+$0x0] =	vst.idx.msk @!p1 vm3, v11  }
0x37b: {  	[tilespmem:v12+s23+$0x0] =	vst.idx.msk @!p1 vm3, v17  }
0x37c: {  	[tilespmem:v10+s22+$0x0] =	vst.idx.msk @!p1 vm0, v11  }
0x37d: {  	[tilespmem:v10+s23+$0x0] =	vst.idx.msk @!p1 vm0, v17  }
0x37e: {  	[tilespmem:s11], [sflag:$0x1] =	stream.indirect.gather [hbm4b:s1+s17], $0x80, s22, s17, $0xb8;
	[tilespmem:$0x19EC0] =	vst v63  }
0x37f: {  	p1 =	sne.s32 s24, $0x1;
	_ =	swait.ge [sflag:s18], $0x4000  }
.Ltmp43:
0x380: {  	[sflag:s18] =	ssyncset.done $0x0;
	(pc) =	sbr.rel @!p1 .LBB2_61-.Ltmp43, $4  }
0x381: {  	[sflag:s18] =	ssyncadd.s32 $0xFFFFC000  }
0x382: {  	[spmem:s3] =	stream.indirect.scatter.add.f32 [tilespmem:s11], [sflag:$0x3], $0x80, s23, s17, $0xb8;
	[tilespmem:$0x19EC0] =	vst v63  }
0x383: {  	_ =	swait.ge [sflag:s12], $0x4000  }
0x384: {  	s21 =	sadd.s32 $0xFFFFFFFF, s24;
	[sflag:s12] =	ssyncset.done $0x0  }
.LBB2_60:
0x385: {  	[sflag:s12] =	ssyncadd.s32 $0xFFFFC000;
	s22 =	sadd.s32 $0x80, s22;
	s23 =	sadd.s32 $0x80, s23  }
0x386: {  	[tilespmem:s11], [sflag:$0x1] =	stream.indirect.gather [hbm4b:s1+s17], $0x80, s22, s17, $0xb8;
	[tilespmem:$0x19EC0] =	vst v63  }
0x387: {  	p1 =	sne.s32 s21, $0x1;
	s21 =	sadd.s32 $0xFFFFFFFF, s21;
	_ =	swait.ge [sflag:s18], $0x4000  }
.Ltmp44:
0x388: {  	[sflag:s18] =	ssyncset.done $0x0;
	(pc) =	sbr.rel @p1 .LBB2_60-.Ltmp44, $4  }
0x389: {  	[sflag:s18] =	ssyncadd.s32 $0xFFFFC000  }
0x38a: {  	[spmem:s3] =	stream.indirect.scatter.add.f32 [tilespmem:s11], [sflag:$0x3], $0x80, s23, s17, $0xb8;
	[tilespmem:$0x19EC0] =	vst v63  }
0x38b: {  	_ =	swait.ge [sflag:s12], $0x4000  }
0x38c: {  	[sflag:s12] =	ssyncset.done $0x0  }
.LBB2_61:
.Ltmp45:
0x38d: {  	(pc) =	sbr.rel .LBB2_62-.Ltmp45, $2  }
0x38e: {  	_ =	sdelay $0x2  }
0x38f: {  	[sflag:s12] =	ssyncadd.s32 $0xFFFFC000;
	s21 =	simm.s32 $0x0  }
.LBB2_58:
0x390: {  	s21 =	simm.s32 @!p1 $0x0  }
.LBB2_62:
0x391: {  	s22 =	simm.s32 $0x0;
	s23 =	rddreg [dreg:$0x18]  }
0x392: {  	[tilespmem:s22], [sflag:$0x3] =	stream.linear.gather [hbm4b:s23+s22], $0x1000, $0x38;
	[tilespmem:$0x19EC0] =	vst v63  }
0x393: {  	_ =	swait.ge [sflag:s12], $0x1000  }
0x394: {  	[sflag:s12] =	ssyncset.done $0x0  }
0x395: {  	s24 =	rddreg [dreg:$0x19];
	[sflag:s12] =	ssyncadd.s32 $0xFFFFF000  }
0x396: {  	[tilespmem:s13], [sflag:$0x3] =	stream.linear.gather [hbm4b:s24+s22], $0x1000, $0x38;
	[tilespmem:$0x19EC0] =	vst v63  }
0x397: {  	_ =	swait.ge [sflag:s12], $0x1000  }
0x398: {  	[sflag:s12] =	ssyncset.done $0x0  }
0x399: {  	s25 =	simm.s32 $0x0;
	[sflag:s12] =	ssyncadd.s32 $0xFFFFF000  }
0x39a: {  	v10 =	vld [tilespmem:s25+$0x1000];
	_ =	sdelay $0x4  }
0x39b: {  	vm0 =	vge.s32 v10, v8;
	vm1 =	vlt.s32 v10, v9  }
0x39c: {  	vm0 =	vmand vm0, vm1  }
0x39d: {  	v11 =	vsel vm0, $0x1, v5  }
0x39e: {  	(xrf0) =	vadd.scan.msk.s32 $0xffff, v11;
	_ =	sdelay $0x5  }
0x39f: {  	v12, _, _ =	vpop (xrf0)  }
0x3a0: {  	v11 =	vsub.s32 v12, v11;
	v12 =	vxor.u32 $0x80000000, v12  }
0x3a1: {  	v13 =	vld [tilespmem:s25+$0x0];
	v14 =	vsub.s32 v10, v8;
	v11 =	vadd.s32 s21, v11;
	(xrf0) =	vmax.scan.msk.u32 $0xffff, v12  }
0x3a2: {  	v10 =	vand.u32 $0x7F, v10;
	v63 =	vand.u32 $0xFFFFFF80, v14  }
0x3a3: {  	v10 =	vor.u32 v10, v63;
	_ =	sdelay $0x2  }
0x3a4: {  	[tilespmem:v11+s14+$0x0] =	vst.idx.msk vm0, v13  }
0x3a5: {  	[tilespmem:v11+s15+$0x0] =	vst.idx.msk vm0, v14;
	v11, _, _ =	vpop (xrf0)  }
0x3a6: {  	s23 =	simm.s32 $0x10;
	[tilespmem:v10+s16+$0x0] =	vst.idx.add.f32.msk vm0, v6;
	(v2sf) =	vpush v11, $0xF  }
0x3a7: {  	s22 =	simm.s32 $0x80;
	v10 =	vld [tilespmem:s23+$0x0]  }
.LBB2_63:
0x3a8: {  	p1 =	sne.s32 s22, $0x3FC0;
	v11 =	vld [tilespmem:s23+$0x1000];
	_ =	sdelay $0x4  }
0x3a9: {  	vm0 =	vge.s32 v11, v8;
	vm1 =	vlt.s32 v11, v9;
	v12 =	vsub.s32 v11, v8  }
0x3aa: {  	v11 =	vand.u32 $0x7F, v11;
	vm0 =	vmand vm0, vm1  }
0x3ab: {  	v13 =	vsel vm0, $0x1, v5  }
0x3ac: {  	(xrf0) =	vadd.scan.msk.s32 $0xffff, v13;
	_ =	sdelay $0x4  }
0x3ad: {  	s23 =	spop (v2sf)  }
0x3ae: {  	v14, _, _ =	vpop (xrf0);
	s21 =	sadd.s32 s23, s21  }
0x3af: {  	v13 =	vsub.s32 v14, v13;
	v14 =	vxor.u32 $0x80000000, v14;
	s21 =	sadd.s32 $0x80000000, s21  }
0x3b0: {  	v13 =	vadd.s32 s21, v13;
	(xrf0) =	vmax.scan.msk.u32 $0xffff, v14  }
0x3b1: {  	v14 =	vand.u32 $0xFFFFFF80, v12  }
0x3b2: {  	v11 =	vor.u32 v11, v14;
	_ =	sdelay $0x1  }
.Ltmp46:
0x3b3: {  	(pc) =	sbr.rel @p1 .LBB2_63-.Ltmp46, $4  }
0x3b4: {  	[tilespmem:v13+s14+$0x0] =	vst.idx.msk vm0, v10  }
0x3b5: {  	[tilespmem:v13+s15+$0x0] =	vst.idx.msk vm0, v12;
	v10, _, _ =	vpop (xrf0)  }
0x3b6: {  	s23 =	sshra.s32 s22, $0x2;
	[tilespmem:v11+s16+$0x0] =	vst.idx.add.f32.msk vm0, v6;
	(v2sf) =	vpush v10, $0xF  }
0x3b7: {  	s22 =	sadd.s32 $0x40, s22;
	v10 =	vld [tilespmem:s23+$0x0]  }
0x3b8: {  	v11 =	vld [tilespmem:s23+$0x1000];
	_ =	sdelay $0x4  }
0x3b9: {  	vm0 =	vge.s32 v11, v8;
	vm1 =	vlt.s32 v11, v9  }
0x3ba: {  	vm0 =	vmand vm0, vm1  }
0x3bb: {  	v12 =	vsel vm0, $0x1, v5  }
0x3bc: {  	(xrf0) =	vadd.scan.msk.s32 $0xffff, v12;
	_ =	sdelay $0x5  }
0x3bd: {  	v13, _, _ =	vpop (xrf0)  }
0x3be: {  	v14 =	vxor.u32 $0x80000000, v13  }
0x3bf: {  	(xrf0) =	vmax.scan.msk.u32 $0xffff, v14;
	_ =	sdelay $0x5  }
0x3c0: {  	v14, _, _ =	vpop (xrf0)  }
0x3c1: {  	(v2sf) =	vpush v14, $0xF;
	_ =	sdelay $0xc  }
0x3c2: {  	s22 =	spop (v2sf)  }
0x3c3: {  	s21 =	sadd.s32 s22, s21  }
0x3c4: {  	s22 =	sadd.s32 $0x80000000, s21;
	s25 =	spop (v2sf)  }
0x3c5: {  	s21 =	sadd.s32 s25, s22  }
0x3c6: {  	s21 =	sadd.s32 $0x80000000, s21  }
0x3c7: {  	v12 =	vsub.s32 v13, v12;
	p1 =	slt.s32 s21, $0x1001  }
0x3c8: {  	v63 =	vsub.s32 v11, v8;
	v12 =	vadd.s32 s22, v12;
	s24 =	sand.u32 @!p1 $0x7FFFFF80, s21;
	v14 =	vlaneseq.u32 @!p1  }
0x3c9: {  	v11 =	vand.u32 $0x7F, v11;
	v15 =	vand.u32 $0xFFFFFF80, v63;
	v16 =	vor.u32 @!p1 s24, v14  }
0x3ca: {  	v11 =	vor.u32 v11, v15;
	s25 =	sand.u32 @!p1 $0xFFFFFF80, s21;
	v15 =	vor.u32 @!p1 $0x10, v14;
	vm1 =	vge.s32 @!p1 v16, s21  }
0x3cb: {  	v16 =	vor.u32 @!p1 s25, v14;
	v17 =	vor.u32 @!p1 s24, v15  }
0x3cc: {  	vm2 =	vge.s32 @!p1 v17, s21;
	v17 =	vor.u32 @!p1 $0x20, v14  }
0x3cd: {  	[tilespmem:v12+s14+$0x0] =	vst.idx.msk vm0, v10;
	v10 =	vor.u32 @!p1 s25, v15;
	v15 =	vor.u32 @!p1 s24, v17  }
0x3ce: {  	[tilespmem:v12+s15+$0x0] =	vst.idx.msk vm0, v63;
	v12 =	vor.u32 @!p1 $0x30, v14;
	vm3 =	vge.s32 @!p1 v15, s21  }
0x3cf: {  	[tilespmem:v11+s16+$0x0] =	vst.idx.add.f32.msk vm0, v6;
	v11 =	vimm.s32 @!p1 $0x0;
	s22 =	simm.s32 @!p1 $0x2000;
	v13 =	vor.u32 @!p1 s25, v17;
	v15 =	vor.u32 @!p1 s24, v12  }
0x3d0: {  	s23 =	simm.s32 @!p1 $0x4000;
	v17 =	vimm.s32 @!p1 $0x1C00;
	vm0 =	vge.s32 @!p1 v15, s21;
	v15 =	vor.u32 @!p1 $0x40, v14;
	[tilespmem:v16+s22+$0x0] =	vst.idx.msk @!p1 vm1, v11  }
0x3d1: {  	v12 =	vor.u32 @!p1 s25, v12;
	[tilespmem:v16+s23+$0x0] =	vst.idx.msk @!p1 vm1, v17;
	v16 =	vor.u32 @!p1 s24, v15  }
0x3d2: {  	[tilespmem:v10+s22+$0x0] =	vst.idx.msk @!p1 vm2, v11;
	vm1 =	vge.s32 @!p1 v16, s21;
	v16 =	vor.u32 @!p1 $0x50, v14  }
0x3d3: {  	[tilespmem:v10+s23+$0x0] =	vst.idx.msk @!p1 vm2, v17;
	v10 =	vor.u32 @!p1 s25, v15;
	v15 =	vor.u32 @!p1 s24, v16  }
0x3d4: {  	[tilespmem:v13+s22+$0x0] =	vst.idx.msk @!p1 vm3, v11;
	vm2 =	vge.s32 @!p1 v15, s21;
	v15 =	vor.u32 @!p1 $0x60, v14  }
0x3d5: {  	[tilespmem:v13+s23+$0x0] =	vst.idx.msk @!p1 vm3, v17;
	v13 =	vor.u32 @!p1 s25, v16;
	v16 =	vor.u32 @!p1 s24, v15  }
0x3d6: {  	v14 =	vor.u32 @!p1 $0x70, v14;
	vm3 =	vge.s32 @!p1 v16, s21;
	[tilespmem:v12+s22+$0x0] =	vst.idx.msk @!p1 vm0, v11  }
0x3d7: {  	[tilespmem:v12+s23+$0x0] =	vst.idx.msk @!p1 vm0, v17;
	v12 =	vor.u32 @!p1 s25, v15;
	v15 =	vor.u32 @!p1 s24, v14;
	s24 =	sadd.s32 @!p1 $0x7F, s21  }
0x3d8: {  	vm0 =	vge.s32 @!p1 v15, s21;
	[tilespmem:v10+s22+$0x0] =	vst.idx.msk @!p1 vm1, v11;
	s24 =	sshra.s32 @!p1 s24, $0x7  }
0x3d9: {  	[tilespmem:v10+s23+$0x0] =	vst.idx.msk @!p1 vm1, v17;
	v10 =	vor.u32 @!p1 s25, v14;
	p2 =	slt.s32 @!p1 s24, $0x1  }
0x3da: {  	[tilespmem:v13+s22+$0x0] =	vst.idx.msk @!p1 vm2, v11;
	p2 =	por p1, p2  }
.Ltmp47:
0x3db: {  	[tilespmem:v13+s23+$0x0] =	vst.idx.msk @!p1 vm2, v17;
	(pc) =	sbr.rel @p2 .LBB2_65-.Ltmp47, $4  }
0x3dc: {  	[tilespmem:v12+s22+$0x0] =	vst.idx.msk @!p1 vm3, v11  }
0x3dd: {  	[tilespmem:v12+s23+$0x0] =	vst.idx.msk @!p1 vm3, v17  }
0x3de: {  	[tilespmem:v10+s22+$0x0] =	vst.idx.msk @!p1 vm0, v11  }
0x3df: {  	[tilespmem:v10+s23+$0x0] =	vst.idx.msk @!p1 vm0, v17  }
0x3e0: {  	[tilespmem:s11], [sflag:$0x1] =	stream.indirect.gather [hbm4b:s1+s17], $0x80, s22, s17, $0xb8;
	[tilespmem:$0x19EC0] =	vst v63  }
0x3e1: {  	p1 =	sne.s32 s24, $0x1;
	_ =	swait.ge [sflag:s18], $0x4000  }
.Ltmp48:
0x3e2: {  	[sflag:s18] =	ssyncset.done $0x0;
	(pc) =	sbr.rel @!p1 .LBB2_68-.Ltmp48, $4  }
0x3e3: {  	[sflag:s18] =	ssyncadd.s32 $0xFFFFC000  }
0x3e4: {  	[spmem:s3] =	stream.indirect.scatter.add.f32 [tilespmem:s11], [sflag:$0x3], $0x80, s23, s17, $0xb8;
	[tilespmem:$0x19EC0] =	vst v63  }
0x3e5: {  	_ =	swait.ge [sflag:s12], $0x4000  }
0x3e6: {  	s21 =	sadd.s32 $0xFFFFFFFF, s24;
	[sflag:s12] =	ssyncset.done $0x0  }
.LBB2_67:
0x3e7: {  	[sflag:s12] =	ssyncadd.s32 $0xFFFFC000;
	s22 =	sadd.s32 $0x80, s22;
	s23 =	sadd.s32 $0x80, s23  }
0x3e8: {  	[tilespmem:s11], [sflag:$0x1] =	stream.indirect.gather [hbm4b:s1+s17], $0x80, s22, s17, $0xb8;
	[tilespmem:$0x19EC0] =	vst v63  }
0x3e9: {  	p1 =	sne.s32 s21, $0x1;
	s21 =	sadd.s32 $0xFFFFFFFF, s21;
	_ =	swait.ge [sflag:s18], $0x4000  }
.Ltmp49:
0x3ea: {  	[sflag:s18] =	ssyncset.done $0x0;
	(pc) =	sbr.rel @p1 .LBB2_67-.Ltmp49, $4  }
0x3eb: {  	[sflag:s18] =	ssyncadd.s32 $0xFFFFC000  }
0x3ec: {  	[spmem:s3] =	stream.indirect.scatter.add.f32 [tilespmem:s11], [sflag:$0x3], $0x80, s23, s17, $0xb8;
	[tilespmem:$0x19EC0] =	vst v63  }
0x3ed: {  	_ =	swait.ge [sflag:s12], $0x4000  }
0x3ee: {  	[sflag:s12] =	ssyncset.done $0x0  }
.LBB2_68:
.Ltmp50:
0x3ef: {  	(pc) =	sbr.rel .LBB2_69-.Ltmp50, $2  }
0x3f0: {  	_ =	sdelay $0x2  }
0x3f1: {  	[sflag:s12] =	ssyncadd.s32 $0xFFFFC000;
	s21 =	simm.s32 $0x0  }
.LBB2_65:
0x3f2: {  	s21 =	simm.s32 @!p1 $0x0  }
.LBB2_69:
0x3f3: {  	s22 =	simm.s32 $0x0  }
0x3f4: {  	[tilespmem:s22], [sflag:$0x3] =	stream.linear.gather [hbm4b:s26+s22], $0x940, $0x38;
	[tilespmem:$0x19EC0] =	vst v63  }
0x3f5: {  	_ =	swait.ge [sflag:s12], $0x940  }
0x3f6: {  	[sflag:s12] =	ssyncset.done $0x0  }
0x3f7: {  	[sflag:s12] =	ssyncadd.s32 $0xFFFFF6C0  }
0x3f8: {  	[tilespmem:s13], [sflag:$0x3] =	stream.linear.gather [hbm4b:s28+s22], $0x940, $0x38;
	[tilespmem:$0x19EC0] =	vst v63  }
0x3f9: {  	_ =	swait.ge [sflag:s12], $0x940  }
0x3fa: {  	[sflag:s12] =	ssyncset.done $0x0  }
0x3fb: {  	s25 =	simm.s32 $0x0;
	[sflag:s12] =	ssyncadd.s32 $0xFFFFF6C0  }
0x3fc: {  	v10 =	vld [tilespmem:s25+$0x1000];
	_ =	sdelay $0x4  }
0x3fd: {  	vm0 =	vge.s32 v10, v8;
	vm1 =	vlt.s32 v10, v9  }
0x3fe: {  	vm0 =	vmand vm0, vm1  }
0x3ff: {  	v11 =	vsel vm0, $0x1, v5  }
0x400: {  	(xrf0) =	vadd.scan.msk.s32 $0xffff, v11;
	_ =	sdelay $0x5  }
0x401: {  	v12, _, _ =	vpop (xrf0)  }
0x402: {  	v11 =	vsub.s32 v12, v11;
	v12 =	vxor.u32 $0x80000000, v12  }
0x403: {  	v13 =	vld [tilespmem:s25+$0x0];
	v14 =	vsub.s32 v10, v8;
	v11 =	vadd.s32 s21, v11;
	(xrf0) =	vmax.scan.msk.u32 $0xffff, v12  }
0x404: {  	v10 =	vand.u32 $0x7F, v10;
	v63 =	vand.u32 $0xFFFFFF80, v14  }
0x405: {  	v10 =	vor.u32 v10, v63;
	_ =	sdelay $0x2  }
0x406: {  	[tilespmem:v11+s14+$0x0] =	vst.idx.msk vm0, v13  }
0x407: {  	[tilespmem:v11+s15+$0x0] =	vst.idx.msk vm0, v14;
	v11, _, _ =	vpop (xrf0)  }
0x408: {  	s23 =	simm.s32 $0x10;
	[tilespmem:v10+s16+$0x0] =	vst.idx.add.f32.msk vm0, v6;
	(v2sf) =	vpush v11, $0xF  }
0x409: {  	s22 =	simm.s32 $0x80;
	v10 =	vld [tilespmem:s23+$0x0]  }
.LBB2_70:
0x40a: {  	p1 =	sne.s32 s22, $0x24C0;
	v11 =	vld [tilespmem:s23+$0x1000];
	_ =	sdelay $0x4  }
0x40b: {  	vm0 =	vge.s32 v11, v8;
	vm1 =	vlt.s32 v11, v9;
	v12 =	vsub.s32 v11, v8  }
0x40c: {  	v11 =	vand.u32 $0x7F, v11;
	vm0 =	vmand vm0, vm1  }
0x40d: {  	v13 =	vsel vm0, $0x1, v5  }
0x40e: {  	(xrf0) =	vadd.scan.msk.s32 $0xffff, v13;
	_ =	sdelay $0x4  }
0x40f: {  	s23 =	spop (v2sf)  }
0x410: {  	v14, _, _ =	vpop (xrf0);
	s21 =	sadd.s32 s23, s21  }
0x411: {  	v13 =	vsub.s32 v14, v13;
	v14 =	vxor.u32 $0x80000000, v14;
	s21 =	sadd.s32 $0x80000000, s21  }
0x412: {  	v13 =	vadd.s32 s21, v13;
	(xrf0) =	vmax.scan.msk.u32 $0xffff, v14  }
0x413: {  	v14 =	vand.u32 $0xFFFFFF80, v12  }
0x414: {  	v11 =	vor.u32 v11, v14;
	_ =	sdelay $0x1  }
.Ltmp51:
0x415: {  	(pc) =	sbr.rel @p1 .LBB2_70-.Ltmp51, $4  }
0x416: {  	[tilespmem:v13+s14+$0x0] =	vst.idx.msk vm0, v10  }
0x417: {  	[tilespmem:v13+s15+$0x0] =	vst.idx.msk vm0, v12;
	v10, _, _ =	vpop (xrf0)  }
0x418: {  	s23 =	sshra.s32 s22, $0x2;
	[tilespmem:v11+s16+$0x0] =	vst.idx.add.f32.msk vm0, v6;
	(v2sf) =	vpush v10, $0xF  }
0x419: {  	s22 =	sadd.s32 $0x40, s22;
	v10 =	vld [tilespmem:s23+$0x0]  }
0x41a: {  	v11 =	vld [tilespmem:s23+$0x1000];
	_ =	sdelay $0x4  }
0x41b: {  	vm0 =	vge.s32 v11, v8;
	vm1 =	vlt.s32 v11, v9  }
0x41c: {  	vm0 =	vmand vm0, vm1  }
0x41d: {  	v62 =	vsel vm0, $0x1, v5  }
0x41e: {  	(xrf0) =	vadd.scan.msk.s32 $0xffff, v62;
	_ =	sdelay $0x5  }
0x41f: {  	v12, _, _ =	vpop (xrf0)  }
0x420: {  	v13 =	vxor.u32 $0x80000000, v12  }
0x421: {  	(xrf0) =	vmax.scan.msk.u32 $0xffff, v13;
	_ =	sdelay $0x5  }
0x422: {  	v13, _, _ =	vpop (xrf0)  }
0x423: {  	(v2sf) =	vpush v13, $0xF;
	_ =	sdelay $0xc  }
0x424: {  	s22 =	spop (v2sf)  }
0x425: {  	s21 =	sadd.s32 s22, s21  }
0x426: {  	s22 =	sadd.s32 $0x80000000, s21;
	s25 =	spop (v2sf)  }
0x427: {  	s21 =	sadd.s32 s25, s22  }
0x428: {  	s21 =	sadd.s32 $0x80000000, s21  }
0x429: {  	v9 =	vsub.s32 v12, v62;
	p1 =	slt.s32 s21, $0x1001  }
0x42a: {  	v8 =	vsub.s32 v11, v8;
	v9 =	vadd.s32 s22, v9;
	s24 =	sand.u32 @!p1 $0x7FFFFF80, s21;
	v12 =	vlaneseq.u32 @!p1  }
0x42b: {  	v11 =	vand.u32 $0x7F, v11;
	v63 =	vand.u32 $0xFFFFFF80, v8;
	v14 =	vor.u32 @!p1 s24, v12  }
0x42c: {  	v11 =	vor.u32 v11, v63;
	s25 =	sand.u32 @!p1 $0xFFFFFF80, s21;
	v13 =	vor.u32 @!p1 $0x10, v12;
	vm1 =	vge.s32 @!p1 v14, s21  }
0x42d: {  	v14 =	vor.u32 @!p1 s25, v12;
	v15 =	vor.u32 @!p1 s24, v13  }
0x42e: {  	vm2 =	vge.s32 @!p1 v15, s21;
	v15 =	vor.u32 @!p1 $0x20, v12  }
0x42f: {  	[tilespmem:v9+s14+$0x0] =	vst.idx.msk vm0, v10;
	v10 =	vor.u32 @!p1 s25, v13;
	v13 =	vor.u32 @!p1 s24, v15  }
0x430: {  	[tilespmem:v9+s15+$0x0] =	vst.idx.msk vm0, v8;
	v8 =	vor.u32 @!p1 $0x30, v12;
	vm3 =	vge.s32 @!p1 v13, s21  }
0x431: {  	[tilespmem:v11+s16+$0x0] =	vst.idx.add.f32.msk vm0, v6;
	v9 =	vimm.s32 @!p1 $0x0;
	s22 =	simm.s32 @!p1 $0x2000;
	v11 =	vor.u32 @!p1 s25, v15;
	v13 =	vor.u32 @!p1 s24, v8  }
0x432: {  	s23 =	simm.s32 @!p1 $0x4000;
	v15 =	vimm.s32 @!p1 $0x1C00;
	vm0 =	vge.s32 @!p1 v13, s21;
	v13 =	vor.u32 @!p1 $0x40, v12;
	[tilespmem:v14+s22+$0x0] =	vst.idx.msk @!p1 vm1, v9  }
0x433: {  	v8 =	vor.u32 @!p1 s25, v8;
	[tilespmem:v14+s23+$0x0] =	vst.idx.msk @!p1 vm1, v15;
	v14 =	vor.u32 @!p1 s24, v13  }
0x434: {  	[tilespmem:v10+s22+$0x0] =	vst.idx.msk @!p1 vm2, v9;
	vm1 =	vge.s32 @!p1 v14, s21;
	v14 =	vor.u32 @!p1 $0x50, v12  }
0x435: {  	[tilespmem:v10+s23+$0x0] =	vst.idx.msk @!p1 vm2, v15;
	v10 =	vor.u32 @!p1 s25, v13;
	v13 =	vor.u32 @!p1 s24, v14  }
0x436: {  	[tilespmem:v11+s22+$0x0] =	vst.idx.msk @!p1 vm3, v9;
	vm2 =	vge.s32 @!p1 v13, s21;
	v13 =	vor.u32 @!p1 $0x60, v12  }
0x437: {  	[tilespmem:v11+s23+$0x0] =	vst.idx.msk @!p1 vm3, v15;
	v11 =	vor.u32 @!p1 s25, v14;
	v14 =	vor.u32 @!p1 s24, v13  }
0x438: {  	v12 =	vor.u32 @!p1 $0x70, v12;
	vm3 =	vge.s32 @!p1 v14, s21;
	[tilespmem:v8+s22+$0x0] =	vst.idx.msk @!p1 vm0, v9  }
0x439: {  	[tilespmem:v8+s23+$0x0] =	vst.idx.msk @!p1 vm0, v15;
	v8 =	vor.u32 @!p1 s25, v13;
	v13 =	vor.u32 @!p1 s24, v12;
	s24 =	sadd.s32 @!p1 $0x7F, s21  }
0x43a: {  	vm0 =	vge.s32 @!p1 v13, s21;
	[tilespmem:v10+s22+$0x0] =	vst.idx.msk @!p1 vm1, v9;
	s24 =	sshra.s32 @!p1 s24, $0x7  }
0x43b: {  	[tilespmem:v10+s23+$0x0] =	vst.idx.msk @!p1 vm1, v15;
	v10 =	vor.u32 @!p1 s25, v12;
	p2 =	slt.s32 @!p1 s24, $0x1  }
0x43c: {  	[tilespmem:v11+s22+$0x0] =	vst.idx.msk @!p1 vm2, v9;
	p2 =	por p1, p2  }
.Ltmp52:
0x43d: {  	[tilespmem:v11+s23+$0x0] =	vst.idx.msk @!p1 vm2, v15;
	(pc) =	sbr.rel @p2 .LBB2_72-.Ltmp52, $4  }
0x43e: {  	[tilespmem:v8+s22+$0x0] =	vst.idx.msk @!p1 vm3, v9  }
0x43f: {  	[tilespmem:v8+s23+$0x0] =	vst.idx.msk @!p1 vm3, v15  }
0x440: {  	[tilespmem:v10+s22+$0x0] =	vst.idx.msk @!p1 vm0, v9  }
0x441: {  	[tilespmem:v10+s23+$0x0] =	vst.idx.msk @!p1 vm0, v15  }
0x442: {  	[tilespmem:s11], [sflag:$0x1] =	stream.indirect.gather [hbm4b:s1+s17], $0x80, s22, s17, $0xb8;
	[tilespmem:$0x19EC0] =	vst v63  }
0x443: {  	p1 =	sne.s32 s24, $0x1;
	_ =	swait.ge [sflag:s18], $0x4000  }
.Ltmp53:
0x444: {  	[sflag:s18] =	ssyncset.done $0x0;
	(pc) =	sbr.rel @!p1 .LBB2_75-.Ltmp53, $4  }
0x445: {  	[sflag:s18] =	ssyncadd.s32 $0xFFFFC000  }
0x446: {  	[spmem:s3] =	stream.indirect.scatter.add.f32 [tilespmem:s11], [sflag:$0x3], $0x80, s23, s17, $0xb8;
	[tilespmem:$0x19EC0] =	vst v63  }
0x447: {  	_ =	swait.ge [sflag:s12], $0x4000  }
0x448: {  	s21 =	sadd.s32 $0xFFFFFFFF, s24;
	[sflag:s12] =	ssyncset.done $0x0  }
.LBB2_74:
0x449: {  	[sflag:s12] =	ssyncadd.s32 $0xFFFFC000;
	s22 =	sadd.s32 $0x80, s22;
	s23 =	sadd.s32 $0x80, s23  }
0x44a: {  	[tilespmem:s11], [sflag:$0x1] =	stream.indirect.gather [hbm4b:s1+s17], $0x80, s22, s17, $0xb8;
	[tilespmem:$0x19EC0] =	vst v63  }
0x44b: {  	p1 =	sne.s32 s21, $0x1;
	s21 =	sadd.s32 $0xFFFFFFFF, s21;
	_ =	swait.ge [sflag:s18], $0x4000  }
.Ltmp54:
0x44c: {  	[sflag:s18] =	ssyncset.done $0x0;
	(pc) =	sbr.rel @p1 .LBB2_74-.Ltmp54, $4  }
0x44d: {  	[sflag:s18] =	ssyncadd.s32 $0xFFFFC000  }
0x44e: {  	[spmem:s3] =	stream.indirect.scatter.add.f32 [tilespmem:s11], [sflag:$0x3], $0x80, s23, s17, $0xb8;
	[tilespmem:$0x19EC0] =	vst v63  }
0x44f: {  	_ =	swait.ge [sflag:s12], $0x4000  }
0x450: {  	[sflag:s12] =	ssyncset.done $0x0  }
.LBB2_75:
.Ltmp55:
0x451: {  	(pc) =	sbr.rel .LBB2_76-.Ltmp55, $2  }
0x452: {  	_ =	sdelay $0x2  }
0x453: {  	[sflag:s12] =	ssyncadd.s32 $0xFFFFC000;
	s21 =	simm.s32 $0x0  }
.LBB2_72:
0x454: {  	s21 =	simm.s32 @!p1 $0x0  }
.LBB2_76:
0x455: {  	s24 =	sand.u32 $0xFFFFFF80, s21  }
0x456: {  	v8 =	vor.u32 s24, v0  }
0x457: {  	vm0 =	vge.s32 v8, s21  }
0x458: {  	v9 =	vor.u32 s24, v1  }
0x459: {  	vm1 =	vge.s32 v9, s21  }
0x45a: {  	v10 =	vor.u32 s24, v2  }
0x45b: {  	v11 =	vor.u32 $0x30, v0;
	vm2 =	vge.s32 v10, s21  }
0x45c: {  	s22 =	simm.s32 $0x2000;
	v11 =	vor.u32 s24, v11  }
0x45d: {  	s23 =	simm.s32 $0x4000;
	v12 =	vor.u32 $0x40, v0;
	vm3 =	vge.s32 v11, s21;
	[tilespmem:v8+s22+$0x0] =	vst.idx.msk vm0, v5  }
0x45e: {  	[tilespmem:v8+s23+$0x0] =	vst.idx.msk vm0, v7;
	v8 =	vor.u32 s24, v12  }
0x45f: {  	v58 =	vor.u32 $0x50, v0;
	[tilespmem:v9+s22+$0x0] =	vst.idx.msk vm1, v5;
	vm12 =	vge.s32 v8, s21  }
0x460: {  	v59 =	vor.u32 s24, v58;
	[tilespmem:v9+s23+$0x0] =	vst.idx.msk vm1, v7  }
0x461: {  	v60 =	vor.u32 $0x60, v0;
	vm13 =	vge.s32 v59, s21;
	[tilespmem:v10+s22+$0x0] =	vst.idx.msk vm2, v5  }
0x462: {  	v61 =	vor.u32 s24, v60;
	[tilespmem:v10+s23+$0x0] =	vst.idx.msk vm2, v7  }
0x463: {  	v62 =	vor.u32 $0x70, v0;
	vm14 =	vge.s32 v61, s21;
	[tilespmem:v11+s22+$0x0] =	vst.idx.msk vm3, v5  }
0x464: {  	v63 =	vor.u32 s24, v62;
	[tilespmem:v11+s23+$0x0] =	vst.idx.msk vm3, v7  }
0x465: {  	s25 =	sadd.s32 $0x7F, s21;
	vm15 =	vge.s32 v63, s21;
	[tilespmem:v8+s22+$0x0] =	vst.idx.msk vm12, v5  }
0x466: {  	s21 =	sshra.s32 s25, $0x7;
	[tilespmem:v8+s23+$0x0] =	vst.idx.msk vm12, v7  }
0x467: {  	p1 =	slt.s32 s21, $0x1;
	[tilespmem:v59+s22+$0x0] =	vst.idx.msk vm13, v5  }
.Ltmp56:
0x468: {  	[tilespmem:v59+s23+$0x0] =	vst.idx.msk vm13, v7;
	(pc) =	sbr.rel @p1 .LBB2_80-.Ltmp56, $4  }
0x469: {  	[tilespmem:v61+s22+$0x0] =	vst.idx.msk vm14, v5  }
0x46a: {  	[tilespmem:v61+s23+$0x0] =	vst.idx.msk vm14, v7  }
0x46b: {  	[tilespmem:v63+s22+$0x0] =	vst.idx.msk vm15, v5  }
0x46c: {  	[tilespmem:v63+s23+$0x0] =	vst.idx.msk vm15, v7  }
0x46d: {  	[tilespmem:s11], [sflag:$0x1] =	stream.indirect.gather [hbm4b:s1+s17], $0x80, s22, s17, $0xb8;
	[tilespmem:$0x19EC0] =	vst v63  }
0x46e: {  	p1 =	sne.s32 s21, $0x1;
	_ =	swait.ge [sflag:s18], $0x4000  }
.Ltmp57:
0x46f: {  	[sflag:s18] =	ssyncset.done $0x0;
	(pc) =	sbr.rel @!p1 .LBB2_79-.Ltmp57, $4  }
0x470: {  	[sflag:s18] =	ssyncadd.s32 $0xFFFFC000  }
0x471: {  	[spmem:s3] =	stream.indirect.scatter.add.f32 [tilespmem:s11], [sflag:$0x3], $0x80, s23, s17, $0xb8;
	[tilespmem:$0x19EC0] =	vst v63  }
0x472: {  	_ =	swait.ge [sflag:s12], $0x4000  }
0x473: {  	s21 =	sadd.s32 $0xFFFFFFFF, s21;
	[sflag:s12] =	ssyncset.done $0x0  }
.LBB2_78:
0x474: {  	[sflag:s12] =	ssyncadd.s32 $0xFFFFC000;
	s22 =	sadd.s32 $0x80, s22;
	s23 =	sadd.s32 $0x80, s23  }
0x475: {  	[tilespmem:s11], [sflag:$0x1] =	stream.indirect.gather [hbm4b:s1+s17], $0x80, s22, s17, $0xb8;
	[tilespmem:$0x19EC0] =	vst v63  }
0x476: {  	p1 =	sne.s32 s21, $0x1;
	s21 =	sadd.s32 $0xFFFFFFFF, s21;
	_ =	swait.ge [sflag:s18], $0x4000  }
.Ltmp58:
0x477: {  	[sflag:s18] =	ssyncset.done $0x0;
	(pc) =	sbr.rel @p1 .LBB2_78-.Ltmp58, $4  }
0x478: {  	[sflag:s18] =	ssyncadd.s32 $0xFFFFC000  }
0x479: {  	[spmem:s3] =	stream.indirect.scatter.add.f32 [tilespmem:s11], [sflag:$0x3], $0x80, s23, s17, $0xb8;
	[tilespmem:$0x19EC0] =	vst v63  }
0x47a: {  	_ =	swait.ge [sflag:s12], $0x4000  }
0x47b: {  	[sflag:s12] =	ssyncset.done $0x0  }
.Ltmp59:
0x47c: {  	_ = 	snop;
	(pc) =	sbr.rel .LBB2_79-.Ltmp59, $1  }
0x47d: {  	_ =	sdelay $0x3  }
.LBB2_82:
0x47e: {  	_ =	sfence.sel $0x180000  }
0x47f: {  	[bflag:$0x0] =	sbarrier.arrive $0xFFFF  }
0x480: {  	_ =	strace $0x90000047  }
0x481: {  	[bflag:$0x2] =	sbarrier.arrive $0xFFFF  }
0x482: {  	p0 =	sne.s32 s23, $0x0;
	s0 =	rddreg [dreg:$0x5]  }
0x483: {  	s0 =	sadd.s32 @!p0 $0x100000, s0  }
0x484: {  	[sflag:s0] =	ssyncadd.tile.s32 @!p0 $0x1;
	_ =	shalt  }
.Lfunc_end2:
_tile_overlayer_lowered:
.L_overlay_start_2:
0x485: {  	(tag) =	ssettag $0x2  }
0x486: {  	s0 =	rddreg [dreg:$0x0];
	s2 =	stileid.u32  }
0x487: {  	s1 =	rddreg [dreg:$0x1];
	p0 =	sne.s32 s2, $0x0  }
0x488: {  	s3 =	rddreg [dreg:$0x2];
	[bflag:$0x3] =	sbarrier.arrive $0xFFFF;
	s2 =	simm.s32 @!p0 $0x1C02  }
0x489: {  	[timem:s3], [sflag:s2] =	dma.local @!p0 [hbm:s0], s1  }
0x48a: {  	s0 =	simm.s32 @!p0 $0x2  }
0x48b: {  	_ =	swait.ge @!p0 [sflag:s0], s1  }
0x48c: {  	s1 =	ssub.s32 @!p0 $0x0, s1;
	[sflag:s0] =	ssyncset.done @!p0 $0x0  }
0x48d: {  	[sflag:s0] =	ssyncadd.s32 @!p0 s1  }
0x48e: {  	[bflag:$0x3] =	sbarrier.arrive $0xFFFF  }
0x48f: {  	_ =	shalt  }

</sc_bundles>
